<compile_context>
chip_gen: v7x
topology: tpu7x:2x2x1
jax: 0.10.2.dev20260603
libtpu: 0.0.44.dev20260713+nightly
codegen_flags: <defaults>
</compile_context>

<pallas_src>
import functools

import jax
import jax.numpy as jnp
from jax import lax
from jax.experimental import pallas as pl
from jax.experimental.pallas import tpu as pltpu
from jax.experimental.pallas import tpu_sc as plsc

N = 10000
E = 320000
F_IN = 128
H = 30
P = 10
C = 2

NC, NS, L = 2, 16, 16
NW = NC * NS
HP = 32
CH = 128
NSG = E // CH
SPW = NSG // NW
NEXTRA = NSG - SPW * NW
MAXS = SPW + 1
RPT = N // NS
NB = 8
MAIN = (SPW // NB - 1) * NB
DW = 8

_MESH = plsc.VectorSubcoreMesh(
    core_axis_name="c", subcore_axis_name="s", num_cores=NC, num_subcores=NS
)


def _worker_streams(wid):
    base = wid * SPW + jnp.maximum(wid - (NW - NEXTRA), 0)
    ns = jnp.where(wid >= NW - NEXTRA, SPW + 1, SPW)
    return base, ns


@functools.partial(
    pl.kernel,
    out_type=jax.ShapeDtypeStruct((N, 128), jnp.float32),
    mesh=_MESH,
    scratch_types=[
        pltpu.VMEM((MAXS, CH), jnp.int32),
        pltpu.VMEM((CH, DW), jnp.float32),
        pltpu.VMEM_SHARED((N, DW), jnp.float32),
    ],
    compiler_params=pltpu.CompilerParams(use_tc_tiling_on_sc=False),
)
def _deg_sc(col_hbm, ones_hbm, zrs_hbm, out_hbm, col_v, ones_v, acc_sh):
    cc = lax.axis_index("c")
    ss = lax.axis_index("s")
    wid = ss * NC + cc
    base, ns = _worker_streams(wid)

    pltpu.sync_copy(zrs_hbm.at[pl.ds(ss * RPT, RPT), pl.ds(0, DW)],
                    acc_sh.at[pl.ds(ss * RPT, RPT)])
    pltpu.sync_copy(ones_hbm.at[:, pl.ds(0, DW)], ones_v)
    pltpu.sync_copy(col_hbm.at[pl.ds(base, MAXS)], col_v)
    plsc.subcore_barrier()

    def body(i, carry):
        for b in range(NB):
            j = i * NB + b
            pltpu.sync_copy(ones_v, acc_sh.at[col_v.at[j]], add=True)
        return carry

    lax.fori_loop(0, SPW // NB, body, 0)

    for j in range(SPW - SPW % NB, MAXS):

        @pl.when(j < ns)
        def _():
            pltpu.sync_copy(ones_v, acc_sh.at[col_v.at[j]], add=True)

    plsc.subcore_barrier()
    pltpu.sync_copy(
        acc_sh.at[pl.ds(ss * RPT, RPT)],
        out_hbm.at[pl.ds(ss * RPT, RPT), pl.ds(cc * DW, DW)],
    )


@functools.partial(
    pl.kernel,
    out_type=jax.ShapeDtypeStruct((N, 128), jnp.float32),
    mesh=_MESH,
    scratch_types=[
        pltpu.VMEM((MAXS * CH,), jnp.int32),
        pltpu.VMEM((MAXS, CH), jnp.int32),
        [pltpu.VMEM((CH, HP), jnp.float32) for _ in range(NB)],
        pltpu.VMEM_SHARED((N, HP), jnp.float32),
        pltpu.VMEM_SHARED((N, HP), jnp.float32),
        [pltpu.SemaphoreType.DMA for _ in range(NB)],
    ],
    compiler_params=pltpu.CompilerParams(use_tc_tiling_on_sc=False),
)
def _agg_sc(z_hbm, row_hbm, col_hbm, zrs_hbm, out_hbm, row_v, col_v, bufs,
            z_sh, acc_sh, sems):
    cc = lax.axis_index("c")
    ss = lax.axis_index("s")
    wid = ss * NC + cc
    base, ns = _worker_streams(wid)

    pltpu.sync_copy(zrs_hbm.at[pl.ds(ss * RPT, RPT), pl.ds(0, HP)],
                    acc_sh.at[pl.ds(ss * RPT, RPT)])
    pltpu.sync_copy(z_hbm.at[pl.ds(ss * RPT, RPT), pl.ds(0, HP)],
                    z_sh.at[pl.ds(ss * RPT, RPT)])
    pltpu.sync_copy(row_hbm.at[pl.ds(base * CH, MAXS * CH)], row_v)
    pltpu.sync_copy(col_hbm.at[pl.ds(base, MAXS)], col_v)
    plsc.subcore_barrier()

    for b in range(NB):
        pltpu.async_copy(z_sh.at[row_v.at[pl.ds(b * CH, CH)]], bufs[b], sems[b])

    def body(i, carry):
        for b in range(NB):
            j = i * NB + b
            pltpu.make_async_copy(
                z_sh.at[row_v.at[pl.ds(j * CH, CH)]], bufs[b], sems[b]).wait()
            pltpu.sync_copy(bufs[b], acc_sh.at[col_v.at[j]], add=True)
            pltpu.async_copy(
                z_sh.at[row_v.at[pl.ds((j + NB) * CH, CH)]], bufs[b], sems[b])
        return carry

    lax.fori_loop(0, MAIN // NB, body, 0)

    for j in range(MAIN, MAXS):
        b = j % NB

        @pl.when(j < ns)
        def _():
            pltpu.make_async_copy(
                z_sh.at[row_v.at[pl.ds(j * CH, CH)]], bufs[b], sems[b]).wait()
            pltpu.sync_copy(bufs[b], acc_sh.at[col_v.at[j]], add=True)

        if j + NB < MAXS:

            @pl.when(j + NB < ns)
            def _():
                pltpu.async_copy(
                    z_sh.at[row_v.at[pl.ds((j + NB) * CH, CH)]], bufs[b], sems[b])

    plsc.subcore_barrier()
    pltpu.sync_copy(
        acc_sh.at[pl.ds(ss * RPT, RPT)],
        out_hbm.at[pl.ds(ss * RPT, RPT), pl.ds(cc * HP, HP)],
    )


def _pack_z(z32, di):
    return jnp.concatenate([z32, di, jnp.zeros((N, 128 - HP - 1), jnp.float32)],
                           axis=1)


def _tc1a_body(x, w1, h1):
    h = jnp.dot(x[...], w1[...], preferred_element_type=jnp.float32)
    h1[...] = jnp.pad(h, ((0, 0), (0, 128 - HP)))


def _tc1b_body(degp, h1, z1):
    dp = degp[...]
    di = lax.rsqrt(dp[:, 0:1] + dp[:, DW:DW + 1] + 1.0)
    z1[...] = _pack_z(di * h1[:, :HP], di)


def _tc_mid_body(aggp, z, b, w, zout):
    zf = z[...]
    di = zf[:, HP:HP + 1]
    a = aggp[...]
    xn = jnp.maximum(di * (a[:, :HP] + a[:, HP:2 * HP] + zf[:, :HP]) + b[...], 0.0)
    h = jnp.dot(xn, w[...], preferred_element_type=jnp.float32)
    zout[...] = _pack_z(di * h, di)


def _tc4_body(aggp, z, b, lw1, lb1, lw2, lb2, out):
    zf = z[...]
    di = zf[:, HP:HP + 1]
    a = aggp[...]
    xn = jnp.maximum(di * (a[:, :HP] + a[:, HP:2 * HP] + zf[:, :HP]) + b[...], 0.0)
    g = jnp.max(xn, axis=0, keepdims=True)
    o1 = jnp.maximum(
        jnp.dot(g, lw1[...], preferred_element_type=jnp.float32) + lb1[...], 0.0
    )
    out[...] = jnp.dot(o1, lw2[...], preferred_element_type=jnp.float32) + lb2[...]


_tc1a = pl.pallas_call(
    _tc1a_body,
    out_shape=jax.ShapeDtypeStruct((N, 128), jnp.float32),
)

_tc1b = pl.pallas_call(
    _tc1b_body,
    out_shape=jax.ShapeDtypeStruct((N, 128), jnp.float32),
)

_tc_mid = pl.pallas_call(
    _tc_mid_body,
    out_shape=jax.ShapeDtypeStruct((N, 128), jnp.float32),
)

_tc4 = pl.pallas_call(
    _tc4_body,
    out_shape=jax.ShapeDtypeStruct((1, 128), jnp.float32),
)


def kernel(x, edge_index, W1, b1, W2, b2, W3, b3, lW1, lb1, lW2, lb2):
    f32 = jnp.float32
    row1d = edge_index[0]
    col2d = edge_index[1].reshape(NSG, CH)

    W1p = jnp.pad(W1, ((0, 0), (0, HP - H)))
    W2p = jnp.pad(W2, ((0, HP - H), (0, HP - H)))
    W3p = jnp.pad(W3, ((0, HP - H), (0, HP - H)))
    b1p = jnp.pad(b1, (0, HP - H)).reshape(1, HP)
    b2p = jnp.pad(b2, (0, HP - H)).reshape(1, HP)
    b3p = jnp.pad(b3, (0, HP - H)).reshape(1, HP)
    lW1p = jnp.pad(lW1, ((0, HP - H), (0, 128 - P)))
    lb1p = jnp.pad(lb1, (0, 128 - P)).reshape(1, 128)
    lW2p = jnp.pad(lW2, ((0, 128 - P), (0, 128 - C)))
    lb2p = jnp.pad(lb2, (0, 128 - C)).reshape(1, 128)
    zrs = jnp.zeros((N, 128), f32)
    ones128 = jnp.ones((CH, 128), f32)

    degp = _deg_sc(col2d, ones128, zrs)
    h1 = _tc1a(x, W1p)
    z1 = _tc1b(degp, h1)
    agg1 = _agg_sc(z1, row1d, col2d, zrs)
    z2 = _tc_mid(agg1, z1, b1p, W2p)
    agg2 = _agg_sc(z2, row1d, col2d, zrs)
    z3 = _tc_mid(agg2, z2, b2p, W3p)
    agg3 = _agg_sc(z3, row1d, col2d, zrs)
    outp = _tc4(agg3, z3, b3p, lW1p, lb1p, lW2p, lb2p)
    return outp[:, :C]

# --- scband reference (transcript-rebuilt; emitter-appended) ---
"""Pipeline reference for scband-survey-ba-2grid-gcn-21930103013658 (READ-ONLY COPY).

The authoritative reference and input builder live on the scoring server;
editing this copy changes nothing except your own understanding.
"""

import jax, jax.numpy as jnp
import numpy as np


def gcn_conv(x, edge_index, edge_weight, W, b):
    N = x.shape[0]
    row = edge_index[0]
    col = edge_index[1]
    loop = jnp.arange(N, dtype=edge_index.dtype)
    row = jnp.concatenate([row, loop])
    col = jnp.concatenate([col, loop])
    ew = jnp.concatenate([edge_weight, jnp.ones((N,), dtype=x.dtype)])
    deg = jnp.zeros((N,), dtype=x.dtype).at[col].add(ew)
    dinv = jnp.where(deg > 0, 1.0 / jnp.sqrt(deg), 0.0)
    norm = dinv[row] * ew * dinv[col]
    h = x @ W
    out = jnp.zeros((N, W.shape[1]), dtype=x.dtype).at[col].add(norm[:, None] * h[row])
    return out + b


def setup_inputs(seed: int = 0):
    key = jax.random.key(seed)
    ks = jax.random.split(key, 12)
    N, E, F_in, H, P, C = 10000, 320000, 128, 30, 10, 2
    x = jax.random.normal(ks[0], (N, F_in), dtype=jnp.float32)
    edge_index = jax.random.randint(ks[1], (2, E), 0, N, dtype=jnp.int32)
    W1 = jax.random.normal(ks[2], (F_in, H), dtype=jnp.float32) * 0.05
    b1 = jnp.zeros((H,), dtype=jnp.float32)
    W2 = jax.random.normal(ks[3], (H, H), dtype=jnp.float32) * 0.1
    b2 = jnp.zeros((H,), dtype=jnp.float32)
    W3 = jax.random.normal(ks[4], (H, H), dtype=jnp.float32) * 0.1
    b3 = jnp.zeros((H,), dtype=jnp.float32)
    lW1 = jax.random.normal(ks[5], (H, P), dtype=jnp.float32) * 0.1
    lb1 = jnp.zeros((P,), dtype=jnp.float32)
    lW2 = jax.random.normal(ks[6], (P, C), dtype=jnp.float32) * 0.1
    lb2 = jnp.zeros((C,), dtype=jnp.float32)
    return {"x": x, "edge_index": edge_index, "W1": W1, "b1": b1, "W2": W2, "b2": b2, "W3": W3, "b3": b3, "lW1": lW1, "lb1": lb1, "lW2": lW2, "lb2": lb2}


def reference(x, edge_index, W1, b1, W2, b2, W3, b3, lW1, lb1, lW2, lb2):
    E = edge_index.shape[1]
    edge_weight = jnp.ones((E,), dtype=x.dtype)
    h = jax.nn.relu(gcn_conv(x, edge_index, edge_weight, W1, b1))
    h = jax.nn.relu(gcn_conv(h, edge_index, edge_weight, W2, b2))
    h = jax.nn.relu(gcn_conv(h, edge_index, edge_weight, W3, b3))
    # batch=None -> all nodes in one graph; global_max_pool -> [1, H]
    g = jnp.max(h, axis=0, keepdims=True)
    out = jax.nn.relu(g @ lW1 + lb1)
    out = out @ lW2 + lb2
    return out

if __name__ == "__main__":
    import jax
    _d = setup_inputs()
    print(jax.jit(kernel)(*tuple(_d.values())))

</pallas_src>

<mosaic_0001>
#map = affine_map<(d0, d1) -> (0, 0)>
#map1 = affine_map<(d0, d1) -> (0)>
module attributes {stable_mosaic.version = 14 : i64} {
  func.func @_agg_sc(%arg0: i32, %arg1: i32, %arg2: memref<10000x128xf32, #tpu.memory_space<hbm>>, %arg3: memref<320000xi32, #tpu.memory_space<hbm>>, %arg4: memref<2500x128xi32, #tpu.memory_space<hbm>>, %arg5: memref<10000x128xf32, #tpu.memory_space<hbm>>, %arg6: memref<10000x128xf32, #tpu.memory_space<hbm>>, %arg7: memref<10112xi32, #tpu.memory_space<vmem>>, %arg8: memref<79x128xi32, #tpu.memory_space<vmem>>, %arg9: memref<128x32xf32, #tpu.memory_space<vmem>>, %arg10: memref<128x32xf32, #tpu.memory_space<vmem>>, %arg11: memref<128x32xf32, #tpu.memory_space<vmem>>, %arg12: memref<128x32xf32, #tpu.memory_space<vmem>>, %arg13: memref<128x32xf32, #tpu.memory_space<vmem>>, %arg14: memref<128x32xf32, #tpu.memory_space<vmem>>, %arg15: memref<128x32xf32, #tpu.memory_space<vmem>>, %arg16: memref<128x32xf32, #tpu.memory_space<vmem>>, %arg17: memref<10000x32xf32, #tpu.memory_space<vmem_shared>>, %arg18: memref<10000x32xf32, #tpu.memory_space<vmem_shared>>, %arg19: memref<!tpu.dma_semaphore, #tpu.memory_space<semaphore_mem>>, %arg20: memref<!tpu.dma_semaphore, #tpu.memory_space<semaphore_mem>>, %arg21: memref<!tpu.dma_semaphore, #tpu.memory_space<semaphore_mem>>, %arg22: memref<!tpu.dma_semaphore, #tpu.memory_space<semaphore_mem>>, %arg23: memref<!tpu.dma_semaphore, #tpu.memory_space<semaphore_mem>>, %arg24: memref<!tpu.dma_semaphore, #tpu.memory_space<semaphore_mem>>, %arg25: memref<!tpu.dma_semaphore, #tpu.memory_space<semaphore_mem>>, %arg26: memref<!tpu.dma_semaphore, #tpu.memory_space<semaphore_mem>>) attributes {dimension_semantics = [#tpu.dimension_semantics<core_parallel>, #tpu.dimension_semantics<subcore_parallel>], iteration_bounds = array<i64: 2, 16>, scalar_prefetch = 0 : i64, scratch_operands = 20 : i64, tpu.core_type = #tpu.core_type<sc_vector_subcore>, window_params = [{transform_indices = #map}, {transform_indices = #map1}, {transform_indices = #map}, {transform_indices = #map}, {transform_indices = #map}]} {
    %mul3A = arith.constant 2 : i32
    %mul3A_0 = arith.muli %arg1, %mul3A : i32
    %add3A = arith.addi %mul3A_0, %arg0 : i32
    %mul3A_1 = arith.constant 78 : i32
    %mul3A_2 = arith.muli %add3A, %mul3A_1 : i32
    %sub3A = arith.constant 28 : i32
    %sub3A_3 = arith.subi %add3A, %sub3A : i32
    %max3A = arith.constant 0 : i32
    %max3A_4 = arith.maxsi %sub3A_3, %max3A : i32
    %add3A_5 = arith.addi %mul3A_2, %max3A_4 : i32
    %ge3A = arith.constant 28 : i32
    %ge3A_6 = arith.cmpi sge, %add3A, %ge3A : i32
    %jit3A = arith.constant 79 : i32
    %jit3A_7 = arith.constant 78 : i32
    %select_n3A = arith.select %ge3A_6, %jit3A, %jit3A_7 : i32
    %mul3A_8 = arith.constant 625 : i32
    %mul3A_9 = arith.muli %arg1, %mul3A_8 : i32
    %mul3A_10 = arith.constant 625 : i32
    %mul3A_11 = arith.muli %arg1, %mul3A_10 : i32
    "tpu.region"() ({
      %run_scoped3A = tpu.sem_alloc : memref<!tpu.dma_semaphore, #tpu.memory_space<semaphore_mem>>
      %dma_start3A_176 = arith.constant 0 : i32
      %dma_start3A_177 = tpu.memref_slice %arg18[%mul3A_11, %dma_start3A_176] : memref<10000x32xf32, #tpu.memory_space<vmem_shared>> -> memref<625x32xf32, #tpu.memory_space<vmem_shared>>
      %dma_start3A_178 = arith.constant 0 : i32
      %dma_start3A_179 = tpu.memref_slice %arg5[%mul3A_9, %dma_start3A_178] : memref<10000x128xf32, #tpu.memory_space<hbm>> -> memref<625x32xf32, #tpu.memory_space<hbm>>
      tpu.enqueue_dma source(%dma_start3A_179 : memref<625x32xf32, #tpu.memory_space<hbm>>) target(%dma_start3A_177 : memref<625x32xf32, #tpu.memory_space<vmem_shared>>) target_semaphore(%run_scoped3A : memref<!tpu.dma_semaphore, #tpu.memory_space<semaphore_mem>>)
      %dma_wait3A = arith.constant 0 : i32
      %dma_wait3A_180 = tpu.memref_slice %arg18[%mul3A_11, %dma_wait3A] : memref<10000x32xf32, #tpu.memory_space<vmem_shared>> -> memref<625x32xf32, #tpu.memory_space<vmem_shared>>
      %dma_wait3A_181 = arith.constant 0 : i32
      %dma_wait3A_182 = tpu.memref_slice %arg5[%mul3A_9, %dma_wait3A_181] : memref<10000x128xf32, #tpu.memory_space<hbm>> -> memref<625x32xf32, #tpu.memory_space<hbm>>
      tpu.wait_dma2 semaphore(%run_scoped3A : memref<!tpu.dma_semaphore, #tpu.memory_space<semaphore_mem>>) src(%dma_wait3A_182 : memref<625x32xf32, #tpu.memory_space<hbm>>) dst(%dma_wait3A_180 : memref<625x32xf32, #tpu.memory_space<vmem_shared>>)
      tpu.yield
    }) : () -> ()
    %mul3A_12 = arith.constant 625 : i32
    %mul3A_13 = arith.muli %arg1, %mul3A_12 : i32
    %mul3A_14 = arith.constant 625 : i32
    %mul3A_15 = arith.muli %arg1, %mul3A_14 : i32
    "tpu.region"() ({
      %run_scoped3A = tpu.sem_alloc : memref<!tpu.dma_semaphore, #tpu.memory_space<semaphore_mem>>
      %dma_start3A_176 = arith.constant 0 : i32
      %dma_start3A_177 = tpu.memref_slice %arg17[%mul3A_15, %dma_start3A_176] : memref<10000x32xf32, #tpu.memory_space<vmem_shared>> -> memref<625x32xf32, #tpu.memory_space<vmem_shared>>
      %dma_start3A_178 = arith.constant 0 : i32
      %dma_start3A_179 = tpu.memref_slice %arg2[%mul3A_13, %dma_start3A_178] : memref<10000x128xf32, #tpu.memory_space<hbm>> -> memref<625x32xf32, #tpu.memory_space<hbm>>
      tpu.enqueue_dma source(%dma_start3A_179 : memref<625x32xf32, #tpu.memory_space<hbm>>) target(%dma_start3A_177 : memref<625x32xf32, #tpu.memory_space<vmem_shared>>) target_semaphore(%run_scoped3A : memref<!tpu.dma_semaphore, #tpu.memory_space<semaphore_mem>>)
      %dma_wait3A = arith.constant 0 : i32
      %dma_wait3A_180 = tpu.memref_slice %arg17[%mul3A_15, %dma_wait3A] : memref<10000x32xf32, #tpu.memory_space<vmem_shared>> -> memref<625x32xf32, #tpu.memory_space<vmem_shared>>
      %dma_wait3A_181 = arith.constant 0 : i32
      %dma_wait3A_182 = tpu.memref_slice %arg2[%mul3A_13, %dma_wait3A_181] : memref<10000x128xf32, #tpu.memory_space<hbm>> -> memref<625x32xf32, #tpu.memory_space<hbm>>
      tpu.wait_dma2 semaphore(%run_scoped3A : memref<!tpu.dma_semaphore, #tpu.memory_space<semaphore_mem>>) src(%dma_wait3A_182 : memref<625x32xf32, #tpu.memory_space<hbm>>) dst(%dma_wait3A_180 : memref<625x32xf32, #tpu.memory_space<vmem_shared>>)
      tpu.yield
    }) : () -> ()
    %mul3A_16 = arith.constant 128 : i32
    %mul3A_17 = arith.muli %add3A_5, %mul3A_16 : i32
    "tpu.region"() ({
      %run_scoped3A = tpu.sem_alloc : memref<!tpu.dma_semaphore, #tpu.memory_space<semaphore_mem>>
      %dma_start3A_176 = tpu.memref_slice %arg3[%mul3A_17] : memref<320000xi32, #tpu.memory_space<hbm>> -> memref<10112xi32, #tpu.memory_space<hbm>>
      %dma_start3A_177 = tpu.memref_slice %arg3[%mul3A_17] : memref<320000xi32, #tpu.memory_space<hbm>> -> memref<10112xi32, #tpu.memory_space<hbm>>
      tpu.enqueue_dma source(%dma_start3A_177 : memref<10112xi32, #tpu.memory_space<hbm>>) target(%arg7 : memref<10112xi32, #tpu.memory_space<vmem>>) target_semaphore(%run_scoped3A : memref<!tpu.dma_semaphore, #tpu.memory_space<semaphore_mem>>)
      %dma_wait3A = tpu.memref_slice %arg3[%mul3A_17] : memref<320000xi32, #tpu.memory_space<hbm>> -> memref<10112xi32, #tpu.memory_space<hbm>>
      %dma_wait3A_178 = tpu.memref_slice %arg3[%mul3A_17] : memref<320000xi32, #tpu.memory_space<hbm>> -> memref<10112xi32, #tpu.memory_space<hbm>>
      tpu.wait_dma2 semaphore(%run_scoped3A : memref<!tpu.dma_semaphore, #tpu.memory_space<semaphore_mem>>) src(%dma_wait3A_178 : memref<10112xi32, #tpu.memory_space<hbm>>) dst(%arg7 : memref<10112xi32, #tpu.memory_space<vmem>>)
      tpu.yield
    }) : () -> ()
    "tpu.region"() ({
      %run_scoped3A = tpu.sem_alloc : memref<!tpu.dma_semaphore, #tpu.memory_space<semaphore_mem>>
      %dma_start3A_176 = arith.constant 0 : i32
      %dma_start3A_177 = tpu.memref_slice %arg4[%add3A_5, %dma_start3A_176] : memref<2500x128xi32, #tpu.memory_space<hbm>> -> memref<79x128xi32, #tpu.memory_space<hbm>>
      %dma_start3A_178 = arith.constant 0 : i32
      %dma_start3A_179 = tpu.memref_slice %arg4[%add3A_5, %dma_start3A_178] : memref<2500x128xi32, #tpu.memory_space<hbm>> -> memref<79x128xi32, #tpu.memory_space<hbm>>
      tpu.enqueue_dma source(%dma_start3A_179 : memref<79x128xi32, #tpu.memory_space<hbm>>) target(%arg8 : memref<79x128xi32, #tpu.memory_space<vmem>>) target_semaphore(%run_scoped3A : memref<!tpu.dma_semaphore, #tpu.memory_space<semaphore_mem>>)
      %dma_wait3A = arith.constant 0 : i32
      %dma_wait3A_180 = tpu.memref_slice %arg4[%add3A_5, %dma_wait3A] : memref<2500x128xi32, #tpu.memory_space<hbm>> -> memref<79x128xi32, #tpu.memory_space<hbm>>
      %dma_wait3A_181 = arith.constant 0 : i32
      %dma_wait3A_182 = tpu.memref_slice %arg4[%add3A_5, %dma_wait3A_181] : memref<2500x128xi32, #tpu.memory_space<hbm>> -> memref<79x128xi32, #tpu.memory_space<hbm>>
      tpu.wait_dma2 semaphore(%run_scoped3A : memref<!tpu.dma_semaphore, #tpu.memory_space<semaphore_mem>>) src(%dma_wait3A_182 : memref<79x128xi32, #tpu.memory_space<hbm>>) dst(%arg8 : memref<79x128xi32, #tpu.memory_space<vmem>>)
      tpu.yield
    }) : () -> ()
    %barrier3A = arith.constant 0 : index
    tpu.barrier barrier_id(%barrier3A)
    %dma_start3A = arith.constant 0 : i32
    %dma_start3A_18 = tpu.memref_slice %arg7[%dma_start3A] : memref<10112xi32, #tpu.memory_space<vmem>> -> memref<128xi32, #tpu.memory_space<vmem>>
    %dma_start3A_19 = arith.constant 0 : i32
    %dma_start3A_20 = arith.constant 0 : i32
    %dma_start3A_21 = tpu.memref_slice %arg17[%dma_start3A_19, %dma_start3A_20] : memref<10000x32xf32, #tpu.memory_space<vmem_shared>> -> memref<10000x32xf32, #tpu.memory_space<vmem_shared>>
    tpu.enqueue_indirect_dma source(%dma_start3A_21 : memref<10000x32xf32, #tpu.memory_space<vmem_shared>>) target(%arg9 : memref<128x32xf32, #tpu.memory_space<vmem>>) offsets(%dma_start3A_18 : memref<128xi32, #tpu.memory_space<vmem>>) semaphore(%arg19 : memref<!tpu.dma_semaphore, #tpu.memory_space<semaphore_mem>>)
    %dma_start3A_22 = arith.constant 128 : i32
    %dma_start3A_23 = tpu.memref_slice %arg7[%dma_start3A_22] : memref<10112xi32, #tpu.memory_space<vmem>> -> memref<128xi32, #tpu.memory_space<vmem>>
    %dma_start3A_24 = arith.constant 0 : i32
    %dma_start3A_25 = arith.constant 0 : i32
    %dma_start3A_26 = tpu.memref_slice %arg17[%dma_start3A_24, %dma_start3A_25] : memref<10000x32xf32, #tpu.memory_space<vmem_shared>> -> memref<10000x32xf32, #tpu.memory_space<vmem_shared>>
    tpu.enqueue_indirect_dma source(%dma_start3A_26 : memref<10000x32xf32, #tpu.memory_space<vmem_shared>>) target(%arg10 : memref<128x32xf32, #tpu.memory_space<vmem>>) offsets(%dma_start3A_23 : memref<128xi32, #tpu.memory_space<vmem>>) semaphore(%arg20 : memref<!tpu.dma_semaphore, #tpu.memory_space<semaphore_mem>>)
    %dma_start3A_27 = arith.constant 256 : i32
    %dma_start3A_28 = tpu.memref_slice %arg7[%dma_start3A_27] : memref<10112xi32, #tpu.memory_space<vmem>> -> memref<128xi32, #tpu.memory_space<vmem>>
    %dma_start3A_29 = arith.constant 0 : i32
    %dma_start3A_30 = arith.constant 0 : i32
    %dma_start3A_31 = tpu.memref_slice %arg17[%dma_start3A_29, %dma_start3A_30] : memref<10000x32xf32, #tpu.memory_space<vmem_shared>> -> memref<10000x32xf32, #tpu.memory_space<vmem_shared>>
    tpu.enqueue_indirect_dma source(%dma_start3A_31 : memref<10000x32xf32, #tpu.memory_space<vmem_shared>>) target(%arg11 : memref<128x32xf32, #tpu.memory_space<vmem>>) offsets(%dma_start3A_28 : memref<128xi32, #tpu.memory_space<vmem>>) semaphore(%arg21 : memref<!tpu.dma_semaphore, #tpu.memory_space<semaphore_mem>>)
    %dma_start3A_32 = arith.constant 384 : i32
    %dma_start3A_33 = tpu.memref_slice %arg7[%dma_start3A_32] : memref<10112xi32, #tpu.memory_space<vmem>> -> memref<128xi32, #tpu.memory_space<vmem>>
    %dma_start3A_34 = arith.constant 0 : i32
    %dma_start3A_35 = arith.constant 0 : i32
    %dma_start3A_36 = tpu.memref_slice %arg17[%dma_start3A_34, %dma_start3A_35] : memref<10000x32xf32, #tpu.memory_space<vmem_shared>> -> memref<10000x32xf32, #tpu.memory_space<vmem_shared>>
    tpu.enqueue_indirect_dma source(%dma_start3A_36 : memref<10000x32xf32, #tpu.memory_space<vmem_shared>>) target(%arg12 : memref<128x32xf32, #tpu.memory_space<vmem>>) offsets(%dma_start3A_33 : memref<128xi32, #tpu.memory_space<vmem>>) semaphore(%arg22 : memref<!tpu.dma_semaphore, #tpu.memory_space<semaphore_mem>>)
    %dma_start3A_37 = arith.constant 512 : i32
    %dma_start3A_38 = tpu.memref_slice %arg7[%dma_start3A_37] : memref<10112xi32, #tpu.memory_space<vmem>> -> memref<128xi32, #tpu.memory_space<vmem>>
    %dma_start3A_39 = arith.constant 0 : i32
    %dma_start3A_40 = arith.constant 0 : i32
    %dma_start3A_41 = tpu.memref_slice %arg17[%dma_start3A_39, %dma_start3A_40] : memref<10000x32xf32, #tpu.memory_space<vmem_shared>> -> memref<10000x32xf32, #tpu.memory_space<vmem_shared>>
    tpu.enqueue_indirect_dma source(%dma_start3A_41 : memref<10000x32xf32, #tpu.memory_space<vmem_shared>>) target(%arg13 : memref<128x32xf32, #tpu.memory_space<vmem>>) offsets(%dma_start3A_38 : memref<128xi32, #tpu.memory_space<vmem>>) semaphore(%arg23 : memref<!tpu.dma_semaphore, #tpu.memory_space<semaphore_mem>>)
    %dma_start3A_42 = arith.constant 640 : i32
    %dma_start3A_43 = tpu.memref_slice %arg7[%dma_start3A_42] : memref<10112xi32, #tpu.memory_space<vmem>> -> memref<128xi32, #tpu.memory_space<vmem>>
    %dma_start3A_44 = arith.constant 0 : i32
    %dma_start3A_45 = arith.constant 0 : i32
    %dma_start3A_46 = tpu.memref_slice %arg17[%dma_start3A_44, %dma_start3A_45] : memref<10000x32xf32, #tpu.memory_space<vmem_shared>> -> memref<10000x32xf32, #tpu.memory_space<vmem_shared>>
    tpu.enqueue_indirect_dma source(%dma_start3A_46 : memref<10000x32xf32, #tpu.memory_space<vmem_shared>>) target(%arg14 : memref<128x32xf32, #tpu.memory_space<vmem>>) offsets(%dma_start3A_43 : memref<128xi32, #tpu.memory_space<vmem>>) semaphore(%arg24 : memref<!tpu.dma_semaphore, #tpu.memory_space<semaphore_mem>>)
    %dma_start3A_47 = arith.constant 768 : i32
    %dma_start3A_48 = tpu.memref_slice %arg7[%dma_start3A_47] : memref<10112xi32, #tpu.memory_space<vmem>> -> memref<128xi32, #tpu.memory_space<vmem>>
    %dma_start3A_49 = arith.constant 0 : i32
    %dma_start3A_50 = arith.constant 0 : i32
    %dma_start3A_51 = tpu.memref_slice %arg17[%dma_start3A_49, %dma_start3A_50] : memref<10000x32xf32, #tpu.memory_space<vmem_shared>> -> memref<10000x32xf32, #tpu.memory_space<vmem_shared>>
    tpu.enqueue_indirect_dma source(%dma_start3A_51 : memref<10000x32xf32, #tpu.memory_space<vmem_shared>>) target(%arg15 : memref<128x32xf32, #tpu.memory_space<vmem>>) offsets(%dma_start3A_48 : memref<128xi32, #tpu.memory_space<vmem>>) semaphore(%arg25 : memref<!tpu.dma_semaphore, #tpu.memory_space<semaphore_mem>>)
    %dma_start3A_52 = arith.constant 896 : i32
    %dma_start3A_53 = tpu.memref_slice %arg7[%dma_start3A_52] : memref<10112xi32, #tpu.memory_space<vmem>> -> memref<128xi32, #tpu.memory_space<vmem>>
    %dma_start3A_54 = arith.constant 0 : i32
    %dma_start3A_55 = arith.constant 0 : i32
    %dma_start3A_56 = tpu.memref_slice %arg17[%dma_start3A_54, %dma_start3A_55] : memref<10000x32xf32, #tpu.memory_space<vmem_shared>> -> memref<10000x32xf32, #tpu.memory_space<vmem_shared>>
    tpu.enqueue_indirect_dma source(%dma_start3A_56 : memref<10000x32xf32, #tpu.memory_space<vmem_shared>>) target(%arg16 : memref<128x32xf32, #tpu.memory_space<vmem>>) offsets(%dma_start3A_53 : memref<128xi32, #tpu.memory_space<vmem>>) semaphore(%arg26 : memref<!tpu.dma_semaphore, #tpu.memory_space<semaphore_mem>>)
    %scan3A = arith.constant 0 : i32
    %scan3A_57 = arith.constant 0 : i32
    %scan3A_58 = arith.constant 8 : i32
    %scan3A_59 = arith.addi %scan3A_57, %scan3A_58 : i32
    %scan3A_60 = arith.constant 1 : i32
    scf.for %scan3A_176 = %scan3A_57 to %scan3A_59 step %scan3A_60  : i32 {
      %mul3A_177 = arith.constant 8 : i32
      %mul3A_178 = arith.muli %scan3A_176, %mul3A_177 : i32
      %add3A_179 = arith.constant 0 : i32
      %add3A_180 = arith.addi %mul3A_178, %add3A_179 : i32
      %mul3A_181 = arith.constant 128 : i32
      %mul3A_182 = arith.muli %add3A_180, %mul3A_181 : i32
      %dma_wait3A = tpu.memref_slice %arg7[%mul3A_182] : memref<10112xi32, #tpu.memory_space<vmem>> -> memref<128xi32, #tpu.memory_space<vmem>>
      %dma_wait3A_183 = arith.constant 0 : i32
      %dma_wait3A_184 = arith.constant 0 : i32
      %dma_wait3A_185 = tpu.memref_slice %arg17[%dma_wait3A_183, %dma_wait3A_184] : memref<10000x32xf32, #tpu.memory_space<vmem_shared>> -> memref<10000x32xf32, #tpu.memory_space<vmem_shared>>
      tpu.wait_indirect_dma semaphore(%arg19 : memref<!tpu.dma_semaphore, #tpu.memory_space<semaphore_mem>>) src(%dma_wait3A_185 : memref<10000x32xf32, #tpu.memory_space<vmem_shared>>) dst(%arg9 : memref<128x32xf32, #tpu.memory_space<vmem>>)
      "tpu.region"() ({
        %run_scoped3A = tpu.sem_alloc : memref<!tpu.dma_semaphore, #tpu.memory_space<semaphore_mem>>
        %dma_start3A_320 = arith.constant 0 : i32
        %dma_start3A_321 = tpu.memref_slice %arg8[%add3A_180, %dma_start3A_320] : memref<79x128xi32, #tpu.memory_space<vmem>> -> memref<1x128xi32, #tpu.memory_space<vmem>>
        %dma_start3A_322 = tpu.memref_squeeze %dma_start3A_321 : memref<1x128xi32, #tpu.memory_space<vmem>> -> memref<128xi32, #tpu.memory_space<vmem>>
        %dma_start3A_323 = arith.constant 0 : i32
        %dma_start3A_324 = arith.constant 0 : i32
        %dma_start3A_325 = tpu.memref_slice %arg18[%dma_start3A_323, %dma_start3A_324] : memref<10000x32xf32, #tpu.memory_space<vmem_shared>> -> memref<10000x32xf32, #tpu.memory_space<vmem_shared>>
        tpu.enqueue_indirect_dma source(%arg9 : memref<128x32xf32, #tpu.memory_space<vmem>>) target(%dma_start3A_325 : memref<10000x32xf32, #tpu.memory_space<vmem_shared>>) offsets(%dma_start3A_322 : memref<128xi32, #tpu.memory_space<vmem>>) semaphore(%run_scoped3A : memref<!tpu.dma_semaphore, #tpu.memory_space<semaphore_mem>>) {add = true}
        %dma_wait3A_326 = arith.constant 0 : i32
        %dma_wait3A_327 = tpu.memref_slice %arg8[%add3A_180, %dma_wait3A_326] : memref<79x128xi32, #tpu.memory_space<vmem>> -> memref<1x128xi32, #tpu.memory_space<vmem>>
        %dma_wait3A_328 = tpu.memref_squeeze %dma_wait3A_327 : memref<1x128xi32, #tpu.memory_space<vmem>> -> memref<128xi32, #tpu.memory_space<vmem>>
        %dma_wait3A_329 = arith.constant 0 : i32
        %dma_wait3A_330 = arith.constant 0 : i32
        %dma_wait3A_331 = tpu.memref_slice %arg18[%dma_wait3A_329, %dma_wait3A_330] : memref<10000x32xf32, #tpu.memory_space<vmem_shared>> -> memref<10000x32xf32, #tpu.memory_space<vmem_shared>>
        tpu.wait_indirect_dma semaphore(%run_scoped3A : memref<!tpu.dma_semaphore, #tpu.memory_space<semaphore_mem>>) src(%arg9 : memref<128x32xf32, #tpu.memory_space<vmem>>) dst(%dma_wait3A_331 : memref<10000x32xf32, #tpu.memory_space<vmem_shared>>)
        tpu.yield
      }) : () -> ()
      %add3A_186 = arith.constant 8 : i32
      %add3A_187 = arith.addi %add3A_180, %add3A_186 : i32
      %mul3A_188 = arith.constant 128 : i32
      %mul3A_189 = arith.muli %add3A_187, %mul3A_188 : i32
      %dma_start3A_190 = tpu.memref_slice %arg7[%mul3A_189] : memref<10112xi32, #tpu.memory_space<vmem>> -> memref<128xi32, #tpu.memory_space<vmem>>
      %dma_start3A_191 = arith.constant 0 : i32
      %dma_start3A_192 = arith.constant 0 : i32
      %dma_start3A_193 = tpu.memref_slice %arg17[%dma_start3A_191, %dma_start3A_192] : memref<10000x32xf32, #tpu.memory_space<vmem_shared>> -> memref<10000x32xf32, #tpu.memory_space<vmem_shared>>
      tpu.enqueue_indirect_dma source(%dma_start3A_193 : memref<10000x32xf32, #tpu.memory_space<vmem_shared>>) target(%arg9 : memref<128x32xf32, #tpu.memory_space<vmem>>) offsets(%dma_start3A_190 : memref<128xi32, #tpu.memory_space<vmem>>) semaphore(%arg19 : memref<!tpu.dma_semaphore, #tpu.memory_space<semaphore_mem>>)
      %mul3A_194 = arith.constant 8 : i32
      %mul3A_195 = arith.muli %scan3A_176, %mul3A_194 : i32
      %add3A_196 = arith.constant 1 : i32
      %add3A_197 = arith.addi %mul3A_195, %add3A_196 : i32
      %mul3A_198 = arith.constant 128 : i32
      %mul3A_199 = arith.muli %add3A_197, %mul3A_198 : i32
      %dma_wait3A_200 = tpu.memref_slice %arg7[%mul3A_199] : memref<10112xi32, #tpu.memory_space<vmem>> -> memref<128xi32, #tpu.memory_space<vmem>>
      %dma_wait3A_201 = arith.constant 0 : i32
      %dma_wait3A_202 = arith.constant 0 : i32
      %dma_wait3A_203 = tpu.memref_slice %arg17[%dma_wait3A_201, %dma_wait3A_202] : memref<10000x32xf32, #tpu.memory_space<vmem_shared>> -> memref<10000x32xf32, #tpu.memory_space<vmem_shared>>
      tpu.wait_indirect_dma semaphore(%arg20 : memref<!tpu.dma_semaphore, #tpu.memory_space<semaphore_mem>>) src(%dma_wait3A_203 : memref<10000x32xf32, #tpu.memory_space<vmem_shared>>) dst(%arg10 : memref<128x32xf32, #tpu.memory_space<vmem>>)
      "tpu.region"() ({
        %run_scoped3A = tpu.sem_alloc : memref<!tpu.dma_semaphore, #tpu.memory_space<semaphore_mem>>
        %dma_start3A_320 = arith.constant 0 : i32
        %dma_start3A_321 = tpu.memref_slice %arg8[%add3A_197, %dma_start3A_320] : memref<79x128xi32, #tpu.memory_space<vmem>> -> memref<1x128xi32, #tpu.memory_space<vmem>>
        %dma_start3A_322 = tpu.memref_squeeze %dma_start3A_321 : memref<1x128xi32, #tpu.memory_space<vmem>> -> memref<128xi32, #tpu.memory_space<vmem>>
        %dma_start3A_323 = arith.constant 0 : i32
        %dma_start3A_324 = arith.constant 0 : i32
        %dma_start3A_325 = tpu.memref_slice %arg18[%dma_start3A_323, %dma_start3A_324] : memref<10000x32xf32, #tpu.memory_space<vmem_shared>> -> memref<10000x32xf32, #tpu.memory_space<vmem_shared>>
        tpu.enqueue_indirect_dma source(%arg10 : memref<128x32xf32, #tpu.memory_space<vmem>>) target(%dma_start3A_325 : memref<10000x32xf32, #tpu.memory_space<vmem_shared>>) offsets(%dma_start3A_322 : memref<128xi32, #tpu.memory_space<vmem>>) semaphore(%run_scoped3A : memref<!tpu.dma_semaphore, #tpu.memory_space<semaphore_mem>>) {add = true}
        %dma_wait3A_326 = arith.constant 0 : i32
        %dma_wait3A_327 = tpu.memref_slice %arg8[%add3A_197, %dma_wait3A_326] : memref<79x128xi32, #tpu.memory_space<vmem>> -> memref<1x128xi32, #tpu.memory_space<vmem>>
        %dma_wait3A_328 = tpu.memref_squeeze %dma_wait3A_327 : memref<1x128xi32, #tpu.memory_space<vmem>> -> memref<128xi32, #tpu.memory_space<vmem>>
        %dma_wait3A_329 = arith.constant 0 : i32
        %dma_wait3A_330 = arith.constant 0 : i32
        %dma_wait3A_331 = tpu.memref_slice %arg18[%dma_wait3A_329, %dma_wait3A_330] : memref<10000x32xf32, #tpu.memory_space<vmem_shared>> -> memref<10000x32xf32, #tpu.memory_space<vmem_shared>>
        tpu.wait_indirect_dma semaphore(%run_scoped3A : memref<!tpu.dma_semaphore, #tpu.memory_space<semaphore_mem>>) src(%arg10 : memref<128x32xf32, #tpu.memory_space<vmem>>) dst(%dma_wait3A_331 : memref<10000x32xf32, #tpu.memory_space<vmem_shared>>)
        tpu.yield
      }) : () -> ()
      %add3A_204 = arith.constant 8 : i32
      %add3A_205 = arith.addi %add3A_197, %add3A_204 : i32
      %mul3A_206 = arith.constant 128 : i32
      %mul3A_207 = arith.muli %add3A_205, %mul3A_206 : i32
      %dma_start3A_208 = tpu.memref_slice %arg7[%mul3A_207] : memref<10112xi32, #tpu.memory_space<vmem>> -> memref<128xi32, #tpu.memory_space<vmem>>
      %dma_start3A_209 = arith.constant 0 : i32
      %dma_start3A_210 = arith.constant 0 : i32
      %dma_start3A_211 = tpu.memref_slice %arg17[%dma_start3A_209, %dma_start3A_210] : memref<10000x32xf32, #tpu.memory_space<vmem_shared>> -> memref<10000x32xf32, #tpu.memory_space<vmem_shared>>
      tpu.enqueue_indirect_dma source(%dma_start3A_211 : memref<10000x32xf32, #tpu.memory_space<vmem_shared>>) target(%arg10 : memref<128x32xf32, #tpu.memory_space<vmem>>) offsets(%dma_start3A_208 : memref<128xi32, #tpu.memory_space<vmem>>) semaphore(%arg20 : memref<!tpu.dma_semaphore, #tpu.memory_space<semaphore_mem>>)
      %mul3A_212 = arith.constant 8 : i32
      %mul3A_213 = arith.muli %scan3A_176, %mul3A_212 : i32
      %add3A_214 = arith.constant 2 : i32
      %add3A_215 = arith.addi %mul3A_213, %add3A_214 : i32
      %mul3A_216 = arith.constant 128 : i32
      %mul3A_217 = arith.muli %add3A_215, %mul3A_216 : i32
      %dma_wait3A_218 = tpu.memref_slice %arg7[%mul3A_217] : memref<10112xi32, #tpu.memory_space<vmem>> -> memref<128xi32, #tpu.memory_space<vmem>>
      %dma_wait3A_219 = arith.constant 0 : i32
      %dma_wait3A_220 = arith.constant 0 : i32
      %dma_wait3A_221 = tpu.memref_slice %arg17[%dma_wait3A_219, %dma_wait3A_220] : memref<10000x32xf32, #tpu.memory_space<vmem_shared>> -> memref<10000x32xf32, #tpu.memory_space<vmem_shared>>
      tpu.wait_indirect_dma semaphore(%arg21 : memref<!tpu.dma_semaphore, #tpu.memory_space<semaphore_mem>>) src(%dma_wait3A_221 : memref<10000x32xf32, #tpu.memory_space<vmem_shared>>) dst(%arg11 : memref<128x32xf32, #tpu.memory_space<vmem>>)
      "tpu.region"() ({
        %run_scoped3A = tpu.sem_alloc : memref<!tpu.dma_semaphore, #tpu.memory_space<semaphore_mem>>
        %dma_start3A_320 = arith.constant 0 : i32
        %dma_start3A_321 = tpu.memref_slice %arg8[%add3A_215, %dma_start3A_320] : memref<79x128xi32, #tpu.memory_space<vmem>> -> memref<1x128xi32, #tpu.memory_space<vmem>>
        %dma_start3A_322 = tpu.memref_squeeze %dma_start3A_321 : memref<1x128xi32, #tpu.memory_space<vmem>> -> memref<128xi32, #tpu.memory_space<vmem>>
        %dma_start3A_323 = arith.constant 0 : i32
        %dma_start3A_324 = arith.constant 0 : i32
        %dma_start3A_325 = tpu.memref_slice %arg18[%dma_start3A_323, %dma_start3A_324] : memref<10000x32xf32, #tpu.memory_space<vmem_shared>> -> memref<10000x32xf32, #tpu.memory_space<vmem_shared>>
        tpu.enqueue_indirect_dma source(%arg11 : memref<128x32xf32, #tpu.memory_space<vmem>>) target(%dma_start3A_325 : memref<10000x32xf32, #tpu.memory_space<vmem_shared>>) offsets(%dma_start3A_322 : memref<128xi32, #tpu.memory_space<vmem>>) semaphore(%run_scoped3A : memref<!tpu.dma_semaphore, #tpu.memory_space<semaphore_mem>>) {add = true}
        %dma_wait3A_326 = arith.constant 0 : i32
        %dma_wait3A_327 = tpu.memref_slice %arg8[%add3A_215, %dma_wait3A_326] : memref<79x128xi32, #tpu.memory_space<vmem>> -> memref<1x128xi32, #tpu.memory_space<vmem>>
        %dma_wait3A_328 = tpu.memref_squeeze %dma_wait3A_327 : memref<1x128xi32, #tpu.memory_space<vmem>> -> memref<128xi32, #tpu.memory_space<vmem>>
        %dma_wait3A_329 = arith.constant 0 : i32
        %dma_wait3A_330 = arith.constant 0 : i32
        %dma_wait3A_331 = tpu.memref_slice %arg18[%dma_wait3A_329, %dma_wait3A_330] : memref<10000x32xf32, #tpu.memory_space<vmem_shared>> -> memref<10000x32xf32, #tpu.memory_space<vmem_shared>>
        tpu.wait_indirect_dma semaphore(%run_scoped3A : memref<!tpu.dma_semaphore, #tpu.memory_space<semaphore_mem>>) src(%arg11 : memref<128x32xf32, #tpu.memory_space<vmem>>) dst(%dma_wait3A_331 : memref<10000x32xf32, #tpu.memory_space<vmem_shared>>)
        tpu.yield
      }) : () -> ()
      %add3A_222 = arith.constant 8 : i32
      %add3A_223 = arith.addi %add3A_215, %add3A_222 : i32
      %mul3A_224 = arith.constant 128 : i32
      %mul3A_225 = arith.muli %add3A_223, %mul3A_224 : i32
      %dma_start3A_226 = tpu.memref_slice %arg7[%mul3A_225] : memref<10112xi32, #tpu.memory_space<vmem>> -> memref<128xi32, #tpu.memory_space<vmem>>
      %dma_start3A_227 = arith.constant 0 : i32
      %dma_start3A_228 = arith.constant 0 : i32
      %dma_start3A_229 = tpu.memref_slice %arg17[%dma_start3A_227, %dma_start3A_228] : memref<10000x32xf32, #tpu.memory_space<vmem_shared>> -> memref<10000x32xf32, #tpu.memory_space<vmem_shared>>
      tpu.enqueue_indirect_dma source(%dma_start3A_229 : memref<10000x32xf32, #tpu.memory_space<vmem_shared>>) target(%arg11 : memref<128x32xf32, #tpu.memory_space<vmem>>) offsets(%dma_start3A_226 : memref<128xi32, #tpu.memory_space<vmem>>) semaphore(%arg21 : memref<!tpu.dma_semaphore, #tpu.memory_space<semaphore_mem>>)
      %mul3A_230 = arith.constant 8 : i32
      %mul3A_231 = arith.muli %scan3A_176, %mul3A_230 : i32
      %add3A_232 = arith.constant 3 : i32
      %add3A_233 = arith.addi %mul3A_231, %add3A_232 : i32
      %mul3A_234 = arith.constant 128 : i32
      %mul3A_235 = arith.muli %add3A_233, %mul3A_234 : i32
      %dma_wait3A_236 = tpu.memref_slice %arg7[%mul3A_235] : memref<10112xi32, #tpu.memory_space<vmem>> -> memref<128xi32, #tpu.memory_space<vmem>>
      %dma_wait3A_237 = arith.constant 0 : i32
      %dma_wait3A_238 = arith.constant 0 : i32
      %dma_wait3A_239 = tpu.memref_slice %arg17[%dma_wait3A_237, %dma_wait3A_238] : memref<10000x32xf32, #tpu.memory_space<vmem_shared>> -> memref<10000x32xf32, #tpu.memory_space<vmem_shared>>
      tpu.wait_indirect_dma semaphore(%arg22 : memref<!tpu.dma_semaphore, #tpu.memory_space<semaphore_mem>>) src(%dma_wait3A_239 : memref<10000x32xf32, #tpu.memory_space<vmem_shared>>) dst(%arg12 : memref<128x32xf32, #tpu.memory_space<vmem>>)
      "tpu.region"() ({
        %run_scoped3A = tpu.sem_alloc : memref<!tpu.dma_semaphore, #tpu.memory_space<semaphore_mem>>
        %dma_start3A_320 = arith.constant 0 : i32
        %dma_start3A_321 = tpu.memref_slice %arg8[%add3A_233, %dma_start3A_320] : memref<79x128xi32, #tpu.memory_space<vmem>> -> memref<1x128xi32, #tpu.memory_space<vmem>>
        %dma_start3A_322 = tpu.memref_squeeze %dma_start3A_321 : memref<1x128xi32, #tpu.memory_space<vmem>> -> memref<128xi32, #tpu.memory_space<vmem>>
        %dma_start3A_323 = arith.constant 0 : i32
        %dma_start3A_324 = arith.constant 0 : i32
        %dma_start3A_325 = tpu.memref_slice %arg18[%dma_start3A_323, %dma_start3A_324] : memref<10000x32xf32, #tpu.memory_space<vmem_shared>> -> memref<10000x32xf32, #tpu.memory_space<vmem_shared>>
        tpu.enqueue_indirect_dma source(%arg12 : memref<128x32xf32, #tpu.memory_space<vmem>>) target(%dma_start3A_325 : memref<10000x32xf32, #tpu.memory_space<vmem_shared>>) offsets(%dma_start3A_322 : memref<128xi32, #tpu.memory_space<vmem>>) semaphore(%run_scoped3A : memref<!tpu.dma_semaphore, #tpu.memory_space<semaphore_mem>>) {add = true}
        %dma_wait3A_326 = arith.constant 0 : i32
        %dma_wait3A_327 = tpu.memref_slice %arg8[%add3A_233, %dma_wait3A_326] : memref<79x128xi32, #tpu.memory_space<vmem>> -> memref<1x128xi32, #tpu.memory_space<vmem>>
        %dma_wait3A_328 = tpu.memref_squeeze %dma_wait3A_327 : memref<1x128xi32, #tpu.memory_space<vmem>> -> memref<128xi32, #tpu.memory_space<vmem>>
        %dma_wait3A_329 = arith.constant 0 : i32
        %dma_wait3A_330 = arith.constant 0 : i32
        %dma_wait3A_331 = tpu.memref_slice %arg18[%dma_wait3A_329, %dma_wait3A_330] : memref<10000x32xf32, #tpu.memory_space<vmem_shared>> -> memref<10000x32xf32, #tpu.memory_space<vmem_shared>>
        tpu.wait_indirect_dma semaphore(%run_scoped3A : memref<!tpu.dma_semaphore, #tpu.memory_space<semaphore_mem>>) src(%arg12 : memref<128x32xf32, #tpu.memory_space<vmem>>) dst(%dma_wait3A_331 : memref<10000x32xf32, #tpu.memory_space<vmem_shared>>)
        tpu.yield
      }) : () -> ()
      %add3A_240 = arith.constant 8 : i32
      %add3A_241 = arith.addi %add3A_233, %add3A_240 : i32
      %mul3A_242 = arith.constant 128 : i32
      %mul3A_243 = arith.muli %add3A_241, %mul3A_242 : i32
      %dma_start3A_244 = tpu.memref_slice %arg7[%mul3A_243] : memref<10112xi32, #tpu.memory_space<vmem>> -> memref<128xi32, #tpu.memory_space<vmem>>
      %dma_start3A_245 = arith.constant 0 : i32
      %dma_start3A_246 = arith.constant 0 : i32
      %dma_start3A_247 = tpu.memref_slice %arg17[%dma_start3A_245, %dma_start3A_246] : memref<10000x32xf32, #tpu.memory_space<vmem_shared>> -> memref<10000x32xf32, #tpu.memory_space<vmem_shared>>
      tpu.enqueue_indirect_dma source(%dma_start3A_247 : memref<10000x32xf32, #tpu.memory_space<vmem_shared>>) target(%arg12 : memref<128x32xf32, #tpu.memory_space<vmem>>) offsets(%dma_start3A_244 : memref<128xi32, #tpu.memory_space<vmem>>) semaphore(%arg22 : memref<!tpu.dma_semaphore, #tpu.memory_space<semaphore_mem>>)
      %mul3A_248 = arith.constant 8 : i32
      %mul3A_249 = arith.muli %scan3A_176, %mul3A_248 : i32
      %add3A_250 = arith.constant 4 : i32
      %add3A_251 = arith.addi %mul3A_249, %add3A_250 : i32
      %mul3A_252 = arith.constant 128 : i32
      %mul3A_253 = arith.muli %add3A_251, %mul3A_252 : i32
      %dma_wait3A_254 = tpu.memref_slice %arg7[%mul3A_253] : memref<10112xi32, #tpu.memory_space<vmem>> -> memref<128xi32, #tpu.memory_space<vmem>>
      %dma_wait3A_255 = arith.constant 0 : i32
      %dma_wait3A_256 = arith.constant 0 : i32
      %dma_wait3A_257 = tpu.memref_slice %arg17[%dma_wait3A_255, %dma_wait3A_256] : memref<10000x32xf32, #tpu.memory_space<vmem_shared>> -> memref<10000x32xf32, #tpu.memory_space<vmem_shared>>
      tpu.wait_indirect_dma semaphore(%arg23 : memref<!tpu.dma_semaphore, #tpu.memory_space<semaphore_mem>>) src(%dma_wait3A_257 : memref<10000x32xf32, #tpu.memory_space<vmem_shared>>) dst(%arg13 : memref<128x32xf32, #tpu.memory_space<vmem>>)
      "tpu.region"() ({
        %run_scoped3A = tpu.sem_alloc : memref<!tpu.dma_semaphore, #tpu.memory_space<semaphore_mem>>
        %dma_start3A_320 = arith.constant 0 : i32
        %dma_start3A_321 = tpu.memref_slice %arg8[%add3A_251, %dma_start3A_320] : memref<79x128xi32, #tpu.memory_space<vmem>> -> memref<1x128xi32, #tpu.memory_space<vmem>>
        %dma_start3A_322 = tpu.memref_squeeze %dma_start3A_321 : memref<1x128xi32, #tpu.memory_space<vmem>> -> memref<128xi32, #tpu.memory_space<vmem>>
        %dma_start3A_323 = arith.constant 0 : i32
        %dma_start3A_324 = arith.constant 0 : i32
        %dma_start3A_325 = tpu.memref_slice %arg18[%dma_start3A_323, %dma_start3A_324] : memref<10000x32xf32, #tpu.memory_space<vmem_shared>> -> memref<10000x32xf32, #tpu.memory_space<vmem_shared>>
        tpu.enqueue_indirect_dma source(%arg13 : memref<128x32xf32, #tpu.memory_space<vmem>>) target(%dma_start3A_325 : memref<10000x32xf32, #tpu.memory_space<vmem_shared>>) offsets(%dma_start3A_322 : memref<128xi32, #tpu.memory_space<vmem>>) semaphore(%run_scoped3A : memref<!tpu.dma_semaphore, #tpu.memory_space<semaphore_mem>>) {add = true}
        %dma_wait3A_326 = arith.constant 0 : i32
        %dma_wait3A_327 = tpu.memref_slice %arg8[%add3A_251, %dma_wait3A_326] : memref<79x128xi32, #tpu.memory_space<vmem>> -> memref<1x128xi32, #tpu.memory_space<vmem>>
        %dma_wait3A_328 = tpu.memref_squeeze %dma_wait3A_327 : memref<1x128xi32, #tpu.memory_space<vmem>> -> memref<128xi32, #tpu.memory_space<vmem>>
        %dma_wait3A_329 = arith.constant 0 : i32
        %dma_wait3A_330 = arith.constant 0 : i32
        %dma_wait3A_331 = tpu.memref_slice %arg18[%dma_wait3A_329, %dma_wait3A_330] : memref<10000x32xf32, #tpu.memory_space<vmem_shared>> -> memref<10000x32xf32, #tpu.memory_space<vmem_shared>>
        tpu.wait_indirect_dma semaphore(%run_scoped3A : memref<!tpu.dma_semaphore, #tpu.memory_space<semaphore_mem>>) src(%arg13 : memref<128x32xf32, #tpu.memory_space<vmem>>) dst(%dma_wait3A_331 : memref<10000x32xf32, #tpu.memory_space<vmem_shared>>)
        tpu.yield
      }) : () -> ()
      %add3A_258 = arith.constant 8 : i32
      %add3A_259 = arith.addi %add3A_251, %add3A_258 : i32
      %mul3A_260 = arith.constant 128 : i32
      %mul3A_261 = arith.muli %add3A_259, %mul3A_260 : i32
      %dma_start3A_262 = tpu.memref_slice %arg7[%mul3A_261] : memref<10112xi32, #tpu.memory_space<vmem>> -> memref<128xi32, #tpu.memory_space<vmem>>
      %dma_start3A_263 = arith.constant 0 : i32
      %dma_start3A_264 = arith.constant 0 : i32
      %dma_start3A_265 = tpu.memref_slice %arg17[%dma_start3A_263, %dma_start3A_264] : memref<10000x32xf32, #tpu.memory_space<vmem_shared>> -> memref<10000x32xf32, #tpu.memory_space<vmem_shared>>
      tpu.enqueue_indirect_dma source(%dma_start3A_265 : memref<10000x32xf32, #tpu.memory_space<vmem_shared>>) target(%arg13 : memref<128x32xf32, #tpu.memory_space<vmem>>) offsets(%dma_start3A_262 : memref<128xi32, #tpu.memory_space<vmem>>) semaphore(%arg23 : memref<!tpu.dma_semaphore, #tpu.memory_space<semaphore_mem>>)
      %mul3A_266 = arith.constant 8 : i32
      %mul3A_267 = arith.muli %scan3A_176, %mul3A_266 : i32
      %add3A_268 = arith.constant 5 : i32
      %add3A_269 = arith.addi %mul3A_267, %add3A_268 : i32
      %mul3A_270 = arith.constant 128 : i32
      %mul3A_271 = arith.muli %add3A_269, %mul3A_270 : i32
      %dma_wait3A_272 = tpu.memref_slice %arg7[%mul3A_271] : memref<10112xi32, #tpu.memory_space<vmem>> -> memref<128xi32, #tpu.memory_space<vmem>>
      %dma_wait3A_273 = arith.constant 0 : i32
      %dma_wait3A_274 = arith.constant 0 : i32
      %dma_wait3A_275 = tpu.memref_slice %arg17[%dma_wait3A_273, %dma_wait3A_274] : memref<10000x32xf32, #tpu.memory_space<vmem_shared>> -> memref<10000x32xf32, #tpu.memory_space<vmem_shared>>
      tpu.wait_indirect_dma semaphore(%arg24 : memref<!tpu.dma_semaphore, #tpu.memory_space<semaphore_mem>>) src(%dma_wait3A_275 : memref<10000x32xf32, #tpu.memory_space<vmem_shared>>) dst(%arg14 : memref<128x32xf32, #tpu.memory_space<vmem>>)
      "tpu.region"() ({
        %run_scoped3A = tpu.sem_alloc : memref<!tpu.dma_semaphore, #tpu.memory_space<semaphore_mem>>
        %dma_start3A_320 = arith.constant 0 : i32
        %dma_start3A_321 = tpu.memref_slice %arg8[%add3A_269, %dma_start3A_320] : memref<79x128xi32, #tpu.memory_space<vmem>> -> memref<1x128xi32, #tpu.memory_space<vmem>>
        %dma_start3A_322 = tpu.memref_squeeze %dma_start3A_321 : memref<1x128xi32, #tpu.memory_space<vmem>> -> memref<128xi32, #tpu.memory_space<vmem>>
        %dma_start3A_323 = arith.constant 0 : i32
        %dma_start3A_324 = arith.constant 0 : i32
        %dma_start3A_325 = tpu.memref_slice %arg18[%dma_start3A_323, %dma_start3A_324] : memref<10000x32xf32, #tpu.memory_space<vmem_shared>> -> memref<10000x32xf32, #tpu.memory_space<vmem_shared>>
        tpu.enqueue_indirect_dma source(%arg14 : memref<128x32xf32, #tpu.memory_space<vmem>>) target(%dma_start3A_325 : memref<10000x32xf32, #tpu.memory_space<vmem_shared>>) offsets(%dma_start3A_322 : memref<128xi32, #tpu.memory_space<vmem>>) semaphore(%run_scoped3A : memref<!tpu.dma_semaphore, #tpu.memory_space<semaphore_mem>>) {add = true}
        %dma_wait3A_326 = arith.constant 0 : i32
        %dma_wait3A_327 = tpu.memref_slice %arg8[%add3A_269, %dma_wait3A_326] : memref<79x128xi32, #tpu.memory_space<vmem>> -> memref<1x128xi32, #tpu.memory_space<vmem>>
        %dma_wait3A_328 = tpu.memref_squeeze %dma_wait3A_327 : memref<1x128xi32, #tpu.memory_space<vmem>> -> memref<128xi32, #tpu.memory_space<vmem>>
        %dma_wait3A_329 = arith.constant 0 : i32
        %dma_wait3A_330 = arith.constant 0 : i32
        %dma_wait3A_331 = tpu.memref_slice %arg18[%dma_wait3A_329, %dma_wait3A_330] : memref<10000x32xf32, #tpu.memory_space<vmem_shared>> -> memref<10000x32xf32, #tpu.memory_space<vmem_shared>>
        tpu.wait_indirect_dma semaphore(%run_scoped3A : memref<!tpu.dma_semaphore, #tpu.memory_space<semaphore_mem>>) src(%arg14 : memref<128x32xf32, #tpu.memory_space<vmem>>) dst(%dma_wait3A_331 : memref<10000x32xf32, #tpu.memory_space<vmem_shared>>)
        tpu.yield
      }) : () -> ()
      %add3A_276 = arith.constant 8 : i32
      %add3A_277 = arith.addi %add3A_269, %add3A_276 : i32
      %mul3A_278 = arith.constant 128 : i32
      %mul3A_279 = arith.muli %add3A_277, %mul3A_278 : i32
      %dma_start3A_280 = tpu.memref_slice %arg7[%mul3A_279] : memref<10112xi32, #tpu.memory_space<vmem>> -> memref<128xi32, #tpu.memory_space<vmem>>
      %dma_start3A_281 = arith.constant 0 : i32
      %dma_start3A_282 = arith.constant 0 : i32
      %dma_start3A_283 = tpu.memref_slice %arg17[%dma_start3A_281, %dma_start3A_282] : memref<10000x32xf32, #tpu.memory_space<vmem_shared>> -> memref<10000x32xf32, #tpu.memory_space<vmem_shared>>
      tpu.enqueue_indirect_dma source(%dma_start3A_283 : memref<10000x32xf32, #tpu.memory_space<vmem_shared>>) target(%arg14 : memref<128x32xf32, #tpu.memory_space<vmem>>) offsets(%dma_start3A_280 : memref<128xi32, #tpu.memory_space<vmem>>) semaphore(%arg24 : memref<!tpu.dma_semaphore, #tpu.memory_space<semaphore_mem>>)
      %mul3A_284 = arith.constant 8 : i32
      %mul3A_285 = arith.muli %scan3A_176, %mul3A_284 : i32
      %add3A_286 = arith.constant 6 : i32
      %add3A_287 = arith.addi %mul3A_285, %add3A_286 : i32
      %mul3A_288 = arith.constant 128 : i32
      %mul3A_289 = arith.muli %add3A_287, %mul3A_288 : i32
      %dma_wait3A_290 = tpu.memref_slice %arg7[%mul3A_289] : memref<10112xi32, #tpu.memory_space<vmem>> -> memref<128xi32, #tpu.memory_space<vmem>>
      %dma_wait3A_291 = arith.constant 0 : i32
      %dma_wait3A_292 = arith.constant 0 : i32
      %dma_wait3A_293 = tpu.memref_slice %arg17[%dma_wait3A_291, %dma_wait3A_292] : memref<10000x32xf32, #tpu.memory_space<vmem_shared>> -> memref<10000x32xf32, #tpu.memory_space<vmem_shared>>
      tpu.wait_indirect_dma semaphore(%arg25 : memref<!tpu.dma_semaphore, #tpu.memory_space<semaphore_mem>>) src(%dma_wait3A_293 : memref<10000x32xf32, #tpu.memory_space<vmem_shared>>) dst(%arg15 : memref<128x32xf32, #tpu.memory_space<vmem>>)
      "tpu.region"() ({
        %run_scoped3A = tpu.sem_alloc : memref<!tpu.dma_semaphore, #tpu.memory_space<semaphore_mem>>
        %dma_start3A_320 = arith.constant 0 : i32
        %dma_start3A_321 = tpu.memref_slice %arg8[%add3A_287, %dma_start3A_320] : memref<79x128xi32, #tpu.memory_space<vmem>> -> memref<1x128xi32, #tpu.memory_space<vmem>>
        %dma_start3A_322 = tpu.memref_squeeze %dma_start3A_321 : memref<1x128xi32, #tpu.memory_space<vmem>> -> memref<128xi32, #tpu.memory_space<vmem>>
        %dma_start3A_323 = arith.constant 0 : i32
        %dma_start3A_324 = arith.constant 0 : i32
        %dma_start3A_325 = tpu.memref_slice %arg18[%dma_start3A_323, %dma_start3A_324] : memref<10000x32xf32, #tpu.memory_space<vmem_shared>> -> memref<10000x32xf32, #tpu.memory_space<vmem_shared>>
        tpu.enqueue_indirect_dma source(%arg15 : memref<128x32xf32, #tpu.memory_space<vmem>>) target(%dma_start3A_325 : memref<10000x32xf32, #tpu.memory_space<vmem_shared>>) offsets(%dma_start3A_322 : memref<128xi32, #tpu.memory_space<vmem>>) semaphore(%run_scoped3A : memref<!tpu.dma_semaphore, #tpu.memory_space<semaphore_mem>>) {add = true}
        %dma_wait3A_326 = arith.constant 0 : i32
        %dma_wait3A_327 = tpu.memref_slice %arg8[%add3A_287, %dma_wait3A_326] : memref<79x128xi32, #tpu.memory_space<vmem>> -> memref<1x128xi32, #tpu.memory_space<vmem>>
        %dma_wait3A_328 = tpu.memref_squeeze %dma_wait3A_327 : memref<1x128xi32, #tpu.memory_space<vmem>> -> memref<128xi32, #tpu.memory_space<vmem>>
        %dma_wait3A_329 = arith.constant 0 : i32
        %dma_wait3A_330 = arith.constant 0 : i32
        %dma_wait3A_331 = tpu.memref_slice %arg18[%dma_wait3A_329, %dma_wait3A_330] : memref<10000x32xf32, #tpu.memory_space<vmem_shared>> -> memref<10000x32xf32, #tpu.memory_space<vmem_shared>>
        tpu.wait_indirect_dma semaphore(%run_scoped3A : memref<!tpu.dma_semaphore, #tpu.memory_space<semaphore_mem>>) src(%arg15 : memref<128x32xf32, #tpu.memory_space<vmem>>) dst(%dma_wait3A_331 : memref<10000x32xf32, #tpu.memory_space<vmem_shared>>)
        tpu.yield
      }) : () -> ()
      %add3A_294 = arith.constant 8 : i32
      %add3A_295 = arith.addi %add3A_287, %add3A_294 : i32
      %mul3A_296 = arith.constant 128 : i32
      %mul3A_297 = arith.muli %add3A_295, %mul3A_296 : i32
      %dma_start3A_298 = tpu.memref_slice %arg7[%mul3A_297] : memref<10112xi32, #tpu.memory_space<vmem>> -> memref<128xi32, #tpu.memory_space<vmem>>
      %dma_start3A_299 = arith.constant 0 : i32
      %dma_start3A_300 = arith.constant 0 : i32
      %dma_start3A_301 = tpu.memref_slice %arg17[%dma_start3A_299, %dma_start3A_300] : memref<10000x32xf32, #tpu.memory_space<vmem_shared>> -> memref<10000x32xf32, #tpu.memory_space<vmem_shared>>
      tpu.enqueue_indirect_dma source(%dma_start3A_301 : memref<10000x32xf32, #tpu.memory_space<vmem_shared>>) target(%arg15 : memref<128x32xf32, #tpu.memory_space<vmem>>) offsets(%dma_start3A_298 : memref<128xi32, #tpu.memory_space<vmem>>) semaphore(%arg25 : memref<!tpu.dma_semaphore, #tpu.memory_space<semaphore_mem>>)
      %mul3A_302 = arith.constant 8 : i32
      %mul3A_303 = arith.muli %scan3A_176, %mul3A_302 : i32
      %add3A_304 = arith.constant 7 : i32
      %add3A_305 = arith.addi %mul3A_303, %add3A_304 : i32
      %mul3A_306 = arith.constant 128 : i32
      %mul3A_307 = arith.muli %add3A_305, %mul3A_306 : i32
      %dma_wait3A_308 = tpu.memref_slice %arg7[%mul3A_307] : memref<10112xi32, #tpu.memory_space<vmem>> -> memref<128xi32, #tpu.memory_space<vmem>>
      %dma_wait3A_309 = arith.constant 0 : i32
      %dma_wait3A_310 = arith.constant 0 : i32
      %dma_wait3A_311 = tpu.memref_slice %arg17[%dma_wait3A_309, %dma_wait3A_310] : memref<10000x32xf32, #tpu.memory_space<vmem_shared>> -> memref<10000x32xf32, #tpu.memory_space<vmem_shared>>
      tpu.wait_indirect_dma semaphore(%arg26 : memref<!tpu.dma_semaphore, #tpu.memory_space<semaphore_mem>>) src(%dma_wait3A_311 : memref<10000x32xf32, #tpu.memory_space<vmem_shared>>) dst(%arg16 : memref<128x32xf32, #tpu.memory_space<vmem>>)
      "tpu.region"() ({
        %run_scoped3A = tpu.sem_alloc : memref<!tpu.dma_semaphore, #tpu.memory_space<semaphore_mem>>
        %dma_start3A_320 = arith.constant 0 : i32
        %dma_start3A_321 = tpu.memref_slice %arg8[%add3A_305, %dma_start3A_320] : memref<79x128xi32, #tpu.memory_space<vmem>> -> memref<1x128xi32, #tpu.memory_space<vmem>>
        %dma_start3A_322 = tpu.memref_squeeze %dma_start3A_321 : memref<1x128xi32, #tpu.memory_space<vmem>> -> memref<128xi32, #tpu.memory_space<vmem>>
        %dma_start3A_323 = arith.constant 0 : i32
        %dma_start3A_324 = arith.constant 0 : i32
        %dma_start3A_325 = tpu.memref_slice %arg18[%dma_start3A_323, %dma_start3A_324] : memref<10000x32xf32, #tpu.memory_space<vmem_shared>> -> memref<10000x32xf32, #tpu.memory_space<vmem_shared>>
        tpu.enqueue_indirect_dma source(%arg16 : memref<128x32xf32, #tpu.memory_space<vmem>>) target(%dma_start3A_325 : memref<10000x32xf32, #tpu.memory_space<vmem_shared>>) offsets(%dma_start3A_322 : memref<128xi32, #tpu.memory_space<vmem>>) semaphore(%run_scoped3A : memref<!tpu.dma_semaphore, #tpu.memory_space<semaphore_mem>>) {add = true}
        %dma_wait3A_326 = arith.constant 0 : i32
        %dma_wait3A_327 = tpu.memref_slice %arg8[%add3A_305, %dma_wait3A_326] : memref<79x128xi32, #tpu.memory_space<vmem>> -> memref<1x128xi32, #tpu.memory_space<vmem>>
        %dma_wait3A_328 = tpu.memref_squeeze %dma_wait3A_327 : memref<1x128xi32, #tpu.memory_space<vmem>> -> memref<128xi32, #tpu.memory_space<vmem>>
        %dma_wait3A_329 = arith.constant 0 : i32
        %dma_wait3A_330 = arith.constant 0 : i32
        %dma_wait3A_331 = tpu.memref_slice %arg18[%dma_wait3A_329, %dma_wait3A_330] : memref<10000x32xf32, #tpu.memory_space<vmem_shared>> -> memref<10000x32xf32, #tpu.memory_space<vmem_shared>>
        tpu.wait_indirect_dma semaphore(%run_scoped3A : memref<!tpu.dma_semaphore, #tpu.memory_space<semaphore_mem>>) src(%arg16 : memref<128x32xf32, #tpu.memory_space<vmem>>) dst(%dma_wait3A_331 : memref<10000x32xf32, #tpu.memory_space<vmem_shared>>)
        tpu.yield
      }) : () -> ()
      %add3A_312 = arith.constant 8 : i32
      %add3A_313 = arith.addi %add3A_305, %add3A_312 : i32
      %mul3A_314 = arith.constant 128 : i32
      %mul3A_315 = arith.muli %add3A_313, %mul3A_314 : i32
      %dma_start3A_316 = tpu.memref_slice %arg7[%mul3A_315] : memref<10112xi32, #tpu.memory_space<vmem>> -> memref<128xi32, #tpu.memory_space<vmem>>
      %dma_start3A_317 = arith.constant 0 : i32
      %dma_start3A_318 = arith.constant 0 : i32
      %dma_start3A_319 = tpu.memref_slice %arg17[%dma_start3A_317, %dma_start3A_318] : memref<10000x32xf32, #tpu.memory_space<vmem_shared>> -> memref<10000x32xf32, #tpu.memory_space<vmem_shared>>
      tpu.enqueue_indirect_dma source(%dma_start3A_319 : memref<10000x32xf32, #tpu.memory_space<vmem_shared>>) target(%arg16 : memref<128x32xf32, #tpu.memory_space<vmem>>) offsets(%dma_start3A_316 : memref<128xi32, #tpu.memory_space<vmem>>) semaphore(%arg26 : memref<!tpu.dma_semaphore, #tpu.memory_space<semaphore_mem>>)
    }
    %scan3A_61 = arith.constant 8 : i32
    %gt3A = arith.constant 64 : i32
    %gt3A_62 = arith.cmpi sgt, %select_n3A, %gt3A : i32
    %convert_element_type3A = arith.extui %gt3A_62 : i1 to i32
    %cond3A = arith.constant 0 : i32
    %cond3A_63 = arith.cmpi ne, %convert_element_type3A, %cond3A : i32
    scf.if %cond3A_63 {
      %dma_wait3A = arith.constant 8192 : i32
      %dma_wait3A_176 = tpu.memref_slice %arg7[%dma_wait3A] : memref<10112xi32, #tpu.memory_space<vmem>> -> memref<128xi32, #tpu.memory_space<vmem>>
      %dma_wait3A_177 = arith.constant 0 : i32
      %dma_wait3A_178 = arith.constant 0 : i32
      %dma_wait3A_179 = tpu.memref_slice %arg17[%dma_wait3A_177, %dma_wait3A_178] : memref<10000x32xf32, #tpu.memory_space<vmem_shared>> -> memref<10000x32xf32, #tpu.memory_space<vmem_shared>>
      tpu.wait_indirect_dma semaphore(%arg19 : memref<!tpu.dma_semaphore, #tpu.memory_space<semaphore_mem>>) src(%dma_wait3A_179 : memref<10000x32xf32, #tpu.memory_space<vmem_shared>>) dst(%arg9 : memref<128x32xf32, #tpu.memory_space<vmem>>)
      %run_scoped3A = arith.constant 64 : i32
      "tpu.region"() ({
        %run_scoped3A_180 = tpu.sem_alloc : memref<!tpu.dma_semaphore, #tpu.memory_space<semaphore_mem>>
        %dma_start3A_181 = arith.constant 0 : i32
        %dma_start3A_182 = tpu.memref_slice %arg8[%run_scoped3A, %dma_start3A_181] : memref<79x128xi32, #tpu.memory_space<vmem>> -> memref<1x128xi32, #tpu.memory_space<vmem>>
        %dma_start3A_183 = tpu.memref_squeeze %dma_start3A_182 : memref<1x128xi32, #tpu.memory_space<vmem>> -> memref<128xi32, #tpu.memory_space<vmem>>
        %dma_start3A_184 = arith.constant 0 : i32
        %dma_start3A_185 = arith.constant 0 : i32
        %dma_start3A_186 = tpu.memref_slice %arg18[%dma_start3A_184, %dma_start3A_185] : memref<10000x32xf32, #tpu.memory_space<vmem_shared>> -> memref<10000x32xf32, #tpu.memory_space<vmem_shared>>
        tpu.enqueue_indirect_dma source(%arg9 : memref<128x32xf32, #tpu.memory_space<vmem>>) target(%dma_start3A_186 : memref<10000x32xf32, #tpu.memory_space<vmem_shared>>) offsets(%dma_start3A_183 : memref<128xi32, #tpu.memory_space<vmem>>) semaphore(%run_scoped3A_180 : memref<!tpu.dma_semaphore, #tpu.memory_space<semaphore_mem>>) {add = true}
        %dma_wait3A_187 = arith.constant 0 : i32
        %dma_wait3A_188 = tpu.memref_slice %arg8[%run_scoped3A, %dma_wait3A_187] : memref<79x128xi32, #tpu.memory_space<vmem>> -> memref<1x128xi32, #tpu.memory_space<vmem>>
        %dma_wait3A_189 = tpu.memref_squeeze %dma_wait3A_188 : memref<1x128xi32, #tpu.memory_space<vmem>> -> memref<128xi32, #tpu.memory_space<vmem>>
        %dma_wait3A_190 = arith.constant 0 : i32
        %dma_wait3A_191 = arith.constant 0 : i32
        %dma_wait3A_192 = tpu.memref_slice %arg18[%dma_wait3A_190, %dma_wait3A_191] : memref<10000x32xf32, #tpu.memory_space<vmem_shared>> -> memref<10000x32xf32, #tpu.memory_space<vmem_shared>>
        tpu.wait_indirect_dma semaphore(%run_scoped3A_180 : memref<!tpu.dma_semaphore, #tpu.memory_space<semaphore_mem>>) src(%arg9 : memref<128x32xf32, #tpu.memory_space<vmem>>) dst(%dma_wait3A_192 : memref<10000x32xf32, #tpu.memory_space<vmem_shared>>)
        tpu.yield
      }) : () -> ()
    } else {
    }
    %gt3A_64 = arith.constant 72 : i32
    %gt3A_65 = arith.cmpi sgt, %select_n3A, %gt3A_64 : i32
    %convert_element_type3A_66 = arith.extui %gt3A_65 : i1 to i32
    %cond3A_67 = arith.constant 0 : i32
    %cond3A_68 = arith.cmpi ne, %convert_element_type3A_66, %cond3A_67 : i32
    scf.if %cond3A_68 {
      %dma_start3A_176 = arith.constant 9216 : i32
      %dma_start3A_177 = tpu.memref_slice %arg7[%dma_start3A_176] : memref<10112xi32, #tpu.memory_space<vmem>> -> memref<128xi32, #tpu.memory_space<vmem>>
      %dma_start3A_178 = arith.constant 0 : i32
      %dma_start3A_179 = arith.constant 0 : i32
      %dma_start3A_180 = tpu.memref_slice %arg17[%dma_start3A_178, %dma_start3A_179] : memref<10000x32xf32, #tpu.memory_space<vmem_shared>> -> memref<10000x32xf32, #tpu.memory_space<vmem_shared>>
      tpu.enqueue_indirect_dma source(%dma_start3A_180 : memref<10000x32xf32, #tpu.memory_space<vmem_shared>>) target(%arg9 : memref<128x32xf32, #tpu.memory_space<vmem>>) offsets(%dma_start3A_177 : memref<128xi32, #tpu.memory_space<vmem>>) semaphore(%arg19 : memref<!tpu.dma_semaphore, #tpu.memory_space<semaphore_mem>>)
    } else {
    }
    %gt3A_69 = arith.constant 65 : i32
    %gt3A_70 = arith.cmpi sgt, %select_n3A, %gt3A_69 : i32
    %convert_element_type3A_71 = arith.extui %gt3A_70 : i1 to i32
    %cond3A_72 = arith.constant 0 : i32
    %cond3A_73 = arith.cmpi ne, %convert_element_type3A_71, %cond3A_72 : i32
    scf.if %cond3A_73 {
      %dma_wait3A = arith.constant 8320 : i32
      %dma_wait3A_176 = tpu.memref_slice %arg7[%dma_wait3A] : memref<10112xi32, #tpu.memory_space<vmem>> -> memref<128xi32, #tpu.memory_space<vmem>>
      %dma_wait3A_177 = arith.constant 0 : i32
      %dma_wait3A_178 = arith.constant 0 : i32
      %dma_wait3A_179 = tpu.memref_slice %arg17[%dma_wait3A_177, %dma_wait3A_178] : memref<10000x32xf32, #tpu.memory_space<vmem_shared>> -> memref<10000x32xf32, #tpu.memory_space<vmem_shared>>
      tpu.wait_indirect_dma semaphore(%arg20 : memref<!tpu.dma_semaphore, #tpu.memory_space<semaphore_mem>>) src(%dma_wait3A_179 : memref<10000x32xf32, #tpu.memory_space<vmem_shared>>) dst(%arg10 : memref<128x32xf32, #tpu.memory_space<vmem>>)
      %run_scoped3A = arith.constant 65 : i32
      "tpu.region"() ({
        %run_scoped3A_180 = tpu.sem_alloc : memref<!tpu.dma_semaphore, #tpu.memory_space<semaphore_mem>>
        %dma_start3A_181 = arith.constant 0 : i32
        %dma_start3A_182 = tpu.memref_slice %arg8[%run_scoped3A, %dma_start3A_181] : memref<79x128xi32, #tpu.memory_space<vmem>> -> memref<1x128xi32, #tpu.memory_space<vmem>>
        %dma_start3A_183 = tpu.memref_squeeze %dma_start3A_182 : memref<1x128xi32, #tpu.memory_space<vmem>> -> memref<128xi32, #tpu.memory_space<vmem>>
        %dma_start3A_184 = arith.constant 0 : i32
        %dma_start3A_185 = arith.constant 0 : i32
        %dma_start3A_186 = tpu.memref_slice %arg18[%dma_start3A_184, %dma_start3A_185] : memref<10000x32xf32, #tpu.memory_space<vmem_shared>> -> memref<10000x32xf32, #tpu.memory_space<vmem_shared>>
        tpu.enqueue_indirect_dma source(%arg10 : memref<128x32xf32, #tpu.memory_space<vmem>>) target(%dma_start3A_186 : memref<10000x32xf32, #tpu.memory_space<vmem_shared>>) offsets(%dma_start3A_183 : memref<128xi32, #tpu.memory_space<vmem>>) semaphore(%run_scoped3A_180 : memref<!tpu.dma_semaphore, #tpu.memory_space<semaphore_mem>>) {add = true}
        %dma_wait3A_187 = arith.constant 0 : i32
        %dma_wait3A_188 = tpu.memref_slice %arg8[%run_scoped3A, %dma_wait3A_187] : memref<79x128xi32, #tpu.memory_space<vmem>> -> memref<1x128xi32, #tpu.memory_space<vmem>>
        %dma_wait3A_189 = tpu.memref_squeeze %dma_wait3A_188 : memref<1x128xi32, #tpu.memory_space<vmem>> -> memref<128xi32, #tpu.memory_space<vmem>>
        %dma_wait3A_190 = arith.constant 0 : i32
        %dma_wait3A_191 = arith.constant 0 : i32
        %dma_wait3A_192 = tpu.memref_slice %arg18[%dma_wait3A_190, %dma_wait3A_191] : memref<10000x32xf32, #tpu.memory_space<vmem_shared>> -> memref<10000x32xf32, #tpu.memory_space<vmem_shared>>
        tpu.wait_indirect_dma semaphore(%run_scoped3A_180 : memref<!tpu.dma_semaphore, #tpu.memory_space<semaphore_mem>>) src(%arg10 : memref<128x32xf32, #tpu.memory_space<vmem>>) dst(%dma_wait3A_192 : memref<10000x32xf32, #tpu.memory_space<vmem_shared>>)
        tpu.yield
      }) : () -> ()
    } else {
    }
    %gt3A_74 = arith.constant 73 : i32
    %gt3A_75 = arith.cmpi sgt, %select_n3A, %gt3A_74 : i32
    %convert_element_type3A_76 = arith.extui %gt3A_75 : i1 to i32
    %cond3A_77 = arith.constant 0 : i32
    %cond3A_78 = arith.cmpi ne, %convert_element_type3A_76, %cond3A_77 : i32
    scf.if %cond3A_78 {
      %dma_start3A_176 = arith.constant 9344 : i32
      %dma_start3A_177 = tpu.memref_slice %arg7[%dma_start3A_176] : memref<10112xi32, #tpu.memory_space<vmem>> -> memref<128xi32, #tpu.memory_space<vmem>>
      %dma_start3A_178 = arith.constant 0 : i32
      %dma_start3A_179 = arith.constant 0 : i32
      %dma_start3A_180 = tpu.memref_slice %arg17[%dma_start3A_178, %dma_start3A_179] : memref<10000x32xf32, #tpu.memory_space<vmem_shared>> -> memref<10000x32xf32, #tpu.memory_space<vmem_shared>>
      tpu.enqueue_indirect_dma source(%dma_start3A_180 : memref<10000x32xf32, #tpu.memory_space<vmem_shared>>) target(%arg10 : memref<128x32xf32, #tpu.memory_space<vmem>>) offsets(%dma_start3A_177 : memref<128xi32, #tpu.memory_space<vmem>>) semaphore(%arg20 : memref<!tpu.dma_semaphore, #tpu.memory_space<semaphore_mem>>)
    } else {
    }
    %gt3A_79 = arith.constant 66 : i32
    %gt3A_80 = arith.cmpi sgt, %select_n3A, %gt3A_79 : i32
    %convert_element_type3A_81 = arith.extui %gt3A_80 : i1 to i32
    %cond3A_82 = arith.constant 0 : i32
    %cond3A_83 = arith.cmpi ne, %convert_element_type3A_81, %cond3A_82 : i32
    scf.if %cond3A_83 {
      %dma_wait3A = arith.constant 8448 : i32
      %dma_wait3A_176 = tpu.memref_slice %arg7[%dma_wait3A] : memref<10112xi32, #tpu.memory_space<vmem>> -> memref<128xi32, #tpu.memory_space<vmem>>
      %dma_wait3A_177 = arith.constant 0 : i32
      %dma_wait3A_178 = arith.constant 0 : i32
      %dma_wait3A_179 = tpu.memref_slice %arg17[%dma_wait3A_177, %dma_wait3A_178] : memref<10000x32xf32, #tpu.memory_space<vmem_shared>> -> memref<10000x32xf32, #tpu.memory_space<vmem_shared>>
      tpu.wait_indirect_dma semaphore(%arg21 : memref<!tpu.dma_semaphore, #tpu.memory_space<semaphore_mem>>) src(%dma_wait3A_179 : memref<10000x32xf32, #tpu.memory_space<vmem_shared>>) dst(%arg11 : memref<128x32xf32, #tpu.memory_space<vmem>>)
      %run_scoped3A = arith.constant 66 : i32
      "tpu.region"() ({
        %run_scoped3A_180 = tpu.sem_alloc : memref<!tpu.dma_semaphore, #tpu.memory_space<semaphore_mem>>
        %dma_start3A_181 = arith.constant 0 : i32
        %dma_start3A_182 = tpu.memref_slice %arg8[%run_scoped3A, %dma_start3A_181] : memref<79x128xi32, #tpu.memory_space<vmem>> -> memref<1x128xi32, #tpu.memory_space<vmem>>
        %dma_start3A_183 = tpu.memref_squeeze %dma_start3A_182 : memref<1x128xi32, #tpu.memory_space<vmem>> -> memref<128xi32, #tpu.memory_space<vmem>>
        %dma_start3A_184 = arith.constant 0 : i32
        %dma_start3A_185 = arith.constant 0 : i32
        %dma_start3A_186 = tpu.memref_slice %arg18[%dma_start3A_184, %dma_start3A_185] : memref<10000x32xf32, #tpu.memory_space<vmem_shared>> -> memref<10000x32xf32, #tpu.memory_space<vmem_shared>>
        tpu.enqueue_indirect_dma source(%arg11 : memref<128x32xf32, #tpu.memory_space<vmem>>) target(%dma_start3A_186 : memref<10000x32xf32, #tpu.memory_space<vmem_shared>>) offsets(%dma_start3A_183 : memref<128xi32, #tpu.memory_space<vmem>>) semaphore(%run_scoped3A_180 : memref<!tpu.dma_semaphore, #tpu.memory_space<semaphore_mem>>) {add = true}
        %dma_wait3A_187 = arith.constant 0 : i32
        %dma_wait3A_188 = tpu.memref_slice %arg8[%run_scoped3A, %dma_wait3A_187] : memref<79x128xi32, #tpu.memory_space<vmem>> -> memref<1x128xi32, #tpu.memory_space<vmem>>
        %dma_wait3A_189 = tpu.memref_squeeze %dma_wait3A_188 : memref<1x128xi32, #tpu.memory_space<vmem>> -> memref<128xi32, #tpu.memory_space<vmem>>
        %dma_wait3A_190 = arith.constant 0 : i32
        %dma_wait3A_191 = arith.constant 0 : i32
        %dma_wait3A_192 = tpu.memref_slice %arg18[%dma_wait3A_190, %dma_wait3A_191] : memref<10000x32xf32, #tpu.memory_space<vmem_shared>> -> memref<10000x32xf32, #tpu.memory_space<vmem_shared>>
        tpu.wait_indirect_dma semaphore(%run_scoped3A_180 : memref<!tpu.dma_semaphore, #tpu.memory_space<semaphore_mem>>) src(%arg11 : memref<128x32xf32, #tpu.memory_space<vmem>>) dst(%dma_wait3A_192 : memref<10000x32xf32, #tpu.memory_space<vmem_shared>>)
        tpu.yield
      }) : () -> ()
    } else {
    }
    %gt3A_84 = arith.constant 74 : i32
    %gt3A_85 = arith.cmpi sgt, %select_n3A, %gt3A_84 : i32
    %convert_element_type3A_86 = arith.extui %gt3A_85 : i1 to i32
    %cond3A_87 = arith.constant 0 : i32
    %cond3A_88 = arith.cmpi ne, %convert_element_type3A_86, %cond3A_87 : i32
    scf.if %cond3A_88 {
      %dma_start3A_176 = arith.constant 9472 : i32
      %dma_start3A_177 = tpu.memref_slice %arg7[%dma_start3A_176] : memref<10112xi32, #tpu.memory_space<vmem>> -> memref<128xi32, #tpu.memory_space<vmem>>
      %dma_start3A_178 = arith.constant 0 : i32
      %dma_start3A_179 = arith.constant 0 : i32
      %dma_start3A_180 = tpu.memref_slice %arg17[%dma_start3A_178, %dma_start3A_179] : memref<10000x32xf32, #tpu.memory_space<vmem_shared>> -> memref<10000x32xf32, #tpu.memory_space<vmem_shared>>
      tpu.enqueue_indirect_dma source(%dma_start3A_180 : memref<10000x32xf32, #tpu.memory_space<vmem_shared>>) target(%arg11 : memref<128x32xf32, #tpu.memory_space<vmem>>) offsets(%dma_start3A_177 : memref<128xi32, #tpu.memory_space<vmem>>) semaphore(%arg21 : memref<!tpu.dma_semaphore, #tpu.memory_space<semaphore_mem>>)
    } else {
    }
    %gt3A_89 = arith.constant 67 : i32
    %gt3A_90 = arith.cmpi sgt, %select_n3A, %gt3A_89 : i32
    %convert_element_type3A_91 = arith.extui %gt3A_90 : i1 to i32
    %cond3A_92 = arith.constant 0 : i32
    %cond3A_93 = arith.cmpi ne, %convert_element_type3A_91, %cond3A_92 : i32
    scf.if %cond3A_93 {
      %dma_wait3A = arith.constant 8576 : i32
      %dma_wait3A_176 = tpu.memref_slice %arg7[%dma_wait3A] : memref<10112xi32, #tpu.memory_space<vmem>> -> memref<128xi32, #tpu.memory_space<vmem>>
      %dma_wait3A_177 = arith.constant 0 : i32
      %dma_wait3A_178 = arith.constant 0 : i32
      %dma_wait3A_179 = tpu.memref_slice %arg17[%dma_wait3A_177, %dma_wait3A_178] : memref<10000x32xf32, #tpu.memory_space<vmem_shared>> -> memref<10000x32xf32, #tpu.memory_space<vmem_shared>>
      tpu.wait_indirect_dma semaphore(%arg22 : memref<!tpu.dma_semaphore, #tpu.memory_space<semaphore_mem>>) src(%dma_wait3A_179 : memref<10000x32xf32, #tpu.memory_space<vmem_shared>>) dst(%arg12 : memref<128x32xf32, #tpu.memory_space<vmem>>)
      %run_scoped3A = arith.constant 67 : i32
      "tpu.region"() ({
        %run_scoped3A_180 = tpu.sem_alloc : memref<!tpu.dma_semaphore, #tpu.memory_space<semaphore_mem>>
        %dma_start3A_181 = arith.constant 0 : i32
        %dma_start3A_182 = tpu.memref_slice %arg8[%run_scoped3A, %dma_start3A_181] : memref<79x128xi32, #tpu.memory_space<vmem>> -> memref<1x128xi32, #tpu.memory_space<vmem>>
        %dma_start3A_183 = tpu.memref_squeeze %dma_start3A_182 : memref<1x128xi32, #tpu.memory_space<vmem>> -> memref<128xi32, #tpu.memory_space<vmem>>
        %dma_start3A_184 = arith.constant 0 : i32
        %dma_start3A_185 = arith.constant 0 : i32
        %dma_start3A_186 = tpu.memref_slice %arg18[%dma_start3A_184, %dma_start3A_185] : memref<10000x32xf32, #tpu.memory_space<vmem_shared>> -> memref<10000x32xf32, #tpu.memory_space<vmem_shared>>
        tpu.enqueue_indirect_dma source(%arg12 : memref<128x32xf32, #tpu.memory_space<vmem>>) target(%dma_start3A_186 : memref<10000x32xf32, #tpu.memory_space<vmem_shared>>) offsets(%dma_start3A_183 : memref<128xi32, #tpu.memory_space<vmem>>) semaphore(%run_scoped3A_180 : memref<!tpu.dma_semaphore, #tpu.memory_space<semaphore_mem>>) {add = true}
        %dma_wait3A_187 = arith.constant 0 : i32
        %dma_wait3A_188 = tpu.memref_slice %arg8[%run_scoped3A, %dma_wait3A_187] : memref<79x128xi32, #tpu.memory_space<vmem>> -> memref<1x128xi32, #tpu.memory_space<vmem>>
        %dma_wait3A_189 = tpu.memref_squeeze %dma_wait3A_188 : memref<1x128xi32, #tpu.memory_space<vmem>> -> memref<128xi32, #tpu.memory_space<vmem>>
        %dma_wait3A_190 = arith.constant 0 : i32
        %dma_wait3A_191 = arith.constant 0 : i32
        %dma_wait3A_192 = tpu.memref_slice %arg18[%dma_wait3A_190, %dma_wait3A_191] : memref<10000x32xf32, #tpu.memory_space<vmem_shared>> -> memref<10000x32xf32, #tpu.memory_space<vmem_shared>>
        tpu.wait_indirect_dma semaphore(%run_scoped3A_180 : memref<!tpu.dma_semaphore, #tpu.memory_space<semaphore_mem>>) src(%arg12 : memref<128x32xf32, #tpu.memory_space<vmem>>) dst(%dma_wait3A_192 : memref<10000x32xf32, #tpu.memory_space<vmem_shared>>)
        tpu.yield
      }) : () -> ()
    } else {
    }
    %gt3A_94 = arith.constant 75 : i32
    %gt3A_95 = arith.cmpi sgt, %select_n3A, %gt3A_94 : i32
    %convert_element_type3A_96 = arith.extui %gt3A_95 : i1 to i32
    %cond3A_97 = arith.constant 0 : i32
    %cond3A_98 = arith.cmpi ne, %convert_element_type3A_96, %cond3A_97 : i32
    scf.if %cond3A_98 {
      %dma_start3A_176 = arith.constant 9600 : i32
      %dma_start3A_177 = tpu.memref_slice %arg7[%dma_start3A_176] : memref<10112xi32, #tpu.memory_space<vmem>> -> memref<128xi32, #tpu.memory_space<vmem>>
      %dma_start3A_178 = arith.constant 0 : i32
      %dma_start3A_179 = arith.constant 0 : i32
      %dma_start3A_180 = tpu.memref_slice %arg17[%dma_start3A_178, %dma_start3A_179] : memref<10000x32xf32, #tpu.memory_space<vmem_shared>> -> memref<10000x32xf32, #tpu.memory_space<vmem_shared>>
      tpu.enqueue_indirect_dma source(%dma_start3A_180 : memref<10000x32xf32, #tpu.memory_space<vmem_shared>>) target(%arg12 : memref<128x32xf32, #tpu.memory_space<vmem>>) offsets(%dma_start3A_177 : memref<128xi32, #tpu.memory_space<vmem>>) semaphore(%arg22 : memref<!tpu.dma_semaphore, #tpu.memory_space<semaphore_mem>>)
    } else {
    }
    %gt3A_99 = arith.constant 68 : i32
    %gt3A_100 = arith.cmpi sgt, %select_n3A, %gt3A_99 : i32
    %convert_element_type3A_101 = arith.extui %gt3A_100 : i1 to i32
    %cond3A_102 = arith.constant 0 : i32
    %cond3A_103 = arith.cmpi ne, %convert_element_type3A_101, %cond3A_102 : i32
    scf.if %cond3A_103 {
      %dma_wait3A = arith.constant 8704 : i32
      %dma_wait3A_176 = tpu.memref_slice %arg7[%dma_wait3A] : memref<10112xi32, #tpu.memory_space<vmem>> -> memref<128xi32, #tpu.memory_space<vmem>>
      %dma_wait3A_177 = arith.constant 0 : i32
      %dma_wait3A_178 = arith.constant 0 : i32
      %dma_wait3A_179 = tpu.memref_slice %arg17[%dma_wait3A_177, %dma_wait3A_178] : memref<10000x32xf32, #tpu.memory_space<vmem_shared>> -> memref<10000x32xf32, #tpu.memory_space<vmem_shared>>
      tpu.wait_indirect_dma semaphore(%arg23 : memref<!tpu.dma_semaphore, #tpu.memory_space<semaphore_mem>>) src(%dma_wait3A_179 : memref<10000x32xf32, #tpu.memory_space<vmem_shared>>) dst(%arg13 : memref<128x32xf32, #tpu.memory_space<vmem>>)
      %run_scoped3A = arith.constant 68 : i32
      "tpu.region"() ({
        %run_scoped3A_180 = tpu.sem_alloc : memref<!tpu.dma_semaphore, #tpu.memory_space<semaphore_mem>>
        %dma_start3A_181 = arith.constant 0 : i32
        %dma_start3A_182 = tpu.memref_slice %arg8[%run_scoped3A, %dma_start3A_181] : memref<79x128xi32, #tpu.memory_space<vmem>> -> memref<1x128xi32, #tpu.memory_space<vmem>>
        %dma_start3A_183 = tpu.memref_squeeze %dma_start3A_182 : memref<1x128xi32, #tpu.memory_space<vmem>> -> memref<128xi32, #tpu.memory_space<vmem>>
        %dma_start3A_184 = arith.constant 0 : i32
        %dma_start3A_185 = arith.constant 0 : i32
        %dma_start3A_186 = tpu.memref_slice %arg18[%dma_start3A_184, %dma_start3A_185] : memref<10000x32xf32, #tpu.memory_space<vmem_shared>> -> memref<10000x32xf32, #tpu.memory_space<vmem_shared>>
        tpu.enqueue_indirect_dma source(%arg13 : memref<128x32xf32, #tpu.memory_space<vmem>>) target(%dma_start3A_186 : memref<10000x32xf32, #tpu.memory_space<vmem_shared>>) offsets(%dma_start3A_183 : memref<128xi32, #tpu.memory_space<vmem>>) semaphore(%run_scoped3A_180 : memref<!tpu.dma_semaphore, #tpu.memory_space<semaphore_mem>>) {add = true}
        %dma_wait3A_187 = arith.constant 0 : i32
        %dma_wait3A_188 = tpu.memref_slice %arg8[%run_scoped3A, %dma_wait3A_187] : memref<79x128xi32, #tpu.memory_space<vmem>> -> memref<1x128xi32, #tpu.memory_space<vmem>>
        %dma_wait3A_189 = tpu.memref_squeeze %dma_wait3A_188 : memref<1x128xi32, #tpu.memory_space<vmem>> -> memref<128xi32, #tpu.memory_space<vmem>>
        %dma_wait3A_190 = arith.constant 0 : i32
        %dma_wait3A_191 = arith.constant 0 : i32
        %dma_wait3A_192 = tpu.memref_slice %arg18[%dma_wait3A_190, %dma_wait3A_191] : memref<10000x32xf32, #tpu.memory_space<vmem_shared>> -> memref<10000x32xf32, #tpu.memory_space<vmem_shared>>
        tpu.wait_indirect_dma semaphore(%run_scoped3A_180 : memref<!tpu.dma_semaphore, #tpu.memory_space<semaphore_mem>>) src(%arg13 : memref<128x32xf32, #tpu.memory_space<vmem>>) dst(%dma_wait3A_192 : memref<10000x32xf32, #tpu.memory_space<vmem_shared>>)
        tpu.yield
      }) : () -> ()
    } else {
    }
    %gt3A_104 = arith.constant 76 : i32
    %gt3A_105 = arith.cmpi sgt, %select_n3A, %gt3A_104 : i32
    %convert_element_type3A_106 = arith.extui %gt3A_105 : i1 to i32
    %cond3A_107 = arith.constant 0 : i32
    %cond3A_108 = arith.cmpi ne, %convert_element_type3A_106, %cond3A_107 : i32
    scf.if %cond3A_108 {
      %dma_start3A_176 = arith.constant 9728 : i32
      %dma_start3A_177 = tpu.memref_slice %arg7[%dma_start3A_176] : memref<10112xi32, #tpu.memory_space<vmem>> -> memref<128xi32, #tpu.memory_space<vmem>>
      %dma_start3A_178 = arith.constant 0 : i32
      %dma_start3A_179 = arith.constant 0 : i32
      %dma_start3A_180 = tpu.memref_slice %arg17[%dma_start3A_178, %dma_start3A_179] : memref<10000x32xf32, #tpu.memory_space<vmem_shared>> -> memref<10000x32xf32, #tpu.memory_space<vmem_shared>>
      tpu.enqueue_indirect_dma source(%dma_start3A_180 : memref<10000x32xf32, #tpu.memory_space<vmem_shared>>) target(%arg13 : memref<128x32xf32, #tpu.memory_space<vmem>>) offsets(%dma_start3A_177 : memref<128xi32, #tpu.memory_space<vmem>>) semaphore(%arg23 : memref<!tpu.dma_semaphore, #tpu.memory_space<semaphore_mem>>)
    } else {
    }
    %gt3A_109 = arith.constant 69 : i32
    %gt3A_110 = arith.cmpi sgt, %select_n3A, %gt3A_109 : i32
    %convert_element_type3A_111 = arith.extui %gt3A_110 : i1 to i32
    %cond3A_112 = arith.constant 0 : i32
    %cond3A_113 = arith.cmpi ne, %convert_element_type3A_111, %cond3A_112 : i32
    scf.if %cond3A_113 {
      %dma_wait3A = arith.constant 8832 : i32
      %dma_wait3A_176 = tpu.memref_slice %arg7[%dma_wait3A] : memref<10112xi32, #tpu.memory_space<vmem>> -> memref<128xi32, #tpu.memory_space<vmem>>
      %dma_wait3A_177 = arith.constant 0 : i32
      %dma_wait3A_178 = arith.constant 0 : i32
      %dma_wait3A_179 = tpu.memref_slice %arg17[%dma_wait3A_177, %dma_wait3A_178] : memref<10000x32xf32, #tpu.memory_space<vmem_shared>> -> memref<10000x32xf32, #tpu.memory_space<vmem_shared>>
      tpu.wait_indirect_dma semaphore(%arg24 : memref<!tpu.dma_semaphore, #tpu.memory_space<semaphore_mem>>) src(%dma_wait3A_179 : memref<10000x32xf32, #tpu.memory_space<vmem_shared>>) dst(%arg14 : memref<128x32xf32, #tpu.memory_space<vmem>>)
      %run_scoped3A = arith.constant 69 : i32
      "tpu.region"() ({
        %run_scoped3A_180 = tpu.sem_alloc : memref<!tpu.dma_semaphore, #tpu.memory_space<semaphore_mem>>
        %dma_start3A_181 = arith.constant 0 : i32
        %dma_start3A_182 = tpu.memref_slice %arg8[%run_scoped3A, %dma_start3A_181] : memref<79x128xi32, #tpu.memory_space<vmem>> -> memref<1x128xi32, #tpu.memory_space<vmem>>
        %dma_start3A_183 = tpu.memref_squeeze %dma_start3A_182 : memref<1x128xi32, #tpu.memory_space<vmem>> -> memref<128xi32, #tpu.memory_space<vmem>>
        %dma_start3A_184 = arith.constant 0 : i32
        %dma_start3A_185 = arith.constant 0 : i32
        %dma_start3A_186 = tpu.memref_slice %arg18[%dma_start3A_184, %dma_start3A_185] : memref<10000x32xf32, #tpu.memory_space<vmem_shared>> -> memref<10000x32xf32, #tpu.memory_space<vmem_shared>>
        tpu.enqueue_indirect_dma source(%arg14 : memref<128x32xf32, #tpu.memory_space<vmem>>) target(%dma_start3A_186 : memref<10000x32xf32, #tpu.memory_space<vmem_shared>>) offsets(%dma_start3A_183 : memref<128xi32, #tpu.memory_space<vmem>>) semaphore(%run_scoped3A_180 : memref<!tpu.dma_semaphore, #tpu.memory_space<semaphore_mem>>) {add = true}
        %dma_wait3A_187 = arith.constant 0 : i32
        %dma_wait3A_188 = tpu.memref_slice %arg8[%run_scoped3A, %dma_wait3A_187] : memref<79x128xi32, #tpu.memory_space<vmem>> -> memref<1x128xi32, #tpu.memory_space<vmem>>
        %dma_wait3A_189 = tpu.memref_squeeze %dma_wait3A_188 : memref<1x128xi32, #tpu.memory_space<vmem>> -> memref<128xi32, #tpu.memory_space<vmem>>
        %dma_wait3A_190 = arith.constant 0 : i32
        %dma_wait3A_191 = arith.constant 0 : i32
        %dma_wait3A_192 = tpu.memref_slice %arg18[%dma_wait3A_190, %dma_wait3A_191] : memref<10000x32xf32, #tpu.memory_space<vmem_shared>> -> memref<10000x32xf32, #tpu.memory_space<vmem_shared>>
        tpu.wait_indirect_dma semaphore(%run_scoped3A_180 : memref<!tpu.dma_semaphore, #tpu.memory_space<semaphore_mem>>) src(%arg14 : memref<128x32xf32, #tpu.memory_space<vmem>>) dst(%dma_wait3A_192 : memref<10000x32xf32, #tpu.memory_space<vmem_shared>>)
        tpu.yield
      }) : () -> ()
    } else {
    }
    %gt3A_114 = arith.constant 77 : i32
    %gt3A_115 = arith.cmpi sgt, %select_n3A, %gt3A_114 : i32
    %convert_element_type3A_116 = arith.extui %gt3A_115 : i1 to i32
    %cond3A_117 = arith.constant 0 : i32
    %cond3A_118 = arith.cmpi ne, %convert_element_type3A_116, %cond3A_117 : i32
    scf.if %cond3A_118 {
      %dma_start3A_176 = arith.constant 9856 : i32
      %dma_start3A_177 = tpu.memref_slice %arg7[%dma_start3A_176] : memref<10112xi32, #tpu.memory_space<vmem>> -> memref<128xi32, #tpu.memory_space<vmem>>
      %dma_start3A_178 = arith.constant 0 : i32
      %dma_start3A_179 = arith.constant 0 : i32
      %dma_start3A_180 = tpu.memref_slice %arg17[%dma_start3A_178, %dma_start3A_179] : memref<10000x32xf32, #tpu.memory_space<vmem_shared>> -> memref<10000x32xf32, #tpu.memory_space<vmem_shared>>
      tpu.enqueue_indirect_dma source(%dma_start3A_180 : memref<10000x32xf32, #tpu.memory_space<vmem_shared>>) target(%arg14 : memref<128x32xf32, #tpu.memory_space<vmem>>) offsets(%dma_start3A_177 : memref<128xi32, #tpu.memory_space<vmem>>) semaphore(%arg24 : memref<!tpu.dma_semaphore, #tpu.memory_space<semaphore_mem>>)
    } else {
    }
    %gt3A_119 = arith.constant 70 : i32
    %gt3A_120 = arith.cmpi sgt, %select_n3A, %gt3A_119 : i32
    %convert_element_type3A_121 = arith.extui %gt3A_120 : i1 to i32
    %cond3A_122 = arith.constant 0 : i32
    %cond3A_123 = arith.cmpi ne, %convert_element_type3A_121, %cond3A_122 : i32
    scf.if %cond3A_123 {
      %dma_wait3A = arith.constant 8960 : i32
      %dma_wait3A_176 = tpu.memref_slice %arg7[%dma_wait3A] : memref<10112xi32, #tpu.memory_space<vmem>> -> memref<128xi32, #tpu.memory_space<vmem>>
      %dma_wait3A_177 = arith.constant 0 : i32
      %dma_wait3A_178 = arith.constant 0 : i32
      %dma_wait3A_179 = tpu.memref_slice %arg17[%dma_wait3A_177, %dma_wait3A_178] : memref<10000x32xf32, #tpu.memory_space<vmem_shared>> -> memref<10000x32xf32, #tpu.memory_space<vmem_shared>>
      tpu.wait_indirect_dma semaphore(%arg25 : memref<!tpu.dma_semaphore, #tpu.memory_space<semaphore_mem>>) src(%dma_wait3A_179 : memref<10000x32xf32, #tpu.memory_space<vmem_shared>>) dst(%arg15 : memref<128x32xf32, #tpu.memory_space<vmem>>)
      %run_scoped3A = arith.constant 70 : i32
      "tpu.region"() ({
        %run_scoped3A_180 = tpu.sem_alloc : memref<!tpu.dma_semaphore, #tpu.memory_space<semaphore_mem>>
        %dma_start3A_181 = arith.constant 0 : i32
        %dma_start3A_182 = tpu.memref_slice %arg8[%run_scoped3A, %dma_start3A_181] : memref<79x128xi32, #tpu.memory_space<vmem>> -> memref<1x128xi32, #tpu.memory_space<vmem>>
        %dma_start3A_183 = tpu.memref_squeeze %dma_start3A_182 : memref<1x128xi32, #tpu.memory_space<vmem>> -> memref<128xi32, #tpu.memory_space<vmem>>
        %dma_start3A_184 = arith.constant 0 : i32
        %dma_start3A_185 = arith.constant 0 : i32
        %dma_start3A_186 = tpu.memref_slice %arg18[%dma_start3A_184, %dma_start3A_185] : memref<10000x32xf32, #tpu.memory_space<vmem_shared>> -> memref<10000x32xf32, #tpu.memory_space<vmem_shared>>
        tpu.enqueue_indirect_dma source(%arg15 : memref<128x32xf32, #tpu.memory_space<vmem>>) target(%dma_start3A_186 : memref<10000x32xf32, #tpu.memory_space<vmem_shared>>) offsets(%dma_start3A_183 : memref<128xi32, #tpu.memory_space<vmem>>) semaphore(%run_scoped3A_180 : memref<!tpu.dma_semaphore, #tpu.memory_space<semaphore_mem>>) {add = true}
        %dma_wait3A_187 = arith.constant 0 : i32
        %dma_wait3A_188 = tpu.memref_slice %arg8[%run_scoped3A, %dma_wait3A_187] : memref<79x128xi32, #tpu.memory_space<vmem>> -> memref<1x128xi32, #tpu.memory_space<vmem>>
        %dma_wait3A_189 = tpu.memref_squeeze %dma_wait3A_188 : memref<1x128xi32, #tpu.memory_space<vmem>> -> memref<128xi32, #tpu.memory_space<vmem>>
        %dma_wait3A_190 = arith.constant 0 : i32
        %dma_wait3A_191 = arith.constant 0 : i32
        %dma_wait3A_192 = tpu.memref_slice %arg18[%dma_wait3A_190, %dma_wait3A_191] : memref<10000x32xf32, #tpu.memory_space<vmem_shared>> -> memref<10000x32xf32, #tpu.memory_space<vmem_shared>>
        tpu.wait_indirect_dma semaphore(%run_scoped3A_180 : memref<!tpu.dma_semaphore, #tpu.memory_space<semaphore_mem>>) src(%arg15 : memref<128x32xf32, #tpu.memory_space<vmem>>) dst(%dma_wait3A_192 : memref<10000x32xf32, #tpu.memory_space<vmem_shared>>)
        tpu.yield
      }) : () -> ()
    } else {
    }
    %gt3A_124 = arith.constant 78 : i32
    %gt3A_125 = arith.cmpi sgt, %select_n3A, %gt3A_124 : i32
    %convert_element_type3A_126 = arith.extui %gt3A_125 : i1 to i32
    %cond3A_127 = arith.constant 0 : i32
    %cond3A_128 = arith.cmpi ne, %convert_element_type3A_126, %cond3A_127 : i32
    scf.if %cond3A_128 {
      %dma_start3A_176 = arith.constant 9984 : i32
      %dma_start3A_177 = tpu.memref_slice %arg7[%dma_start3A_176] : memref<10112xi32, #tpu.memory_space<vmem>> -> memref<128xi32, #tpu.memory_space<vmem>>
      %dma_start3A_178 = arith.constant 0 : i32
      %dma_start3A_179 = arith.constant 0 : i32
      %dma_start3A_180 = tpu.memref_slice %arg17[%dma_start3A_178, %dma_start3A_179] : memref<10000x32xf32, #tpu.memory_space<vmem_shared>> -> memref<10000x32xf32, #tpu.memory_space<vmem_shared>>
      tpu.enqueue_indirect_dma source(%dma_start3A_180 : memref<10000x32xf32, #tpu.memory_space<vmem_shared>>) target(%arg15 : memref<128x32xf32, #tpu.memory_space<vmem>>) offsets(%dma_start3A_177 : memref<128xi32, #tpu.memory_space<vmem>>) semaphore(%arg25 : memref<!tpu.dma_semaphore, #tpu.memory_space<semaphore_mem>>)
    } else {
    }
    %gt3A_129 = arith.constant 71 : i32
    %gt3A_130 = arith.cmpi sgt, %select_n3A, %gt3A_129 : i32
    %convert_element_type3A_131 = arith.extui %gt3A_130 : i1 to i32
    %cond3A_132 = arith.constant 0 : i32
    %cond3A_133 = arith.cmpi ne, %convert_element_type3A_131, %cond3A_132 : i32
    scf.if %cond3A_133 {
      %dma_wait3A = arith.constant 9088 : i32
      %dma_wait3A_176 = tpu.memref_slice %arg7[%dma_wait3A] : memref<10112xi32, #tpu.memory_space<vmem>> -> memref<128xi32, #tpu.memory_space<vmem>>
      %dma_wait3A_177 = arith.constant 0 : i32
      %dma_wait3A_178 = arith.constant 0 : i32
      %dma_wait3A_179 = tpu.memref_slice %arg17[%dma_wait3A_177, %dma_wait3A_178] : memref<10000x32xf32, #tpu.memory_space<vmem_shared>> -> memref<10000x32xf32, #tpu.memory_space<vmem_shared>>
      tpu.wait_indirect_dma semaphore(%arg26 : memref<!tpu.dma_semaphore, #tpu.memory_space<semaphore_mem>>) src(%dma_wait3A_179 : memref<10000x32xf32, #tpu.memory_space<vmem_shared>>) dst(%arg16 : memref<128x32xf32, #tpu.memory_space<vmem>>)
      %run_scoped3A = arith.constant 71 : i32
      "tpu.region"() ({
        %run_scoped3A_180 = tpu.sem_alloc : memref<!tpu.dma_semaphore, #tpu.memory_space<semaphore_mem>>
        %dma_start3A_181 = arith.constant 0 : i32
        %dma_start3A_182 = tpu.memref_slice %arg8[%run_scoped3A, %dma_start3A_181] : memref<79x128xi32, #tpu.memory_space<vmem>> -> memref<1x128xi32, #tpu.memory_space<vmem>>
        %dma_start3A_183 = tpu.memref_squeeze %dma_start3A_182 : memref<1x128xi32, #tpu.memory_space<vmem>> -> memref<128xi32, #tpu.memory_space<vmem>>
        %dma_start3A_184 = arith.constant 0 : i32
        %dma_start3A_185 = arith.constant 0 : i32
        %dma_start3A_186 = tpu.memref_slice %arg18[%dma_start3A_184, %dma_start3A_185] : memref<10000x32xf32, #tpu.memory_space<vmem_shared>> -> memref<10000x32xf32, #tpu.memory_space<vmem_shared>>
        tpu.enqueue_indirect_dma source(%arg16 : memref<128x32xf32, #tpu.memory_space<vmem>>) target(%dma_start3A_186 : memref<10000x32xf32, #tpu.memory_space<vmem_shared>>) offsets(%dma_start3A_183 : memref<128xi32, #tpu.memory_space<vmem>>) semaphore(%run_scoped3A_180 : memref<!tpu.dma_semaphore, #tpu.memory_space<semaphore_mem>>) {add = true}
        %dma_wait3A_187 = arith.constant 0 : i32
        %dma_wait3A_188 = tpu.memref_slice %arg8[%run_scoped3A, %dma_wait3A_187] : memref<79x128xi32, #tpu.memory_space<vmem>> -> memref<1x128xi32, #tpu.memory_space<vmem>>
        %dma_wait3A_189 = tpu.memref_squeeze %dma_wait3A_188 : memref<1x128xi32, #tpu.memory_space<vmem>> -> memref<128xi32, #tpu.memory_space<vmem>>
        %dma_wait3A_190 = arith.constant 0 : i32
        %dma_wait3A_191 = arith.constant 0 : i32
        %dma_wait3A_192 = tpu.memref_slice %arg18[%dma_wait3A_190, %dma_wait3A_191] : memref<10000x32xf32, #tpu.memory_space<vmem_shared>> -> memref<10000x32xf32, #tpu.memory_space<vmem_shared>>
        tpu.wait_indirect_dma semaphore(%run_scoped3A_180 : memref<!tpu.dma_semaphore, #tpu.memory_space<semaphore_mem>>) src(%arg16 : memref<128x32xf32, #tpu.memory_space<vmem>>) dst(%dma_wait3A_192 : memref<10000x32xf32, #tpu.memory_space<vmem_shared>>)
        tpu.yield
      }) : () -> ()
    } else {
    }
    %gt3A_134 = arith.constant 72 : i32
    %gt3A_135 = arith.cmpi sgt, %select_n3A, %gt3A_134 : i32
    %convert_element_type3A_136 = arith.extui %gt3A_135 : i1 to i32
    %cond3A_137 = arith.constant 0 : i32
    %cond3A_138 = arith.cmpi ne, %convert_element_type3A_136, %cond3A_137 : i32
    scf.if %cond3A_138 {
      %dma_wait3A = arith.constant 9216 : i32
      %dma_wait3A_176 = tpu.memref_slice %arg7[%dma_wait3A] : memref<10112xi32, #tpu.memory_space<vmem>> -> memref<128xi32, #tpu.memory_space<vmem>>
      %dma_wait3A_177 = arith.constant 0 : i32
      %dma_wait3A_178 = arith.constant 0 : i32
      %dma_wait3A_179 = tpu.memref_slice %arg17[%dma_wait3A_177, %dma_wait3A_178] : memref<10000x32xf32, #tpu.memory_space<vmem_shared>> -> memref<10000x32xf32, #tpu.memory_space<vmem_shared>>
      tpu.wait_indirect_dma semaphore(%arg19 : memref<!tpu.dma_semaphore, #tpu.memory_space<semaphore_mem>>) src(%dma_wait3A_179 : memref<10000x32xf32, #tpu.memory_space<vmem_shared>>) dst(%arg9 : memref<128x32xf32, #tpu.memory_space<vmem>>)
      %run_scoped3A = arith.constant 72 : i32
      "tpu.region"() ({
        %run_scoped3A_180 = tpu.sem_alloc : memref<!tpu.dma_semaphore, #tpu.memory_space<semaphore_mem>>
        %dma_start3A_181 = arith.constant 0 : i32
        %dma_start3A_182 = tpu.memref_slice %arg8[%run_scoped3A, %dma_start3A_181] : memref<79x128xi32, #tpu.memory_space<vmem>> -> memref<1x128xi32, #tpu.memory_space<vmem>>
        %dma_start3A_183 = tpu.memref_squeeze %dma_start3A_182 : memref<1x128xi32, #tpu.memory_space<vmem>> -> memref<128xi32, #tpu.memory_space<vmem>>
        %dma_start3A_184 = arith.constant 0 : i32
        %dma_start3A_185 = arith.constant 0 : i32
        %dma_start3A_186 = tpu.memref_slice %arg18[%dma_start3A_184, %dma_start3A_185] : memref<10000x32xf32, #tpu.memory_space<vmem_shared>> -> memref<10000x32xf32, #tpu.memory_space<vmem_shared>>
        tpu.enqueue_indirect_dma source(%arg9 : memref<128x32xf32, #tpu.memory_space<vmem>>) target(%dma_start3A_186 : memref<10000x32xf32, #tpu.memory_space<vmem_shared>>) offsets(%dma_start3A_183 : memref<128xi32, #tpu.memory_space<vmem>>) semaphore(%run_scoped3A_180 : memref<!tpu.dma_semaphore, #tpu.memory_space<semaphore_mem>>) {add = true}
        %dma_wait3A_187 = arith.constant 0 : i32
        %dma_wait3A_188 = tpu.memref_slice %arg8[%run_scoped3A, %dma_wait3A_187] : memref<79x128xi32, #tpu.memory_space<vmem>> -> memref<1x128xi32, #tpu.memory_space<vmem>>
        %dma_wait3A_189 = tpu.memref_squeeze %dma_wait3A_188 : memref<1x128xi32, #tpu.memory_space<vmem>> -> memref<128xi32, #tpu.memory_space<vmem>>
        %dma_wait3A_190 = arith.constant 0 : i32
        %dma_wait3A_191 = arith.constant 0 : i32
        %dma_wait3A_192 = tpu.memref_slice %arg18[%dma_wait3A_190, %dma_wait3A_191] : memref<10000x32xf32, #tpu.memory_space<vmem_shared>> -> memref<10000x32xf32, #tpu.memory_space<vmem_shared>>
        tpu.wait_indirect_dma semaphore(%run_scoped3A_180 : memref<!tpu.dma_semaphore, #tpu.memory_space<semaphore_mem>>) src(%arg9 : memref<128x32xf32, #tpu.memory_space<vmem>>) dst(%dma_wait3A_192 : memref<10000x32xf32, #tpu.memory_space<vmem_shared>>)
        tpu.yield
      }) : () -> ()
    } else {
    }
    %gt3A_139 = arith.constant 73 : i32
    %gt3A_140 = arith.cmpi sgt, %select_n3A, %gt3A_139 : i32
    %convert_element_type3A_141 = arith.extui %gt3A_140 : i1 to i32
    %cond3A_142 = arith.constant 0 : i32
    %cond3A_143 = arith.cmpi ne, %convert_element_type3A_141, %cond3A_142 : i32
    scf.if %cond3A_143 {
      %dma_wait3A = arith.constant 9344 : i32
      %dma_wait3A_176 = tpu.memref_slice %arg7[%dma_wait3A] : memref<10112xi32, #tpu.memory_space<vmem>> -> memref<128xi32, #tpu.memory_space<vmem>>
      %dma_wait3A_177 = arith.constant 0 : i32
      %dma_wait3A_178 = arith.constant 0 : i32
      %dma_wait3A_179 = tpu.memref_slice %arg17[%dma_wait3A_177, %dma_wait3A_178] : memref<10000x32xf32, #tpu.memory_space<vmem_shared>> -> memref<10000x32xf32, #tpu.memory_space<vmem_shared>>
      tpu.wait_indirect_dma semaphore(%arg20 : memref<!tpu.dma_semaphore, #tpu.memory_space<semaphore_mem>>) src(%dma_wait3A_179 : memref<10000x32xf32, #tpu.memory_space<vmem_shared>>) dst(%arg10 : memref<128x32xf32, #tpu.memory_space<vmem>>)
      %run_scoped3A = arith.constant 73 : i32
      "tpu.region"() ({
        %run_scoped3A_180 = tpu.sem_alloc : memref<!tpu.dma_semaphore, #tpu.memory_space<semaphore_mem>>
        %dma_start3A_181 = arith.constant 0 : i32
        %dma_start3A_182 = tpu.memref_slice %arg8[%run_scoped3A, %dma_start3A_181] : memref<79x128xi32, #tpu.memory_space<vmem>> -> memref<1x128xi32, #tpu.memory_space<vmem>>
        %dma_start3A_183 = tpu.memref_squeeze %dma_start3A_182 : memref<1x128xi32, #tpu.memory_space<vmem>> -> memref<128xi32, #tpu.memory_space<vmem>>
        %dma_start3A_184 = arith.constant 0 : i32
        %dma_start3A_185 = arith.constant 0 : i32
        %dma_start3A_186 = tpu.memref_slice %arg18[%dma_start3A_184, %dma_start3A_185] : memref<10000x32xf32, #tpu.memory_space<vmem_shared>> -> memref<10000x32xf32, #tpu.memory_space<vmem_shared>>
        tpu.enqueue_indirect_dma source(%arg10 : memref<128x32xf32, #tpu.memory_space<vmem>>) target(%dma_start3A_186 : memref<10000x32xf32, #tpu.memory_space<vmem_shared>>) offsets(%dma_start3A_183 : memref<128xi32, #tpu.memory_space<vmem>>) semaphore(%run_scoped3A_180 : memref<!tpu.dma_semaphore, #tpu.memory_space<semaphore_mem>>) {add = true}
        %dma_wait3A_187 = arith.constant 0 : i32
        %dma_wait3A_188 = tpu.memref_slice %arg8[%run_scoped3A, %dma_wait3A_187] : memref<79x128xi32, #tpu.memory_space<vmem>> -> memref<1x128xi32, #tpu.memory_space<vmem>>
        %dma_wait3A_189 = tpu.memref_squeeze %dma_wait3A_188 : memref<1x128xi32, #tpu.memory_space<vmem>> -> memref<128xi32, #tpu.memory_space<vmem>>
        %dma_wait3A_190 = arith.constant 0 : i32
        %dma_wait3A_191 = arith.constant 0 : i32
        %dma_wait3A_192 = tpu.memref_slice %arg18[%dma_wait3A_190, %dma_wait3A_191] : memref<10000x32xf32, #tpu.memory_space<vmem_shared>> -> memref<10000x32xf32, #tpu.memory_space<vmem_shared>>
        tpu.wait_indirect_dma semaphore(%run_scoped3A_180 : memref<!tpu.dma_semaphore, #tpu.memory_space<semaphore_mem>>) src(%arg10 : memref<128x32xf32, #tpu.memory_space<vmem>>) dst(%dma_wait3A_192 : memref<10000x32xf32, #tpu.memory_space<vmem_shared>>)
        tpu.yield
      }) : () -> ()
    } else {
    }
    %gt3A_144 = arith.constant 74 : i32
    %gt3A_145 = arith.cmpi sgt, %select_n3A, %gt3A_144 : i32
    %convert_element_type3A_146 = arith.extui %gt3A_145 : i1 to i32
    %cond3A_147 = arith.constant 0 : i32
    %cond3A_148 = arith.cmpi ne, %convert_element_type3A_146, %cond3A_147 : i32
    scf.if %cond3A_148 {
      %dma_wait3A = arith.constant 9472 : i32
      %dma_wait3A_176 = tpu.memref_slice %arg7[%dma_wait3A] : memref<10112xi32, #tpu.memory_space<vmem>> -> memref<128xi32, #tpu.memory_space<vmem>>
      %dma_wait3A_177 = arith.constant 0 : i32
      %dma_wait3A_178 = arith.constant 0 : i32
      %dma_wait3A_179 = tpu.memref_slice %arg17[%dma_wait3A_177, %dma_wait3A_178] : memref<10000x32xf32, #tpu.memory_space<vmem_shared>> -> memref<10000x32xf32, #tpu.memory_space<vmem_shared>>
      tpu.wait_indirect_dma semaphore(%arg21 : memref<!tpu.dma_semaphore, #tpu.memory_space<semaphore_mem>>) src(%dma_wait3A_179 : memref<10000x32xf32, #tpu.memory_space<vmem_shared>>) dst(%arg11 : memref<128x32xf32, #tpu.memory_space<vmem>>)
      %run_scoped3A = arith.constant 74 : i32
      "tpu.region"() ({
        %run_scoped3A_180 = tpu.sem_alloc : memref<!tpu.dma_semaphore, #tpu.memory_space<semaphore_mem>>
        %dma_start3A_181 = arith.constant 0 : i32
        %dma_start3A_182 = tpu.memref_slice %arg8[%run_scoped3A, %dma_start3A_181] : memref<79x128xi32, #tpu.memory_space<vmem>> -> memref<1x128xi32, #tpu.memory_space<vmem>>
        %dma_start3A_183 = tpu.memref_squeeze %dma_start3A_182 : memref<1x128xi32, #tpu.memory_space<vmem>> -> memref<128xi32, #tpu.memory_space<vmem>>
        %dma_start3A_184 = arith.constant 0 : i32
        %dma_start3A_185 = arith.constant 0 : i32
        %dma_start3A_186 = tpu.memref_slice %arg18[%dma_start3A_184, %dma_start3A_185] : memref<10000x32xf32, #tpu.memory_space<vmem_shared>> -> memref<10000x32xf32, #tpu.memory_space<vmem_shared>>
        tpu.enqueue_indirect_dma source(%arg11 : memref<128x32xf32, #tpu.memory_space<vmem>>) target(%dma_start3A_186 : memref<10000x32xf32, #tpu.memory_space<vmem_shared>>) offsets(%dma_start3A_183 : memref<128xi32, #tpu.memory_space<vmem>>) semaphore(%run_scoped3A_180 : memref<!tpu.dma_semaphore, #tpu.memory_space<semaphore_mem>>) {add = true}
        %dma_wait3A_187 = arith.constant 0 : i32
        %dma_wait3A_188 = tpu.memref_slice %arg8[%run_scoped3A, %dma_wait3A_187] : memref<79x128xi32, #tpu.memory_space<vmem>> -> memref<1x128xi32, #tpu.memory_space<vmem>>
        %dma_wait3A_189 = tpu.memref_squeeze %dma_wait3A_188 : memref<1x128xi32, #tpu.memory_space<vmem>> -> memref<128xi32, #tpu.memory_space<vmem>>
        %dma_wait3A_190 = arith.constant 0 : i32
        %dma_wait3A_191 = arith.constant 0 : i32
        %dma_wait3A_192 = tpu.memref_slice %arg18[%dma_wait3A_190, %dma_wait3A_191] : memref<10000x32xf32, #tpu.memory_space<vmem_shared>> -> memref<10000x32xf32, #tpu.memory_space<vmem_shared>>
        tpu.wait_indirect_dma semaphore(%run_scoped3A_180 : memref<!tpu.dma_semaphore, #tpu.memory_space<semaphore_mem>>) src(%arg11 : memref<128x32xf32, #tpu.memory_space<vmem>>) dst(%dma_wait3A_192 : memref<10000x32xf32, #tpu.memory_space<vmem_shared>>)
        tpu.yield
      }) : () -> ()
    } else {
    }
    %gt3A_149 = arith.constant 75 : i32
    %gt3A_150 = arith.cmpi sgt, %select_n3A, %gt3A_149 : i32
    %convert_element_type3A_151 = arith.extui %gt3A_150 : i1 to i32
    %cond3A_152 = arith.constant 0 : i32
    %cond3A_153 = arith.cmpi ne, %convert_element_type3A_151, %cond3A_152 : i32
    scf.if %cond3A_153 {
      %dma_wait3A = arith.constant 9600 : i32
      %dma_wait3A_176 = tpu.memref_slice %arg7[%dma_wait3A] : memref<10112xi32, #tpu.memory_space<vmem>> -> memref<128xi32, #tpu.memory_space<vmem>>
      %dma_wait3A_177 = arith.constant 0 : i32
      %dma_wait3A_178 = arith.constant 0 : i32
      %dma_wait3A_179 = tpu.memref_slice %arg17[%dma_wait3A_177, %dma_wait3A_178] : memref<10000x32xf32, #tpu.memory_space<vmem_shared>> -> memref<10000x32xf32, #tpu.memory_space<vmem_shared>>
      tpu.wait_indirect_dma semaphore(%arg22 : memref<!tpu.dma_semaphore, #tpu.memory_space<semaphore_mem>>) src(%dma_wait3A_179 : memref<10000x32xf32, #tpu.memory_space<vmem_shared>>) dst(%arg12 : memref<128x32xf32, #tpu.memory_space<vmem>>)
      %run_scoped3A = arith.constant 75 : i32
      "tpu.region"() ({
        %run_scoped3A_180 = tpu.sem_alloc : memref<!tpu.dma_semaphore, #tpu.memory_space<semaphore_mem>>
        %dma_start3A_181 = arith.constant 0 : i32
        %dma_start3A_182 = tpu.memref_slice %arg8[%run_scoped3A, %dma_start3A_181] : memref<79x128xi32, #tpu.memory_space<vmem>> -> memref<1x128xi32, #tpu.memory_space<vmem>>
        %dma_start3A_183 = tpu.memref_squeeze %dma_start3A_182 : memref<1x128xi32, #tpu.memory_space<vmem>> -> memref<128xi32, #tpu.memory_space<vmem>>
        %dma_start3A_184 = arith.constant 0 : i32
        %dma_start3A_185 = arith.constant 0 : i32
        %dma_start3A_186 = tpu.memref_slice %arg18[%dma_start3A_184, %dma_start3A_185] : memref<10000x32xf32, #tpu.memory_space<vmem_shared>> -> memref<10000x32xf32, #tpu.memory_space<vmem_shared>>
        tpu.enqueue_indirect_dma source(%arg12 : memref<128x32xf32, #tpu.memory_space<vmem>>) target(%dma_start3A_186 : memref<10000x32xf32, #tpu.memory_space<vmem_shared>>) offsets(%dma_start3A_183 : memref<128xi32, #tpu.memory_space<vmem>>) semaphore(%run_scoped3A_180 : memref<!tpu.dma_semaphore, #tpu.memory_space<semaphore_mem>>) {add = true}
        %dma_wait3A_187 = arith.constant 0 : i32
        %dma_wait3A_188 = tpu.memref_slice %arg8[%run_scoped3A, %dma_wait3A_187] : memref<79x128xi32, #tpu.memory_space<vmem>> -> memref<1x128xi32, #tpu.memory_space<vmem>>
        %dma_wait3A_189 = tpu.memref_squeeze %dma_wait3A_188 : memref<1x128xi32, #tpu.memory_space<vmem>> -> memref<128xi32, #tpu.memory_space<vmem>>
        %dma_wait3A_190 = arith.constant 0 : i32
        %dma_wait3A_191 = arith.constant 0 : i32
        %dma_wait3A_192 = tpu.memref_slice %arg18[%dma_wait3A_190, %dma_wait3A_191] : memref<10000x32xf32, #tpu.memory_space<vmem_shared>> -> memref<10000x32xf32, #tpu.memory_space<vmem_shared>>
        tpu.wait_indirect_dma semaphore(%run_scoped3A_180 : memref<!tpu.dma_semaphore, #tpu.memory_space<semaphore_mem>>) src(%arg12 : memref<128x32xf32, #tpu.memory_space<vmem>>) dst(%dma_wait3A_192 : memref<10000x32xf32, #tpu.memory_space<vmem_shared>>)
        tpu.yield
      }) : () -> ()
    } else {
    }
    %gt3A_154 = arith.constant 76 : i32
    %gt3A_155 = arith.cmpi sgt, %select_n3A, %gt3A_154 : i32
    %convert_element_type3A_156 = arith.extui %gt3A_155 : i1 to i32
    %cond3A_157 = arith.constant 0 : i32
    %cond3A_158 = arith.cmpi ne, %convert_element_type3A_156, %cond3A_157 : i32
    scf.if %cond3A_158 {
      %dma_wait3A = arith.constant 9728 : i32
      %dma_wait3A_176 = tpu.memref_slice %arg7[%dma_wait3A] : memref<10112xi32, #tpu.memory_space<vmem>> -> memref<128xi32, #tpu.memory_space<vmem>>
      %dma_wait3A_177 = arith.constant 0 : i32
      %dma_wait3A_178 = arith.constant 0 : i32
      %dma_wait3A_179 = tpu.memref_slice %arg17[%dma_wait3A_177, %dma_wait3A_178] : memref<10000x32xf32, #tpu.memory_space<vmem_shared>> -> memref<10000x32xf32, #tpu.memory_space<vmem_shared>>
      tpu.wait_indirect_dma semaphore(%arg23 : memref<!tpu.dma_semaphore, #tpu.memory_space<semaphore_mem>>) src(%dma_wait3A_179 : memref<10000x32xf32, #tpu.memory_space<vmem_shared>>) dst(%arg13 : memref<128x32xf32, #tpu.memory_space<vmem>>)
      %run_scoped3A = arith.constant 76 : i32
      "tpu.region"() ({
        %run_scoped3A_180 = tpu.sem_alloc : memref<!tpu.dma_semaphore, #tpu.memory_space<semaphore_mem>>
        %dma_start3A_181 = arith.constant 0 : i32
        %dma_start3A_182 = tpu.memref_slice %arg8[%run_scoped3A, %dma_start3A_181] : memref<79x128xi32, #tpu.memory_space<vmem>> -> memref<1x128xi32, #tpu.memory_space<vmem>>
        %dma_start3A_183 = tpu.memref_squeeze %dma_start3A_182 : memref<1x128xi32, #tpu.memory_space<vmem>> -> memref<128xi32, #tpu.memory_space<vmem>>
        %dma_start3A_184 = arith.constant 0 : i32
        %dma_start3A_185 = arith.constant 0 : i32
        %dma_start3A_186 = tpu.memref_slice %arg18[%dma_start3A_184, %dma_start3A_185] : memref<10000x32xf32, #tpu.memory_space<vmem_shared>> -> memref<10000x32xf32, #tpu.memory_space<vmem_shared>>
        tpu.enqueue_indirect_dma source(%arg13 : memref<128x32xf32, #tpu.memory_space<vmem>>) target(%dma_start3A_186 : memref<10000x32xf32, #tpu.memory_space<vmem_shared>>) offsets(%dma_start3A_183 : memref<128xi32, #tpu.memory_space<vmem>>) semaphore(%run_scoped3A_180 : memref<!tpu.dma_semaphore, #tpu.memory_space<semaphore_mem>>) {add = true}
        %dma_wait3A_187 = arith.constant 0 : i32
        %dma_wait3A_188 = tpu.memref_slice %arg8[%run_scoped3A, %dma_wait3A_187] : memref<79x128xi32, #tpu.memory_space<vmem>> -> memref<1x128xi32, #tpu.memory_space<vmem>>
        %dma_wait3A_189 = tpu.memref_squeeze %dma_wait3A_188 : memref<1x128xi32, #tpu.memory_space<vmem>> -> memref<128xi32, #tpu.memory_space<vmem>>
        %dma_wait3A_190 = arith.constant 0 : i32
        %dma_wait3A_191 = arith.constant 0 : i32
        %dma_wait3A_192 = tpu.memref_slice %arg18[%dma_wait3A_190, %dma_wait3A_191] : memref<10000x32xf32, #tpu.memory_space<vmem_shared>> -> memref<10000x32xf32, #tpu.memory_space<vmem_shared>>
        tpu.wait_indirect_dma semaphore(%run_scoped3A_180 : memref<!tpu.dma_semaphore, #tpu.memory_space<semaphore_mem>>) src(%arg13 : memref<128x32xf32, #tpu.memory_space<vmem>>) dst(%dma_wait3A_192 : memref<10000x32xf32, #tpu.memory_space<vmem_shared>>)
        tpu.yield
      }) : () -> ()
    } else {
    }
    %gt3A_159 = arith.constant 77 : i32
    %gt3A_160 = arith.cmpi sgt, %select_n3A, %gt3A_159 : i32
    %convert_element_type3A_161 = arith.extui %gt3A_160 : i1 to i32
    %cond3A_162 = arith.constant 0 : i32
    %cond3A_163 = arith.cmpi ne, %convert_element_type3A_161, %cond3A_162 : i32
    scf.if %cond3A_163 {
      %dma_wait3A = arith.constant 9856 : i32
      %dma_wait3A_176 = tpu.memref_slice %arg7[%dma_wait3A] : memref<10112xi32, #tpu.memory_space<vmem>> -> memref<128xi32, #tpu.memory_space<vmem>>
      %dma_wait3A_177 = arith.constant 0 : i32
      %dma_wait3A_178 = arith.constant 0 : i32
      %dma_wait3A_179 = tpu.memref_slice %arg17[%dma_wait3A_177, %dma_wait3A_178] : memref<10000x32xf32, #tpu.memory_space<vmem_shared>> -> memref<10000x32xf32, #tpu.memory_space<vmem_shared>>
      tpu.wait_indirect_dma semaphore(%arg24 : memref<!tpu.dma_semaphore, #tpu.memory_space<semaphore_mem>>) src(%dma_wait3A_179 : memref<10000x32xf32, #tpu.memory_space<vmem_shared>>) dst(%arg14 : memref<128x32xf32, #tpu.memory_space<vmem>>)
      %run_scoped3A = arith.constant 77 : i32
      "tpu.region"() ({
        %run_scoped3A_180 = tpu.sem_alloc : memref<!tpu.dma_semaphore, #tpu.memory_space<semaphore_mem>>
        %dma_start3A_181 = arith.constant 0 : i32
        %dma_start3A_182 = tpu.memref_slice %arg8[%run_scoped3A, %dma_start3A_181] : memref<79x128xi32, #tpu.memory_space<vmem>> -> memref<1x128xi32, #tpu.memory_space<vmem>>
        %dma_start3A_183 = tpu.memref_squeeze %dma_start3A_182 : memref<1x128xi32, #tpu.memory_space<vmem>> -> memref<128xi32, #tpu.memory_space<vmem>>
        %dma_start3A_184 = arith.constant 0 : i32
        %dma_start3A_185 = arith.constant 0 : i32
        %dma_start3A_186 = tpu.memref_slice %arg18[%dma_start3A_184, %dma_start3A_185] : memref<10000x32xf32, #tpu.memory_space<vmem_shared>> -> memref<10000x32xf32, #tpu.memory_space<vmem_shared>>
        tpu.enqueue_indirect_dma source(%arg14 : memref<128x32xf32, #tpu.memory_space<vmem>>) target(%dma_start3A_186 : memref<10000x32xf32, #tpu.memory_space<vmem_shared>>) offsets(%dma_start3A_183 : memref<128xi32, #tpu.memory_space<vmem>>) semaphore(%run_scoped3A_180 : memref<!tpu.dma_semaphore, #tpu.memory_space<semaphore_mem>>) {add = true}
        %dma_wait3A_187 = arith.constant 0 : i32
        %dma_wait3A_188 = tpu.memref_slice %arg8[%run_scoped3A, %dma_wait3A_187] : memref<79x128xi32, #tpu.memory_space<vmem>> -> memref<1x128xi32, #tpu.memory_space<vmem>>
        %dma_wait3A_189 = tpu.memref_squeeze %dma_wait3A_188 : memref<1x128xi32, #tpu.memory_space<vmem>> -> memref<128xi32, #tpu.memory_space<vmem>>
        %dma_wait3A_190 = arith.constant 0 : i32
        %dma_wait3A_191 = arith.constant 0 : i32
        %dma_wait3A_192 = tpu.memref_slice %arg18[%dma_wait3A_190, %dma_wait3A_191] : memref<10000x32xf32, #tpu.memory_space<vmem_shared>> -> memref<10000x32xf32, #tpu.memory_space<vmem_shared>>
        tpu.wait_indirect_dma semaphore(%run_scoped3A_180 : memref<!tpu.dma_semaphore, #tpu.memory_space<semaphore_mem>>) src(%arg14 : memref<128x32xf32, #tpu.memory_space<vmem>>) dst(%dma_wait3A_192 : memref<10000x32xf32, #tpu.memory_space<vmem_shared>>)
        tpu.yield
      }) : () -> ()
    } else {
    }
    %gt3A_164 = arith.constant 78 : i32
    %gt3A_165 = arith.cmpi sgt, %select_n3A, %gt3A_164 : i32
    %convert_element_type3A_166 = arith.extui %gt3A_165 : i1 to i32
    %cond3A_167 = arith.constant 0 : i32
    %cond3A_168 = arith.cmpi ne, %convert_element_type3A_166, %cond3A_167 : i32
    scf.if %cond3A_168 {
      %dma_wait3A = arith.constant 9984 : i32
      %dma_wait3A_176 = tpu.memref_slice %arg7[%dma_wait3A] : memref<10112xi32, #tpu.memory_space<vmem>> -> memref<128xi32, #tpu.memory_space<vmem>>
      %dma_wait3A_177 = arith.constant 0 : i32
      %dma_wait3A_178 = arith.constant 0 : i32
      %dma_wait3A_179 = tpu.memref_slice %arg17[%dma_wait3A_177, %dma_wait3A_178] : memref<10000x32xf32, #tpu.memory_space<vmem_shared>> -> memref<10000x32xf32, #tpu.memory_space<vmem_shared>>
      tpu.wait_indirect_dma semaphore(%arg25 : memref<!tpu.dma_semaphore, #tpu.memory_space<semaphore_mem>>) src(%dma_wait3A_179 : memref<10000x32xf32, #tpu.memory_space<vmem_shared>>) dst(%arg15 : memref<128x32xf32, #tpu.memory_space<vmem>>)
      %run_scoped3A = arith.constant 78 : i32
      "tpu.region"() ({
        %run_scoped3A_180 = tpu.sem_alloc : memref<!tpu.dma_semaphore, #tpu.memory_space<semaphore_mem>>
        %dma_start3A_181 = arith.constant 0 : i32
        %dma_start3A_182 = tpu.memref_slice %arg8[%run_scoped3A, %dma_start3A_181] : memref<79x128xi32, #tpu.memory_space<vmem>> -> memref<1x128xi32, #tpu.memory_space<vmem>>
        %dma_start3A_183 = tpu.memref_squeeze %dma_start3A_182 : memref<1x128xi32, #tpu.memory_space<vmem>> -> memref<128xi32, #tpu.memory_space<vmem>>
        %dma_start3A_184 = arith.constant 0 : i32
        %dma_start3A_185 = arith.constant 0 : i32
        %dma_start3A_186 = tpu.memref_slice %arg18[%dma_start3A_184, %dma_start3A_185] : memref<10000x32xf32, #tpu.memory_space<vmem_shared>> -> memref<10000x32xf32, #tpu.memory_space<vmem_shared>>
        tpu.enqueue_indirect_dma source(%arg15 : memref<128x32xf32, #tpu.memory_space<vmem>>) target(%dma_start3A_186 : memref<10000x32xf32, #tpu.memory_space<vmem_shared>>) offsets(%dma_start3A_183 : memref<128xi32, #tpu.memory_space<vmem>>) semaphore(%run_scoped3A_180 : memref<!tpu.dma_semaphore, #tpu.memory_space<semaphore_mem>>) {add = true}
        %dma_wait3A_187 = arith.constant 0 : i32
        %dma_wait3A_188 = tpu.memref_slice %arg8[%run_scoped3A, %dma_wait3A_187] : memref<79x128xi32, #tpu.memory_space<vmem>> -> memref<1x128xi32, #tpu.memory_space<vmem>>
        %dma_wait3A_189 = tpu.memref_squeeze %dma_wait3A_188 : memref<1x128xi32, #tpu.memory_space<vmem>> -> memref<128xi32, #tpu.memory_space<vmem>>
        %dma_wait3A_190 = arith.constant 0 : i32
        %dma_wait3A_191 = arith.constant 0 : i32
        %dma_wait3A_192 = tpu.memref_slice %arg18[%dma_wait3A_190, %dma_wait3A_191] : memref<10000x32xf32, #tpu.memory_space<vmem_shared>> -> memref<10000x32xf32, #tpu.memory_space<vmem_shared>>
        tpu.wait_indirect_dma semaphore(%run_scoped3A_180 : memref<!tpu.dma_semaphore, #tpu.memory_space<semaphore_mem>>) src(%arg15 : memref<128x32xf32, #tpu.memory_space<vmem>>) dst(%dma_wait3A_192 : memref<10000x32xf32, #tpu.memory_space<vmem_shared>>)
        tpu.yield
      }) : () -> ()
    } else {
    }
    %barrier3A_169 = arith.constant 0 : index
    tpu.barrier barrier_id(%barrier3A_169)
    %mul3A_170 = arith.constant 625 : i32
    %mul3A_171 = arith.muli %arg1, %mul3A_170 : i32
    %mul3A_172 = arith.constant 625 : i32
    %mul3A_173 = arith.muli %arg1, %mul3A_172 : i32
    %mul3A_174 = arith.constant 32 : i32
    %mul3A_175 = arith.muli %arg0, %mul3A_174 : i32
    "tpu.region"() ({
      %run_scoped3A = tpu.sem_alloc : memref<!tpu.dma_semaphore, #tpu.memory_space<semaphore_mem>>
      %dma_start3A_176 = tpu.memref_slice %arg6[%mul3A_173, %mul3A_175] : memref<10000x128xf32, #tpu.memory_space<hbm>> -> memref<625x32xf32, #tpu.memory_space<hbm>>
      %dma_start3A_177 = arith.constant 0 : i32
      %dma_start3A_178 = tpu.memref_slice %arg18[%mul3A_171, %dma_start3A_177] : memref<10000x32xf32, #tpu.memory_space<vmem_shared>> -> memref<625x32xf32, #tpu.memory_space<vmem_shared>>
      tpu.enqueue_dma source(%dma_start3A_178 : memref<625x32xf32, #tpu.memory_space<vmem_shared>>) target(%dma_start3A_176 : memref<625x32xf32, #tpu.memory_space<hbm>>) target_semaphore(%run_scoped3A : memref<!tpu.dma_semaphore, #tpu.memory_space<semaphore_mem>>)
      %dma_wait3A = tpu.memref_slice %arg6[%mul3A_173, %mul3A_175] : memref<10000x128xf32, #tpu.memory_space<hbm>> -> memref<625x32xf32, #tpu.memory_space<hbm>>
      %dma_wait3A_179 = arith.constant 0 : i32
      %dma_wait3A_180 = tpu.memref_slice %arg18[%mul3A_171, %dma_wait3A_179] : memref<10000x32xf32, #tpu.memory_space<vmem_shared>> -> memref<625x32xf32, #tpu.memory_space<vmem_shared>>
      tpu.wait_dma2 semaphore(%run_scoped3A : memref<!tpu.dma_semaphore, #tpu.memory_space<semaphore_mem>>) src(%dma_wait3A_180 : memref<625x32xf32, #tpu.memory_space<vmem_shared>>) dst(%dma_wait3A : memref<625x32xf32, #tpu.memory_space<hbm>>)
      tpu.yield
    }) : () -> ()
    return
  }
}

#map = affine_map<(d0, d1) -> (0, 0)>
module attributes {stable_mosaic.version = 14 : i64} {
  func.func @_deg_sc(%arg0: i32, %arg1: i32, %arg2: memref<2500x128xi32, #tpu.memory_space<hbm>>, %arg3: memref<128x128xf32, #tpu.memory_space<hbm>>, %arg4: memref<10000x128xf32, #tpu.memory_space<hbm>>, %arg5: memref<10000x128xf32, #tpu.memory_space<hbm>>, %arg6: memref<79x128xi32, #tpu.memory_space<vmem>>, %arg7: memref<128x8xf32, #tpu.memory_space<vmem>>, %arg8: memref<10000x8xf32, #tpu.memory_space<vmem_shared>>) attributes {dimension_semantics = [#tpu.dimension_semantics<core_parallel>, #tpu.dimension_semantics<subcore_parallel>], iteration_bounds = array<i64: 2, 16>, scalar_prefetch = 0 : i64, scratch_operands = 3 : i64, tpu.core_type = #tpu.core_type<sc_vector_subcore>, window_params = [{transform_indices = #map}, {transform_indices = #map}, {transform_indices = #map}, {transform_indices = #map}]} {
    %mul3A = arith.constant 2 : i32
    %mul3A_0 = arith.muli %arg1, %mul3A : i32
    %add3A = arith.addi %mul3A_0, %arg0 : i32
    %mul3A_1 = arith.constant 78 : i32
    %mul3A_2 = arith.muli %add3A, %mul3A_1 : i32
    %sub3A = arith.constant 28 : i32
    %sub3A_3 = arith.subi %add3A, %sub3A : i32
    %max3A = arith.constant 0 : i32
    %max3A_4 = arith.maxsi %sub3A_3, %max3A : i32
    %add3A_5 = arith.addi %mul3A_2, %max3A_4 : i32
    %ge3A = arith.constant 28 : i32
    %ge3A_6 = arith.cmpi sge, %add3A, %ge3A : i32
    %jit3A = arith.constant 79 : i32
    %jit3A_7 = arith.constant 78 : i32
    %select_n3A = arith.select %ge3A_6, %jit3A, %jit3A_7 : i32
    %mul3A_8 = arith.constant 625 : i32
    %mul3A_9 = arith.muli %arg1, %mul3A_8 : i32
    %mul3A_10 = arith.constant 625 : i32
    %mul3A_11 = arith.muli %arg1, %mul3A_10 : i32
    "tpu.region"() ({
      %run_scoped3A = tpu.sem_alloc : memref<!tpu.dma_semaphore, #tpu.memory_space<semaphore_mem>>
      %dma_start3A = arith.constant 0 : i32
      %dma_start3A_56 = tpu.memref_slice %arg8[%mul3A_11, %dma_start3A] : memref<10000x8xf32, #tpu.memory_space<vmem_shared>> -> memref<625x8xf32, #tpu.memory_space<vmem_shared>>
      %dma_start3A_57 = arith.constant 0 : i32
      %dma_start3A_58 = tpu.memref_slice %arg4[%mul3A_9, %dma_start3A_57] : memref<10000x128xf32, #tpu.memory_space<hbm>> -> memref<625x8xf32, #tpu.memory_space<hbm>>
      tpu.enqueue_dma source(%dma_start3A_58 : memref<625x8xf32, #tpu.memory_space<hbm>>) target(%dma_start3A_56 : memref<625x8xf32, #tpu.memory_space<vmem_shared>>) target_semaphore(%run_scoped3A : memref<!tpu.dma_semaphore, #tpu.memory_space<semaphore_mem>>)
      %dma_wait3A = arith.constant 0 : i32
      %dma_wait3A_59 = tpu.memref_slice %arg8[%mul3A_11, %dma_wait3A] : memref<10000x8xf32, #tpu.memory_space<vmem_shared>> -> memref<625x8xf32, #tpu.memory_space<vmem_shared>>
      %dma_wait3A_60 = arith.constant 0 : i32
      %dma_wait3A_61 = tpu.memref_slice %arg4[%mul3A_9, %dma_wait3A_60] : memref<10000x128xf32, #tpu.memory_space<hbm>> -> memref<625x8xf32, #tpu.memory_space<hbm>>
      tpu.wait_dma2 semaphore(%run_scoped3A : memref<!tpu.dma_semaphore, #tpu.memory_space<semaphore_mem>>) src(%dma_wait3A_61 : memref<625x8xf32, #tpu.memory_space<hbm>>) dst(%dma_wait3A_59 : memref<625x8xf32, #tpu.memory_space<vmem_shared>>)
      tpu.yield
    }) : () -> ()
    "tpu.region"() ({
      %run_scoped3A = tpu.sem_alloc : memref<!tpu.dma_semaphore, #tpu.memory_space<semaphore_mem>>
      %dma_start3A = arith.constant 0 : i32
      %dma_start3A_56 = arith.constant 0 : i32
      %dma_start3A_57 = tpu.memref_slice %arg3[%dma_start3A, %dma_start3A_56] : memref<128x128xf32, #tpu.memory_space<hbm>> -> memref<128x8xf32, #tpu.memory_space<hbm>>
      %dma_start3A_58 = arith.constant 0 : i32
      %dma_start3A_59 = arith.constant 0 : i32
      %dma_start3A_60 = tpu.memref_slice %arg3[%dma_start3A_58, %dma_start3A_59] : memref<128x128xf32, #tpu.memory_space<hbm>> -> memref<128x8xf32, #tpu.memory_space<hbm>>
      tpu.enqueue_dma source(%dma_start3A_60 : memref<128x8xf32, #tpu.memory_space<hbm>>) target(%arg7 : memref<128x8xf32, #tpu.memory_space<vmem>>) target_semaphore(%run_scoped3A : memref<!tpu.dma_semaphore, #tpu.memory_space<semaphore_mem>>)
      %dma_wait3A = arith.constant 0 : i32
      %dma_wait3A_61 = arith.constant 0 : i32
      %dma_wait3A_62 = tpu.memref_slice %arg3[%dma_wait3A, %dma_wait3A_61] : memref<128x128xf32, #tpu.memory_space<hbm>> -> memref<128x8xf32, #tpu.memory_space<hbm>>
      %dma_wait3A_63 = arith.constant 0 : i32
      %dma_wait3A_64 = arith.constant 0 : i32
      %dma_wait3A_65 = tpu.memref_slice %arg3[%dma_wait3A_63, %dma_wait3A_64] : memref<128x128xf32, #tpu.memory_space<hbm>> -> memref<128x8xf32, #tpu.memory_space<hbm>>
      tpu.wait_dma2 semaphore(%run_scoped3A : memref<!tpu.dma_semaphore, #tpu.memory_space<semaphore_mem>>) src(%dma_wait3A_65 : memref<128x8xf32, #tpu.memory_space<hbm>>) dst(%arg7 : memref<128x8xf32, #tpu.memory_space<vmem>>)
      tpu.yield
    }) : () -> ()
    "tpu.region"() ({
      %run_scoped3A = tpu.sem_alloc : memref<!tpu.dma_semaphore, #tpu.memory_space<semaphore_mem>>
      %dma_start3A = arith.constant 0 : i32
      %dma_start3A_56 = tpu.memref_slice %arg2[%add3A_5, %dma_start3A] : memref<2500x128xi32, #tpu.memory_space<hbm>> -> memref<79x128xi32, #tpu.memory_space<hbm>>
      %dma_start3A_57 = arith.constant 0 : i32
      %dma_start3A_58 = tpu.memref_slice %arg2[%add3A_5, %dma_start3A_57] : memref<2500x128xi32, #tpu.memory_space<hbm>> -> memref<79x128xi32, #tpu.memory_space<hbm>>
      tpu.enqueue_dma source(%dma_start3A_58 : memref<79x128xi32, #tpu.memory_space<hbm>>) target(%arg6 : memref<79x128xi32, #tpu.memory_space<vmem>>) target_semaphore(%run_scoped3A : memref<!tpu.dma_semaphore, #tpu.memory_space<semaphore_mem>>)
      %dma_wait3A = arith.constant 0 : i32
      %dma_wait3A_59 = tpu.memref_slice %arg2[%add3A_5, %dma_wait3A] : memref<2500x128xi32, #tpu.memory_space<hbm>> -> memref<79x128xi32, #tpu.memory_space<hbm>>
      %dma_wait3A_60 = arith.constant 0 : i32
      %dma_wait3A_61 = tpu.memref_slice %arg2[%add3A_5, %dma_wait3A_60] : memref<2500x128xi32, #tpu.memory_space<hbm>> -> memref<79x128xi32, #tpu.memory_space<hbm>>
      tpu.wait_dma2 semaphore(%run_scoped3A : memref<!tpu.dma_semaphore, #tpu.memory_space<semaphore_mem>>) src(%dma_wait3A_61 : memref<79x128xi32, #tpu.memory_space<hbm>>) dst(%arg6 : memref<79x128xi32, #tpu.memory_space<vmem>>)
      tpu.yield
    }) : () -> ()
    %barrier3A = arith.constant 0 : index
    tpu.barrier barrier_id(%barrier3A)
    %scan3A = arith.constant 0 : i32
    %scan3A_12 = arith.constant 0 : i32
    %scan3A_13 = arith.constant 9 : i32
    %scan3A_14 = arith.addi %scan3A_12, %scan3A_13 : i32
    %scan3A_15 = arith.constant 1 : i32
    scf.for %scan3A_56 = %scan3A_12 to %scan3A_14 step %scan3A_15  : i32 {
      %mul3A_57 = arith.constant 8 : i32
      %mul3A_58 = arith.muli %scan3A_56, %mul3A_57 : i32
      %add3A_59 = arith.constant 0 : i32
      %add3A_60 = arith.addi %mul3A_58, %add3A_59 : i32
      "tpu.region"() ({
        %run_scoped3A = tpu.sem_alloc : memref<!tpu.dma_semaphore, #tpu.memory_space<semaphore_mem>>
        %dma_start3A = arith.constant 0 : i32
        %dma_start3A_89 = tpu.memref_slice %arg6[%add3A_60, %dma_start3A] : memref<79x128xi32, #tpu.memory_space<vmem>> -> memref<1x128xi32, #tpu.memory_space<vmem>>
        %dma_start3A_90 = tpu.memref_squeeze %dma_start3A_89 : memref<1x128xi32, #tpu.memory_space<vmem>> -> memref<128xi32, #tpu.memory_space<vmem>>
        %dma_start3A_91 = arith.constant 0 : i32
        %dma_start3A_92 = arith.constant 0 : i32
        %dma_start3A_93 = tpu.memref_slice %arg8[%dma_start3A_91, %dma_start3A_92] : memref<10000x8xf32, #tpu.memory_space<vmem_shared>> -> memref<10000x8xf32, #tpu.memory_space<vmem_shared>>
        tpu.enqueue_indirect_dma source(%arg7 : memref<128x8xf32, #tpu.memory_space<vmem>>) target(%dma_start3A_93 : memref<10000x8xf32, #tpu.memory_space<vmem_shared>>) offsets(%dma_start3A_90 : memref<128xi32, #tpu.memory_space<vmem>>) semaphore(%run_scoped3A : memref<!tpu.dma_semaphore, #tpu.memory_space<semaphore_mem>>) {add = true}
        %dma_wait3A = arith.constant 0 : i32
        %dma_wait3A_94 = tpu.memref_slice %arg6[%add3A_60, %dma_wait3A] : memref<79x128xi32, #tpu.memory_space<vmem>> -> memref<1x128xi32, #tpu.memory_space<vmem>>
        %dma_wait3A_95 = tpu.memref_squeeze %dma_wait3A_94 : memref<1x128xi32, #tpu.memory_space<vmem>> -> memref<128xi32, #tpu.memory_space<vmem>>
        %dma_wait3A_96 = arith.constant 0 : i32
        %dma_wait3A_97 = arith.constant 0 : i32
        %dma_wait3A_98 = tpu.memref_slice %arg8[%dma_wait3A_96, %dma_wait3A_97] : memref<10000x8xf32, #tpu.memory_space<vmem_shared>> -> memref<10000x8xf32, #tpu.memory_space<vmem_shared>>
        tpu.wait_indirect_dma semaphore(%run_scoped3A : memref<!tpu.dma_semaphore, #tpu.memory_space<semaphore_mem>>) src(%arg7 : memref<128x8xf32, #tpu.memory_space<vmem>>) dst(%dma_wait3A_98 : memref<10000x8xf32, #tpu.memory_space<vmem_shared>>)
        tpu.yield
      }) : () -> ()
      %mul3A_61 = arith.constant 8 : i32
      %mul3A_62 = arith.muli %scan3A_56, %mul3A_61 : i32
      %add3A_63 = arith.constant 1 : i32
      %add3A_64 = arith.addi %mul3A_62, %add3A_63 : i32
      "tpu.region"() ({
        %run_scoped3A = tpu.sem_alloc : memref<!tpu.dma_semaphore, #tpu.memory_space<semaphore_mem>>
        %dma_start3A = arith.constant 0 : i32
        %dma_start3A_89 = tpu.memref_slice %arg6[%add3A_64, %dma_start3A] : memref<79x128xi32, #tpu.memory_space<vmem>> -> memref<1x128xi32, #tpu.memory_space<vmem>>
        %dma_start3A_90 = tpu.memref_squeeze %dma_start3A_89 : memref<1x128xi32, #tpu.memory_space<vmem>> -> memref<128xi32, #tpu.memory_space<vmem>>
        %dma_start3A_91 = arith.constant 0 : i32
        %dma_start3A_92 = arith.constant 0 : i32
        %dma_start3A_93 = tpu.memref_slice %arg8[%dma_start3A_91, %dma_start3A_92] : memref<10000x8xf32, #tpu.memory_space<vmem_shared>> -> memref<10000x8xf32, #tpu.memory_space<vmem_shared>>
        tpu.enqueue_indirect_dma source(%arg7 : memref<128x8xf32, #tpu.memory_space<vmem>>) target(%dma_start3A_93 : memref<10000x8xf32, #tpu.memory_space<vmem_shared>>) offsets(%dma_start3A_90 : memref<128xi32, #tpu.memory_space<vmem>>) semaphore(%run_scoped3A : memref<!tpu.dma_semaphore, #tpu.memory_space<semaphore_mem>>) {add = true}
        %dma_wait3A = arith.constant 0 : i32
        %dma_wait3A_94 = tpu.memref_slice %arg6[%add3A_64, %dma_wait3A] : memref<79x128xi32, #tpu.memory_space<vmem>> -> memref<1x128xi32, #tpu.memory_space<vmem>>
        %dma_wait3A_95 = tpu.memref_squeeze %dma_wait3A_94 : memref<1x128xi32, #tpu.memory_space<vmem>> -> memref<128xi32, #tpu.memory_space<vmem>>
        %dma_wait3A_96 = arith.constant 0 : i32
        %dma_wait3A_97 = arith.constant 0 : i32
        %dma_wait3A_98 = tpu.memref_slice %arg8[%dma_wait3A_96, %dma_wait3A_97] : memref<10000x8xf32, #tpu.memory_space<vmem_shared>> -> memref<10000x8xf32, #tpu.memory_space<vmem_shared>>
        tpu.wait_indirect_dma semaphore(%run_scoped3A : memref<!tpu.dma_semaphore, #tpu.memory_space<semaphore_mem>>) src(%arg7 : memref<128x8xf32, #tpu.memory_space<vmem>>) dst(%dma_wait3A_98 : memref<10000x8xf32, #tpu.memory_space<vmem_shared>>)
        tpu.yield
      }) : () -> ()
      %mul3A_65 = arith.constant 8 : i32
      %mul3A_66 = arith.muli %scan3A_56, %mul3A_65 : i32
      %add3A_67 = arith.constant 2 : i32
      %add3A_68 = arith.addi %mul3A_66, %add3A_67 : i32
      "tpu.region"() ({
        %run_scoped3A = tpu.sem_alloc : memref<!tpu.dma_semaphore, #tpu.memory_space<semaphore_mem>>
        %dma_start3A = arith.constant 0 : i32
        %dma_start3A_89 = tpu.memref_slice %arg6[%add3A_68, %dma_start3A] : memref<79x128xi32, #tpu.memory_space<vmem>> -> memref<1x128xi32, #tpu.memory_space<vmem>>
        %dma_start3A_90 = tpu.memref_squeeze %dma_start3A_89 : memref<1x128xi32, #tpu.memory_space<vmem>> -> memref<128xi32, #tpu.memory_space<vmem>>
        %dma_start3A_91 = arith.constant 0 : i32
        %dma_start3A_92 = arith.constant 0 : i32
        %dma_start3A_93 = tpu.memref_slice %arg8[%dma_start3A_91, %dma_start3A_92] : memref<10000x8xf32, #tpu.memory_space<vmem_shared>> -> memref<10000x8xf32, #tpu.memory_space<vmem_shared>>
        tpu.enqueue_indirect_dma source(%arg7 : memref<128x8xf32, #tpu.memory_space<vmem>>) target(%dma_start3A_93 : memref<10000x8xf32, #tpu.memory_space<vmem_shared>>) offsets(%dma_start3A_90 : memref<128xi32, #tpu.memory_space<vmem>>) semaphore(%run_scoped3A : memref<!tpu.dma_semaphore, #tpu.memory_space<semaphore_mem>>) {add = true}
        %dma_wait3A = arith.constant 0 : i32
        %dma_wait3A_94 = tpu.memref_slice %arg6[%add3A_68, %dma_wait3A] : memref<79x128xi32, #tpu.memory_space<vmem>> -> memref<1x128xi32, #tpu.memory_space<vmem>>
        %dma_wait3A_95 = tpu.memref_squeeze %dma_wait3A_94 : memref<1x128xi32, #tpu.memory_space<vmem>> -> memref<128xi32, #tpu.memory_space<vmem>>
        %dma_wait3A_96 = arith.constant 0 : i32
        %dma_wait3A_97 = arith.constant 0 : i32
        %dma_wait3A_98 = tpu.memref_slice %arg8[%dma_wait3A_96, %dma_wait3A_97] : memref<10000x8xf32, #tpu.memory_space<vmem_shared>> -> memref<10000x8xf32, #tpu.memory_space<vmem_shared>>
        tpu.wait_indirect_dma semaphore(%run_scoped3A : memref<!tpu.dma_semaphore, #tpu.memory_space<semaphore_mem>>) src(%arg7 : memref<128x8xf32, #tpu.memory_space<vmem>>) dst(%dma_wait3A_98 : memref<10000x8xf32, #tpu.memory_space<vmem_shared>>)
        tpu.yield
      }) : () -> ()
      %mul3A_69 = arith.constant 8 : i32
      %mul3A_70 = arith.muli %scan3A_56, %mul3A_69 : i32
      %add3A_71 = arith.constant 3 : i32
      %add3A_72 = arith.addi %mul3A_70, %add3A_71 : i32
      "tpu.region"() ({
        %run_scoped3A = tpu.sem_alloc : memref<!tpu.dma_semaphore, #tpu.memory_space<semaphore_mem>>
        %dma_start3A = arith.constant 0 : i32
        %dma_start3A_89 = tpu.memref_slice %arg6[%add3A_72, %dma_start3A] : memref<79x128xi32, #tpu.memory_space<vmem>> -> memref<1x128xi32, #tpu.memory_space<vmem>>
        %dma_start3A_90 = tpu.memref_squeeze %dma_start3A_89 : memref<1x128xi32, #tpu.memory_space<vmem>> -> memref<128xi32, #tpu.memory_space<vmem>>
        %dma_start3A_91 = arith.constant 0 : i32
        %dma_start3A_92 = arith.constant 0 : i32
        %dma_start3A_93 = tpu.memref_slice %arg8[%dma_start3A_91, %dma_start3A_92] : memref<10000x8xf32, #tpu.memory_space<vmem_shared>> -> memref<10000x8xf32, #tpu.memory_space<vmem_shared>>
        tpu.enqueue_indirect_dma source(%arg7 : memref<128x8xf32, #tpu.memory_space<vmem>>) target(%dma_start3A_93 : memref<10000x8xf32, #tpu.memory_space<vmem_shared>>) offsets(%dma_start3A_90 : memref<128xi32, #tpu.memory_space<vmem>>) semaphore(%run_scoped3A : memref<!tpu.dma_semaphore, #tpu.memory_space<semaphore_mem>>) {add = true}
        %dma_wait3A = arith.constant 0 : i32
        %dma_wait3A_94 = tpu.memref_slice %arg6[%add3A_72, %dma_wait3A] : memref<79x128xi32, #tpu.memory_space<vmem>> -> memref<1x128xi32, #tpu.memory_space<vmem>>
        %dma_wait3A_95 = tpu.memref_squeeze %dma_wait3A_94 : memref<1x128xi32, #tpu.memory_space<vmem>> -> memref<128xi32, #tpu.memory_space<vmem>>
        %dma_wait3A_96 = arith.constant 0 : i32
        %dma_wait3A_97 = arith.constant 0 : i32
        %dma_wait3A_98 = tpu.memref_slice %arg8[%dma_wait3A_96, %dma_wait3A_97] : memref<10000x8xf32, #tpu.memory_space<vmem_shared>> -> memref<10000x8xf32, #tpu.memory_space<vmem_shared>>
        tpu.wait_indirect_dma semaphore(%run_scoped3A : memref<!tpu.dma_semaphore, #tpu.memory_space<semaphore_mem>>) src(%arg7 : memref<128x8xf32, #tpu.memory_space<vmem>>) dst(%dma_wait3A_98 : memref<10000x8xf32, #tpu.memory_space<vmem_shared>>)
        tpu.yield
      }) : () -> ()
      %mul3A_73 = arith.constant 8 : i32
      %mul3A_74 = arith.muli %scan3A_56, %mul3A_73 : i32
      %add3A_75 = arith.constant 4 : i32
      %add3A_76 = arith.addi %mul3A_74, %add3A_75 : i32
      "tpu.region"() ({
        %run_scoped3A = tpu.sem_alloc : memref<!tpu.dma_semaphore, #tpu.memory_space<semaphore_mem>>
        %dma_start3A = arith.constant 0 : i32
        %dma_start3A_89 = tpu.memref_slice %arg6[%add3A_76, %dma_start3A] : memref<79x128xi32, #tpu.memory_space<vmem>> -> memref<1x128xi32, #tpu.memory_space<vmem>>
        %dma_start3A_90 = tpu.memref_squeeze %dma_start3A_89 : memref<1x128xi32, #tpu.memory_space<vmem>> -> memref<128xi32, #tpu.memory_space<vmem>>
        %dma_start3A_91 = arith.constant 0 : i32
        %dma_start3A_92 = arith.constant 0 : i32
        %dma_start3A_93 = tpu.memref_slice %arg8[%dma_start3A_91, %dma_start3A_92] : memref<10000x8xf32, #tpu.memory_space<vmem_shared>> -> memref<10000x8xf32, #tpu.memory_space<vmem_shared>>
        tpu.enqueue_indirect_dma source(%arg7 : memref<128x8xf32, #tpu.memory_space<vmem>>) target(%dma_start3A_93 : memref<10000x8xf32, #tpu.memory_space<vmem_shared>>) offsets(%dma_start3A_90 : memref<128xi32, #tpu.memory_space<vmem>>) semaphore(%run_scoped3A : memref<!tpu.dma_semaphore, #tpu.memory_space<semaphore_mem>>) {add = true}
        %dma_wait3A = arith.constant 0 : i32
        %dma_wait3A_94 = tpu.memref_slice %arg6[%add3A_76, %dma_wait3A] : memref<79x128xi32, #tpu.memory_space<vmem>> -> memref<1x128xi32, #tpu.memory_space<vmem>>
        %dma_wait3A_95 = tpu.memref_squeeze %dma_wait3A_94 : memref<1x128xi32, #tpu.memory_space<vmem>> -> memref<128xi32, #tpu.memory_space<vmem>>
        %dma_wait3A_96 = arith.constant 0 : i32
        %dma_wait3A_97 = arith.constant 0 : i32
        %dma_wait3A_98 = tpu.memref_slice %arg8[%dma_wait3A_96, %dma_wait3A_97] : memref<10000x8xf32, #tpu.memory_space<vmem_shared>> -> memref<10000x8xf32, #tpu.memory_space<vmem_shared>>
        tpu.wait_indirect_dma semaphore(%run_scoped3A : memref<!tpu.dma_semaphore, #tpu.memory_space<semaphore_mem>>) src(%arg7 : memref<128x8xf32, #tpu.memory_space<vmem>>) dst(%dma_wait3A_98 : memref<10000x8xf32, #tpu.memory_space<vmem_shared>>)
        tpu.yield
      }) : () -> ()
      %mul3A_77 = arith.constant 8 : i32
      %mul3A_78 = arith.muli %scan3A_56, %mul3A_77 : i32
      %add3A_79 = arith.constant 5 : i32
      %add3A_80 = arith.addi %mul3A_78, %add3A_79 : i32
      "tpu.region"() ({
        %run_scoped3A = tpu.sem_alloc : memref<!tpu.dma_semaphore, #tpu.memory_space<semaphore_mem>>
        %dma_start3A = arith.constant 0 : i32
        %dma_start3A_89 = tpu.memref_slice %arg6[%add3A_80, %dma_start3A] : memref<79x128xi32, #tpu.memory_space<vmem>> -> memref<1x128xi32, #tpu.memory_space<vmem>>
        %dma_start3A_90 = tpu.memref_squeeze %dma_start3A_89 : memref<1x128xi32, #tpu.memory_space<vmem>> -> memref<128xi32, #tpu.memory_space<vmem>>
        %dma_start3A_91 = arith.constant 0 : i32
        %dma_start3A_92 = arith.constant 0 : i32
        %dma_start3A_93 = tpu.memref_slice %arg8[%dma_start3A_91, %dma_start3A_92] : memref<10000x8xf32, #tpu.memory_space<vmem_shared>> -> memref<10000x8xf32, #tpu.memory_space<vmem_shared>>
        tpu.enqueue_indirect_dma source(%arg7 : memref<128x8xf32, #tpu.memory_space<vmem>>) target(%dma_start3A_93 : memref<10000x8xf32, #tpu.memory_space<vmem_shared>>) offsets(%dma_start3A_90 : memref<128xi32, #tpu.memory_space<vmem>>) semaphore(%run_scoped3A : memref<!tpu.dma_semaphore, #tpu.memory_space<semaphore_mem>>) {add = true}
        %dma_wait3A = arith.constant 0 : i32
        %dma_wait3A_94 = tpu.memref_slice %arg6[%add3A_80, %dma_wait3A] : memref<79x128xi32, #tpu.memory_space<vmem>> -> memref<1x128xi32, #tpu.memory_space<vmem>>
        %dma_wait3A_95 = tpu.memref_squeeze %dma_wait3A_94 : memref<1x128xi32, #tpu.memory_space<vmem>> -> memref<128xi32, #tpu.memory_space<vmem>>
        %dma_wait3A_96 = arith.constant 0 : i32
        %dma_wait3A_97 = arith.constant 0 : i32
        %dma_wait3A_98 = tpu.memref_slice %arg8[%dma_wait3A_96, %dma_wait3A_97] : memref<10000x8xf32, #tpu.memory_space<vmem_shared>> -> memref<10000x8xf32, #tpu.memory_space<vmem_shared>>
        tpu.wait_indirect_dma semaphore(%run_scoped3A : memref<!tpu.dma_semaphore, #tpu.memory_space<semaphore_mem>>) src(%arg7 : memref<128x8xf32, #tpu.memory_space<vmem>>) dst(%dma_wait3A_98 : memref<10000x8xf32, #tpu.memory_space<vmem_shared>>)
        tpu.yield
      }) : () -> ()
      %mul3A_81 = arith.constant 8 : i32
      %mul3A_82 = arith.muli %scan3A_56, %mul3A_81 : i32
      %add3A_83 = arith.constant 6 : i32
      %add3A_84 = arith.addi %mul3A_82, %add3A_83 : i32
      "tpu.region"() ({
        %run_scoped3A = tpu.sem_alloc : memref<!tpu.dma_semaphore, #tpu.memory_space<semaphore_mem>>
        %dma_start3A = arith.constant 0 : i32
        %dma_start3A_89 = tpu.memref_slice %arg6[%add3A_84, %dma_start3A] : memref<79x128xi32, #tpu.memory_space<vmem>> -> memref<1x128xi32, #tpu.memory_space<vmem>>
        %dma_start3A_90 = tpu.memref_squeeze %dma_start3A_89 : memref<1x128xi32, #tpu.memory_space<vmem>> -> memref<128xi32, #tpu.memory_space<vmem>>
        %dma_start3A_91 = arith.constant 0 : i32
        %dma_start3A_92 = arith.constant 0 : i32
        %dma_start3A_93 = tpu.memref_slice %arg8[%dma_start3A_91, %dma_start3A_92] : memref<10000x8xf32, #tpu.memory_space<vmem_shared>> -> memref<10000x8xf32, #tpu.memory_space<vmem_shared>>
        tpu.enqueue_indirect_dma source(%arg7 : memref<128x8xf32, #tpu.memory_space<vmem>>) target(%dma_start3A_93 : memref<10000x8xf32, #tpu.memory_space<vmem_shared>>) offsets(%dma_start3A_90 : memref<128xi32, #tpu.memory_space<vmem>>) semaphore(%run_scoped3A : memref<!tpu.dma_semaphore, #tpu.memory_space<semaphore_mem>>) {add = true}
        %dma_wait3A = arith.constant 0 : i32
        %dma_wait3A_94 = tpu.memref_slice %arg6[%add3A_84, %dma_wait3A] : memref<79x128xi32, #tpu.memory_space<vmem>> -> memref<1x128xi32, #tpu.memory_space<vmem>>
        %dma_wait3A_95 = tpu.memref_squeeze %dma_wait3A_94 : memref<1x128xi32, #tpu.memory_space<vmem>> -> memref<128xi32, #tpu.memory_space<vmem>>
        %dma_wait3A_96 = arith.constant 0 : i32
        %dma_wait3A_97 = arith.constant 0 : i32
        %dma_wait3A_98 = tpu.memref_slice %arg8[%dma_wait3A_96, %dma_wait3A_97] : memref<10000x8xf32, #tpu.memory_space<vmem_shared>> -> memref<10000x8xf32, #tpu.memory_space<vmem_shared>>
        tpu.wait_indirect_dma semaphore(%run_scoped3A : memref<!tpu.dma_semaphore, #tpu.memory_space<semaphore_mem>>) src(%arg7 : memref<128x8xf32, #tpu.memory_space<vmem>>) dst(%dma_wait3A_98 : memref<10000x8xf32, #tpu.memory_space<vmem_shared>>)
        tpu.yield
      }) : () -> ()
      %mul3A_85 = arith.constant 8 : i32
      %mul3A_86 = arith.muli %scan3A_56, %mul3A_85 : i32
      %add3A_87 = arith.constant 7 : i32
      %add3A_88 = arith.addi %mul3A_86, %add3A_87 : i32
      "tpu.region"() ({
        %run_scoped3A = tpu.sem_alloc : memref<!tpu.dma_semaphore, #tpu.memory_space<semaphore_mem>>
        %dma_start3A = arith.constant 0 : i32
        %dma_start3A_89 = tpu.memref_slice %arg6[%add3A_88, %dma_start3A] : memref<79x128xi32, #tpu.memory_space<vmem>> -> memref<1x128xi32, #tpu.memory_space<vmem>>
        %dma_start3A_90 = tpu.memref_squeeze %dma_start3A_89 : memref<1x128xi32, #tpu.memory_space<vmem>> -> memref<128xi32, #tpu.memory_space<vmem>>
        %dma_start3A_91 = arith.constant 0 : i32
        %dma_start3A_92 = arith.constant 0 : i32
        %dma_start3A_93 = tpu.memref_slice %arg8[%dma_start3A_91, %dma_start3A_92] : memref<10000x8xf32, #tpu.memory_space<vmem_shared>> -> memref<10000x8xf32, #tpu.memory_space<vmem_shared>>
        tpu.enqueue_indirect_dma source(%arg7 : memref<128x8xf32, #tpu.memory_space<vmem>>) target(%dma_start3A_93 : memref<10000x8xf32, #tpu.memory_space<vmem_shared>>) offsets(%dma_start3A_90 : memref<128xi32, #tpu.memory_space<vmem>>) semaphore(%run_scoped3A : memref<!tpu.dma_semaphore, #tpu.memory_space<semaphore_mem>>) {add = true}
        %dma_wait3A = arith.constant 0 : i32
        %dma_wait3A_94 = tpu.memref_slice %arg6[%add3A_88, %dma_wait3A] : memref<79x128xi32, #tpu.memory_space<vmem>> -> memref<1x128xi32, #tpu.memory_space<vmem>>
        %dma_wait3A_95 = tpu.memref_squeeze %dma_wait3A_94 : memref<1x128xi32, #tpu.memory_space<vmem>> -> memref<128xi32, #tpu.memory_space<vmem>>
        %dma_wait3A_96 = arith.constant 0 : i32
        %dma_wait3A_97 = arith.constant 0 : i32
        %dma_wait3A_98 = tpu.memref_slice %arg8[%dma_wait3A_96, %dma_wait3A_97] : memref<10000x8xf32, #tpu.memory_space<vmem_shared>> -> memref<10000x8xf32, #tpu.memory_space<vmem_shared>>
        tpu.wait_indirect_dma semaphore(%run_scoped3A : memref<!tpu.dma_semaphore, #tpu.memory_space<semaphore_mem>>) src(%arg7 : memref<128x8xf32, #tpu.memory_space<vmem>>) dst(%dma_wait3A_98 : memref<10000x8xf32, #tpu.memory_space<vmem_shared>>)
        tpu.yield
      }) : () -> ()
    }
    %scan3A_16 = arith.constant 9 : i32
    %gt3A = arith.constant 72 : i32
    %gt3A_17 = arith.cmpi sgt, %select_n3A, %gt3A : i32
    %convert_element_type3A = arith.extui %gt3A_17 : i1 to i32
    %cond3A = arith.constant 0 : i32
    %cond3A_18 = arith.cmpi ne, %convert_element_type3A, %cond3A : i32
    scf.if %cond3A_18 {
      %run_scoped3A = arith.constant 72 : i32
      "tpu.region"() ({
        %run_scoped3A_56 = tpu.sem_alloc : memref<!tpu.dma_semaphore, #tpu.memory_space<semaphore_mem>>
        %dma_start3A = arith.constant 0 : i32
        %dma_start3A_57 = tpu.memref_slice %arg6[%run_scoped3A, %dma_start3A] : memref<79x128xi32, #tpu.memory_space<vmem>> -> memref<1x128xi32, #tpu.memory_space<vmem>>
        %dma_start3A_58 = tpu.memref_squeeze %dma_start3A_57 : memref<1x128xi32, #tpu.memory_space<vmem>> -> memref<128xi32, #tpu.memory_space<vmem>>
        %dma_start3A_59 = arith.constant 0 : i32
        %dma_start3A_60 = arith.constant 0 : i32
        %dma_start3A_61 = tpu.memref_slice %arg8[%dma_start3A_59, %dma_start3A_60] : memref<10000x8xf32, #tpu.memory_space<vmem_shared>> -> memref<10000x8xf32, #tpu.memory_space<vmem_shared>>
        tpu.enqueue_indirect_dma source(%arg7 : memref<128x8xf32, #tpu.memory_space<vmem>>) target(%dma_start3A_61 : memref<10000x8xf32, #tpu.memory_space<vmem_shared>>) offsets(%dma_start3A_58 : memref<128xi32, #tpu.memory_space<vmem>>) semaphore(%run_scoped3A_56 : memref<!tpu.dma_semaphore, #tpu.memory_space<semaphore_mem>>) {add = true}
        %dma_wait3A = arith.constant 0 : i32
        %dma_wait3A_62 = tpu.memref_slice %arg6[%run_scoped3A, %dma_wait3A] : memref<79x128xi32, #tpu.memory_space<vmem>> -> memref<1x128xi32, #tpu.memory_space<vmem>>
        %dma_wait3A_63 = tpu.memref_squeeze %dma_wait3A_62 : memref<1x128xi32, #tpu.memory_space<vmem>> -> memref<128xi32, #tpu.memory_space<vmem>>
        %dma_wait3A_64 = arith.constant 0 : i32
        %dma_wait3A_65 = arith.constant 0 : i32
        %dma_wait3A_66 = tpu.memref_slice %arg8[%dma_wait3A_64, %dma_wait3A_65] : memref<10000x8xf32, #tpu.memory_space<vmem_shared>> -> memref<10000x8xf32, #tpu.memory_space<vmem_shared>>
        tpu.wait_indirect_dma semaphore(%run_scoped3A_56 : memref<!tpu.dma_semaphore, #tpu.memory_space<semaphore_mem>>) src(%arg7 : memref<128x8xf32, #tpu.memory_space<vmem>>) dst(%dma_wait3A_66 : memref<10000x8xf32, #tpu.memory_space<vmem_shared>>)
        tpu.yield
      }) : () -> ()
    } else {
    }
    %gt3A_19 = arith.constant 73 : i32
    %gt3A_20 = arith.cmpi sgt, %select_n3A, %gt3A_19 : i32
    %convert_element_type3A_21 = arith.extui %gt3A_20 : i1 to i32
    %cond3A_22 = arith.constant 0 : i32
    %cond3A_23 = arith.cmpi ne, %convert_element_type3A_21, %cond3A_22 : i32
    scf.if %cond3A_23 {
      %run_scoped3A = arith.constant 73 : i32
      "tpu.region"() ({
        %run_scoped3A_56 = tpu.sem_alloc : memref<!tpu.dma_semaphore, #tpu.memory_space<semaphore_mem>>
        %dma_start3A = arith.constant 0 : i32
        %dma_start3A_57 = tpu.memref_slice %arg6[%run_scoped3A, %dma_start3A] : memref<79x128xi32, #tpu.memory_space<vmem>> -> memref<1x128xi32, #tpu.memory_space<vmem>>
        %dma_start3A_58 = tpu.memref_squeeze %dma_start3A_57 : memref<1x128xi32, #tpu.memory_space<vmem>> -> memref<128xi32, #tpu.memory_space<vmem>>
        %dma_start3A_59 = arith.constant 0 : i32
        %dma_start3A_60 = arith.constant 0 : i32
        %dma_start3A_61 = tpu.memref_slice %arg8[%dma_start3A_59, %dma_start3A_60] : memref<10000x8xf32, #tpu.memory_space<vmem_shared>> -> memref<10000x8xf32, #tpu.memory_space<vmem_shared>>
        tpu.enqueue_indirect_dma source(%arg7 : memref<128x8xf32, #tpu.memory_space<vmem>>) target(%dma_start3A_61 : memref<10000x8xf32, #tpu.memory_space<vmem_shared>>) offsets(%dma_start3A_58 : memref<128xi32, #tpu.memory_space<vmem>>) semaphore(%run_scoped3A_56 : memref<!tpu.dma_semaphore, #tpu.memory_space<semaphore_mem>>) {add = true}
        %dma_wait3A = arith.constant 0 : i32
        %dma_wait3A_62 = tpu.memref_slice %arg6[%run_scoped3A, %dma_wait3A] : memref<79x128xi32, #tpu.memory_space<vmem>> -> memref<1x128xi32, #tpu.memory_space<vmem>>
        %dma_wait3A_63 = tpu.memref_squeeze %dma_wait3A_62 : memref<1x128xi32, #tpu.memory_space<vmem>> -> memref<128xi32, #tpu.memory_space<vmem>>
        %dma_wait3A_64 = arith.constant 0 : i32
        %dma_wait3A_65 = arith.constant 0 : i32
        %dma_wait3A_66 = tpu.memref_slice %arg8[%dma_wait3A_64, %dma_wait3A_65] : memref<10000x8xf32, #tpu.memory_space<vmem_shared>> -> memref<10000x8xf32, #tpu.memory_space<vmem_shared>>
        tpu.wait_indirect_dma semaphore(%run_scoped3A_56 : memref<!tpu.dma_semaphore, #tpu.memory_space<semaphore_mem>>) src(%arg7 : memref<128x8xf32, #tpu.memory_space<vmem>>) dst(%dma_wait3A_66 : memref<10000x8xf32, #tpu.memory_space<vmem_shared>>)
        tpu.yield
      }) : () -> ()
    } else {
    }
    %gt3A_24 = arith.constant 74 : i32
    %gt3A_25 = arith.cmpi sgt, %select_n3A, %gt3A_24 : i32
    %convert_element_type3A_26 = arith.extui %gt3A_25 : i1 to i32
    %cond3A_27 = arith.constant 0 : i32
    %cond3A_28 = arith.cmpi ne, %convert_element_type3A_26, %cond3A_27 : i32
    scf.if %cond3A_28 {
      %run_scoped3A = arith.constant 74 : i32
      "tpu.region"() ({
        %run_scoped3A_56 = tpu.sem_alloc : memref<!tpu.dma_semaphore, #tpu.memory_space<semaphore_mem>>
        %dma_start3A = arith.constant 0 : i32
        %dma_start3A_57 = tpu.memref_slice %arg6[%run_scoped3A, %dma_start3A] : memref<79x128xi32, #tpu.memory_space<vmem>> -> memref<1x128xi32, #tpu.memory_space<vmem>>
        %dma_start3A_58 = tpu.memref_squeeze %dma_start3A_57 : memref<1x128xi32, #tpu.memory_space<vmem>> -> memref<128xi32, #tpu.memory_space<vmem>>
        %dma_start3A_59 = arith.constant 0 : i32
        %dma_start3A_60 = arith.constant 0 : i32
        %dma_start3A_61 = tpu.memref_slice %arg8[%dma_start3A_59, %dma_start3A_60] : memref<10000x8xf32, #tpu.memory_space<vmem_shared>> -> memref<10000x8xf32, #tpu.memory_space<vmem_shared>>
        tpu.enqueue_indirect_dma source(%arg7 : memref<128x8xf32, #tpu.memory_space<vmem>>) target(%dma_start3A_61 : memref<10000x8xf32, #tpu.memory_space<vmem_shared>>) offsets(%dma_start3A_58 : memref<128xi32, #tpu.memory_space<vmem>>) semaphore(%run_scoped3A_56 : memref<!tpu.dma_semaphore, #tpu.memory_space<semaphore_mem>>) {add = true}
        %dma_wait3A = arith.constant 0 : i32
        %dma_wait3A_62 = tpu.memref_slice %arg6[%run_scoped3A, %dma_wait3A] : memref<79x128xi32, #tpu.memory_space<vmem>> -> memref<1x128xi32, #tpu.memory_space<vmem>>
        %dma_wait3A_63 = tpu.memref_squeeze %dma_wait3A_62 : memref<1x128xi32, #tpu.memory_space<vmem>> -> memref<128xi32, #tpu.memory_space<vmem>>
        %dma_wait3A_64 = arith.constant 0 : i32
        %dma_wait3A_65 = arith.constant 0 : i32
        %dma_wait3A_66 = tpu.memref_slice %arg8[%dma_wait3A_64, %dma_wait3A_65] : memref<10000x8xf32, #tpu.memory_space<vmem_shared>> -> memref<10000x8xf32, #tpu.memory_space<vmem_shared>>
        tpu.wait_indirect_dma semaphore(%run_scoped3A_56 : memref<!tpu.dma_semaphore, #tpu.memory_space<semaphore_mem>>) src(%arg7 : memref<128x8xf32, #tpu.memory_space<vmem>>) dst(%dma_wait3A_66 : memref<10000x8xf32, #tpu.memory_space<vmem_shared>>)
        tpu.yield
      }) : () -> ()
    } else {
    }
    %gt3A_29 = arith.constant 75 : i32
    %gt3A_30 = arith.cmpi sgt, %select_n3A, %gt3A_29 : i32
    %convert_element_type3A_31 = arith.extui %gt3A_30 : i1 to i32
    %cond3A_32 = arith.constant 0 : i32
    %cond3A_33 = arith.cmpi ne, %convert_element_type3A_31, %cond3A_32 : i32
    scf.if %cond3A_33 {
      %run_scoped3A = arith.constant 75 : i32
      "tpu.region"() ({
        %run_scoped3A_56 = tpu.sem_alloc : memref<!tpu.dma_semaphore, #tpu.memory_space<semaphore_mem>>
        %dma_start3A = arith.constant 0 : i32
        %dma_start3A_57 = tpu.memref_slice %arg6[%run_scoped3A, %dma_start3A] : memref<79x128xi32, #tpu.memory_space<vmem>> -> memref<1x128xi32, #tpu.memory_space<vmem>>
        %dma_start3A_58 = tpu.memref_squeeze %dma_start3A_57 : memref<1x128xi32, #tpu.memory_space<vmem>> -> memref<128xi32, #tpu.memory_space<vmem>>
        %dma_start3A_59 = arith.constant 0 : i32
        %dma_start3A_60 = arith.constant 0 : i32
        %dma_start3A_61 = tpu.memref_slice %arg8[%dma_start3A_59, %dma_start3A_60] : memref<10000x8xf32, #tpu.memory_space<vmem_shared>> -> memref<10000x8xf32, #tpu.memory_space<vmem_shared>>
        tpu.enqueue_indirect_dma source(%arg7 : memref<128x8xf32, #tpu.memory_space<vmem>>) target(%dma_start3A_61 : memref<10000x8xf32, #tpu.memory_space<vmem_shared>>) offsets(%dma_start3A_58 : memref<128xi32, #tpu.memory_space<vmem>>) semaphore(%run_scoped3A_56 : memref<!tpu.dma_semaphore, #tpu.memory_space<semaphore_mem>>) {add = true}
        %dma_wait3A = arith.constant 0 : i32
        %dma_wait3A_62 = tpu.memref_slice %arg6[%run_scoped3A, %dma_wait3A] : memref<79x128xi32, #tpu.memory_space<vmem>> -> memref<1x128xi32, #tpu.memory_space<vmem>>
        %dma_wait3A_63 = tpu.memref_squeeze %dma_wait3A_62 : memref<1x128xi32, #tpu.memory_space<vmem>> -> memref<128xi32, #tpu.memory_space<vmem>>
        %dma_wait3A_64 = arith.constant 0 : i32
        %dma_wait3A_65 = arith.constant 0 : i32
        %dma_wait3A_66 = tpu.memref_slice %arg8[%dma_wait3A_64, %dma_wait3A_65] : memref<10000x8xf32, #tpu.memory_space<vmem_shared>> -> memref<10000x8xf32, #tpu.memory_space<vmem_shared>>
        tpu.wait_indirect_dma semaphore(%run_scoped3A_56 : memref<!tpu.dma_semaphore, #tpu.memory_space<semaphore_mem>>) src(%arg7 : memref<128x8xf32, #tpu.memory_space<vmem>>) dst(%dma_wait3A_66 : memref<10000x8xf32, #tpu.memory_space<vmem_shared>>)
        tpu.yield
      }) : () -> ()
    } else {
    }
    %gt3A_34 = arith.constant 76 : i32
    %gt3A_35 = arith.cmpi sgt, %select_n3A, %gt3A_34 : i32
    %convert_element_type3A_36 = arith.extui %gt3A_35 : i1 to i32
    %cond3A_37 = arith.constant 0 : i32
    %cond3A_38 = arith.cmpi ne, %convert_element_type3A_36, %cond3A_37 : i32
    scf.if %cond3A_38 {
      %run_scoped3A = arith.constant 76 : i32
      "tpu.region"() ({
        %run_scoped3A_56 = tpu.sem_alloc : memref<!tpu.dma_semaphore, #tpu.memory_space<semaphore_mem>>
        %dma_start3A = arith.constant 0 : i32
        %dma_start3A_57 = tpu.memref_slice %arg6[%run_scoped3A, %dma_start3A] : memref<79x128xi32, #tpu.memory_space<vmem>> -> memref<1x128xi32, #tpu.memory_space<vmem>>
        %dma_start3A_58 = tpu.memref_squeeze %dma_start3A_57 : memref<1x128xi32, #tpu.memory_space<vmem>> -> memref<128xi32, #tpu.memory_space<vmem>>
        %dma_start3A_59 = arith.constant 0 : i32
        %dma_start3A_60 = arith.constant 0 : i32
        %dma_start3A_61 = tpu.memref_slice %arg8[%dma_start3A_59, %dma_start3A_60] : memref<10000x8xf32, #tpu.memory_space<vmem_shared>> -> memref<10000x8xf32, #tpu.memory_space<vmem_shared>>
        tpu.enqueue_indirect_dma source(%arg7 : memref<128x8xf32, #tpu.memory_space<vmem>>) target(%dma_start3A_61 : memref<10000x8xf32, #tpu.memory_space<vmem_shared>>) offsets(%dma_start3A_58 : memref<128xi32, #tpu.memory_space<vmem>>) semaphore(%run_scoped3A_56 : memref<!tpu.dma_semaphore, #tpu.memory_space<semaphore_mem>>) {add = true}
        %dma_wait3A = arith.constant 0 : i32
        %dma_wait3A_62 = tpu.memref_slice %arg6[%run_scoped3A, %dma_wait3A] : memref<79x128xi32, #tpu.memory_space<vmem>> -> memref<1x128xi32, #tpu.memory_space<vmem>>
        %dma_wait3A_63 = tpu.memref_squeeze %dma_wait3A_62 : memref<1x128xi32, #tpu.memory_space<vmem>> -> memref<128xi32, #tpu.memory_space<vmem>>
        %dma_wait3A_64 = arith.constant 0 : i32
        %dma_wait3A_65 = arith.constant 0 : i32
        %dma_wait3A_66 = tpu.memref_slice %arg8[%dma_wait3A_64, %dma_wait3A_65] : memref<10000x8xf32, #tpu.memory_space<vmem_shared>> -> memref<10000x8xf32, #tpu.memory_space<vmem_shared>>
        tpu.wait_indirect_dma semaphore(%run_scoped3A_56 : memref<!tpu.dma_semaphore, #tpu.memory_space<semaphore_mem>>) src(%arg7 : memref<128x8xf32, #tpu.memory_space<vmem>>) dst(%dma_wait3A_66 : memref<10000x8xf32, #tpu.memory_space<vmem_shared>>)
        tpu.yield
      }) : () -> ()
    } else {
    }
    %gt3A_39 = arith.constant 77 : i32
    %gt3A_40 = arith.cmpi sgt, %select_n3A, %gt3A_39 : i32
    %convert_element_type3A_41 = arith.extui %gt3A_40 : i1 to i32
    %cond3A_42 = arith.constant 0 : i32
    %cond3A_43 = arith.cmpi ne, %convert_element_type3A_41, %cond3A_42 : i32
    scf.if %cond3A_43 {
      %run_scoped3A = arith.constant 77 : i32
      "tpu.region"() ({
        %run_scoped3A_56 = tpu.sem_alloc : memref<!tpu.dma_semaphore, #tpu.memory_space<semaphore_mem>>
        %dma_start3A = arith.constant 0 : i32
        %dma_start3A_57 = tpu.memref_slice %arg6[%run_scoped3A, %dma_start3A] : memref<79x128xi32, #tpu.memory_space<vmem>> -> memref<1x128xi32, #tpu.memory_space<vmem>>
        %dma_start3A_58 = tpu.memref_squeeze %dma_start3A_57 : memref<1x128xi32, #tpu.memory_space<vmem>> -> memref<128xi32, #tpu.memory_space<vmem>>
        %dma_start3A_59 = arith.constant 0 : i32
        %dma_start3A_60 = arith.constant 0 : i32
        %dma_start3A_61 = tpu.memref_slice %arg8[%dma_start3A_59, %dma_start3A_60] : memref<10000x8xf32, #tpu.memory_space<vmem_shared>> -> memref<10000x8xf32, #tpu.memory_space<vmem_shared>>
        tpu.enqueue_indirect_dma source(%arg7 : memref<128x8xf32, #tpu.memory_space<vmem>>) target(%dma_start3A_61 : memref<10000x8xf32, #tpu.memory_space<vmem_shared>>) offsets(%dma_start3A_58 : memref<128xi32, #tpu.memory_space<vmem>>) semaphore(%run_scoped3A_56 : memref<!tpu.dma_semaphore, #tpu.memory_space<semaphore_mem>>) {add = true}
        %dma_wait3A = arith.constant 0 : i32
        %dma_wait3A_62 = tpu.memref_slice %arg6[%run_scoped3A, %dma_wait3A] : memref<79x128xi32, #tpu.memory_space<vmem>> -> memref<1x128xi32, #tpu.memory_space<vmem>>
        %dma_wait3A_63 = tpu.memref_squeeze %dma_wait3A_62 : memref<1x128xi32, #tpu.memory_space<vmem>> -> memref<128xi32, #tpu.memory_space<vmem>>
        %dma_wait3A_64 = arith.constant 0 : i32
        %dma_wait3A_65 = arith.constant 0 : i32
        %dma_wait3A_66 = tpu.memref_slice %arg8[%dma_wait3A_64, %dma_wait3A_65] : memref<10000x8xf32, #tpu.memory_space<vmem_shared>> -> memref<10000x8xf32, #tpu.memory_space<vmem_shared>>
        tpu.wait_indirect_dma semaphore(%run_scoped3A_56 : memref<!tpu.dma_semaphore, #tpu.memory_space<semaphore_mem>>) src(%arg7 : memref<128x8xf32, #tpu.memory_space<vmem>>) dst(%dma_wait3A_66 : memref<10000x8xf32, #tpu.memory_space<vmem_shared>>)
        tpu.yield
      }) : () -> ()
    } else {
    }
    %gt3A_44 = arith.constant 78 : i32
    %gt3A_45 = arith.cmpi sgt, %select_n3A, %gt3A_44 : i32
    %convert_element_type3A_46 = arith.extui %gt3A_45 : i1 to i32
    %cond3A_47 = arith.constant 0 : i32
    %cond3A_48 = arith.cmpi ne, %convert_element_type3A_46, %cond3A_47 : i32
    scf.if %cond3A_48 {
      %run_scoped3A = arith.constant 78 : i32
      "tpu.region"() ({
        %run_scoped3A_56 = tpu.sem_alloc : memref<!tpu.dma_semaphore, #tpu.memory_space<semaphore_mem>>
        %dma_start3A = arith.constant 0 : i32
        %dma_start3A_57 = tpu.memref_slice %arg6[%run_scoped3A, %dma_start3A] : memref<79x128xi32, #tpu.memory_space<vmem>> -> memref<1x128xi32, #tpu.memory_space<vmem>>
        %dma_start3A_58 = tpu.memref_squeeze %dma_start3A_57 : memref<1x128xi32, #tpu.memory_space<vmem>> -> memref<128xi32, #tpu.memory_space<vmem>>
        %dma_start3A_59 = arith.constant 0 : i32
        %dma_start3A_60 = arith.constant 0 : i32
        %dma_start3A_61 = tpu.memref_slice %arg8[%dma_start3A_59, %dma_start3A_60] : memref<10000x8xf32, #tpu.memory_space<vmem_shared>> -> memref<10000x8xf32, #tpu.memory_space<vmem_shared>>
        tpu.enqueue_indirect_dma source(%arg7 : memref<128x8xf32, #tpu.memory_space<vmem>>) target(%dma_start3A_61 : memref<10000x8xf32, #tpu.memory_space<vmem_shared>>) offsets(%dma_start3A_58 : memref<128xi32, #tpu.memory_space<vmem>>) semaphore(%run_scoped3A_56 : memref<!tpu.dma_semaphore, #tpu.memory_space<semaphore_mem>>) {add = true}
        %dma_wait3A = arith.constant 0 : i32
        %dma_wait3A_62 = tpu.memref_slice %arg6[%run_scoped3A, %dma_wait3A] : memref<79x128xi32, #tpu.memory_space<vmem>> -> memref<1x128xi32, #tpu.memory_space<vmem>>
        %dma_wait3A_63 = tpu.memref_squeeze %dma_wait3A_62 : memref<1x128xi32, #tpu.memory_space<vmem>> -> memref<128xi32, #tpu.memory_space<vmem>>
        %dma_wait3A_64 = arith.constant 0 : i32
        %dma_wait3A_65 = arith.constant 0 : i32
        %dma_wait3A_66 = tpu.memref_slice %arg8[%dma_wait3A_64, %dma_wait3A_65] : memref<10000x8xf32, #tpu.memory_space<vmem_shared>> -> memref<10000x8xf32, #tpu.memory_space<vmem_shared>>
        tpu.wait_indirect_dma semaphore(%run_scoped3A_56 : memref<!tpu.dma_semaphore, #tpu.memory_space<semaphore_mem>>) src(%arg7 : memref<128x8xf32, #tpu.memory_space<vmem>>) dst(%dma_wait3A_66 : memref<10000x8xf32, #tpu.memory_space<vmem_shared>>)
        tpu.yield
      }) : () -> ()
    } else {
    }
    %barrier3A_49 = arith.constant 0 : index
    tpu.barrier barrier_id(%barrier3A_49)
    %mul3A_50 = arith.constant 625 : i32
    %mul3A_51 = arith.muli %arg1, %mul3A_50 : i32
    %mul3A_52 = arith.constant 625 : i32
    %mul3A_53 = arith.muli %arg1, %mul3A_52 : i32
    %mul3A_54 = arith.constant 8 : i32
    %mul3A_55 = arith.muli %arg0, %mul3A_54 : i32
    "tpu.region"() ({
      %run_scoped3A = tpu.sem_alloc : memref<!tpu.dma_semaphore, #tpu.memory_space<semaphore_mem>>
      %dma_start3A = tpu.memref_slice %arg5[%mul3A_53, %mul3A_55] : memref<10000x128xf32, #tpu.memory_space<hbm>> -> memref<625x8xf32, #tpu.memory_space<hbm>>
      %dma_start3A_56 = arith.constant 0 : i32
      %dma_start3A_57 = tpu.memref_slice %arg8[%mul3A_51, %dma_start3A_56] : memref<10000x8xf32, #tpu.memory_space<vmem_shared>> -> memref<625x8xf32, #tpu.memory_space<vmem_shared>>
      tpu.enqueue_dma source(%dma_start3A_57 : memref<625x8xf32, #tpu.memory_space<vmem_shared>>) target(%dma_start3A : memref<625x8xf32, #tpu.memory_space<hbm>>) target_semaphore(%run_scoped3A : memref<!tpu.dma_semaphore, #tpu.memory_space<semaphore_mem>>)
      %dma_wait3A = tpu.memref_slice %arg5[%mul3A_53, %mul3A_55] : memref<10000x128xf32, #tpu.memory_space<hbm>> -> memref<625x8xf32, #tpu.memory_space<hbm>>
      %dma_wait3A_58 = arith.constant 0 : i32
      %dma_wait3A_59 = tpu.memref_slice %arg8[%mul3A_51, %dma_wait3A_58] : memref<10000x8xf32, #tpu.memory_space<vmem_shared>> -> memref<625x8xf32, #tpu.memory_space<vmem_shared>>
      tpu.wait_dma2 semaphore(%run_scoped3A : memref<!tpu.dma_semaphore, #tpu.memory_space<semaphore_mem>>) src(%dma_wait3A_59 : memref<625x8xf32, #tpu.memory_space<vmem_shared>>) dst(%dma_wait3A : memref<625x8xf32, #tpu.memory_space<hbm>>)
      tpu.yield
    }) : () -> ()
    return
  }
}

#map = affine_map<(d0, d1) -> (0, 0)>
#map1 = affine_map<(d0, d1) -> (0)>
module attributes {stable_mosaic.version = 14 : i64} {
  func.func @_agg_sc(%arg0: i32, %arg1: i32, %arg2: memref<10000x128xf32, #tpu.memory_space<hbm>>, %arg3: memref<320000xi32, #tpu.memory_space<hbm>>, %arg4: memref<2500x128xi32, #tpu.memory_space<hbm>>, %arg5: memref<10000x128xf32, #tpu.memory_space<hbm>>, %arg6: memref<10000x128xf32, #tpu.memory_space<hbm>>, %arg7: memref<10112xi32, #tpu.memory_space<vmem>>, %arg8: memref<79x128xi32, #tpu.memory_space<vmem>>, %arg9: memref<128x32xf32, #tpu.memory_space<vmem>>, %arg10: memref<128x32xf32, #tpu.memory_space<vmem>>, %arg11: memref<128x32xf32, #tpu.memory_space<vmem>>, %arg12: memref<128x32xf32, #tpu.memory_space<vmem>>, %arg13: memref<128x32xf32, #tpu.memory_space<vmem>>, %arg14: memref<128x32xf32, #tpu.memory_space<vmem>>, %arg15: memref<128x32xf32, #tpu.memory_space<vmem>>, %arg16: memref<128x32xf32, #tpu.memory_space<vmem>>, %arg17: memref<10000x32xf32, #tpu.memory_space<vmem_shared>>, %arg18: memref<10000x32xf32, #tpu.memory_space<vmem_shared>>, %arg19: memref<!tpu.dma_semaphore, #tpu.memory_space<semaphore_mem>>, %arg20: memref<!tpu.dma_semaphore, #tpu.memory_space<semaphore_mem>>, %arg21: memref<!tpu.dma_semaphore, #tpu.memory_space<semaphore_mem>>, %arg22: memref<!tpu.dma_semaphore, #tpu.memory_space<semaphore_mem>>, %arg23: memref<!tpu.dma_semaphore, #tpu.memory_space<semaphore_mem>>, %arg24: memref<!tpu.dma_semaphore, #tpu.memory_space<semaphore_mem>>, %arg25: memref<!tpu.dma_semaphore, #tpu.memory_space<semaphore_mem>>, %arg26: memref<!tpu.dma_semaphore, #tpu.memory_space<semaphore_mem>>) attributes {dimension_semantics = [#tpu.dimension_semantics<core_parallel>, #tpu.dimension_semantics<subcore_parallel>], iteration_bounds = array<i64: 2, 16>, scalar_prefetch = 0 : i64, scratch_operands = 20 : i64, tpu.core_type = #tpu.core_type<sc_vector_subcore>, window_params = [{transform_indices = #map}, {transform_indices = #map1}, {transform_indices = #map}, {transform_indices = #map}, {transform_indices = #map}]} {
    %mul3A = arith.constant 2 : i32
    %mul3A_0 = arith.muli %arg1, %mul3A : i32
    %add3A = arith.addi %mul3A_0, %arg0 : i32
    %mul3A_1 = arith.constant 78 : i32
    %mul3A_2 = arith.muli %add3A, %mul3A_1 : i32
    %sub3A = arith.constant 28 : i32
    %sub3A_3 = arith.subi %add3A, %sub3A : i32
    %max3A = arith.constant 0 : i32
    %max3A_4 = arith.maxsi %sub3A_3, %max3A : i32
    %add3A_5 = arith.addi %mul3A_2, %max3A_4 : i32
    %ge3A = arith.constant 28 : i32
    %ge3A_6 = arith.cmpi sge, %add3A, %ge3A : i32
    %jit3A = arith.constant 79 : i32
    %jit3A_7 = arith.constant 78 : i32
    %select_n3A = arith.select %ge3A_6, %jit3A, %jit3A_7 : i32
    %mul3A_8 = arith.constant 625 : i32
    %mul3A_9 = arith.muli %arg1, %mul3A_8 : i32
    %mul3A_10 = arith.constant 625 : i32
    %mul3A_11 = arith.muli %arg1, %mul3A_10 : i32
    "tpu.region"() ({
      %run_scoped3A = tpu.sem_alloc : memref<!tpu.dma_semaphore, #tpu.memory_space<semaphore_mem>>
      %dma_start3A_176 = arith.constant 0 : i32
      %dma_start3A_177 = tpu.memref_slice %arg18[%mul3A_11, %dma_start3A_176] : memref<10000x32xf32, #tpu.memory_space<vmem_shared>> -> memref<625x32xf32, #tpu.memory_space<vmem_shared>>
      %dma_start3A_178 = arith.constant 0 : i32
      %dma_start3A_179 = tpu.memref_slice %arg5[%mul3A_9, %dma_start3A_178] : memref<10000x128xf32, #tpu.memory_space<hbm>> -> memref<625x32xf32, #tpu.memory_space<hbm>>
      tpu.enqueue_dma source(%dma_start3A_179 : memref<625x32xf32, #tpu.memory_space<hbm>>) target(%dma_start3A_177 : memref<625x32xf32, #tpu.memory_space<vmem_shared>>) target_semaphore(%run_scoped3A : memref<!tpu.dma_semaphore, #tpu.memory_space<semaphore_mem>>)
      %dma_wait3A = arith.constant 0 : i32
      %dma_wait3A_180 = tpu.memref_slice %arg18[%mul3A_11, %dma_wait3A] : memref<10000x32xf32, #tpu.memory_space<vmem_shared>> -> memref<625x32xf32, #tpu.memory_space<vmem_shared>>
      %dma_wait3A_181 = arith.constant 0 : i32
      %dma_wait3A_182 = tpu.memref_slice %arg5[%mul3A_9, %dma_wait3A_181] : memref<10000x128xf32, #tpu.memory_space<hbm>> -> memref<625x32xf32, #tpu.memory_space<hbm>>
      tpu.wait_dma2 semaphore(%run_scoped3A : memref<!tpu.dma_semaphore, #tpu.memory_space<semaphore_mem>>) src(%dma_wait3A_182 : memref<625x32xf32, #tpu.memory_space<hbm>>) dst(%dma_wait3A_180 : memref<625x32xf32, #tpu.memory_space<vmem_shared>>)
      tpu.yield
    }) : () -> ()
    %mul3A_12 = arith.constant 625 : i32
    %mul3A_13 = arith.muli %arg1, %mul3A_12 : i32
    %mul3A_14 = arith.constant 625 : i32
    %mul3A_15 = arith.muli %arg1, %mul3A_14 : i32
    "tpu.region"() ({
      %run_scoped3A = tpu.sem_alloc : memref<!tpu.dma_semaphore, #tpu.memory_space<semaphore_mem>>
      %dma_start3A_176 = arith.constant 0 : i32
      %dma_start3A_177 = tpu.memref_slice %arg17[%mul3A_15, %dma_start3A_176] : memref<10000x32xf32, #tpu.memory_space<vmem_shared>> -> memref<625x32xf32, #tpu.memory_space<vmem_shared>>
      %dma_start3A_178 = arith.constant 0 : i32
      %dma_start3A_179 = tpu.memref_slice %arg2[%mul3A_13, %dma_start3A_178] : memref<10000x128xf32, #tpu.memory_space<hbm>> -> memref<625x32xf32, #tpu.memory_space<hbm>>
      tpu.enqueue_dma source(%dma_start3A_179 : memref<625x32xf32, #tpu.memory_space<hbm>>) target(%dma_start3A_177 : memref<625x32xf32, #tpu.memory_space<vmem_shared>>) target_semaphore(%run_scoped3A : memref<!tpu.dma_semaphore, #tpu.memory_space<semaphore_mem>>)
      %dma_wait3A = arith.constant 0 : i32
      %dma_wait3A_180 = tpu.memref_slice %arg17[%mul3A_15, %dma_wait3A] : memref<10000x32xf32, #tpu.memory_space<vmem_shared>> -> memref<625x32xf32, #tpu.memory_space<vmem_shared>>
      %dma_wait3A_181 = arith.constant 0 : i32
      %dma_wait3A_182 = tpu.memref_slice %arg2[%mul3A_13, %dma_wait3A_181] : memref<10000x128xf32, #tpu.memory_space<hbm>> -> memref<625x32xf32, #tpu.memory_space<hbm>>
      tpu.wait_dma2 semaphore(%run_scoped3A : memref<!tpu.dma_semaphore, #tpu.memory_space<semaphore_mem>>) src(%dma_wait3A_182 : memref<625x32xf32, #tpu.memory_space<hbm>>) dst(%dma_wait3A_180 : memref<625x32xf32, #tpu.memory_space<vmem_shared>>)
      tpu.yield
    }) : () -> ()
    %mul3A_16 = arith.constant 128 : i32
    %mul3A_17 = arith.muli %add3A_5, %mul3A_16 : i32
    "tpu.region"() ({
      %run_scoped3A = tpu.sem_alloc : memref<!tpu.dma_semaphore, #tpu.memory_space<semaphore_mem>>
      %dma_start3A_176 = tpu.memref_slice %arg3[%mul3A_17] : memref<320000xi32, #tpu.memory_space<hbm>> -> memref<10112xi32, #tpu.memory_space<hbm>>
      %dma_start3A_177 = tpu.memref_slice %arg3[%mul3A_17] : memref<320000xi32, #tpu.memory_space<hbm>> -> memref<10112xi32, #tpu.memory_space<hbm>>
      tpu.enqueue_dma source(%dma_start3A_177 : memref<10112xi32, #tpu.memory_space<hbm>>) target(%arg7 : memref<10112xi32, #tpu.memory_space<vmem>>) target_semaphore(%run_scoped3A : memref<!tpu.dma_semaphore, #tpu.memory_space<semaphore_mem>>)
      %dma_wait3A = tpu.memref_slice %arg3[%mul3A_17] : memref<320000xi32, #tpu.memory_space<hbm>> -> memref<10112xi32, #tpu.memory_space<hbm>>
      %dma_wait3A_178 = tpu.memref_slice %arg3[%mul3A_17] : memref<320000xi32, #tpu.memory_space<hbm>> -> memref<10112xi32, #tpu.memory_space<hbm>>
      tpu.wait_dma2 semaphore(%run_scoped3A : memref<!tpu.dma_semaphore, #tpu.memory_space<semaphore_mem>>) src(%dma_wait3A_178 : memref<10112xi32, #tpu.memory_space<hbm>>) dst(%arg7 : memref<10112xi32, #tpu.memory_space<vmem>>)
      tpu.yield
    }) : () -> ()
    "tpu.region"() ({
      %run_scoped3A = tpu.sem_alloc : memref<!tpu.dma_semaphore, #tpu.memory_space<semaphore_mem>>
      %dma_start3A_176 = arith.constant 0 : i32
      %dma_start3A_177 = tpu.memref_slice %arg4[%add3A_5, %dma_start3A_176] : memref<2500x128xi32, #tpu.memory_space<hbm>> -> memref<79x128xi32, #tpu.memory_space<hbm>>
      %dma_start3A_178 = arith.constant 0 : i32
      %dma_start3A_179 = tpu.memref_slice %arg4[%add3A_5, %dma_start3A_178] : memref<2500x128xi32, #tpu.memory_space<hbm>> -> memref<79x128xi32, #tpu.memory_space<hbm>>
      tpu.enqueue_dma source(%dma_start3A_179 : memref<79x128xi32, #tpu.memory_space<hbm>>) target(%arg8 : memref<79x128xi32, #tpu.memory_space<vmem>>) target_semaphore(%run_scoped3A : memref<!tpu.dma_semaphore, #tpu.memory_space<semaphore_mem>>)
      %dma_wait3A = arith.constant 0 : i32
      %dma_wait3A_180 = tpu.memref_slice %arg4[%add3A_5, %dma_wait3A] : memref<2500x128xi32, #tpu.memory_space<hbm>> -> memref<79x128xi32, #tpu.memory_space<hbm>>
      %dma_wait3A_181 = arith.constant 0 : i32
      %dma_wait3A_182 = tpu.memref_slice %arg4[%add3A_5, %dma_wait3A_181] : memref<2500x128xi32, #tpu.memory_space<hbm>> -> memref<79x128xi32, #tpu.memory_space<hbm>>
      tpu.wait_dma2 semaphore(%run_scoped3A : memref<!tpu.dma_semaphore, #tpu.memory_space<semaphore_mem>>) src(%dma_wait3A_182 : memref<79x128xi32, #tpu.memory_space<hbm>>) dst(%arg8 : memref<79x128xi32, #tpu.memory_space<vmem>>)
      tpu.yield
    }) : () -> ()
    %barrier3A = arith.constant 0 : index
    tpu.barrier barrier_id(%barrier3A)
    %dma_start3A = arith.constant 0 : i32
    %dma_start3A_18 = tpu.memref_slice %arg7[%dma_start3A] : memref<10112xi32, #tpu.memory_space<vmem>> -> memref<128xi32, #tpu.memory_space<vmem>>
    %dma_start3A_19 = arith.constant 0 : i32
    %dma_start3A_20 = arith.constant 0 : i32
    %dma_start3A_21 = tpu.memref_slice %arg17[%dma_start3A_19, %dma_start3A_20] : memref<10000x32xf32, #tpu.memory_space<vmem_shared>> -> memref<10000x32xf32, #tpu.memory_space<vmem_shared>>
    tpu.enqueue_indirect_dma source(%dma_start3A_21 : memref<10000x32xf32, #tpu.memory_space<vmem_shared>>) target(%arg9 : memref<128x32xf32, #tpu.memory_space<vmem>>) offsets(%dma_start3A_18 : memref<128xi32, #tpu.memory_space<vmem>>) semaphore(%arg19 : memref<!tpu.dma_semaphore, #tpu.memory_space<semaphore_mem>>)
    %dma_start3A_22 = arith.constant 128 : i32
    %dma_start3A_23 = tpu.memref_slice %arg7[%dma_start3A_22] : memref<10112xi32, #tpu.memory_space<vmem>> -> memref<128xi32, #tpu.memory_space<vmem>>
    %dma_start3A_24 = arith.constant 0 : i32
    %dma_start3A_25 = arith.constant 0 : i32
    %dma_start3A_26 = tpu.memref_slice %arg17[%dma_start3A_24, %dma_start3A_25] : memref<10000x32xf32, #tpu.memory_space<vmem_shared>> -> memref<10000x32xf32, #tpu.memory_space<vmem_shared>>
    tpu.enqueue_indirect_dma source(%dma_start3A_26 : memref<10000x32xf32, #tpu.memory_space<vmem_shared>>) target(%arg10 : memref<128x32xf32, #tpu.memory_space<vmem>>) offsets(%dma_start3A_23 : memref<128xi32, #tpu.memory_space<vmem>>) semaphore(%arg20 : memref<!tpu.dma_semaphore, #tpu.memory_space<semaphore_mem>>)
    %dma_start3A_27 = arith.constant 256 : i32
    %dma_start3A_28 = tpu.memref_slice %arg7[%dma_start3A_27] : memref<10112xi32, #tpu.memory_space<vmem>> -> memref<128xi32, #tpu.memory_space<vmem>>
    %dma_start3A_29 = arith.constant 0 : i32
    %dma_start3A_30 = arith.constant 0 : i32
    %dma_start3A_31 = tpu.memref_slice %arg17[%dma_start3A_29, %dma_start3A_30] : memref<10000x32xf32, #tpu.memory_space<vmem_shared>> -> memref<10000x32xf32, #tpu.memory_space<vmem_shared>>
    tpu.enqueue_indirect_dma source(%dma_start3A_31 : memref<10000x32xf32, #tpu.memory_space<vmem_shared>>) target(%arg11 : memref<128x32xf32, #tpu.memory_space<vmem>>) offsets(%dma_start3A_28 : memref<128xi32, #tpu.memory_space<vmem>>) semaphore(%arg21 : memref<!tpu.dma_semaphore, #tpu.memory_space<semaphore_mem>>)
    %dma_start3A_32 = arith.constant 384 : i32
    %dma_start3A_33 = tpu.memref_slice %arg7[%dma_start3A_32] : memref<10112xi32, #tpu.memory_space<vmem>> -> memref<128xi32, #tpu.memory_space<vmem>>
    %dma_start3A_34 = arith.constant 0 : i32
    %dma_start3A_35 = arith.constant 0 : i32
    %dma_start3A_36 = tpu.memref_slice %arg17[%dma_start3A_34, %dma_start3A_35] : memref<10000x32xf32, #tpu.memory_space<vmem_shared>> -> memref<10000x32xf32, #tpu.memory_space<vmem_shared>>
    tpu.enqueue_indirect_dma source(%dma_start3A_36 : memref<10000x32xf32, #tpu.memory_space<vmem_shared>>) target(%arg12 : memref<128x32xf32, #tpu.memory_space<vmem>>) offsets(%dma_start3A_33 : memref<128xi32, #tpu.memory_space<vmem>>) semaphore(%arg22 : memref<!tpu.dma_semaphore, #tpu.memory_space<semaphore_mem>>)
    %dma_start3A_37 = arith.constant 512 : i32
    %dma_start3A_38 = tpu.memref_slice %arg7[%dma_start3A_37] : memref<10112xi32, #tpu.memory_space<vmem>> -> memref<128xi32, #tpu.memory_space<vmem>>
    %dma_start3A_39 = arith.constant 0 : i32
    %dma_start3A_40 = arith.constant 0 : i32
    %dma_start3A_41 = tpu.memref_slice %arg17[%dma_start3A_39, %dma_start3A_40] : memref<10000x32xf32, #tpu.memory_space<vmem_shared>> -> memref<10000x32xf32, #tpu.memory_space<vmem_shared>>
    tpu.enqueue_indirect_dma source(%dma_start3A_41 : memref<10000x32xf32, #tpu.memory_space<vmem_shared>>) target(%arg13 : memref<128x32xf32, #tpu.memory_space<vmem>>) offsets(%dma_start3A_38 : memref<128xi32, #tpu.memory_space<vmem>>) semaphore(%arg23 : memref<!tpu.dma_semaphore, #tpu.memory_space<semaphore_mem>>)
    %dma_start3A_42 = arith.constant 640 : i32
    %dma_start3A_43 = tpu.memref_slice %arg7[%dma_start3A_42] : memref<10112xi32, #tpu.memory_space<vmem>> -> memref<128xi32, #tpu.memory_space<vmem>>
    %dma_start3A_44 = arith.constant 0 : i32
    %dma_start3A_45 = arith.constant 0 : i32
    %dma_start3A_46 = tpu.memref_slice %arg17[%dma_start3A_44, %dma_start3A_45] : memref<10000x32xf32, #tpu.memory_space<vmem_shared>> -> memref<10000x32xf32, #tpu.memory_space<vmem_shared>>
    tpu.enqueue_indirect_dma source(%dma_start3A_46 : memref<10000x32xf32, #tpu.memory_space<vmem_shared>>) target(%arg14 : memref<128x32xf32, #tpu.memory_space<vmem>>) offsets(%dma_start3A_43 : memref<128xi32, #tpu.memory_space<vmem>>) semaphore(%arg24 : memref<!tpu.dma_semaphore, #tpu.memory_space<semaphore_mem>>)
    %dma_start3A_47 = arith.constant 768 : i32
    %dma_start3A_48 = tpu.memref_slice %arg7[%dma_start3A_47] : memref<10112xi32, #tpu.memory_space<vmem>> -> memref<128xi32, #tpu.memory_space<vmem>>
    %dma_start3A_49 = arith.constant 0 : i32
    %dma_start3A_50 = arith.constant 0 : i32
    %dma_start3A_51 = tpu.memref_slice %arg17[%dma_start3A_49, %dma_start3A_50] : memref<10000x32xf32, #tpu.memory_space<vmem_shared>> -> memref<10000x32xf32, #tpu.memory_space<vmem_shared>>
    tpu.enqueue_indirect_dma source(%dma_start3A_51 : memref<10000x32xf32, #tpu.memory_space<vmem_shared>>) target(%arg15 : memref<128x32xf32, #tpu.memory_space<vmem>>) offsets(%dma_start3A_48 : memref<128xi32, #tpu.memory_space<vmem>>) semaphore(%arg25 : memref<!tpu.dma_semaphore, #tpu.memory_space<semaphore_mem>>)
    %dma_start3A_52 = arith.constant 896 : i32
    %dma_start3A_53 = tpu.memref_slice %arg7[%dma_start3A_52] : memref<10112xi32, #tpu.memory_space<vmem>> -> memref<128xi32, #tpu.memory_space<vmem>>
    %dma_start3A_54 = arith.constant 0 : i32
    %dma_start3A_55 = arith.constant 0 : i32
    %dma_start3A_56 = tpu.memref_slice %arg17[%dma_start3A_54, %dma_start3A_55] : memref<10000x32xf32, #tpu.memory_space<vmem_shared>> -> memref<10000x32xf32, #tpu.memory_space<vmem_shared>>
    tpu.enqueue_indirect_dma source(%dma_start3A_56 : memref<10000x32xf32, #tpu.memory_space<vmem_shared>>) target(%arg16 : memref<128x32xf32, #tpu.memory_space<vmem>>) offsets(%dma_start3A_53 : memref<128xi32, #tpu.memory_space<vmem>>) semaphore(%arg26 : memref<!tpu.dma_semaphore, #tpu.memory_space<semaphore_mem>>)
    %scan3A = arith.constant 0 : i32
    %scan3A_57 = arith.constant 0 : i32
    %scan3A_58 = arith.constant 8 : i32
    %scan3A_59 = arith.addi %scan3A_57, %scan3A_58 : i32
    %scan3A_60 = arith.constant 1 : i32
    scf.for %scan3A_176 = %scan3A_57 to %scan3A_59 step %scan3A_60  : i32 {
      %mul3A_177 = arith.constant 8 : i32
      %mul3A_178 = arith.muli %scan3A_176, %mul3A_177 : i32
      %add3A_179 = arith.constant 0 : i32
      %add3A_180 = arith.addi %mul3A_178, %add3A_179 : i32
      %mul3A_181 = arith.constant 128 : i32
      %mul3A_182 = arith.muli %add3A_180, %mul3A_181 : i32
      %dma_wait3A = tpu.memref_slice %arg7[%mul3A_182] : memref<10112xi32, #tpu.memory_space<vmem>> -> memref<128xi32, #tpu.memory_space<vmem>>
      %dma_wait3A_183 = arith.constant 0 : i32
      %dma_wait3A_184 = arith.constant 0 : i32
      %dma_wait3A_185 = tpu.memref_slice %arg17[%dma_wait3A_183, %dma_wait3A_184] : memref<10000x32xf32, #tpu.memory_space<vmem_shared>> -> memref<10000x32xf32, #tpu.memory_space<vmem_shared>>
      tpu.wait_indirect_dma semaphore(%arg19 : memref<!tpu.dma_semaphore, #tpu.memory_space<semaphore_mem>>) src(%dma_wait3A_185 : memref<10000x32xf32, #tpu.memory_space<vmem_shared>>) dst(%arg9 : memref<128x32xf32, #tpu.memory_space<vmem>>)
      "tpu.region"() ({
        %run_scoped3A = tpu.sem_alloc : memref<!tpu.dma_semaphore, #tpu.memory_space<semaphore_mem>>
        %dma_start3A_320 = arith.constant 0 : i32
        %dma_start3A_321 = tpu.memref_slice %arg8[%add3A_180, %dma_start3A_320] : memref<79x128xi32, #tpu.memory_space<vmem>> -> memref<1x128xi32, #tpu.memory_space<vmem>>
        %dma_start3A_322 = tpu.memref_squeeze %dma_start3A_321 : memref<1x128xi32, #tpu.memory_space<vmem>> -> memref<128xi32, #tpu.memory_space<vmem>>
        %dma_start3A_323 = arith.constant 0 : i32
        %dma_start3A_324 = arith.constant 0 : i32
        %dma_start3A_325 = tpu.memref_slice %arg18[%dma_start3A_323, %dma_start3A_324] : memref<10000x32xf32, #tpu.memory_space<vmem_shared>> -> memref<10000x32xf32, #tpu.memory_space<vmem_shared>>
        tpu.enqueue_indirect_dma source(%arg9 : memref<128x32xf32, #tpu.memory_space<vmem>>) target(%dma_start3A_325 : memref<10000x32xf32, #tpu.memory_space<vmem_shared>>) offsets(%dma_start3A_322 : memref<128xi32, #tpu.memory_space<vmem>>) semaphore(%run_scoped3A : memref<!tpu.dma_semaphore, #tpu.memory_space<semaphore_mem>>) {add = true}
        %dma_wait3A_326 = arith.constant 0 : i32
        %dma_wait3A_327 = tpu.memref_slice %arg8[%add3A_180, %dma_wait3A_326] : memref<79x128xi32, #tpu.memory_space<vmem>> -> memref<1x128xi32, #tpu.memory_space<vmem>>
        %dma_wait3A_328 = tpu.memref_squeeze %dma_wait3A_327 : memref<1x128xi32, #tpu.memory_space<vmem>> -> memref<128xi32, #tpu.memory_space<vmem>>
        %dma_wait3A_329 = arith.constant 0 : i32
        %dma_wait3A_330 = arith.constant 0 : i32
        %dma_wait3A_331 = tpu.memref_slice %arg18[%dma_wait3A_329, %dma_wait3A_330] : memref<10000x32xf32, #tpu.memory_space<vmem_shared>> -> memref<10000x32xf32, #tpu.memory_space<vmem_shared>>
        tpu.wait_indirect_dma semaphore(%run_scoped3A : memref<!tpu.dma_semaphore, #tpu.memory_space<semaphore_mem>>) src(%arg9 : memref<128x32xf32, #tpu.memory_space<vmem>>) dst(%dma_wait3A_331 : memref<10000x32xf32, #tpu.memory_space<vmem_shared>>)
        tpu.yield
      }) : () -> ()
      %add3A_186 = arith.constant 8 : i32
      %add3A_187 = arith.addi %add3A_180, %add3A_186 : i32
      %mul3A_188 = arith.constant 128 : i32
      %mul3A_189 = arith.muli %add3A_187, %mul3A_188 : i32
      %dma_start3A_190 = tpu.memref_slice %arg7[%mul3A_189] : memref<10112xi32, #tpu.memory_space<vmem>> -> memref<128xi32, #tpu.memory_space<vmem>>
      %dma_start3A_191 = arith.constant 0 : i32
      %dma_start3A_192 = arith.constant 0 : i32
      %dma_start3A_193 = tpu.memref_slice %arg17[%dma_start3A_191, %dma_start3A_192] : memref<10000x32xf32, #tpu.memory_space<vmem_shared>> -> memref<10000x32xf32, #tpu.memory_space<vmem_shared>>
      tpu.enqueue_indirect_dma source(%dma_start3A_193 : memref<10000x32xf32, #tpu.memory_space<vmem_shared>>) target(%arg9 : memref<128x32xf32, #tpu.memory_space<vmem>>) offsets(%dma_start3A_190 : memref<128xi32, #tpu.memory_space<vmem>>) semaphore(%arg19 : memref<!tpu.dma_semaphore, #tpu.memory_space<semaphore_mem>>)
      %mul3A_194 = arith.constant 8 : i32
      %mul3A_195 = arith.muli %scan3A_176, %mul3A_194 : i32
      %add3A_196 = arith.constant 1 : i32
      %add3A_197 = arith.addi %mul3A_195, %add3A_196 : i32
      %mul3A_198 = arith.constant 128 : i32
      %mul3A_199 = arith.muli %add3A_197, %mul3A_198 : i32
      %dma_wait3A_200 = tpu.memref_slice %arg7[%mul3A_199] : memref<10112xi32, #tpu.memory_space<vmem>> -> memref<128xi32, #tpu.memory_space<vmem>>
      %dma_wait3A_201 = arith.constant 0 : i32
      %dma_wait3A_202 = arith.constant 0 : i32
      %dma_wait3A_203 = tpu.memref_slice %arg17[%dma_wait3A_201, %dma_wait3A_202] : memref<10000x32xf32, #tpu.memory_space<vmem_shared>> -> memref<10000x32xf32, #tpu.memory_space<vmem_shared>>
      tpu.wait_indirect_dma semaphore(%arg20 : memref<!tpu.dma_semaphore, #tpu.memory_space<semaphore_mem>>) src(%dma_wait3A_203 : memref<10000x32xf32, #tpu.memory_space<vmem_shared>>) dst(%arg10 : memref<128x32xf32, #tpu.memory_space<vmem>>)
      "tpu.region"() ({
        %run_scoped3A = tpu.sem_alloc : memref<!tpu.dma_semaphore, #tpu.memory_space<semaphore_mem>>
        %dma_start3A_320 = arith.constant 0 : i32
        %dma_start3A_321 = tpu.memref_slice %arg8[%add3A_197, %dma_start3A_320] : memref<79x128xi32, #tpu.memory_space<vmem>> -> memref<1x128xi32, #tpu.memory_space<vmem>>
        %dma_start3A_322 = tpu.memref_squeeze %dma_start3A_321 : memref<1x128xi32, #tpu.memory_space<vmem>> -> memref<128xi32, #tpu.memory_space<vmem>>
        %dma_start3A_323 = arith.constant 0 : i32
        %dma_start3A_324 = arith.constant 0 : i32
        %dma_start3A_325 = tpu.memref_slice %arg18[%dma_start3A_323, %dma_start3A_324] : memref<10000x32xf32, #tpu.memory_space<vmem_shared>> -> memref<10000x32xf32, #tpu.memory_space<vmem_shared>>
        tpu.enqueue_indirect_dma source(%arg10 : memref<128x32xf32, #tpu.memory_space<vmem>>) target(%dma_start3A_325 : memref<10000x32xf32, #tpu.memory_space<vmem_shared>>) offsets(%dma_start3A_322 : memref<128xi32, #tpu.memory_space<vmem>>) semaphore(%run_scoped3A : memref<!tpu.dma_semaphore, #tpu.memory_space<semaphore_mem>>) {add = true}
        %dma_wait3A_326 = arith.constant 0 : i32
        %dma_wait3A_327 = tpu.memref_slice %arg8[%add3A_197, %dma_wait3A_326] : memref<79x128xi32, #tpu.memory_space<vmem>> -> memref<1x128xi32, #tpu.memory_space<vmem>>
        %dma_wait3A_328 = tpu.memref_squeeze %dma_wait3A_327 : memref<1x128xi32, #tpu.memory_space<vmem>> -> memref<128xi32, #tpu.memory_space<vmem>>
        %dma_wait3A_329 = arith.constant 0 : i32
        %dma_wait3A_330 = arith.constant 0 : i32
        %dma_wait3A_331 = tpu.memref_slice %arg18[%dma_wait3A_329, %dma_wait3A_330] : memref<10000x32xf32, #tpu.memory_space<vmem_shared>> -> memref<10000x32xf32, #tpu.memory_space<vmem_shared>>
        tpu.wait_indirect_dma semaphore(%run_scoped3A : memref<!tpu.dma_semaphore, #tpu.memory_space<semaphore_mem>>) src(%arg10 : memref<128x32xf32, #tpu.memory_space<vmem>>) dst(%dma_wait3A_331 : memref<10000x32xf32, #tpu.memory_space<vmem_shared>>)
        tpu.yield
      }) : () -> ()
      %add3A_204 = arith.constant 8 : i32
      %add3A_205 = arith.addi %add3A_197, %add3A_204 : i32
      %mul3A_206 = arith.constant 128 : i32
      %mul3A_207 = arith.muli %add3A_205, %mul3A_206 : i32
      %dma_start3A_208 = tpu.memref_slice %arg7[%mul3A_207] : memref<10112xi32, #tpu.memory_space<vmem>> -> memref<128xi32, #tpu.memory_space<vmem>>
      %dma_start3A_209 = arith.constant 0 : i32
      %dma_start3A_210 = arith.constant 0 : i32
      %dma_start3A_211 = tpu.memref_slice %arg17[%dma_start3A_209, %dma_start3A_210] : memref<10000x32xf32, #tpu.memory_space<vmem_shared>> -> memref<10000x32xf32, #tpu.memory_space<vmem_shared>>
      tpu.enqueue_indirect_dma source(%dma_start3A_211 : memref<10000x32xf32, #tpu.memory_space<vmem_shared>>) target(%arg10 : memref<128x32xf32, #tpu.memory_space<vmem>>) offsets(%dma_start3A_208 : memref<128xi32, #tpu.memory_space<vmem>>) semaphore(%arg20 : memref<!tpu.dma_semaphore, #tpu.memory_space<semaphore_mem>>)
      %mul3A_212 = arith.constant 8 : i32
      %mul3A_213 = arith.muli %scan3A_176, %mul3A_212 : i32
      %add3A_214 = arith.constant 2 : i32
      %add3A_215 = arith.addi %mul3A_213, %add3A_214 : i32
      %mul3A_216 = arith.constant 128 : i32
      %mul3A_217 = arith.muli %add3A_215, %mul3A_216 : i32
      %dma_wait3A_218 = tpu.memref_slice %arg7[%mul3A_217] : memref<10112xi32, #tpu.memory_space<vmem>> -> memref<128xi32, #tpu.memory_space<vmem>>
      %dma_wait3A_219 = arith.constant 0 : i32
      %dma_wait3A_220 = arith.constant 0 : i32
      %dma_wait3A_221 = tpu.memref_slice %arg17[%dma_wait3A_219, %dma_wait3A_220] : memref<10000x32xf32, #tpu.memory_space<vmem_shared>> -> memref<10000x32xf32, #tpu.memory_space<vmem_shared>>
      tpu.wait_indirect_dma semaphore(%arg21 : memref<!tpu.dma_semaphore, #tpu.memory_space<semaphore_mem>>) src(%dma_wait3A_221 : memref<10000x32xf32, #tpu.memory_space<vmem_shared>>) dst(%arg11 : memref<128x32xf32, #tpu.memory_space<vmem>>)
      "tpu.region"() ({
        %run_scoped3A = tpu.sem_alloc : memref<!tpu.dma_semaphore, #tpu.memory_space<semaphore_mem>>
        %dma_start3A_320 = arith.constant 0 : i32
        %dma_start3A_321 = tpu.memref_slice %arg8[%add3A_215, %dma_start3A_320] : memref<79x128xi32, #tpu.memory_space<vmem>> -> memref<1x128xi32, #tpu.memory_space<vmem>>
        %dma_start3A_322 = tpu.memref_squeeze %dma_start3A_321 : memref<1x128xi32, #tpu.memory_space<vmem>> -> memref<128xi32, #tpu.memory_space<vmem>>
        %dma_start3A_323 = arith.constant 0 : i32
        %dma_start3A_324 = arith.constant 0 : i32
        %dma_start3A_325 = tpu.memref_slice %arg18[%dma_start3A_323, %dma_start3A_324] : memref<10000x32xf32, #tpu.memory_space<vmem_shared>> -> memref<10000x32xf32, #tpu.memory_space<vmem_shared>>
        tpu.enqueue_indirect_dma source(%arg11 : memref<128x32xf32, #tpu.memory_space<vmem>>) target(%dma_start3A_325 : memref<10000x32xf32, #tpu.memory_space<vmem_shared>>) offsets(%dma_start3A_322 : memref<128xi32, #tpu.memory_space<vmem>>) semaphore(%run_scoped3A : memref<!tpu.dma_semaphore, #tpu.memory_space<semaphore_mem>>) {add = true}
        %dma_wait3A_326 = arith.constant 0 : i32
        %dma_wait3A_327 = tpu.memref_slice %arg8[%add3A_215, %dma_wait3A_326] : memref<79x128xi32, #tpu.memory_space<vmem>> -> memref<1x128xi32, #tpu.memory_space<vmem>>
        %dma_wait3A_328 = tpu.memref_squeeze %dma_wait3A_327 : memref<1x128xi32, #tpu.memory_space<vmem>> -> memref<128xi32, #tpu.memory_space<vmem>>
        %dma_wait3A_329 = arith.constant 0 : i32
        %dma_wait3A_330 = arith.constant 0 : i32
        %dma_wait3A_331 = tpu.memref_slice %arg18[%dma_wait3A_329, %dma_wait3A_330] : memref<10000x32xf32, #tpu.memory_space<vmem_shared>> -> memref<10000x32xf32, #tpu.memory_space<vmem_shared>>
        tpu.wait_indirect_dma semaphore(%run_scoped3A : memref<!tpu.dma_semaphore, #tpu.memory_space<semaphore_mem>>) src(%arg11 : memref<128x32xf32, #tpu.memory_space<vmem>>) dst(%dma_wait3A_331 : memref<10000x32xf32, #tpu.memory_space<vmem_shared>>)
        tpu.yield
      }) : () -> ()
      %add3A_222 = arith.constant 8 : i32
      %add3A_223 = arith.addi %add3A_215, %add3A_222 : i32
      %mul3A_224 = arith.constant 128 : i32
      %mul3A_225 = arith.muli %add3A_223, %mul3A_224 : i32
      %dma_start3A_226 = tpu.memref_slice %arg7[%mul3A_225] : memref<10112xi32, #tpu.memory_space<vmem>> -> memref<128xi32, #tpu.memory_space<vmem>>
      %dma_start3A_227 = arith.constant 0 : i32
      %dma_start3A_228 = arith.constant 0 : i32
      %dma_start3A_229 = tpu.memref_slice %arg17[%dma_start3A_227, %dma_start3A_228] : memref<10000x32xf32, #tpu.memory_space<vmem_shared>> -> memref<10000x32xf32, #tpu.memory_space<vmem_shared>>
      tpu.enqueue_indirect_dma source(%dma_start3A_229 : memref<10000x32xf32, #tpu.memory_space<vmem_shared>>) target(%arg11 : memref<128x32xf32, #tpu.memory_space<vmem>>) offsets(%dma_start3A_226 : memref<128xi32, #tpu.memory_space<vmem>>) semaphore(%arg21 : memref<!tpu.dma_semaphore, #tpu.memory_space<semaphore_mem>>)
      %mul3A_230 = arith.constant 8 : i32
      %mul3A_231 = arith.muli %scan3A_176, %mul3A_230 : i32
      %add3A_232 = arith.constant 3 : i32
      %add3A_233 = arith.addi %mul3A_231, %add3A_232 : i32
      %mul3A_234 = arith.constant 128 : i32
      %mul3A_235 = arith.muli %add3A_233, %mul3A_234 : i32
      %dma_wait3A_236 = tpu.memref_slice %arg7[%mul3A_235] : memref<10112xi32, #tpu.memory_space<vmem>> -> memref<128xi32, #tpu.memory_space<vmem>>
      %dma_wait3A_237 = arith.constant 0 : i32
      %dma_wait3A_238 = arith.constant 0 : i32
      %dma_wait3A_239 = tpu.memref_slice %arg17[%dma_wait3A_237, %dma_wait3A_238] : memref<10000x32xf32, #tpu.memory_space<vmem_shared>> -> memref<10000x32xf32, #tpu.memory_space<vmem_shared>>
      tpu.wait_indirect_dma semaphore(%arg22 : memref<!tpu.dma_semaphore, #tpu.memory_space<semaphore_mem>>) src(%dma_wait3A_239 : memref<10000x32xf32, #tpu.memory_space<vmem_shared>>) dst(%arg12 : memref<128x32xf32, #tpu.memory_space<vmem>>)
      "tpu.region"() ({
        %run_scoped3A = tpu.sem_alloc : memref<!tpu.dma_semaphore, #tpu.memory_space<semaphore_mem>>
        %dma_start3A_320 = arith.constant 0 : i32
        %dma_start3A_321 = tpu.memref_slice %arg8[%add3A_233, %dma_start3A_320] : memref<79x128xi32, #tpu.memory_space<vmem>> -> memref<1x128xi32, #tpu.memory_space<vmem>>
        %dma_start3A_322 = tpu.memref_squeeze %dma_start3A_321 : memref<1x128xi32, #tpu.memory_space<vmem>> -> memref<128xi32, #tpu.memory_space<vmem>>
        %dma_start3A_323 = arith.constant 0 : i32
        %dma_start3A_324 = arith.constant 0 : i32
        %dma_start3A_325 = tpu.memref_slice %arg18[%dma_start3A_323, %dma_start3A_324] : memref<10000x32xf32, #tpu.memory_space<vmem_shared>> -> memref<10000x32xf32, #tpu.memory_space<vmem_shared>>
        tpu.enqueue_indirect_dma source(%arg12 : memref<128x32xf32, #tpu.memory_space<vmem>>) target(%dma_start3A_325 : memref<10000x32xf32, #tpu.memory_space<vmem_shared>>) offsets(%dma_start3A_322 : memref<128xi32, #tpu.memory_space<vmem>>) semaphore(%run_scoped3A : memref<!tpu.dma_semaphore, #tpu.memory_space<semaphore_mem>>) {add = true}
        %dma_wait3A_326 = arith.constant 0 : i32
        %dma_wait3A_327 = tpu.memref_slice %arg8[%add3A_233, %dma_wait3A_326] : memref<79x128xi32, #tpu.memory_space<vmem>> -> memref<1x128xi32, #tpu.memory_space<vmem>>
        %dma_wait3A_328 = tpu.memref_squeeze %dma_wait3A_327 : memref<1x128xi32, #tpu.memory_space<vmem>> -> memref<128xi32, #tpu.memory_space<vmem>>
        %dma_wait3A_329 = arith.constant 0 : i32
        %dma_wait3A_330 = arith.constant 0 : i32
        %dma_wait3A_331 = tpu.memref_slice %arg18[%dma_wait3A_329, %dma_wait3A_330] : memref<10000x32xf32, #tpu.memory_space<vmem_shared>> -> memref<10000x32xf32, #tpu.memory_space<vmem_shared>>
        tpu.wait_indirect_dma semaphore(%run_scoped3A : memref<!tpu.dma_semaphore, #tpu.memory_space<semaphore_mem>>) src(%arg12 : memref<128x32xf32, #tpu.memory_space<vmem>>) dst(%dma_wait3A_331 : memref<10000x32xf32, #tpu.memory_space<vmem_shared>>)
        tpu.yield
      }) : () -> ()
      %add3A_240 = arith.constant 8 : i32
      %add3A_241 = arith.addi %add3A_233, %add3A_240 : i32
      %mul3A_242 = arith.constant 128 : i32
      %mul3A_243 = arith.muli %add3A_241, %mul3A_242 : i32
      %dma_start3A_244 = tpu.memref_slice %arg7[%mul3A_243] : memref<10112xi32, #tpu.memory_space<vmem>> -> memref<128xi32, #tpu.memory_space<vmem>>
      %dma_start3A_245 = arith.constant 0 : i32
      %dma_start3A_246 = arith.constant 0 : i32
      %dma_start3A_247 = tpu.memref_slice %arg17[%dma_start3A_245, %dma_start3A_246] : memref<10000x32xf32, #tpu.memory_space<vmem_shared>> -> memref<10000x32xf32, #tpu.memory_space<vmem_shared>>
      tpu.enqueue_indirect_dma source(%dma_start3A_247 : memref<10000x32xf32, #tpu.memory_space<vmem_shared>>) target(%arg12 : memref<128x32xf32, #tpu.memory_space<vmem>>) offsets(%dma_start3A_244 : memref<128xi32, #tpu.memory_space<vmem>>) semaphore(%arg22 : memref<!tpu.dma_semaphore, #tpu.memory_space<semaphore_mem>>)
      %mul3A_248 = arith.constant 8 : i32
      %mul3A_249 = arith.muli %scan3A_176, %mul3A_248 : i32
      %add3A_250 = arith.constant 4 : i32
      %add3A_251 = arith.addi %mul3A_249, %add3A_250 : i32
      %mul3A_252 = arith.constant 128 : i32
      %mul3A_253 = arith.muli %add3A_251, %mul3A_252 : i32
      %dma_wait3A_254 = tpu.memref_slice %arg7[%mul3A_253] : memref<10112xi32, #tpu.memory_space<vmem>> -> memref<128xi32, #tpu.memory_space<vmem>>
      %dma_wait3A_255 = arith.constant 0 : i32
      %dma_wait3A_256 = arith.constant 0 : i32
      %dma_wait3A_257 = tpu.memref_slice %arg17[%dma_wait3A_255, %dma_wait3A_256] : memref<10000x32xf32, #tpu.memory_space<vmem_shared>> -> memref<10000x32xf32, #tpu.memory_space<vmem_shared>>
      tpu.wait_indirect_dma semaphore(%arg23 : memref<!tpu.dma_semaphore, #tpu.memory_space<semaphore_mem>>) src(%dma_wait3A_257 : memref<10000x32xf32, #tpu.memory_space<vmem_shared>>) dst(%arg13 : memref<128x32xf32, #tpu.memory_space<vmem>>)
      "tpu.region"() ({
        %run_scoped3A = tpu.sem_alloc : memref<!tpu.dma_semaphore, #tpu.memory_space<semaphore_mem>>
        %dma_start3A_320 = arith.constant 0 : i32
        %dma_start3A_321 = tpu.memref_slice %arg8[%add3A_251, %dma_start3A_320] : memref<79x128xi32, #tpu.memory_space<vmem>> -> memref<1x128xi32, #tpu.memory_space<vmem>>
        %dma_start3A_322 = tpu.memref_squeeze %dma_start3A_321 : memref<1x128xi32, #tpu.memory_space<vmem>> -> memref<128xi32, #tpu.memory_space<vmem>>
        %dma_start3A_323 = arith.constant 0 : i32
        %dma_start3A_324 = arith.constant 0 : i32
        %dma_start3A_325 = tpu.memref_slice %arg18[%dma_start3A_323, %dma_start3A_324] : memref<10000x32xf32, #tpu.memory_space<vmem_shared>> -> memref<10000x32xf32, #tpu.memory_space<vmem_shared>>
        tpu.enqueue_indirect_dma source(%arg13 : memref<128x32xf32, #tpu.memory_space<vmem>>) target(%dma_start3A_325 : memref<10000x32xf32, #tpu.memory_space<vmem_shared>>) offsets(%dma_start3A_322 : memref<128xi32, #tpu.memory_space<vmem>>) semaphore(%run_scoped3A : memref<!tpu.dma_semaphore, #tpu.memory_space<semaphore_mem>>) {add = true}
        %dma_wait3A_326 = arith.constant 0 : i32
        %dma_wait3A_327 = tpu.memref_slice %arg8[%add3A_251, %dma_wait3A_326] : memref<79x128xi32, #tpu.memory_space<vmem>> -> memref<1x128xi32, #tpu.memory_space<vmem>>
        %dma_wait3A_328 = tpu.memref_squeeze %dma_wait3A_327 : memref<1x128xi32, #tpu.memory_space<vmem>> -> memref<128xi32, #tpu.memory_space<vmem>>
        %dma_wait3A_329 = arith.constant 0 : i32
        %dma_wait3A_330 = arith.constant 0 : i32
        %dma_wait3A_331 = tpu.memref_slice %arg18[%dma_wait3A_329, %dma_wait3A_330] : memref<10000x32xf32, #tpu.memory_space<vmem_shared>> -> memref<10000x32xf32, #tpu.memory_space<vmem_shared>>
        tpu.wait_indirect_dma semaphore(%run_scoped3A : memref<!tpu.dma_semaphore, #tpu.memory_space<semaphore_mem>>) src(%arg13 : memref<128x32xf32, #tpu.memory_space<vmem>>) dst(%dma_wait3A_331 : memref<10000x32xf32, #tpu.memory_space<vmem_shared>>)
        tpu.yield
      }) : () -> ()
      %add3A_258 = arith.constant 8 : i32
      %add3A_259 = arith.addi %add3A_251, %add3A_258 : i32
      %mul3A_260 = arith.constant 128 : i32
      %mul3A_261 = arith.muli %add3A_259, %mul3A_260 : i32
      %dma_start3A_262 = tpu.memref_slice %arg7[%mul3A_261] : memref<10112xi32, #tpu.memory_space<vmem>> -> memref<128xi32, #tpu.memory_space<vmem>>
      %dma_start3A_263 = arith.constant 0 : i32
      %dma_start3A_264 = arith.constant 0 : i32
      %dma_start3A_265 = tpu.memref_slice %arg17[%dma_start3A_263, %dma_start3A_264] : memref<10000x32xf32, #tpu.memory_space<vmem_shared>> -> memref<10000x32xf32, #tpu.memory_space<vmem_shared>>
      tpu.enqueue_indirect_dma source(%dma_start3A_265 : memref<10000x32xf32, #tpu.memory_space<vmem_shared>>) target(%arg13 : memref<128x32xf32, #tpu.memory_space<vmem>>) offsets(%dma_start3A_262 : memref<128xi32, #tpu.memory_space<vmem>>) semaphore(%arg23 : memref<!tpu.dma_semaphore, #tpu.memory_space<semaphore_mem>>)
      %mul3A_266 = arith.constant 8 : i32
      %mul3A_267 = arith.muli %scan3A_176, %mul3A_266 : i32
      %add3A_268 = arith.constant 5 : i32
      %add3A_269 = arith.addi %mul3A_267, %add3A_268 : i32
      %mul3A_270 = arith.constant 128 : i32
      %mul3A_271 = arith.muli %add3A_269, %mul3A_270 : i32
      %dma_wait3A_272 = tpu.memref_slice %arg7[%mul3A_271] : memref<10112xi32, #tpu.memory_space<vmem>> -> memref<128xi32, #tpu.memory_space<vmem>>
      %dma_wait3A_273 = arith.constant 0 : i32
      %dma_wait3A_274 = arith.constant 0 : i32
      %dma_wait3A_275 = tpu.memref_slice %arg17[%dma_wait3A_273, %dma_wait3A_274] : memref<10000x32xf32, #tpu.memory_space<vmem_shared>> -> memref<10000x32xf32, #tpu.memory_space<vmem_shared>>
      tpu.wait_indirect_dma semaphore(%arg24 : memref<!tpu.dma_semaphore, #tpu.memory_space<semaphore_mem>>) src(%dma_wait3A_275 : memref<10000x32xf32, #tpu.memory_space<vmem_shared>>) dst(%arg14 : memref<128x32xf32, #tpu.memory_space<vmem>>)
      "tpu.region"() ({
        %run_scoped3A = tpu.sem_alloc : memref<!tpu.dma_semaphore, #tpu.memory_space<semaphore_mem>>
        %dma_start3A_320 = arith.constant 0 : i32
        %dma_start3A_321 = tpu.memref_slice %arg8[%add3A_269, %dma_start3A_320] : memref<79x128xi32, #tpu.memory_space<vmem>> -> memref<1x128xi32, #tpu.memory_space<vmem>>
        %dma_start3A_322 = tpu.memref_squeeze %dma_start3A_321 : memref<1x128xi32, #tpu.memory_space<vmem>> -> memref<128xi32, #tpu.memory_space<vmem>>
        %dma_start3A_323 = arith.constant 0 : i32
        %dma_start3A_324 = arith.constant 0 : i32
        %dma_start3A_325 = tpu.memref_slice %arg18[%dma_start3A_323, %dma_start3A_324] : memref<10000x32xf32, #tpu.memory_space<vmem_shared>> -> memref<10000x32xf32, #tpu.memory_space<vmem_shared>>
        tpu.enqueue_indirect_dma source(%arg14 : memref<128x32xf32, #tpu.memory_space<vmem>>) target(%dma_start3A_325 : memref<10000x32xf32, #tpu.memory_space<vmem_shared>>) offsets(%dma_start3A_322 : memref<128xi32, #tpu.memory_space<vmem>>) semaphore(%run_scoped3A : memref<!tpu.dma_semaphore, #tpu.memory_space<semaphore_mem>>) {add = true}
        %dma_wait3A_326 = arith.constant 0 : i32
        %dma_wait3A_327 = tpu.memref_slice %arg8[%add3A_269, %dma_wait3A_326] : memref<79x128xi32, #tpu.memory_space<vmem>> -> memref<1x128xi32, #tpu.memory_space<vmem>>
        %dma_wait3A_328 = tpu.memref_squeeze %dma_wait3A_327 : memref<1x128xi32, #tpu.memory_space<vmem>> -> memref<128xi32, #tpu.memory_space<vmem>>
        %dma_wait3A_329 = arith.constant 0 : i32
        %dma_wait3A_330 = arith.constant 0 : i32
        %dma_wait3A_331 = tpu.memref_slice %arg18[%dma_wait3A_329, %dma_wait3A_330] : memref<10000x32xf32, #tpu.memory_space<vmem_shared>> -> memref<10000x32xf32, #tpu.memory_space<vmem_shared>>
        tpu.wait_indirect_dma semaphore(%run_scoped3A : memref<!tpu.dma_semaphore, #tpu.memory_space<semaphore_mem>>) src(%arg14 : memref<128x32xf32, #tpu.memory_space<vmem>>) dst(%dma_wait3A_331 : memref<10000x32xf32, #tpu.memory_space<vmem_shared>>)
        tpu.yield
      }) : () -> ()
      %add3A_276 = arith.constant 8 : i32
      %add3A_277 = arith.addi %add3A_269, %add3A_276 : i32
      %mul3A_278 = arith.constant 128 : i32
      %mul3A_279 = arith.muli %add3A_277, %mul3A_278 : i32
      %dma_start3A_280 = tpu.memref_slice %arg7[%mul3A_279] : memref<10112xi32, #tpu.memory_space<vmem>> -> memref<128xi32, #tpu.memory_space<vmem>>
      %dma_start3A_281 = arith.constant 0 : i32
      %dma_start3A_282 = arith.constant 0 : i32
      %dma_start3A_283 = tpu.memref_slice %arg17[%dma_start3A_281, %dma_start3A_282] : memref<10000x32xf32, #tpu.memory_space<vmem_shared>> -> memref<10000x32xf32, #tpu.memory_space<vmem_shared>>
      tpu.enqueue_indirect_dma source(%dma_start3A_283 : memref<10000x32xf32, #tpu.memory_space<vmem_shared>>) target(%arg14 : memref<128x32xf32, #tpu.memory_space<vmem>>) offsets(%dma_start3A_280 : memref<128xi32, #tpu.memory_space<vmem>>) semaphore(%arg24 : memref<!tpu.dma_semaphore, #tpu.memory_space<semaphore_mem>>)
      %mul3A_284 = arith.constant 8 : i32
      %mul3A_285 = arith.muli %scan3A_176, %mul3A_284 : i32
      %add3A_286 = arith.constant 6 : i32
      %add3A_287 = arith.addi %mul3A_285, %add3A_286 : i32
      %mul3A_288 = arith.constant 128 : i32
      %mul3A_289 = arith.muli %add3A_287, %mul3A_288 : i32
      %dma_wait3A_290 = tpu.memref_slice %arg7[%mul3A_289] : memref<10112xi32, #tpu.memory_space<vmem>> -> memref<128xi32, #tpu.memory_space<vmem>>
      %dma_wait3A_291 = arith.constant 0 : i32
      %dma_wait3A_292 = arith.constant 0 : i32
      %dma_wait3A_293 = tpu.memref_slice %arg17[%dma_wait3A_291, %dma_wait3A_292] : memref<10000x32xf32, #tpu.memory_space<vmem_shared>> -> memref<10000x32xf32, #tpu.memory_space<vmem_shared>>
      tpu.wait_indirect_dma semaphore(%arg25 : memref<!tpu.dma_semaphore, #tpu.memory_space<semaphore_mem>>) src(%dma_wait3A_293 : memref<10000x32xf32, #tpu.memory_space<vmem_shared>>) dst(%arg15 : memref<128x32xf32, #tpu.memory_space<vmem>>)
      "tpu.region"() ({
        %run_scoped3A = tpu.sem_alloc : memref<!tpu.dma_semaphore, #tpu.memory_space<semaphore_mem>>
        %dma_start3A_320 = arith.constant 0 : i32
        %dma_start3A_321 = tpu.memref_slice %arg8[%add3A_287, %dma_start3A_320] : memref<79x128xi32, #tpu.memory_space<vmem>> -> memref<1x128xi32, #tpu.memory_space<vmem>>
        %dma_start3A_322 = tpu.memref_squeeze %dma_start3A_321 : memref<1x128xi32, #tpu.memory_space<vmem>> -> memref<128xi32, #tpu.memory_space<vmem>>
        %dma_start3A_323 = arith.constant 0 : i32
        %dma_start3A_324 = arith.constant 0 : i32
        %dma_start3A_325 = tpu.memref_slice %arg18[%dma_start3A_323, %dma_start3A_324] : memref<10000x32xf32, #tpu.memory_space<vmem_shared>> -> memref<10000x32xf32, #tpu.memory_space<vmem_shared>>
        tpu.enqueue_indirect_dma source(%arg15 : memref<128x32xf32, #tpu.memory_space<vmem>>) target(%dma_start3A_325 : memref<10000x32xf32, #tpu.memory_space<vmem_shared>>) offsets(%dma_start3A_322 : memref<128xi32, #tpu.memory_space<vmem>>) semaphore(%run_scoped3A : memref<!tpu.dma_semaphore, #tpu.memory_space<semaphore_mem>>) {add = true}
        %dma_wait3A_326 = arith.constant 0 : i32
        %dma_wait3A_327 = tpu.memref_slice %arg8[%add3A_287, %dma_wait3A_326] : memref<79x128xi32, #tpu.memory_space<vmem>> -> memref<1x128xi32, #tpu.memory_space<vmem>>
        %dma_wait3A_328 = tpu.memref_squeeze %dma_wait3A_327 : memref<1x128xi32, #tpu.memory_space<vmem>> -> memref<128xi32, #tpu.memory_space<vmem>>
        %dma_wait3A_329 = arith.constant 0 : i32
        %dma_wait3A_330 = arith.constant 0 : i32
        %dma_wait3A_331 = tpu.memref_slice %arg18[%dma_wait3A_329, %dma_wait3A_330] : memref<10000x32xf32, #tpu.memory_space<vmem_shared>> -> memref<10000x32xf32, #tpu.memory_space<vmem_shared>>
        tpu.wait_indirect_dma semaphore(%run_scoped3A : memref<!tpu.dma_semaphore, #tpu.memory_space<semaphore_mem>>) src(%arg15 : memref<128x32xf32, #tpu.memory_space<vmem>>) dst(%dma_wait3A_331 : memref<10000x32xf32, #tpu.memory_space<vmem_shared>>)
        tpu.yield
      }) : () -> ()
      %add3A_294 = arith.constant 8 : i32
      %add3A_295 = arith.addi %add3A_287, %add3A_294 : i32
      %mul3A_296 = arith.constant 128 : i32
      %mul3A_297 = arith.muli %add3A_295, %mul3A_296 : i32
      %dma_start3A_298 = tpu.memref_slice %arg7[%mul3A_297] : memref<10112xi32, #tpu.memory_space<vmem>> -> memref<128xi32, #tpu.memory_space<vmem>>
      %dma_start3A_299 = arith.constant 0 : i32
      %dma_start3A_300 = arith.constant 0 : i32
      %dma_start3A_301 = tpu.memref_slice %arg17[%dma_start3A_299, %dma_start3A_300] : memref<10000x32xf32, #tpu.memory_space<vmem_shared>> -> memref<10000x32xf32, #tpu.memory_space<vmem_shared>>
      tpu.enqueue_indirect_dma source(%dma_start3A_301 : memref<10000x32xf32, #tpu.memory_space<vmem_shared>>) target(%arg15 : memref<128x32xf32, #tpu.memory_space<vmem>>) offsets(%dma_start3A_298 : memref<128xi32, #tpu.memory_space<vmem>>) semaphore(%arg25 : memref<!tpu.dma_semaphore, #tpu.memory_space<semaphore_mem>>)
      %mul3A_302 = arith.constant 8 : i32
      %mul3A_303 = arith.muli %scan3A_176, %mul3A_302 : i32
      %add3A_304 = arith.constant 7 : i32
      %add3A_305 = arith.addi %mul3A_303, %add3A_304 : i32
      %mul3A_306 = arith.constant 128 : i32
      %mul3A_307 = arith.muli %add3A_305, %mul3A_306 : i32
      %dma_wait3A_308 = tpu.memref_slice %arg7[%mul3A_307] : memref<10112xi32, #tpu.memory_space<vmem>> -> memref<128xi32, #tpu.memory_space<vmem>>
      %dma_wait3A_309 = arith.constant 0 : i32
      %dma_wait3A_310 = arith.constant 0 : i32
      %dma_wait3A_311 = tpu.memref_slice %arg17[%dma_wait3A_309, %dma_wait3A_310] : memref<10000x32xf32, #tpu.memory_space<vmem_shared>> -> memref<10000x32xf32, #tpu.memory_space<vmem_shared>>
      tpu.wait_indirect_dma semaphore(%arg26 : memref<!tpu.dma_semaphore, #tpu.memory_space<semaphore_mem>>) src(%dma_wait3A_311 : memref<10000x32xf32, #tpu.memory_space<vmem_shared>>) dst(%arg16 : memref<128x32xf32, #tpu.memory_space<vmem>>)
      "tpu.region"() ({
        %run_scoped3A = tpu.sem_alloc : memref<!tpu.dma_semaphore, #tpu.memory_space<semaphore_mem>>
        %dma_start3A_320 = arith.constant 0 : i32
        %dma_start3A_321 = tpu.memref_slice %arg8[%add3A_305, %dma_start3A_320] : memref<79x128xi32, #tpu.memory_space<vmem>> -> memref<1x128xi32, #tpu.memory_space<vmem>>
        %dma_start3A_322 = tpu.memref_squeeze %dma_start3A_321 : memref<1x128xi32, #tpu.memory_space<vmem>> -> memref<128xi32, #tpu.memory_space<vmem>>
        %dma_start3A_323 = arith.constant 0 : i32
        %dma_start3A_324 = arith.constant 0 : i32
        %dma_start3A_325 = tpu.memref_slice %arg18[%dma_start3A_323, %dma_start3A_324] : memref<10000x32xf32, #tpu.memory_space<vmem_shared>> -> memref<10000x32xf32, #tpu.memory_space<vmem_shared>>
        tpu.enqueue_indirect_dma source(%arg16 : memref<128x32xf32, #tpu.memory_space<vmem>>) target(%dma_start3A_325 : memref<10000x32xf32, #tpu.memory_space<vmem_shared>>) offsets(%dma_start3A_322 : memref<128xi32, #tpu.memory_space<vmem>>) semaphore(%run_scoped3A : memref<!tpu.dma_semaphore, #tpu.memory_space<semaphore_mem>>) {add = true}
        %dma_wait3A_326 = arith.constant 0 : i32
        %dma_wait3A_327 = tpu.memref_slice %arg8[%add3A_305, %dma_wait3A_326] : memref<79x128xi32, #tpu.memory_space<vmem>> -> memref<1x128xi32, #tpu.memory_space<vmem>>
        %dma_wait3A_328 = tpu.memref_squeeze %dma_wait3A_327 : memref<1x128xi32, #tpu.memory_space<vmem>> -> memref<128xi32, #tpu.memory_space<vmem>>
        %dma_wait3A_329 = arith.constant 0 : i32
        %dma_wait3A_330 = arith.constant 0 : i32
        %dma_wait3A_331 = tpu.memref_slice %arg18[%dma_wait3A_329, %dma_wait3A_330] : memref<10000x32xf32, #tpu.memory_space<vmem_shared>> -> memref<10000x32xf32, #tpu.memory_space<vmem_shared>>
        tpu.wait_indirect_dma semaphore(%run_scoped3A : memref<!tpu.dma_semaphore, #tpu.memory_space<semaphore_mem>>) src(%arg16 : memref<128x32xf32, #tpu.memory_space<vmem>>) dst(%dma_wait3A_331 : memref<10000x32xf32, #tpu.memory_space<vmem_shared>>)
        tpu.yield
      }) : () -> ()
      %add3A_312 = arith.constant 8 : i32
      %add3A_313 = arith.addi %add3A_305, %add3A_312 : i32
      %mul3A_314 = arith.constant 128 : i32
      %mul3A_315 = arith.muli %add3A_313, %mul3A_314 : i32
      %dma_start3A_316 = tpu.memref_slice %arg7[%mul3A_315] : memref<10112xi32, #tpu.memory_space<vmem>> -> memref<128xi32, #tpu.memory_space<vmem>>
      %dma_start3A_317 = arith.constant 0 : i32
      %dma_start3A_318 = arith.constant 0 : i32
      %dma_start3A_319 = tpu.memref_slice %arg17[%dma_start3A_317, %dma_start3A_318] : memref<10000x32xf32, #tpu.memory_space<vmem_shared>> -> memref<10000x32xf32, #tpu.memory_space<vmem_shared>>
      tpu.enqueue_indirect_dma source(%dma_start3A_319 : memref<10000x32xf32, #tpu.memory_space<vmem_shared>>) target(%arg16 : memref<128x32xf32, #tpu.memory_space<vmem>>) offsets(%dma_start3A_316 : memref<128xi32, #tpu.memory_space<vmem>>) semaphore(%arg26 : memref<!tpu.dma_semaphore, #tpu.memory_space<semaphore_mem>>)
    }
    %scan3A_61 = arith.constant 8 : i32
    %gt3A = arith.constant 64 : i32
    %gt3A_62 = arith.cmpi sgt, %select_n3A, %gt3A : i32
    %convert_element_type3A = arith.extui %gt3A_62 : i1 to i32
    %cond3A = arith.constant 0 : i32
    %cond3A_63 = arith.cmpi ne, %convert_element_type3A, %cond3A : i32
    scf.if %cond3A_63 {
      %dma_wait3A = arith.constant 8192 : i32
      %dma_wait3A_176 = tpu.memref_slice %arg7[%dma_wait3A] : memref<10112xi32, #tpu.memory_space<vmem>> -> memref<128xi32, #tpu.memory_space<vmem>>
      %dma_wait3A_177 = arith.constant 0 : i32
      %dma_wait3A_178 = arith.constant 0 : i32
      %dma_wait3A_179 = tpu.memref_slice %arg17[%dma_wait3A_177, %dma_wait3A_178] : memref<10000x32xf32, #tpu.memory_space<vmem_shared>> -> memref<10000x32xf32, #tpu.memory_space<vmem_shared>>
      tpu.wait_indirect_dma semaphore(%arg19 : memref<!tpu.dma_semaphore, #tpu.memory_space<semaphore_mem>>) src(%dma_wait3A_179 : memref<10000x32xf32, #tpu.memory_space<vmem_shared>>) dst(%arg9 : memref<128x32xf32, #tpu.memory_space<vmem>>)
      %run_scoped3A = arith.constant 64 : i32
      "tpu.region"() ({
        %run_scoped3A_180 = tpu.sem_alloc : memref<!tpu.dma_semaphore, #tpu.memory_space<semaphore_mem>>
        %dma_start3A_181 = arith.constant 0 : i32
        %dma_start3A_182 = tpu.memref_slice %arg8[%run_scoped3A, %dma_start3A_181] : memref<79x128xi32, #tpu.memory_space<vmem>> -> memref<1x128xi32, #tpu.memory_space<vmem>>
        %dma_start3A_183 = tpu.memref_squeeze %dma_start3A_182 : memref<1x128xi32, #tpu.memory_space<vmem>> -> memref<128xi32, #tpu.memory_space<vmem>>
        %dma_start3A_184 = arith.constant 0 : i32
        %dma_start3A_185 = arith.constant 0 : i32
        %dma_start3A_186 = tpu.memref_slice %arg18[%dma_start3A_184, %dma_start3A_185] : memref<10000x32xf32, #tpu.memory_space<vmem_shared>> -> memref<10000x32xf32, #tpu.memory_space<vmem_shared>>
        tpu.enqueue_indirect_dma source(%arg9 : memref<128x32xf32, #tpu.memory_space<vmem>>) target(%dma_start3A_186 : memref<10000x32xf32, #tpu.memory_space<vmem_shared>>) offsets(%dma_start3A_183 : memref<128xi32, #tpu.memory_space<vmem>>) semaphore(%run_scoped3A_180 : memref<!tpu.dma_semaphore, #tpu.memory_space<semaphore_mem>>) {add = true}
        %dma_wait3A_187 = arith.constant 0 : i32
        %dma_wait3A_188 = tpu.memref_slice %arg8[%run_scoped3A, %dma_wait3A_187] : memref<79x128xi32, #tpu.memory_space<vmem>> -> memref<1x128xi32, #tpu.memory_space<vmem>>
        %dma_wait3A_189 = tpu.memref_squeeze %dma_wait3A_188 : memref<1x128xi32, #tpu.memory_space<vmem>> -> memref<128xi32, #tpu.memory_space<vmem>>
        %dma_wait3A_190 = arith.constant 0 : i32
        %dma_wait3A_191 = arith.constant 0 : i32
        %dma_wait3A_192 = tpu.memref_slice %arg18[%dma_wait3A_190, %dma_wait3A_191] : memref<10000x32xf32, #tpu.memory_space<vmem_shared>> -> memref<10000x32xf32, #tpu.memory_space<vmem_shared>>
        tpu.wait_indirect_dma semaphore(%run_scoped3A_180 : memref<!tpu.dma_semaphore, #tpu.memory_space<semaphore_mem>>) src(%arg9 : memref<128x32xf32, #tpu.memory_space<vmem>>) dst(%dma_wait3A_192 : memref<10000x32xf32, #tpu.memory_space<vmem_shared>>)
        tpu.yield
      }) : () -> ()
    } else {
    }
    %gt3A_64 = arith.constant 72 : i32
    %gt3A_65 = arith.cmpi sgt, %select_n3A, %gt3A_64 : i32
    %convert_element_type3A_66 = arith.extui %gt3A_65 : i1 to i32
    %cond3A_67 = arith.constant 0 : i32
    %cond3A_68 = arith.cmpi ne, %convert_element_type3A_66, %cond3A_67 : i32
    scf.if %cond3A_68 {
      %dma_start3A_176 = arith.constant 9216 : i32
      %dma_start3A_177 = tpu.memref_slice %arg7[%dma_start3A_176] : memref<10112xi32, #tpu.memory_space<vmem>> -> memref<128xi32, #tpu.memory_space<vmem>>
      %dma_start3A_178 = arith.constant 0 : i32
      %dma_start3A_179 = arith.constant 0 : i32
      %dma_start3A_180 = tpu.memref_slice %arg17[%dma_start3A_178, %dma_start3A_179] : memref<10000x32xf32, #tpu.memory_space<vmem_shared>> -> memref<10000x32xf32, #tpu.memory_space<vmem_shared>>
      tpu.enqueue_indirect_dma source(%dma_start3A_180 : memref<10000x32xf32, #tpu.memory_space<vmem_shared>>) target(%arg9 : memref<128x32xf32, #tpu.memory_space<vmem>>) offsets(%dma_start3A_177 : memref<128xi32, #tpu.memory_space<vmem>>) semaphore(%arg19 : memref<!tpu.dma_semaphore, #tpu.memory_space<semaphore_mem>>)
    } else {
    }
    %gt3A_69 = arith.constant 65 : i32
    %gt3A_70 = arith.cmpi sgt, %select_n3A, %gt3A_69 : i32
    %convert_element_type3A_71 = arith.extui %gt3A_70 : i1 to i32
    %cond3A_72 = arith.constant 0 : i32
    %cond3A_73 = arith.cmpi ne, %convert_element_type3A_71, %cond3A_72 : i32
    scf.if %cond3A_73 {
      %dma_wait3A = arith.constant 8320 : i32
      %dma_wait3A_176 = tpu.memref_slice %arg7[%dma_wait3A] : memref<10112xi32, #tpu.memory_space<vmem>> -> memref<128xi32, #tpu.memory_space<vmem>>
      %dma_wait3A_177 = arith.constant 0 : i32
      %dma_wait3A_178 = arith.constant 0 : i32
      %dma_wait3A_179 = tpu.memref_slice %arg17[%dma_wait3A_177, %dma_wait3A_178] : memref<10000x32xf32, #tpu.memory_space<vmem_shared>> -> memref<10000x32xf32, #tpu.memory_space<vmem_shared>>
      tpu.wait_indirect_dma semaphore(%arg20 : memref<!tpu.dma_semaphore, #tpu.memory_space<semaphore_mem>>) src(%dma_wait3A_179 : memref<10000x32xf32, #tpu.memory_space<vmem_shared>>) dst(%arg10 : memref<128x32xf32, #tpu.memory_space<vmem>>)
      %run_scoped3A = arith.constant 65 : i32
      "tpu.region"() ({
        %run_scoped3A_180 = tpu.sem_alloc : memref<!tpu.dma_semaphore, #tpu.memory_space<semaphore_mem>>
        %dma_start3A_181 = arith.constant 0 : i32
        %dma_start3A_182 = tpu.memref_slice %arg8[%run_scoped3A, %dma_start3A_181] : memref<79x128xi32, #tpu.memory_space<vmem>> -> memref<1x128xi32, #tpu.memory_space<vmem>>
        %dma_start3A_183 = tpu.memref_squeeze %dma_start3A_182 : memref<1x128xi32, #tpu.memory_space<vmem>> -> memref<128xi32, #tpu.memory_space<vmem>>
        %dma_start3A_184 = arith.constant 0 : i32
        %dma_start3A_185 = arith.constant 0 : i32
        %dma_start3A_186 = tpu.memref_slice %arg18[%dma_start3A_184, %dma_start3A_185] : memref<10000x32xf32, #tpu.memory_space<vmem_shared>> -> memref<10000x32xf32, #tpu.memory_space<vmem_shared>>
        tpu.enqueue_indirect_dma source(%arg10 : memref<128x32xf32, #tpu.memory_space<vmem>>) target(%dma_start3A_186 : memref<10000x32xf32, #tpu.memory_space<vmem_shared>>) offsets(%dma_start3A_183 : memref<128xi32, #tpu.memory_space<vmem>>) semaphore(%run_scoped3A_180 : memref<!tpu.dma_semaphore, #tpu.memory_space<semaphore_mem>>) {add = true}
        %dma_wait3A_187 = arith.constant 0 : i32
        %dma_wait3A_188 = tpu.memref_slice %arg8[%run_scoped3A, %dma_wait3A_187] : memref<79x128xi32, #tpu.memory_space<vmem>> -> memref<1x128xi32, #tpu.memory_space<vmem>>
        %dma_wait3A_189 = tpu.memref_squeeze %dma_wait3A_188 : memref<1x128xi32, #tpu.memory_space<vmem>> -> memref<128xi32, #tpu.memory_space<vmem>>
        %dma_wait3A_190 = arith.constant 0 : i32
        %dma_wait3A_191 = arith.constant 0 : i32
        %dma_wait3A_192 = tpu.memref_slice %arg18[%dma_wait3A_190, %dma_wait3A_191] : memref<10000x32xf32, #tpu.memory_space<vmem_shared>> -> memref<10000x32xf32, #tpu.memory_space<vmem_shared>>
        tpu.wait_indirect_dma semaphore(%run_scoped3A_180 : memref<!tpu.dma_semaphore, #tpu.memory_space<semaphore_mem>>) src(%arg10 : memref<128x32xf32, #tpu.memory_space<vmem>>) dst(%dma_wait3A_192 : memref<10000x32xf32, #tpu.memory_space<vmem_shared>>)
        tpu.yield
      }) : () -> ()
    } else {
    }
    %gt3A_74 = arith.constant 73 : i32
    %gt3A_75 = arith.cmpi sgt, %select_n3A, %gt3A_74 : i32
    %convert_element_type3A_76 = arith.extui %gt3A_75 : i1 to i32
    %cond3A_77 = arith.constant 0 : i32
    %cond3A_78 = arith.cmpi ne, %convert_element_type3A_76, %cond3A_77 : i32
    scf.if %cond3A_78 {
      %dma_start3A_176 = arith.constant 9344 : i32
      %dma_start3A_177 = tpu.memref_slice %arg7[%dma_start3A_176] : memref<10112xi32, #tpu.memory_space<vmem>> -> memref<128xi32, #tpu.memory_space<vmem>>
      %dma_start3A_178 = arith.constant 0 : i32
      %dma_start3A_179 = arith.constant 0 : i32
      %dma_start3A_180 = tpu.memref_slice %arg17[%dma_start3A_178, %dma_start3A_179] : memref<10000x32xf32, #tpu.memory_space<vmem_shared>> -> memref<10000x32xf32, #tpu.memory_space<vmem_shared>>
      tpu.enqueue_indirect_dma source(%dma_start3A_180 : memref<10000x32xf32, #tpu.memory_space<vmem_shared>>) target(%arg10 : memref<128x32xf32, #tpu.memory_space<vmem>>) offsets(%dma_start3A_177 : memref<128xi32, #tpu.memory_space<vmem>>) semaphore(%arg20 : memref<!tpu.dma_semaphore, #tpu.memory_space<semaphore_mem>>)
    } else {
    }
    %gt3A_79 = arith.constant 66 : i32
    %gt3A_80 = arith.cmpi sgt, %select_n3A, %gt3A_79 : i32
    %convert_element_type3A_81 = arith.extui %gt3A_80 : i1 to i32
    %cond3A_82 = arith.constant 0 : i32
    %cond3A_83 = arith.cmpi ne, %convert_element_type3A_81, %cond3A_82 : i32
    scf.if %cond3A_83 {
      %dma_wait3A = arith.constant 8448 : i32
      %dma_wait3A_176 = tpu.memref_slice %arg7[%dma_wait3A] : memref<10112xi32, #tpu.memory_space<vmem>> -> memref<128xi32, #tpu.memory_space<vmem>>
      %dma_wait3A_177 = arith.constant 0 : i32
      %dma_wait3A_178 = arith.constant 0 : i32
      %dma_wait3A_179 = tpu.memref_slice %arg17[%dma_wait3A_177, %dma_wait3A_178] : memref<10000x32xf32, #tpu.memory_space<vmem_shared>> -> memref<10000x32xf32, #tpu.memory_space<vmem_shared>>
      tpu.wait_indirect_dma semaphore(%arg21 : memref<!tpu.dma_semaphore, #tpu.memory_space<semaphore_mem>>) src(%dma_wait3A_179 : memref<10000x32xf32, #tpu.memory_space<vmem_shared>>) dst(%arg11 : memref<128x32xf32, #tpu.memory_space<vmem>>)
      %run_scoped3A = arith.constant 66 : i32
      "tpu.region"() ({
        %run_scoped3A_180 = tpu.sem_alloc : memref<!tpu.dma_semaphore, #tpu.memory_space<semaphore_mem>>
        %dma_start3A_181 = arith.constant 0 : i32
        %dma_start3A_182 = tpu.memref_slice %arg8[%run_scoped3A, %dma_start3A_181] : memref<79x128xi32, #tpu.memory_space<vmem>> -> memref<1x128xi32, #tpu.memory_space<vmem>>
        %dma_start3A_183 = tpu.memref_squeeze %dma_start3A_182 : memref<1x128xi32, #tpu.memory_space<vmem>> -> memref<128xi32, #tpu.memory_space<vmem>>
        %dma_start3A_184 = arith.constant 0 : i32
        %dma_start3A_185 = arith.constant 0 : i32
        %dma_start3A_186 = tpu.memref_slice %arg18[%dma_start3A_184, %dma_start3A_185] : memref<10000x32xf32, #tpu.memory_space<vmem_shared>> -> memref<10000x32xf32, #tpu.memory_space<vmem_shared>>
        tpu.enqueue_indirect_dma source(%arg11 : memref<128x32xf32, #tpu.memory_space<vmem>>) target(%dma_start3A_186 : memref<10000x32xf32, #tpu.memory_space<vmem_shared>>) offsets(%dma_start3A_183 : memref<128xi32, #tpu.memory_space<vmem>>) semaphore(%run_scoped3A_180 : memref<!tpu.dma_semaphore, #tpu.memory_space<semaphore_mem>>) {add = true}
        %dma_wait3A_187 = arith.constant 0 : i32
        %dma_wait3A_188 = tpu.memref_slice %arg8[%run_scoped3A, %dma_wait3A_187] : memref<79x128xi32, #tpu.memory_space<vmem>> -> memref<1x128xi32, #tpu.memory_space<vmem>>
        %dma_wait3A_189 = tpu.memref_squeeze %dma_wait3A_188 : memref<1x128xi32, #tpu.memory_space<vmem>> -> memref<128xi32, #tpu.memory_space<vmem>>
        %dma_wait3A_190 = arith.constant 0 : i32
        %dma_wait3A_191 = arith.constant 0 : i32
        %dma_wait3A_192 = tpu.memref_slice %arg18[%dma_wait3A_190, %dma_wait3A_191] : memref<10000x32xf32, #tpu.memory_space<vmem_shared>> -> memref<10000x32xf32, #tpu.memory_space<vmem_shared>>
        tpu.wait_indirect_dma semaphore(%run_scoped3A_180 : memref<!tpu.dma_semaphore, #tpu.memory_space<semaphore_mem>>) src(%arg11 : memref<128x32xf32, #tpu.memory_space<vmem>>) dst(%dma_wait3A_192 : memref<10000x32xf32, #tpu.memory_space<vmem_shared>>)
        tpu.yield
      }) : () -> ()
    } else {
    }
    %gt3A_84 = arith.constant 74 : i32
    %gt3A_85 = arith.cmpi sgt, %select_n3A, %gt3A_84 : i32
    %convert_element_type3A_86 = arith.extui %gt3A_85 : i1 to i32
    %cond3A_87 = arith.constant 0 : i32
    %cond3A_88 = arith.cmpi ne, %convert_element_type3A_86, %cond3A_87 : i32
    scf.if %cond3A_88 {
      %dma_start3A_176 = arith.constant 9472 : i32
      %dma_start3A_177 = tpu.memref_slice %arg7[%dma_start3A_176] : memref<10112xi32, #tpu.memory_space<vmem>> -> memref<128xi32, #tpu.memory_space<vmem>>
      %dma_start3A_178 = arith.constant 0 : i32
      %dma_start3A_179 = arith.constant 0 : i32
      %dma_start3A_180 = tpu.memref_slice %arg17[%dma_start3A_178, %dma_start3A_179] : memref<10000x32xf32, #tpu.memory_space<vmem_shared>> -> memref<10000x32xf32, #tpu.memory_space<vmem_shared>>
      tpu.enqueue_indirect_dma source(%dma_start3A_180 : memref<10000x32xf32, #tpu.memory_space<vmem_shared>>) target(%arg11 : memref<128x32xf32, #tpu.memory_space<vmem>>) offsets(%dma_start3A_177 : memref<128xi32, #tpu.memory_space<vmem>>) semaphore(%arg21 : memref<!tpu.dma_semaphore, #tpu.memory_space<semaphore_mem>>)
    } else {
    }
    %gt3A_89 = arith.constant 67 : i32
    %gt3A_90 = arith.cmpi sgt, %select_n3A, %gt3A_89 : i32
    %convert_element_type3A_91 = arith.extui %gt3A_90 : i1 to i32
    %cond3A_92 = arith.constant 0 : i32
    %cond3A_93 = arith.cmpi ne, %convert_element_type3A_91, %cond3A_92 : i32
    scf.if %cond3A_93 {
      %dma_wait3A = arith.constant 8576 : i32
      %dma_wait3A_176 = tpu.memref_slice %arg7[%dma_wait3A] : memref<10112xi32, #tpu.memory_space<vmem>> -> memref<128xi32, #tpu.memory_space<vmem>>
      %dma_wait3A_177 = arith.constant 0 : i32
      %dma_wait3A_178 = arith.constant 0 : i32
      %dma_wait3A_179 = tpu.memref_slice %arg17[%dma_wait3A_177, %dma_wait3A_178] : memref<10000x32xf32, #tpu.memory_space<vmem_shared>> -> memref<10000x32xf32, #tpu.memory_space<vmem_shared>>
      tpu.wait_indirect_dma semaphore(%arg22 : memref<!tpu.dma_semaphore, #tpu.memory_space<semaphore_mem>>) src(%dma_wait3A_179 : memref<10000x32xf32, #tpu.memory_space<vmem_shared>>) dst(%arg12 : memref<128x32xf32, #tpu.memory_space<vmem>>)
      %run_scoped3A = arith.constant 67 : i32
      "tpu.region"() ({
        %run_scoped3A_180 = tpu.sem_alloc : memref<!tpu.dma_semaphore, #tpu.memory_space<semaphore_mem>>
        %dma_start3A_181 = arith.constant 0 : i32
        %dma_start3A_182 = tpu.memref_slice %arg8[%run_scoped3A, %dma_start3A_181] : memref<79x128xi32, #tpu.memory_space<vmem>> -> memref<1x128xi32, #tpu.memory_space<vmem>>
        %dma_start3A_183 = tpu.memref_squeeze %dma_start3A_182 : memref<1x128xi32, #tpu.memory_space<vmem>> -> memref<128xi32, #tpu.memory_space<vmem>>
        %dma_start3A_184 = arith.constant 0 : i32
        %dma_start3A_185 = arith.constant 0 : i32
        %dma_start3A_186 = tpu.memref_slice %arg18[%dma_start3A_184, %dma_start3A_185] : memref<10000x32xf32, #tpu.memory_space<vmem_shared>> -> memref<10000x32xf32, #tpu.memory_space<vmem_shared>>
        tpu.enqueue_indirect_dma source(%arg12 : memref<128x32xf32, #tpu.memory_space<vmem>>) target(%dma_start3A_186 : memref<10000x32xf32, #tpu.memory_space<vmem_shared>>) offsets(%dma_start3A_183 : memref<128xi32, #tpu.memory_space<vmem>>) semaphore(%run_scoped3A_180 : memref<!tpu.dma_semaphore, #tpu.memory_space<semaphore_mem>>) {add = true}
        %dma_wait3A_187 = arith.constant 0 : i32
        %dma_wait3A_188 = tpu.memref_slice %arg8[%run_scoped3A, %dma_wait3A_187] : memref<79x128xi32, #tpu.memory_space<vmem>> -> memref<1x128xi32, #tpu.memory_space<vmem>>
        %dma_wait3A_189 = tpu.memref_squeeze %dma_wait3A_188 : memref<1x128xi32, #tpu.memory_space<vmem>> -> memref<128xi32, #tpu.memory_space<vmem>>
        %dma_wait3A_190 = arith.constant 0 : i32
        %dma_wait3A_191 = arith.constant 0 : i32
        %dma_wait3A_192 = tpu.memref_slice %arg18[%dma_wait3A_190, %dma_wait3A_191] : memref<10000x32xf32, #tpu.memory_space<vmem_shared>> -> memref<10000x32xf32, #tpu.memory_space<vmem_shared>>
        tpu.wait_indirect_dma semaphore(%run_scoped3A_180 : memref<!tpu.dma_semaphore, #tpu.memory_space<semaphore_mem>>) src(%arg12 : memref<128x32xf32, #tpu.memory_space<vmem>>) dst(%dma_wait3A_192 : memref<10000x32xf32, #tpu.memory_space<vmem_shared>>)
        tpu.yield
      }) : () -> ()
    } else {
    }
    %gt3A_94 = arith.constant 75 : i32
    %gt3A_95 = arith.cmpi sgt, %select_n3A, %gt3A_94 : i32
    %convert_element_type3A_96 = arith.extui %gt3A_95 : i1 to i32
    %cond3A_97 = arith.constant 0 : i32
    %cond3A_98 = arith.cmpi ne, %convert_element_type3A_96, %cond3A_97 : i32
    scf.if %cond3A_98 {
      %dma_start3A_176 = arith.constant 9600 : i32
      %dma_start3A_177 = tpu.memref_slice %arg7[%dma_start3A_176] : memref<10112xi32, #tpu.memory_space<vmem>> -> memref<128xi32, #tpu.memory_space<vmem>>
      %dma_start3A_178 = arith.constant 0 : i32
      %dma_start3A_179 = arith.constant 0 : i32
      %dma_start3A_180 = tpu.memref_slice %arg17[%dma_start3A_178, %dma_start3A_179] : memref<10000x32xf32, #tpu.memory_space<vmem_shared>> -> memref<10000x32xf32, #tpu.memory_space<vmem_shared>>
      tpu.enqueue_indirect_dma source(%dma_start3A_180 : memref<10000x32xf32, #tpu.memory_space<vmem_shared>>) target(%arg12 : memref<128x32xf32, #tpu.memory_space<vmem>>) offsets(%dma_start3A_177 : memref<128xi32, #tpu.memory_space<vmem>>) semaphore(%arg22 : memref<!tpu.dma_semaphore, #tpu.memory_space<semaphore_mem>>)
    } else {
    }
    %gt3A_99 = arith.constant 68 : i32
    %gt3A_100 = arith.cmpi sgt, %select_n3A, %gt3A_99 : i32
    %convert_element_type3A_101 = arith.extui %gt3A_100 : i1 to i32
    %cond3A_102 = arith.constant 0 : i32
    %cond3A_103 = arith.cmpi ne, %convert_element_type3A_101, %cond3A_102 : i32
    scf.if %cond3A_103 {
      %dma_wait3A = arith.constant 8704 : i32
      %dma_wait3A_176 = tpu.memref_slice %arg7[%dma_wait3A] : memref<10112xi32, #tpu.memory_space<vmem>> -> memref<128xi32, #tpu.memory_space<vmem>>
      %dma_wait3A_177 = arith.constant 0 : i32
      %dma_wait3A_178 = arith.constant 0 : i32
      %dma_wait3A_179 = tpu.memref_slice %arg17[%dma_wait3A_177, %dma_wait3A_178] : memref<10000x32xf32, #tpu.memory_space<vmem_shared>> -> memref<10000x32xf32, #tpu.memory_space<vmem_shared>>
      tpu.wait_indirect_dma semaphore(%arg23 : memref<!tpu.dma_semaphore, #tpu.memory_space<semaphore_mem>>) src(%dma_wait3A_179 : memref<10000x32xf32, #tpu.memory_space<vmem_shared>>) dst(%arg13 : memref<128x32xf32, #tpu.memory_space<vmem>>)
      %run_scoped3A = arith.constant 68 : i32
      "tpu.region"() ({
        %run_scoped3A_180 = tpu.sem_alloc : memref<!tpu.dma_semaphore, #tpu.memory_space<semaphore_mem>>
        %dma_start3A_181 = arith.constant 0 : i32
        %dma_start3A_182 = tpu.memref_slice %arg8[%run_scoped3A, %dma_start3A_181] : memref<79x128xi32, #tpu.memory_space<vmem>> -> memref<1x128xi32, #tpu.memory_space<vmem>>
        %dma_start3A_183 = tpu.memref_squeeze %dma_start3A_182 : memref<1x128xi32, #tpu.memory_space<vmem>> -> memref<128xi32, #tpu.memory_space<vmem>>
        %dma_start3A_184 = arith.constant 0 : i32
        %dma_start3A_185 = arith.constant 0 : i32
        %dma_start3A_186 = tpu.memref_slice %arg18[%dma_start3A_184, %dma_start3A_185] : memref<10000x32xf32, #tpu.memory_space<vmem_shared>> -> memref<10000x32xf32, #tpu.memory_space<vmem_shared>>
        tpu.enqueue_indirect_dma source(%arg13 : memref<128x32xf32, #tpu.memory_space<vmem>>) target(%dma_start3A_186 : memref<10000x32xf32, #tpu.memory_space<vmem_shared>>) offsets(%dma_start3A_183 : memref<128xi32, #tpu.memory_space<vmem>>) semaphore(%run_scoped3A_180 : memref<!tpu.dma_semaphore, #tpu.memory_space<semaphore_mem>>) {add = true}
        %dma_wait3A_187 = arith.constant 0 : i32
        %dma_wait3A_188 = tpu.memref_slice %arg8[%run_scoped3A, %dma_wait3A_187] : memref<79x128xi32, #tpu.memory_space<vmem>> -> memref<1x128xi32, #tpu.memory_space<vmem>>
        %dma_wait3A_189 = tpu.memref_squeeze %dma_wait3A_188 : memref<1x128xi32, #tpu.memory_space<vmem>> -> memref<128xi32, #tpu.memory_space<vmem>>
        %dma_wait3A_190 = arith.constant 0 : i32
        %dma_wait3A_191 = arith.constant 0 : i32
        %dma_wait3A_192 = tpu.memref_slice %arg18[%dma_wait3A_190, %dma_wait3A_191] : memref<10000x32xf32, #tpu.memory_space<vmem_shared>> -> memref<10000x32xf32, #tpu.memory_space<vmem_shared>>
        tpu.wait_indirect_dma semaphore(%run_scoped3A_180 : memref<!tpu.dma_semaphore, #tpu.memory_space<semaphore_mem>>) src(%arg13 : memref<128x32xf32, #tpu.memory_space<vmem>>) dst(%dma_wait3A_192 : memref<10000x32xf32, #tpu.memory_space<vmem_shared>>)
        tpu.yield
      }) : () -> ()
    } else {
    }
    %gt3A_104 = arith.constant 76 : i32
    %gt3A_105 = arith.cmpi sgt, %select_n3A, %gt3A_104 : i32
    %convert_element_type3A_106 = arith.extui %gt3A_105 : i1 to i32
    %cond3A_107 = arith.constant 0 : i32
    %cond3A_108 = arith.cmpi ne, %convert_element_type3A_106, %cond3A_107 : i32
    scf.if %cond3A_108 {
      %dma_start3A_176 = arith.constant 9728 : i32
      %dma_start3A_177 = tpu.memref_slice %arg7[%dma_start3A_176] : memref<10112xi32, #tpu.memory_space<vmem>> -> memref<128xi32, #tpu.memory_space<vmem>>
      %dma_start3A_178 = arith.constant 0 : i32
      %dma_start3A_179 = arith.constant 0 : i32
      %dma_start3A_180 = tpu.memref_slice %arg17[%dma_start3A_178, %dma_start3A_179] : memref<10000x32xf32, #tpu.memory_space<vmem_shared>> -> memref<10000x32xf32, #tpu.memory_space<vmem_shared>>
      tpu.enqueue_indirect_dma source(%dma_start3A_180 : memref<10000x32xf32, #tpu.memory_space<vmem_shared>>) target(%arg13 : memref<128x32xf32, #tpu.memory_space<vmem>>) offsets(%dma_start3A_177 : memref<128xi32, #tpu.memory_space<vmem>>) semaphore(%arg23 : memref<!tpu.dma_semaphore, #tpu.memory_space<semaphore_mem>>)
    } else {
    }
    %gt3A_109 = arith.constant 69 : i32
    %gt3A_110 = arith.cmpi sgt, %select_n3A, %gt3A_109 : i32
    %convert_element_type3A_111 = arith.extui %gt3A_110 : i1 to i32
    %cond3A_112 = arith.constant 0 : i32
    %cond3A_113 = arith.cmpi ne, %convert_element_type3A_111, %cond3A_112 : i32
    scf.if %cond3A_113 {
      %dma_wait3A = arith.constant 8832 : i32
      %dma_wait3A_176 = tpu.memref_slice %arg7[%dma_wait3A] : memref<10112xi32, #tpu.memory_space<vmem>> -> memref<128xi32, #tpu.memory_space<vmem>>
      %dma_wait3A_177 = arith.constant 0 : i32
      %dma_wait3A_178 = arith.constant 0 : i32
      %dma_wait3A_179 = tpu.memref_slice %arg17[%dma_wait3A_177, %dma_wait3A_178] : memref<10000x32xf32, #tpu.memory_space<vmem_shared>> -> memref<10000x32xf32, #tpu.memory_space<vmem_shared>>
      tpu.wait_indirect_dma semaphore(%arg24 : memref<!tpu.dma_semaphore, #tpu.memory_space<semaphore_mem>>) src(%dma_wait3A_179 : memref<10000x32xf32, #tpu.memory_space<vmem_shared>>) dst(%arg14 : memref<128x32xf32, #tpu.memory_space<vmem>>)
      %run_scoped3A = arith.constant 69 : i32
      "tpu.region"() ({
        %run_scoped3A_180 = tpu.sem_alloc : memref<!tpu.dma_semaphore, #tpu.memory_space<semaphore_mem>>
        %dma_start3A_181 = arith.constant 0 : i32
        %dma_start3A_182 = tpu.memref_slice %arg8[%run_scoped3A, %dma_start3A_181] : memref<79x128xi32, #tpu.memory_space<vmem>> -> memref<1x128xi32, #tpu.memory_space<vmem>>
        %dma_start3A_183 = tpu.memref_squeeze %dma_start3A_182 : memref<1x128xi32, #tpu.memory_space<vmem>> -> memref<128xi32, #tpu.memory_space<vmem>>
        %dma_start3A_184 = arith.constant 0 : i32
        %dma_start3A_185 = arith.constant 0 : i32
        %dma_start3A_186 = tpu.memref_slice %arg18[%dma_start3A_184, %dma_start3A_185] : memref<10000x32xf32, #tpu.memory_space<vmem_shared>> -> memref<10000x32xf32, #tpu.memory_space<vmem_shared>>
        tpu.enqueue_indirect_dma source(%arg14 : memref<128x32xf32, #tpu.memory_space<vmem>>) target(%dma_start3A_186 : memref<10000x32xf32, #tpu.memory_space<vmem_shared>>) offsets(%dma_start3A_183 : memref<128xi32, #tpu.memory_space<vmem>>) semaphore(%run_scoped3A_180 : memref<!tpu.dma_semaphore, #tpu.memory_space<semaphore_mem>>) {add = true}
        %dma_wait3A_187 = arith.constant 0 : i32
        %dma_wait3A_188 = tpu.memref_slice %arg8[%run_scoped3A, %dma_wait3A_187] : memref<79x128xi32, #tpu.memory_space<vmem>> -> memref<1x128xi32, #tpu.memory_space<vmem>>
        %dma_wait3A_189 = tpu.memref_squeeze %dma_wait3A_188 : memref<1x128xi32, #tpu.memory_space<vmem>> -> memref<128xi32, #tpu.memory_space<vmem>>
        %dma_wait3A_190 = arith.constant 0 : i32
        %dma_wait3A_191 = arith.constant 0 : i32
        %dma_wait3A_192 = tpu.memref_slice %arg18[%dma_wait3A_190, %dma_wait3A_191] : memref<10000x32xf32, #tpu.memory_space<vmem_shared>> -> memref<10000x32xf32, #tpu.memory_space<vmem_shared>>
        tpu.wait_indirect_dma semaphore(%run_scoped3A_180 : memref<!tpu.dma_semaphore, #tpu.memory_space<semaphore_mem>>) src(%arg14 : memref<128x32xf32, #tpu.memory_space<vmem>>) dst(%dma_wait3A_192 : memref<10000x32xf32, #tpu.memory_space<vmem_shared>>)
        tpu.yield
      }) : () -> ()
    } else {
    }
    %gt3A_114 = arith.constant 77 : i32
    %gt3A_115 = arith.cmpi sgt, %select_n3A, %gt3A_114 : i32
    %convert_element_type3A_116 = arith.extui %gt3A_115 : i1 to i32
    %cond3A_117 = arith.constant 0 : i32
    %cond3A_118 = arith.cmpi ne, %convert_element_type3A_116, %cond3A_117 : i32
    scf.if %cond3A_118 {
      %dma_start3A_176 = arith.constant 9856 : i32
      %dma_start3A_177 = tpu.memref_slice %arg7[%dma_start3A_176] : memref<10112xi32, #tpu.memory_space<vmem>> -> memref<128xi32, #tpu.memory_space<vmem>>
      %dma_start3A_178 = arith.constant 0 : i32
      %dma_start3A_179 = arith.constant 0 : i32
      %dma_start3A_180 = tpu.memref_slice %arg17[%dma_start3A_178, %dma_start3A_179] : memref<10000x32xf32, #tpu.memory_space<vmem_shared>> -> memref<10000x32xf32, #tpu.memory_space<vmem_shared>>
      tpu.enqueue_indirect_dma source(%dma_start3A_180 : memref<10000x32xf32, #tpu.memory_space<vmem_shared>>) target(%arg14 : memref<128x32xf32, #tpu.memory_space<vmem>>) offsets(%dma_start3A_177 : memref<128xi32, #tpu.memory_space<vmem>>) semaphore(%arg24 : memref<!tpu.dma_semaphore, #tpu.memory_space<semaphore_mem>>)
    } else {
    }
    %gt3A_119 = arith.constant 70 : i32
    %gt3A_120 = arith.cmpi sgt, %select_n3A, %gt3A_119 : i32
    %convert_element_type3A_121 = arith.extui %gt3A_120 : i1 to i32
    %cond3A_122 = arith.constant 0 : i32
    %cond3A_123 = arith.cmpi ne, %convert_element_type3A_121, %cond3A_122 : i32
    scf.if %cond3A_123 {
      %dma_wait3A = arith.constant 8960 : i32
      %dma_wait3A_176 = tpu.memref_slice %arg7[%dma_wait3A] : memref<10112xi32, #tpu.memory_space<vmem>> -> memref<128xi32, #tpu.memory_space<vmem>>
      %dma_wait3A_177 = arith.constant 0 : i32
      %dma_wait3A_178 = arith.constant 0 : i32
      %dma_wait3A_179 = tpu.memref_slice %arg17[%dma_wait3A_177, %dma_wait3A_178] : memref<10000x32xf32, #tpu.memory_space<vmem_shared>> -> memref<10000x32xf32, #tpu.memory_space<vmem_shared>>
      tpu.wait_indirect_dma semaphore(%arg25 : memref<!tpu.dma_semaphore, #tpu.memory_space<semaphore_mem>>) src(%dma_wait3A_179 : memref<10000x32xf32, #tpu.memory_space<vmem_shared>>) dst(%arg15 : memref<128x32xf32, #tpu.memory_space<vmem>>)
      %run_scoped3A = arith.constant 70 : i32
      "tpu.region"() ({
        %run_scoped3A_180 = tpu.sem_alloc : memref<!tpu.dma_semaphore, #tpu.memory_space<semaphore_mem>>
        %dma_start3A_181 = arith.constant 0 : i32
        %dma_start3A_182 = tpu.memref_slice %arg8[%run_scoped3A, %dma_start3A_181] : memref<79x128xi32, #tpu.memory_space<vmem>> -> memref<1x128xi32, #tpu.memory_space<vmem>>
        %dma_start3A_183 = tpu.memref_squeeze %dma_start3A_182 : memref<1x128xi32, #tpu.memory_space<vmem>> -> memref<128xi32, #tpu.memory_space<vmem>>
        %dma_start3A_184 = arith.constant 0 : i32
        %dma_start3A_185 = arith.constant 0 : i32
        %dma_start3A_186 = tpu.memref_slice %arg18[%dma_start3A_184, %dma_start3A_185] : memref<10000x32xf32, #tpu.memory_space<vmem_shared>> -> memref<10000x32xf32, #tpu.memory_space<vmem_shared>>
        tpu.enqueue_indirect_dma source(%arg15 : memref<128x32xf32, #tpu.memory_space<vmem>>) target(%dma_start3A_186 : memref<10000x32xf32, #tpu.memory_space<vmem_shared>>) offsets(%dma_start3A_183 : memref<128xi32, #tpu.memory_space<vmem>>) semaphore(%run_scoped3A_180 : memref<!tpu.dma_semaphore, #tpu.memory_space<semaphore_mem>>) {add = true}
        %dma_wait3A_187 = arith.constant 0 : i32
        %dma_wait3A_188 = tpu.memref_slice %arg8[%run_scoped3A, %dma_wait3A_187] : memref<79x128xi32, #tpu.memory_space<vmem>> -> memref<1x128xi32, #tpu.memory_space<vmem>>
        %dma_wait3A_189 = tpu.memref_squeeze %dma_wait3A_188 : memref<1x128xi32, #tpu.memory_space<vmem>> -> memref<128xi32, #tpu.memory_space<vmem>>
        %dma_wait3A_190 = arith.constant 0 : i32
        %dma_wait3A_191 = arith.constant 0 : i32
        %dma_wait3A_192 = tpu.memref_slice %arg18[%dma_wait3A_190, %dma_wait3A_191] : memref<10000x32xf32, #tpu.memory_space<vmem_shared>> -> memref<10000x32xf32, #tpu.memory_space<vmem_shared>>
        tpu.wait_indirect_dma semaphore(%run_scoped3A_180 : memref<!tpu.dma_semaphore, #tpu.memory_space<semaphore_mem>>) src(%arg15 : memref<128x32xf32, #tpu.memory_space<vmem>>) dst(%dma_wait3A_192 : memref<10000x32xf32, #tpu.memory_space<vmem_shared>>)
        tpu.yield
      }) : () -> ()
    } else {
    }
    %gt3A_124 = arith.constant 78 : i32
    %gt3A_125 = arith.cmpi sgt, %select_n3A, %gt3A_124 : i32
    %convert_element_type3A_126 = arith.extui %gt3A_125 : i1 to i32
    %cond3A_127 = arith.constant 0 : i32
    %cond3A_128 = arith.cmpi ne, %convert_element_type3A_126, %cond3A_127 : i32
    scf.if %cond3A_128 {
      %dma_start3A_176 = arith.constant 9984 : i32
      %dma_start3A_177 = tpu.memref_slice %arg7[%dma_start3A_176] : memref<10112xi32, #tpu.memory_space<vmem>> -> memref<128xi32, #tpu.memory_space<vmem>>
      %dma_start3A_178 = arith.constant 0 : i32
      %dma_start3A_179 = arith.constant 0 : i32
      %dma_start3A_180 = tpu.memref_slice %arg17[%dma_start3A_178, %dma_start3A_179] : memref<10000x32xf32, #tpu.memory_space<vmem_shared>> -> memref<10000x32xf32, #tpu.memory_space<vmem_shared>>
      tpu.enqueue_indirect_dma source(%dma_start3A_180 : memref<10000x32xf32, #tpu.memory_space<vmem_shared>>) target(%arg15 : memref<128x32xf32, #tpu.memory_space<vmem>>) offsets(%dma_start3A_177 : memref<128xi32, #tpu.memory_space<vmem>>) semaphore(%arg25 : memref<!tpu.dma_semaphore, #tpu.memory_space<semaphore_mem>>)
    } else {
    }
    %gt3A_129 = arith.constant 71 : i32
    %gt3A_130 = arith.cmpi sgt, %select_n3A, %gt3A_129 : i32
    %convert_element_type3A_131 = arith.extui %gt3A_130 : i1 to i32
    %cond3A_132 = arith.constant 0 : i32
    %cond3A_133 = arith.cmpi ne, %convert_element_type3A_131, %cond3A_132 : i32
    scf.if %cond3A_133 {
      %dma_wait3A = arith.constant 9088 : i32
      %dma_wait3A_176 = tpu.memref_slice %arg7[%dma_wait3A] : memref<10112xi32, #tpu.memory_space<vmem>> -> memref<128xi32, #tpu.memory_space<vmem>>
      %dma_wait3A_177 = arith.constant 0 : i32
      %dma_wait3A_178 = arith.constant 0 : i32
      %dma_wait3A_179 = tpu.memref_slice %arg17[%dma_wait3A_177, %dma_wait3A_178] : memref<10000x32xf32, #tpu.memory_space<vmem_shared>> -> memref<10000x32xf32, #tpu.memory_space<vmem_shared>>
      tpu.wait_indirect_dma semaphore(%arg26 : memref<!tpu.dma_semaphore, #tpu.memory_space<semaphore_mem>>) src(%dma_wait3A_179 : memref<10000x32xf32, #tpu.memory_space<vmem_shared>>) dst(%arg16 : memref<128x32xf32, #tpu.memory_space<vmem>>)
      %run_scoped3A = arith.constant 71 : i32
      "tpu.region"() ({
        %run_scoped3A_180 = tpu.sem_alloc : memref<!tpu.dma_semaphore, #tpu.memory_space<semaphore_mem>>
        %dma_start3A_181 = arith.constant 0 : i32
        %dma_start3A_182 = tpu.memref_slice %arg8[%run_scoped3A, %dma_start3A_181] : memref<79x128xi32, #tpu.memory_space<vmem>> -> memref<1x128xi32, #tpu.memory_space<vmem>>
        %dma_start3A_183 = tpu.memref_squeeze %dma_start3A_182 : memref<1x128xi32, #tpu.memory_space<vmem>> -> memref<128xi32, #tpu.memory_space<vmem>>
        %dma_start3A_184 = arith.constant 0 : i32
        %dma_start3A_185 = arith.constant 0 : i32
        %dma_start3A_186 = tpu.memref_slice %arg18[%dma_start3A_184, %dma_start3A_185] : memref<10000x32xf32, #tpu.memory_space<vmem_shared>> -> memref<10000x32xf32, #tpu.memory_space<vmem_shared>>
        tpu.enqueue_indirect_dma source(%arg16 : memref<128x32xf32, #tpu.memory_space<vmem>>) target(%dma_start3A_186 : memref<10000x32xf32, #tpu.memory_space<vmem_shared>>) offsets(%dma_start3A_183 : memref<128xi32, #tpu.memory_space<vmem>>) semaphore(%run_scoped3A_180 : memref<!tpu.dma_semaphore, #tpu.memory_space<semaphore_mem>>) {add = true}
        %dma_wait3A_187 = arith.constant 0 : i32
        %dma_wait3A_188 = tpu.memref_slice %arg8[%run_scoped3A, %dma_wait3A_187] : memref<79x128xi32, #tpu.memory_space<vmem>> -> memref<1x128xi32, #tpu.memory_space<vmem>>
        %dma_wait3A_189 = tpu.memref_squeeze %dma_wait3A_188 : memref<1x128xi32, #tpu.memory_space<vmem>> -> memref<128xi32, #tpu.memory_space<vmem>>
        %dma_wait3A_190 = arith.constant 0 : i32
        %dma_wait3A_191 = arith.constant 0 : i32
        %dma_wait3A_192 = tpu.memref_slice %arg18[%dma_wait3A_190, %dma_wait3A_191] : memref<10000x32xf32, #tpu.memory_space<vmem_shared>> -> memref<10000x32xf32, #tpu.memory_space<vmem_shared>>
        tpu.wait_indirect_dma semaphore(%run_scoped3A_180 : memref<!tpu.dma_semaphore, #tpu.memory_space<semaphore_mem>>) src(%arg16 : memref<128x32xf32, #tpu.memory_space<vmem>>) dst(%dma_wait3A_192 : memref<10000x32xf32, #tpu.memory_space<vmem_shared>>)
        tpu.yield
      }) : () -> ()
    } else {
    }
    %gt3A_134 = arith.constant 72 : i32
    %gt3A_135 = arith.cmpi sgt, %select_n3A, %gt3A_134 : i32
    %convert_element_type3A_136 = arith.extui %gt3A_135 : i1 to i32
    %cond3A_137 = arith.constant 0 : i32
    %cond3A_138 = arith.cmpi ne, %convert_element_type3A_136, %cond3A_137 : i32
    scf.if %cond3A_138 {
      %dma_wait3A = arith.constant 9216 : i32
      %dma_wait3A_176 = tpu.memref_slice %arg7[%dma_wait3A] : memref<10112xi32, #tpu.memory_space<vmem>> -> memref<128xi32, #tpu.memory_space<vmem>>
      %dma_wait3A_177 = arith.constant 0 : i32
      %dma_wait3A_178 = arith.constant 0 : i32
      %dma_wait3A_179 = tpu.memref_slice %arg17[%dma_wait3A_177, %dma_wait3A_178] : memref<10000x32xf32, #tpu.memory_space<vmem_shared>> -> memref<10000x32xf32, #tpu.memory_space<vmem_shared>>
      tpu.wait_indirect_dma semaphore(%arg19 : memref<!tpu.dma_semaphore, #tpu.memory_space<semaphore_mem>>) src(%dma_wait3A_179 : memref<10000x32xf32, #tpu.memory_space<vmem_shared>>) dst(%arg9 : memref<128x32xf32, #tpu.memory_space<vmem>>)
      %run_scoped3A = arith.constant 72 : i32
      "tpu.region"() ({
        %run_scoped3A_180 = tpu.sem_alloc : memref<!tpu.dma_semaphore, #tpu.memory_space<semaphore_mem>>
        %dma_start3A_181 = arith.constant 0 : i32
        %dma_start3A_182 = tpu.memref_slice %arg8[%run_scoped3A, %dma_start3A_181] : memref<79x128xi32, #tpu.memory_space<vmem>> -> memref<1x128xi32, #tpu.memory_space<vmem>>
        %dma_start3A_183 = tpu.memref_squeeze %dma_start3A_182 : memref<1x128xi32, #tpu.memory_space<vmem>> -> memref<128xi32, #tpu.memory_space<vmem>>
        %dma_start3A_184 = arith.constant 0 : i32
        %dma_start3A_185 = arith.constant 0 : i32
        %dma_start3A_186 = tpu.memref_slice %arg18[%dma_start3A_184, %dma_start3A_185] : memref<10000x32xf32, #tpu.memory_space<vmem_shared>> -> memref<10000x32xf32, #tpu.memory_space<vmem_shared>>
        tpu.enqueue_indirect_dma source(%arg9 : memref<128x32xf32, #tpu.memory_space<vmem>>) target(%dma_start3A_186 : memref<10000x32xf32, #tpu.memory_space<vmem_shared>>) offsets(%dma_start3A_183 : memref<128xi32, #tpu.memory_space<vmem>>) semaphore(%run_scoped3A_180 : memref<!tpu.dma_semaphore, #tpu.memory_space<semaphore_mem>>) {add = true}
        %dma_wait3A_187 = arith.constant 0 : i32
        %dma_wait3A_188 = tpu.memref_slice %arg8[%run_scoped3A, %dma_wait3A_187] : memref<79x128xi32, #tpu.memory_space<vmem>> -> memref<1x128xi32, #tpu.memory_space<vmem>>
        %dma_wait3A_189 = tpu.memref_squeeze %dma_wait3A_188 : memref<1x128xi32, #tpu.memory_space<vmem>> -> memref<128xi32, #tpu.memory_space<vmem>>
        %dma_wait3A_190 = arith.constant 0 : i32
        %dma_wait3A_191 = arith.constant 0 : i32
        %dma_wait3A_192 = tpu.memref_slice %arg18[%dma_wait3A_190, %dma_wait3A_191] : memref<10000x32xf32, #tpu.memory_space<vmem_shared>> -> memref<10000x32xf32, #tpu.memory_space<vmem_shared>>
        tpu.wait_indirect_dma semaphore(%run_scoped3A_180 : memref<!tpu.dma_semaphore, #tpu.memory_space<semaphore_mem>>) src(%arg9 : memref<128x32xf32, #tpu.memory_space<vmem>>) dst(%dma_wait3A_192 : memref<10000x32xf32, #tpu.memory_space<vmem_shared>>)
        tpu.yield
      }) : () -> ()
    } else {
    }
    %gt3A_139 = arith.constant 73 : i32
    %gt3A_140 = arith.cmpi sgt, %select_n3A, %gt3A_139 : i32
    %convert_element_type3A_141 = arith.extui %gt3A_140 : i1 to i32
    %cond3A_142 = arith.constant 0 : i32
    %cond3A_143 = arith.cmpi ne, %convert_element_type3A_141, %cond3A_142 : i32
    scf.if %cond3A_143 {
      %dma_wait3A = arith.constant 9344 : i32
      %dma_wait3A_176 = tpu.memref_slice %arg7[%dma_wait3A] : memref<10112xi32, #tpu.memory_space<vmem>> -> memref<128xi32, #tpu.memory_space<vmem>>
      %dma_wait3A_177 = arith.constant 0 : i32
      %dma_wait3A_178 = arith.constant 0 : i32
      %dma_wait3A_179 = tpu.memref_slice %arg17[%dma_wait3A_177, %dma_wait3A_178] : memref<10000x32xf32, #tpu.memory_space<vmem_shared>> -> memref<10000x32xf32, #tpu.memory_space<vmem_shared>>
      tpu.wait_indirect_dma semaphore(%arg20 : memref<!tpu.dma_semaphore, #tpu.memory_space<semaphore_mem>>) src(%dma_wait3A_179 : memref<10000x32xf32, #tpu.memory_space<vmem_shared>>) dst(%arg10 : memref<128x32xf32, #tpu.memory_space<vmem>>)
      %run_scoped3A = arith.constant 73 : i32
      "tpu.region"() ({
        %run_scoped3A_180 = tpu.sem_alloc : memref<!tpu.dma_semaphore, #tpu.memory_space<semaphore_mem>>
        %dma_start3A_181 = arith.constant 0 : i32
        %dma_start3A_182 = tpu.memref_slice %arg8[%run_scoped3A, %dma_start3A_181] : memref<79x128xi32, #tpu.memory_space<vmem>> -> memref<1x128xi32, #tpu.memory_space<vmem>>
        %dma_start3A_183 = tpu.memref_squeeze %dma_start3A_182 : memref<1x128xi32, #tpu.memory_space<vmem>> -> memref<128xi32, #tpu.memory_space<vmem>>
        %dma_start3A_184 = arith.constant 0 : i32
        %dma_start3A_185 = arith.constant 0 : i32
        %dma_start3A_186 = tpu.memref_slice %arg18[%dma_start3A_184, %dma_start3A_185] : memref<10000x32xf32, #tpu.memory_space<vmem_shared>> -> memref<10000x32xf32, #tpu.memory_space<vmem_shared>>
        tpu.enqueue_indirect_dma source(%arg10 : memref<128x32xf32, #tpu.memory_space<vmem>>) target(%dma_start3A_186 : memref<10000x32xf32, #tpu.memory_space<vmem_shared>>) offsets(%dma_start3A_183 : memref<128xi32, #tpu.memory_space<vmem>>) semaphore(%run_scoped3A_180 : memref<!tpu.dma_semaphore, #tpu.memory_space<semaphore_mem>>) {add = true}
        %dma_wait3A_187 = arith.constant 0 : i32
        %dma_wait3A_188 = tpu.memref_slice %arg8[%run_scoped3A, %dma_wait3A_187] : memref<79x128xi32, #tpu.memory_space<vmem>> -> memref<1x128xi32, #tpu.memory_space<vmem>>
        %dma_wait3A_189 = tpu.memref_squeeze %dma_wait3A_188 : memref<1x128xi32, #tpu.memory_space<vmem>> -> memref<128xi32, #tpu.memory_space<vmem>>
        %dma_wait3A_190 = arith.constant 0 : i32
        %dma_wait3A_191 = arith.constant 0 : i32
        %dma_wait3A_192 = tpu.memref_slice %arg18[%dma_wait3A_190, %dma_wait3A_191] : memref<10000x32xf32, #tpu.memory_space<vmem_shared>> -> memref<10000x32xf32, #tpu.memory_space<vmem_shared>>
        tpu.wait_indirect_dma semaphore(%run_scoped3A_180 : memref<!tpu.dma_semaphore, #tpu.memory_space<semaphore_mem>>) src(%arg10 : memref<128x32xf32, #tpu.memory_space<vmem>>) dst(%dma_wait3A_192 : memref<10000x32xf32, #tpu.memory_space<vmem_shared>>)
        tpu.yield
      }) : () -> ()
    } else {
    }
    %gt3A_144 = arith.constant 74 : i32
    %gt3A_145 = arith.cmpi sgt, %select_n3A, %gt3A_144 : i32
    %convert_element_type3A_146 = arith.extui %gt3A_145 : i1 to i32
    %cond3A_147 = arith.constant 0 : i32
    %cond3A_148 = arith.cmpi ne, %convert_element_type3A_146, %cond3A_147 : i32
    scf.if %cond3A_148 {
      %dma_wait3A = arith.constant 9472 : i32
      %dma_wait3A_176 = tpu.memref_slice %arg7[%dma_wait3A] : memref<10112xi32, #tpu.memory_space<vmem>> -> memref<128xi32, #tpu.memory_space<vmem>>
      %dma_wait3A_177 = arith.constant 0 : i32
      %dma_wait3A_178 = arith.constant 0 : i32
      %dma_wait3A_179 = tpu.memref_slice %arg17[%dma_wait3A_177, %dma_wait3A_178] : memref<10000x32xf32, #tpu.memory_space<vmem_shared>> -> memref<10000x32xf32, #tpu.memory_space<vmem_shared>>
      tpu.wait_indirect_dma semaphore(%arg21 : memref<!tpu.dma_semaphore, #tpu.memory_space<semaphore_mem>>) src(%dma_wait3A_179 : memref<10000x32xf32, #tpu.memory_space<vmem_shared>>) dst(%arg11 : memref<128x32xf32, #tpu.memory_space<vmem>>)
      %run_scoped3A = arith.constant 74 : i32
      "tpu.region"() ({
        %run_scoped3A_180 = tpu.sem_alloc : memref<!tpu.dma_semaphore, #tpu.memory_space<semaphore_mem>>
        %dma_start3A_181 = arith.constant 0 : i32
        %dma_start3A_182 = tpu.memref_slice %arg8[%run_scoped3A, %dma_start3A_181] : memref<79x128xi32, #tpu.memory_space<vmem>> -> memref<1x128xi32, #tpu.memory_space<vmem>>
        %dma_start3A_183 = tpu.memref_squeeze %dma_start3A_182 : memref<1x128xi32, #tpu.memory_space<vmem>> -> memref<128xi32, #tpu.memory_space<vmem>>
        %dma_start3A_184 = arith.constant 0 : i32
        %dma_start3A_185 = arith.constant 0 : i32
        %dma_start3A_186 = tpu.memref_slice %arg18[%dma_start3A_184, %dma_start3A_185] : memref<10000x32xf32, #tpu.memory_space<vmem_shared>> -> memref<10000x32xf32, #tpu.memory_space<vmem_shared>>
        tpu.enqueue_indirect_dma source(%arg11 : memref<128x32xf32, #tpu.memory_space<vmem>>) target(%dma_start3A_186 : memref<10000x32xf32, #tpu.memory_space<vmem_shared>>) offsets(%dma_start3A_183 : memref<128xi32, #tpu.memory_space<vmem>>) semaphore(%run_scoped3A_180 : memref<!tpu.dma_semaphore, #tpu.memory_space<semaphore_mem>>) {add = true}
        %dma_wait3A_187 = arith.constant 0 : i32
        %dma_wait3A_188 = tpu.memref_slice %arg8[%run_scoped3A, %dma_wait3A_187] : memref<79x128xi32, #tpu.memory_space<vmem>> -> memref<1x128xi32, #tpu.memory_space<vmem>>
        %dma_wait3A_189 = tpu.memref_squeeze %dma_wait3A_188 : memref<1x128xi32, #tpu.memory_space<vmem>> -> memref<128xi32, #tpu.memory_space<vmem>>
        %dma_wait3A_190 = arith.constant 0 : i32
        %dma_wait3A_191 = arith.constant 0 : i32
        %dma_wait3A_192 = tpu.memref_slice %arg18[%dma_wait3A_190, %dma_wait3A_191] : memref<10000x32xf32, #tpu.memory_space<vmem_shared>> -> memref<10000x32xf32, #tpu.memory_space<vmem_shared>>
        tpu.wait_indirect_dma semaphore(%run_scoped3A_180 : memref<!tpu.dma_semaphore, #tpu.memory_space<semaphore_mem>>) src(%arg11 : memref<128x32xf32, #tpu.memory_space<vmem>>) dst(%dma_wait3A_192 : memref<10000x32xf32, #tpu.memory_space<vmem_shared>>)
        tpu.yield
      }) : () -> ()
    } else {
    }
    %gt3A_149 = arith.constant 75 : i32
    %gt3A_150 = arith.cmpi sgt, %select_n3A, %gt3A_149 : i32
    %convert_element_type3A_151 = arith.extui %gt3A_150 : i1 to i32
    %cond3A_152 = arith.constant 0 : i32
    %cond3A_153 = arith.cmpi ne, %convert_element_type3A_151, %cond3A_152 : i32
    scf.if %cond3A_153 {
      %dma_wait3A = arith.constant 9600 : i32
      %dma_wait3A_176 = tpu.memref_slice %arg7[%dma_wait3A] : memref<10112xi32, #tpu.memory_space<vmem>> -> memref<128xi32, #tpu.memory_space<vmem>>
      %dma_wait3A_177 = arith.constant 0 : i32
      %dma_wait3A_178 = arith.constant 0 : i32
      %dma_wait3A_179 = tpu.memref_slice %arg17[%dma_wait3A_177, %dma_wait3A_178] : memref<10000x32xf32, #tpu.memory_space<vmem_shared>> -> memref<10000x32xf32, #tpu.memory_space<vmem_shared>>
      tpu.wait_indirect_dma semaphore(%arg22 : memref<!tpu.dma_semaphore, #tpu.memory_space<semaphore_mem>>) src(%dma_wait3A_179 : memref<10000x32xf32, #tpu.memory_space<vmem_shared>>) dst(%arg12 : memref<128x32xf32, #tpu.memory_space<vmem>>)
      %run_scoped3A = arith.constant 75 : i32
      "tpu.region"() ({
        %run_scoped3A_180 = tpu.sem_alloc : memref<!tpu.dma_semaphore, #tpu.memory_space<semaphore_mem>>
        %dma_start3A_181 = arith.constant 0 : i32
        %dma_start3A_182 = tpu.memref_slice %arg8[%run_scoped3A, %dma_start3A_181] : memref<79x128xi32, #tpu.memory_space<vmem>> -> memref<1x128xi32, #tpu.memory_space<vmem>>
        %dma_start3A_183 = tpu.memref_squeeze %dma_start3A_182 : memref<1x128xi32, #tpu.memory_space<vmem>> -> memref<128xi32, #tpu.memory_space<vmem>>
        %dma_start3A_184 = arith.constant 0 : i32
        %dma_start3A_185 = arith.constant 0 : i32
        %dma_start3A_186 = tpu.memref_slice %arg18[%dma_start3A_184, %dma_start3A_185] : memref<10000x32xf32, #tpu.memory_space<vmem_shared>> -> memref<10000x32xf32, #tpu.memory_space<vmem_shared>>
        tpu.enqueue_indirect_dma source(%arg12 : memref<128x32xf32, #tpu.memory_space<vmem>>) target(%dma_start3A_186 : memref<10000x32xf32, #tpu.memory_space<vmem_shared>>) offsets(%dma_start3A_183 : memref<128xi32, #tpu.memory_space<vmem>>) semaphore(%run_scoped3A_180 : memref<!tpu.dma_semaphore, #tpu.memory_space<semaphore_mem>>) {add = true}
        %dma_wait3A_187 = arith.constant 0 : i32
        %dma_wait3A_188 = tpu.memref_slice %arg8[%run_scoped3A, %dma_wait3A_187] : memref<79x128xi32, #tpu.memory_space<vmem>> -> memref<1x128xi32, #tpu.memory_space<vmem>>
        %dma_wait3A_189 = tpu.memref_squeeze %dma_wait3A_188 : memref<1x128xi32, #tpu.memory_space<vmem>> -> memref<128xi32, #tpu.memory_space<vmem>>
        %dma_wait3A_190 = arith.constant 0 : i32
        %dma_wait3A_191 = arith.constant 0 : i32
        %dma_wait3A_192 = tpu.memref_slice %arg18[%dma_wait3A_190, %dma_wait3A_191] : memref<10000x32xf32, #tpu.memory_space<vmem_shared>> -> memref<10000x32xf32, #tpu.memory_space<vmem_shared>>
        tpu.wait_indirect_dma semaphore(%run_scoped3A_180 : memref<!tpu.dma_semaphore, #tpu.memory_space<semaphore_mem>>) src(%arg12 : memref<128x32xf32, #tpu.memory_space<vmem>>) dst(%dma_wait3A_192 : memref<10000x32xf32, #tpu.memory_space<vmem_shared>>)
        tpu.yield
      }) : () -> ()
    } else {
    }
    %gt3A_154 = arith.constant 76 : i32
    %gt3A_155 = arith.cmpi sgt, %select_n3A, %gt3A_154 : i32
    %convert_element_type3A_156 = arith.extui %gt3A_155 : i1 to i32
    %cond3A_157 = arith.constant 0 : i32
    %cond3A_158 = arith.cmpi ne, %convert_element_type3A_156, %cond3A_157 : i32
    scf.if %cond3A_158 {
      %dma_wait3A = arith.constant 9728 : i32
      %dma_wait3A_176 = tpu.memref_slice %arg7[%dma_wait3A] : memref<10112xi32, #tpu.memory_space<vmem>> -> memref<128xi32, #tpu.memory_space<vmem>>
      %dma_wait3A_177 = arith.constant 0 : i32
      %dma_wait3A_178 = arith.constant 0 : i32
      %dma_wait3A_179 = tpu.memref_slice %arg17[%dma_wait3A_177, %dma_wait3A_178] : memref<10000x32xf32, #tpu.memory_space<vmem_shared>> -> memref<10000x32xf32, #tpu.memory_space<vmem_shared>>
      tpu.wait_indirect_dma semaphore(%arg23 : memref<!tpu.dma_semaphore, #tpu.memory_space<semaphore_mem>>) src(%dma_wait3A_179 : memref<10000x32xf32, #tpu.memory_space<vmem_shared>>) dst(%arg13 : memref<128x32xf32, #tpu.memory_space<vmem>>)
      %run_scoped3A = arith.constant 76 : i32
      "tpu.region"() ({
        %run_scoped3A_180 = tpu.sem_alloc : memref<!tpu.dma_semaphore, #tpu.memory_space<semaphore_mem>>
        %dma_start3A_181 = arith.constant 0 : i32
        %dma_start3A_182 = tpu.memref_slice %arg8[%run_scoped3A, %dma_start3A_181] : memref<79x128xi32, #tpu.memory_space<vmem>> -> memref<1x128xi32, #tpu.memory_space<vmem>>
        %dma_start3A_183 = tpu.memref_squeeze %dma_start3A_182 : memref<1x128xi32, #tpu.memory_space<vmem>> -> memref<128xi32, #tpu.memory_space<vmem>>
        %dma_start3A_184 = arith.constant 0 : i32
        %dma_start3A_185 = arith.constant 0 : i32
        %dma_start3A_186 = tpu.memref_slice %arg18[%dma_start3A_184, %dma_start3A_185] : memref<10000x32xf32, #tpu.memory_space<vmem_shared>> -> memref<10000x32xf32, #tpu.memory_space<vmem_shared>>
        tpu.enqueue_indirect_dma source(%arg13 : memref<128x32xf32, #tpu.memory_space<vmem>>) target(%dma_start3A_186 : memref<10000x32xf32, #tpu.memory_space<vmem_shared>>) offsets(%dma_start3A_183 : memref<128xi32, #tpu.memory_space<vmem>>) semaphore(%run_scoped3A_180 : memref<!tpu.dma_semaphore, #tpu.memory_space<semaphore_mem>>) {add = true}
        %dma_wait3A_187 = arith.constant 0 : i32
        %dma_wait3A_188 = tpu.memref_slice %arg8[%run_scoped3A, %dma_wait3A_187] : memref<79x128xi32, #tpu.memory_space<vmem>> -> memref<1x128xi32, #tpu.memory_space<vmem>>
        %dma_wait3A_189 = tpu.memref_squeeze %dma_wait3A_188 : memref<1x128xi32, #tpu.memory_space<vmem>> -> memref<128xi32, #tpu.memory_space<vmem>>
        %dma_wait3A_190 = arith.constant 0 : i32
        %dma_wait3A_191 = arith.constant 0 : i32
        %dma_wait3A_192 = tpu.memref_slice %arg18[%dma_wait3A_190, %dma_wait3A_191] : memref<10000x32xf32, #tpu.memory_space<vmem_shared>> -> memref<10000x32xf32, #tpu.memory_space<vmem_shared>>
        tpu.wait_indirect_dma semaphore(%run_scoped3A_180 : memref<!tpu.dma_semaphore, #tpu.memory_space<semaphore_mem>>) src(%arg13 : memref<128x32xf32, #tpu.memory_space<vmem>>) dst(%dma_wait3A_192 : memref<10000x32xf32, #tpu.memory_space<vmem_shared>>)
        tpu.yield
      }) : () -> ()
    } else {
    }
    %gt3A_159 = arith.constant 77 : i32
    %gt3A_160 = arith.cmpi sgt, %select_n3A, %gt3A_159 : i32
    %convert_element_type3A_161 = arith.extui %gt3A_160 : i1 to i32
    %cond3A_162 = arith.constant 0 : i32
    %cond3A_163 = arith.cmpi ne, %convert_element_type3A_161, %cond3A_162 : i32
    scf.if %cond3A_163 {
      %dma_wait3A = arith.constant 9856 : i32
      %dma_wait3A_176 = tpu.memref_slice %arg7[%dma_wait3A] : memref<10112xi32, #tpu.memory_space<vmem>> -> memref<128xi32, #tpu.memory_space<vmem>>
      %dma_wait3A_177 = arith.constant 0 : i32
      %dma_wait3A_178 = arith.constant 0 : i32
      %dma_wait3A_179 = tpu.memref_slice %arg17[%dma_wait3A_177, %dma_wait3A_178] : memref<10000x32xf32, #tpu.memory_space<vmem_shared>> -> memref<10000x32xf32, #tpu.memory_space<vmem_shared>>
      tpu.wait_indirect_dma semaphore(%arg24 : memref<!tpu.dma_semaphore, #tpu.memory_space<semaphore_mem>>) src(%dma_wait3A_179 : memref<10000x32xf32, #tpu.memory_space<vmem_shared>>) dst(%arg14 : memref<128x32xf32, #tpu.memory_space<vmem>>)
      %run_scoped3A = arith.constant 77 : i32
      "tpu.region"() ({
        %run_scoped3A_180 = tpu.sem_alloc : memref<!tpu.dma_semaphore, #tpu.memory_space<semaphore_mem>>
        %dma_start3A_181 = arith.constant 0 : i32
        %dma_start3A_182 = tpu.memref_slice %arg8[%run_scoped3A, %dma_start3A_181] : memref<79x128xi32, #tpu.memory_space<vmem>> -> memref<1x128xi32, #tpu.memory_space<vmem>>
        %dma_start3A_183 = tpu.memref_squeeze %dma_start3A_182 : memref<1x128xi32, #tpu.memory_space<vmem>> -> memref<128xi32, #tpu.memory_space<vmem>>
        %dma_start3A_184 = arith.constant 0 : i32
        %dma_start3A_185 = arith.constant 0 : i32
        %dma_start3A_186 = tpu.memref_slice %arg18[%dma_start3A_184, %dma_start3A_185] : memref<10000x32xf32, #tpu.memory_space<vmem_shared>> -> memref<10000x32xf32, #tpu.memory_space<vmem_shared>>
        tpu.enqueue_indirect_dma source(%arg14 : memref<128x32xf32, #tpu.memory_space<vmem>>) target(%dma_start3A_186 : memref<10000x32xf32, #tpu.memory_space<vmem_shared>>) offsets(%dma_start3A_183 : memref<128xi32, #tpu.memory_space<vmem>>) semaphore(%run_scoped3A_180 : memref<!tpu.dma_semaphore, #tpu.memory_space<semaphore_mem>>) {add = true}
        %dma_wait3A_187 = arith.constant 0 : i32
        %dma_wait3A_188 = tpu.memref_slice %arg8[%run_scoped3A, %dma_wait3A_187] : memref<79x128xi32, #tpu.memory_space<vmem>> -> memref<1x128xi32, #tpu.memory_space<vmem>>
        %dma_wait3A_189 = tpu.memref_squeeze %dma_wait3A_188 : memref<1x128xi32, #tpu.memory_space<vmem>> -> memref<128xi32, #tpu.memory_space<vmem>>
        %dma_wait3A_190 = arith.constant 0 : i32
        %dma_wait3A_191 = arith.constant 0 : i32
        %dma_wait3A_192 = tpu.memref_slice %arg18[%dma_wait3A_190, %dma_wait3A_191] : memref<10000x32xf32, #tpu.memory_space<vmem_shared>> -> memref<10000x32xf32, #tpu.memory_space<vmem_shared>>
        tpu.wait_indirect_dma semaphore(%run_scoped3A_180 : memref<!tpu.dma_semaphore, #tpu.memory_space<semaphore_mem>>) src(%arg14 : memref<128x32xf32, #tpu.memory_space<vmem>>) dst(%dma_wait3A_192 : memref<10000x32xf32, #tpu.memory_space<vmem_shared>>)
        tpu.yield
      }) : () -> ()
    } else {
    }
    %gt3A_164 = arith.constant 78 : i32
    %gt3A_165 = arith.cmpi sgt, %select_n3A, %gt3A_164 : i32
    %convert_element_type3A_166 = arith.extui %gt3A_165 : i1 to i32
    %cond3A_167 = arith.constant 0 : i32
    %cond3A_168 = arith.cmpi ne, %convert_element_type3A_166, %cond3A_167 : i32
    scf.if %cond3A_168 {
      %dma_wait3A = arith.constant 9984 : i32
      %dma_wait3A_176 = tpu.memref_slice %arg7[%dma_wait3A] : memref<10112xi32, #tpu.memory_space<vmem>> -> memref<128xi32, #tpu.memory_space<vmem>>
      %dma_wait3A_177 = arith.constant 0 : i32
      %dma_wait3A_178 = arith.constant 0 : i32
      %dma_wait3A_179 = tpu.memref_slice %arg17[%dma_wait3A_177, %dma_wait3A_178] : memref<10000x32xf32, #tpu.memory_space<vmem_shared>> -> memref<10000x32xf32, #tpu.memory_space<vmem_shared>>
      tpu.wait_indirect_dma semaphore(%arg25 : memref<!tpu.dma_semaphore, #tpu.memory_space<semaphore_mem>>) src(%dma_wait3A_179 : memref<10000x32xf32, #tpu.memory_space<vmem_shared>>) dst(%arg15 : memref<128x32xf32, #tpu.memory_space<vmem>>)
      %run_scoped3A = arith.constant 78 : i32
      "tpu.region"() ({
        %run_scoped3A_180 = tpu.sem_alloc : memref<!tpu.dma_semaphore, #tpu.memory_space<semaphore_mem>>
        %dma_start3A_181 = arith.constant 0 : i32
        %dma_start3A_182 = tpu.memref_slice %arg8[%run_scoped3A, %dma_start3A_181] : memref<79x128xi32, #tpu.memory_space<vmem>> -> memref<1x128xi32, #tpu.memory_space<vmem>>
        %dma_start3A_183 = tpu.memref_squeeze %dma_start3A_182 : memref<1x128xi32, #tpu.memory_space<vmem>> -> memref<128xi32, #tpu.memory_space<vmem>>
        %dma_start3A_184 = arith.constant 0 : i32
        %dma_start3A_185 = arith.constant 0 : i32
        %dma_start3A_186 = tpu.memref_slice %arg18[%dma_start3A_184, %dma_start3A_185] : memref<10000x32xf32, #tpu.memory_space<vmem_shared>> -> memref<10000x32xf32, #tpu.memory_space<vmem_shared>>
        tpu.enqueue_indirect_dma source(%arg15 : memref<128x32xf32, #tpu.memory_space<vmem>>) target(%dma_start3A_186 : memref<10000x32xf32, #tpu.memory_space<vmem_shared>>) offsets(%dma_start3A_183 : memref<128xi32, #tpu.memory_space<vmem>>) semaphore(%run_scoped3A_180 : memref<!tpu.dma_semaphore, #tpu.memory_space<semaphore_mem>>) {add = true}
        %dma_wait3A_187 = arith.constant 0 : i32
        %dma_wait3A_188 = tpu.memref_slice %arg8[%run_scoped3A, %dma_wait3A_187] : memref<79x128xi32, #tpu.memory_space<vmem>> -> memref<1x128xi32, #tpu.memory_space<vmem>>
        %dma_wait3A_189 = tpu.memref_squeeze %dma_wait3A_188 : memref<1x128xi32, #tpu.memory_space<vmem>> -> memref<128xi32, #tpu.memory_space<vmem>>
        %dma_wait3A_190 = arith.constant 0 : i32
        %dma_wait3A_191 = arith.constant 0 : i32
        %dma_wait3A_192 = tpu.memref_slice %arg18[%dma_wait3A_190, %dma_wait3A_191] : memref<10000x32xf32, #tpu.memory_space<vmem_shared>> -> memref<10000x32xf32, #tpu.memory_space<vmem_shared>>
        tpu.wait_indirect_dma semaphore(%run_scoped3A_180 : memref<!tpu.dma_semaphore, #tpu.memory_space<semaphore_mem>>) src(%arg15 : memref<128x32xf32, #tpu.memory_space<vmem>>) dst(%dma_wait3A_192 : memref<10000x32xf32, #tpu.memory_space<vmem_shared>>)
        tpu.yield
      }) : () -> ()
    } else {
    }
    %barrier3A_169 = arith.constant 0 : index
    tpu.barrier barrier_id(%barrier3A_169)
    %mul3A_170 = arith.constant 625 : i32
    %mul3A_171 = arith.muli %arg1, %mul3A_170 : i32
    %mul3A_172 = arith.constant 625 : i32
    %mul3A_173 = arith.muli %arg1, %mul3A_172 : i32
    %mul3A_174 = arith.constant 32 : i32
    %mul3A_175 = arith.muli %arg0, %mul3A_174 : i32
    "tpu.region"() ({
      %run_scoped3A = tpu.sem_alloc : memref<!tpu.dma_semaphore, #tpu.memory_space<semaphore_mem>>
      %dma_start3A_176 = tpu.memref_slice %arg6[%mul3A_173, %mul3A_175] : memref<10000x128xf32, #tpu.memory_space<hbm>> -> memref<625x32xf32, #tpu.memory_space<hbm>>
      %dma_start3A_177 = arith.constant 0 : i32
      %dma_start3A_178 = tpu.memref_slice %arg18[%mul3A_171, %dma_start3A_177] : memref<10000x32xf32, #tpu.memory_space<vmem_shared>> -> memref<625x32xf32, #tpu.memory_space<vmem_shared>>
      tpu.enqueue_dma source(%dma_start3A_178 : memref<625x32xf32, #tpu.memory_space<vmem_shared>>) target(%dma_start3A_176 : memref<625x32xf32, #tpu.memory_space<hbm>>) target_semaphore(%run_scoped3A : memref<!tpu.dma_semaphore, #tpu.memory_space<semaphore_mem>>)
      %dma_wait3A = tpu.memref_slice %arg6[%mul3A_173, %mul3A_175] : memref<10000x128xf32, #tpu.memory_space<hbm>> -> memref<625x32xf32, #tpu.memory_space<hbm>>
      %dma_wait3A_179 = arith.constant 0 : i32
      %dma_wait3A_180 = tpu.memref_slice %arg18[%mul3A_171, %dma_wait3A_179] : memref<10000x32xf32, #tpu.memory_space<vmem_shared>> -> memref<625x32xf32, #tpu.memory_space<vmem_shared>>
      tpu.wait_dma2 semaphore(%run_scoped3A : memref<!tpu.dma_semaphore, #tpu.memory_space<semaphore_mem>>) src(%dma_wait3A_180 : memref<625x32xf32, #tpu.memory_space<vmem_shared>>) dst(%dma_wait3A : memref<625x32xf32, #tpu.memory_space<hbm>>)
      tpu.yield
    }) : () -> ()
    return
  }
}

#map = affine_map<(d0, d1) -> (0, 0)>
#map1 = affine_map<(d0, d1) -> (0)>
module attributes {stable_mosaic.version = 14 : i64} {
  func.func @_agg_sc(%arg0: i32, %arg1: i32, %arg2: memref<10000x128xf32, #tpu.memory_space<hbm>>, %arg3: memref<320000xi32, #tpu.memory_space<hbm>>, %arg4: memref<2500x128xi32, #tpu.memory_space<hbm>>, %arg5: memref<10000x128xf32, #tpu.memory_space<hbm>>, %arg6: memref<10000x128xf32, #tpu.memory_space<hbm>>, %arg7: memref<10112xi32, #tpu.memory_space<vmem>>, %arg8: memref<79x128xi32, #tpu.memory_space<vmem>>, %arg9: memref<128x32xf32, #tpu.memory_space<vmem>>, %arg10: memref<128x32xf32, #tpu.memory_space<vmem>>, %arg11: memref<128x32xf32, #tpu.memory_space<vmem>>, %arg12: memref<128x32xf32, #tpu.memory_space<vmem>>, %arg13: memref<128x32xf32, #tpu.memory_space<vmem>>, %arg14: memref<128x32xf32, #tpu.memory_space<vmem>>, %arg15: memref<128x32xf32, #tpu.memory_space<vmem>>, %arg16: memref<128x32xf32, #tpu.memory_space<vmem>>, %arg17: memref<10000x32xf32, #tpu.memory_space<vmem_shared>>, %arg18: memref<10000x32xf32, #tpu.memory_space<vmem_shared>>, %arg19: memref<!tpu.dma_semaphore, #tpu.memory_space<semaphore_mem>>, %arg20: memref<!tpu.dma_semaphore, #tpu.memory_space<semaphore_mem>>, %arg21: memref<!tpu.dma_semaphore, #tpu.memory_space<semaphore_mem>>, %arg22: memref<!tpu.dma_semaphore, #tpu.memory_space<semaphore_mem>>, %arg23: memref<!tpu.dma_semaphore, #tpu.memory_space<semaphore_mem>>, %arg24: memref<!tpu.dma_semaphore, #tpu.memory_space<semaphore_mem>>, %arg25: memref<!tpu.dma_semaphore, #tpu.memory_space<semaphore_mem>>, %arg26: memref<!tpu.dma_semaphore, #tpu.memory_space<semaphore_mem>>) attributes {dimension_semantics = [#tpu.dimension_semantics<core_parallel>, #tpu.dimension_semantics<subcore_parallel>], iteration_bounds = array<i64: 2, 16>, scalar_prefetch = 0 : i64, scratch_operands = 20 : i64, tpu.core_type = #tpu.core_type<sc_vector_subcore>, window_params = [{transform_indices = #map}, {transform_indices = #map1}, {transform_indices = #map}, {transform_indices = #map}, {transform_indices = #map}]} {
    %mul3A = arith.constant 2 : i32
    %mul3A_0 = arith.muli %arg1, %mul3A : i32
    %add3A = arith.addi %mul3A_0, %arg0 : i32
    %mul3A_1 = arith.constant 78 : i32
    %mul3A_2 = arith.muli %add3A, %mul3A_1 : i32
    %sub3A = arith.constant 28 : i32
    %sub3A_3 = arith.subi %add3A, %sub3A : i32
    %max3A = arith.constant 0 : i32
    %max3A_4 = arith.maxsi %sub3A_3, %max3A : i32
    %add3A_5 = arith.addi %mul3A_2, %max3A_4 : i32
    %ge3A = arith.constant 28 : i32
    %ge3A_6 = arith.cmpi sge, %add3A, %ge3A : i32
    %jit3A = arith.constant 79 : i32
    %jit3A_7 = arith.constant 78 : i32
    %select_n3A = arith.select %ge3A_6, %jit3A, %jit3A_7 : i32
    %mul3A_8 = arith.constant 625 : i32
    %mul3A_9 = arith.muli %arg1, %mul3A_8 : i32
    %mul3A_10 = arith.constant 625 : i32
    %mul3A_11 = arith.muli %arg1, %mul3A_10 : i32
    "tpu.region"() ({
      %run_scoped3A = tpu.sem_alloc : memref<!tpu.dma_semaphore, #tpu.memory_space<semaphore_mem>>
      %dma_start3A_176 = arith.constant 0 : i32
      %dma_start3A_177 = tpu.memref_slice %arg18[%mul3A_11, %dma_start3A_176] : memref<10000x32xf32, #tpu.memory_space<vmem_shared>> -> memref<625x32xf32, #tpu.memory_space<vmem_shared>>
      %dma_start3A_178 = arith.constant 0 : i32
      %dma_start3A_179 = tpu.memref_slice %arg5[%mul3A_9, %dma_start3A_178] : memref<10000x128xf32, #tpu.memory_space<hbm>> -> memref<625x32xf32, #tpu.memory_space<hbm>>
      tpu.enqueue_dma source(%dma_start3A_179 : memref<625x32xf32, #tpu.memory_space<hbm>>) target(%dma_start3A_177 : memref<625x32xf32, #tpu.memory_space<vmem_shared>>) target_semaphore(%run_scoped3A : memref<!tpu.dma_semaphore, #tpu.memory_space<semaphore_mem>>)
      %dma_wait3A = arith.constant 0 : i32
      %dma_wait3A_180 = tpu.memref_slice %arg18[%mul3A_11, %dma_wait3A] : memref<10000x32xf32, #tpu.memory_space<vmem_shared>> -> memref<625x32xf32, #tpu.memory_space<vmem_shared>>
      %dma_wait3A_181 = arith.constant 0 : i32
      %dma_wait3A_182 = tpu.memref_slice %arg5[%mul3A_9, %dma_wait3A_181] : memref<10000x128xf32, #tpu.memory_space<hbm>> -> memref<625x32xf32, #tpu.memory_space<hbm>>
      tpu.wait_dma2 semaphore(%run_scoped3A : memref<!tpu.dma_semaphore, #tpu.memory_space<semaphore_mem>>) src(%dma_wait3A_182 : memref<625x32xf32, #tpu.memory_space<hbm>>) dst(%dma_wait3A_180 : memref<625x32xf32, #tpu.memory_space<vmem_shared>>)
      tpu.yield
    }) : () -> ()
    %mul3A_12 = arith.constant 625 : i32
    %mul3A_13 = arith.muli %arg1, %mul3A_12 : i32
    %mul3A_14 = arith.constant 625 : i32
    %mul3A_15 = arith.muli %arg1, %mul3A_14 : i32
    "tpu.region"() ({
      %run_scoped3A = tpu.sem_alloc : memref<!tpu.dma_semaphore, #tpu.memory_space<semaphore_mem>>
      %dma_start3A_176 = arith.constant 0 : i32
      %dma_start3A_177 = tpu.memref_slice %arg17[%mul3A_15, %dma_start3A_176] : memref<10000x32xf32, #tpu.memory_space<vmem_shared>> -> memref<625x32xf32, #tpu.memory_space<vmem_shared>>
      %dma_start3A_178 = arith.constant 0 : i32
      %dma_start3A_179 = tpu.memref_slice %arg2[%mul3A_13, %dma_start3A_178] : memref<10000x128xf32, #tpu.memory_space<hbm>> -> memref<625x32xf32, #tpu.memory_space<hbm>>
      tpu.enqueue_dma source(%dma_start3A_179 : memref<625x32xf32, #tpu.memory_space<hbm>>) target(%dma_start3A_177 : memref<625x32xf32, #tpu.memory_space<vmem_shared>>) target_semaphore(%run_scoped3A : memref<!tpu.dma_semaphore, #tpu.memory_space<semaphore_mem>>)
      %dma_wait3A = arith.constant 0 : i32
      %dma_wait3A_180 = tpu.memref_slice %arg17[%mul3A_15, %dma_wait3A] : memref<10000x32xf32, #tpu.memory_space<vmem_shared>> -> memref<625x32xf32, #tpu.memory_space<vmem_shared>>
      %dma_wait3A_181 = arith.constant 0 : i32
      %dma_wait3A_182 = tpu.memref_slice %arg2[%mul3A_13, %dma_wait3A_181] : memref<10000x128xf32, #tpu.memory_space<hbm>> -> memref<625x32xf32, #tpu.memory_space<hbm>>
      tpu.wait_dma2 semaphore(%run_scoped3A : memref<!tpu.dma_semaphore, #tpu.memory_space<semaphore_mem>>) src(%dma_wait3A_182 : memref<625x32xf32, #tpu.memory_space<hbm>>) dst(%dma_wait3A_180 : memref<625x32xf32, #tpu.memory_space<vmem_shared>>)
      tpu.yield
    }) : () -> ()
    %mul3A_16 = arith.constant 128 : i32
    %mul3A_17 = arith.muli %add3A_5, %mul3A_16 : i32
    "tpu.region"() ({
      %run_scoped3A = tpu.sem_alloc : memref<!tpu.dma_semaphore, #tpu.memory_space<semaphore_mem>>
      %dma_start3A_176 = tpu.memref_slice %arg3[%mul3A_17] : memref<320000xi32, #tpu.memory_space<hbm>> -> memref<10112xi32, #tpu.memory_space<hbm>>
      %dma_start3A_177 = tpu.memref_slice %arg3[%mul3A_17] : memref<320000xi32, #tpu.memory_space<hbm>> -> memref<10112xi32, #tpu.memory_space<hbm>>
      tpu.enqueue_dma source(%dma_start3A_177 : memref<10112xi32, #tpu.memory_space<hbm>>) target(%arg7 : memref<10112xi32, #tpu.memory_space<vmem>>) target_semaphore(%run_scoped3A : memref<!tpu.dma_semaphore, #tpu.memory_space<semaphore_mem>>)
      %dma_wait3A = tpu.memref_slice %arg3[%mul3A_17] : memref<320000xi32, #tpu.memory_space<hbm>> -> memref<10112xi32, #tpu.memory_space<hbm>>
      %dma_wait3A_178 = tpu.memref_slice %arg3[%mul3A_17] : memref<320000xi32, #tpu.memory_space<hbm>> -> memref<10112xi32, #tpu.memory_space<hbm>>
      tpu.wait_dma2 semaphore(%run_scoped3A : memref<!tpu.dma_semaphore, #tpu.memory_space<semaphore_mem>>) src(%dma_wait3A_178 : memref<10112xi32, #tpu.memory_space<hbm>>) dst(%arg7 : memref<10112xi32, #tpu.memory_space<vmem>>)
      tpu.yield
    }) : () -> ()
    "tpu.region"() ({
      %run_scoped3A = tpu.sem_alloc : memref<!tpu.dma_semaphore, #tpu.memory_space<semaphore_mem>>
      %dma_start3A_176 = arith.constant 0 : i32
      %dma_start3A_177 = tpu.memref_slice %arg4[%add3A_5, %dma_start3A_176] : memref<2500x128xi32, #tpu.memory_space<hbm>> -> memref<79x128xi32, #tpu.memory_space<hbm>>
      %dma_start3A_178 = arith.constant 0 : i32
      %dma_start3A_179 = tpu.memref_slice %arg4[%add3A_5, %dma_start3A_178] : memref<2500x128xi32, #tpu.memory_space<hbm>> -> memref<79x128xi32, #tpu.memory_space<hbm>>
      tpu.enqueue_dma source(%dma_start3A_179 : memref<79x128xi32, #tpu.memory_space<hbm>>) target(%arg8 : memref<79x128xi32, #tpu.memory_space<vmem>>) target_semaphore(%run_scoped3A : memref<!tpu.dma_semaphore, #tpu.memory_space<semaphore_mem>>)
      %dma_wait3A = arith.constant 0 : i32
      %dma_wait3A_180 = tpu.memref_slice %arg4[%add3A_5, %dma_wait3A] : memref<2500x128xi32, #tpu.memory_space<hbm>> -> memref<79x128xi32, #tpu.memory_space<hbm>>
      %dma_wait3A_181 = arith.constant 0 : i32
      %dma_wait3A_182 = tpu.memref_slice %arg4[%add3A_5, %dma_wait3A_181] : memref<2500x128xi32, #tpu.memory_space<hbm>> -> memref<79x128xi32, #tpu.memory_space<hbm>>
      tpu.wait_dma2 semaphore(%run_scoped3A : memref<!tpu.dma_semaphore, #tpu.memory_space<semaphore_mem>>) src(%dma_wait3A_182 : memref<79x128xi32, #tpu.memory_space<hbm>>) dst(%arg8 : memref<79x128xi32, #tpu.memory_space<vmem>>)
      tpu.yield
    }) : () -> ()
    %barrier3A = arith.constant 0 : index
    tpu.barrier barrier_id(%barrier3A)
    %dma_start3A = arith.constant 0 : i32
    %dma_start3A_18 = tpu.memref_slice %arg7[%dma_start3A] : memref<10112xi32, #tpu.memory_space<vmem>> -> memref<128xi32, #tpu.memory_space<vmem>>
    %dma_start3A_19 = arith.constant 0 : i32
    %dma_start3A_20 = arith.constant 0 : i32
    %dma_start3A_21 = tpu.memref_slice %arg17[%dma_start3A_19, %dma_start3A_20] : memref<10000x32xf32, #tpu.memory_space<vmem_shared>> -> memref<10000x32xf32, #tpu.memory_space<vmem_shared>>
    tpu.enqueue_indirect_dma source(%dma_start3A_21 : memref<10000x32xf32, #tpu.memory_space<vmem_shared>>) target(%arg9 : memref<128x32xf32, #tpu.memory_space<vmem>>) offsets(%dma_start3A_18 : memref<128xi32, #tpu.memory_space<vmem>>) semaphore(%arg19 : memref<!tpu.dma_semaphore, #tpu.memory_space<semaphore_mem>>)
    %dma_start3A_22 = arith.constant 128 : i32
    %dma_start3A_23 = tpu.memref_slice %arg7[%dma_start3A_22] : memref<10112xi32, #tpu.memory_space<vmem>> -> memref<128xi32, #tpu.memory_space<vmem>>
    %dma_start3A_24 = arith.constant 0 : i32
    %dma_start3A_25 = arith.constant 0 : i32
    %dma_start3A_26 = tpu.memref_slice %arg17[%dma_start3A_24, %dma_start3A_25] : memref<10000x32xf32, #tpu.memory_space<vmem_shared>> -> memref<10000x32xf32, #tpu.memory_space<vmem_shared>>
    tpu.enqueue_indirect_dma source(%dma_start3A_26 : memref<10000x32xf32, #tpu.memory_space<vmem_shared>>) target(%arg10 : memref<128x32xf32, #tpu.memory_space<vmem>>) offsets(%dma_start3A_23 : memref<128xi32, #tpu.memory_space<vmem>>) semaphore(%arg20 : memref<!tpu.dma_semaphore, #tpu.memory_space<semaphore_mem>>)
    %dma_start3A_27 = arith.constant 256 : i32
    %dma_start3A_28 = tpu.memref_slice %arg7[%dma_start3A_27] : memref<10112xi32, #tpu.memory_space<vmem>> -> memref<128xi32, #tpu.memory_space<vmem>>
    %dma_start3A_29 = arith.constant 0 : i32
    %dma_start3A_30 = arith.constant 0 : i32
    %dma_start3A_31 = tpu.memref_slice %arg17[%dma_start3A_29, %dma_start3A_30] : memref<10000x32xf32, #tpu.memory_space<vmem_shared>> -> memref<10000x32xf32, #tpu.memory_space<vmem_shared>>
    tpu.enqueue_indirect_dma source(%dma_start3A_31 : memref<10000x32xf32, #tpu.memory_space<vmem_shared>>) target(%arg11 : memref<128x32xf32, #tpu.memory_space<vmem>>) offsets(%dma_start3A_28 : memref<128xi32, #tpu.memory_space<vmem>>) semaphore(%arg21 : memref<!tpu.dma_semaphore, #tpu.memory_space<semaphore_mem>>)
    %dma_start3A_32 = arith.constant 384 : i32
    %dma_start3A_33 = tpu.memref_slice %arg7[%dma_start3A_32] : memref<10112xi32, #tpu.memory_space<vmem>> -> memref<128xi32, #tpu.memory_space<vmem>>
    %dma_start3A_34 = arith.constant 0 : i32
    %dma_start3A_35 = arith.constant 0 : i32
    %dma_start3A_36 = tpu.memref_slice %arg17[%dma_start3A_34, %dma_start3A_35] : memref<10000x32xf32, #tpu.memory_space<vmem_shared>> -> memref<10000x32xf32, #tpu.memory_space<vmem_shared>>
    tpu.enqueue_indirect_dma source(%dma_start3A_36 : memref<10000x32xf32, #tpu.memory_space<vmem_shared>>) target(%arg12 : memref<128x32xf32, #tpu.memory_space<vmem>>) offsets(%dma_start3A_33 : memref<128xi32, #tpu.memory_space<vmem>>) semaphore(%arg22 : memref<!tpu.dma_semaphore, #tpu.memory_space<semaphore_mem>>)
    %dma_start3A_37 = arith.constant 512 : i32
    %dma_start3A_38 = tpu.memref_slice %arg7[%dma_start3A_37] : memref<10112xi32, #tpu.memory_space<vmem>> -> memref<128xi32, #tpu.memory_space<vmem>>
    %dma_start3A_39 = arith.constant 0 : i32
    %dma_start3A_40 = arith.constant 0 : i32
    %dma_start3A_41 = tpu.memref_slice %arg17[%dma_start3A_39, %dma_start3A_40] : memref<10000x32xf32, #tpu.memory_space<vmem_shared>> -> memref<10000x32xf32, #tpu.memory_space<vmem_shared>>
    tpu.enqueue_indirect_dma source(%dma_start3A_41 : memref<10000x32xf32, #tpu.memory_space<vmem_shared>>) target(%arg13 : memref<128x32xf32, #tpu.memory_space<vmem>>) offsets(%dma_start3A_38 : memref<128xi32, #tpu.memory_space<vmem>>) semaphore(%arg23 : memref<!tpu.dma_semaphore, #tpu.memory_space<semaphore_mem>>)
    %dma_start3A_42 = arith.constant 640 : i32
    %dma_start3A_43 = tpu.memref_slice %arg7[%dma_start3A_42] : memref<10112xi32, #tpu.memory_space<vmem>> -> memref<128xi32, #tpu.memory_space<vmem>>
    %dma_start3A_44 = arith.constant 0 : i32
    %dma_start3A_45 = arith.constant 0 : i32
    %dma_start3A_46 = tpu.memref_slice %arg17[%dma_start3A_44, %dma_start3A_45] : memref<10000x32xf32, #tpu.memory_space<vmem_shared>> -> memref<10000x32xf32, #tpu.memory_space<vmem_shared>>
    tpu.enqueue_indirect_dma source(%dma_start3A_46 : memref<10000x32xf32, #tpu.memory_space<vmem_shared>>) target(%arg14 : memref<128x32xf32, #tpu.memory_space<vmem>>) offsets(%dma_start3A_43 : memref<128xi32, #tpu.memory_space<vmem>>) semaphore(%arg24 : memref<!tpu.dma_semaphore, #tpu.memory_space<semaphore_mem>>)
    %dma_start3A_47 = arith.constant 768 : i32
    %dma_start3A_48 = tpu.memref_slice %arg7[%dma_start3A_47] : memref<10112xi32, #tpu.memory_space<vmem>> -> memref<128xi32, #tpu.memory_space<vmem>>
    %dma_start3A_49 = arith.constant 0 : i32
    %dma_start3A_50 = arith.constant 0 : i32
    %dma_start3A_51 = tpu.memref_slice %arg17[%dma_start3A_49, %dma_start3A_50] : memref<10000x32xf32, #tpu.memory_space<vmem_shared>> -> memref<10000x32xf32, #tpu.memory_space<vmem_shared>>
    tpu.enqueue_indirect_dma source(%dma_start3A_51 : memref<10000x32xf32, #tpu.memory_space<vmem_shared>>) target(%arg15 : memref<128x32xf32, #tpu.memory_space<vmem>>) offsets(%dma_start3A_48 : memref<128xi32, #tpu.memory_space<vmem>>) semaphore(%arg25 : memref<!tpu.dma_semaphore, #tpu.memory_space<semaphore_mem>>)
    %dma_start3A_52 = arith.constant 896 : i32
    %dma_start3A_53 = tpu.memref_slice %arg7[%dma_start3A_52] : memref<10112xi32, #tpu.memory_space<vmem>> -> memref<128xi32, #tpu.memory_space<vmem>>
    %dma_start3A_54 = arith.constant 0 : i32
    %dma_start3A_55 = arith.constant 0 : i32
    %dma_start3A_56 = tpu.memref_slice %arg17[%dma_start3A_54, %dma_start3A_55] : memref<10000x32xf32, #tpu.memory_space<vmem_shared>> -> memref<10000x32xf32, #tpu.memory_space<vmem_shared>>
    tpu.enqueue_indirect_dma source(%dma_start3A_56 : memref<10000x32xf32, #tpu.memory_space<vmem_shared>>) target(%arg16 : memref<128x32xf32, #tpu.memory_space<vmem>>) offsets(%dma_start3A_53 : memref<128xi32, #tpu.memory_space<vmem>>) semaphore(%arg26 : memref<!tpu.dma_semaphore, #tpu.memory_space<semaphore_mem>>)
    %scan3A = arith.constant 0 : i32
    %scan3A_57 = arith.constant 0 : i32
    %scan3A_58 = arith.constant 8 : i32
    %scan3A_59 = arith.addi %scan3A_57, %scan3A_58 : i32
    %scan3A_60 = arith.constant 1 : i32
    scf.for %scan3A_176 = %scan3A_57 to %scan3A_59 step %scan3A_60  : i32 {
      %mul3A_177 = arith.constant 8 : i32
      %mul3A_178 = arith.muli %scan3A_176, %mul3A_177 : i32
      %add3A_179 = arith.constant 0 : i32
      %add3A_180 = arith.addi %mul3A_178, %add3A_179 : i32
      %mul3A_181 = arith.constant 128 : i32
      %mul3A_182 = arith.muli %add3A_180, %mul3A_181 : i32
      %dma_wait3A = tpu.memref_slice %arg7[%mul3A_182] : memref<10112xi32, #tpu.memory_space<vmem>> -> memref<128xi32, #tpu.memory_space<vmem>>
      %dma_wait3A_183 = arith.constant 0 : i32
      %dma_wait3A_184 = arith.constant 0 : i32
      %dma_wait3A_185 = tpu.memref_slice %arg17[%dma_wait3A_183, %dma_wait3A_184] : memref<10000x32xf32, #tpu.memory_space<vmem_shared>> -> memref<10000x32xf32, #tpu.memory_space<vmem_shared>>
      tpu.wait_indirect_dma semaphore(%arg19 : memref<!tpu.dma_semaphore, #tpu.memory_space<semaphore_mem>>) src(%dma_wait3A_185 : memref<10000x32xf32, #tpu.memory_space<vmem_shared>>) dst(%arg9 : memref<128x32xf32, #tpu.memory_space<vmem>>)
      "tpu.region"() ({
        %run_scoped3A = tpu.sem_alloc : memref<!tpu.dma_semaphore, #tpu.memory_space<semaphore_mem>>
        %dma_start3A_320 = arith.constant 0 : i32
        %dma_start3A_321 = tpu.memref_slice %arg8[%add3A_180, %dma_start3A_320] : memref<79x128xi32, #tpu.memory_space<vmem>> -> memref<1x128xi32, #tpu.memory_space<vmem>>
        %dma_start3A_322 = tpu.memref_squeeze %dma_start3A_321 : memref<1x128xi32, #tpu.memory_space<vmem>> -> memref<128xi32, #tpu.memory_space<vmem>>
        %dma_start3A_323 = arith.constant 0 : i32
        %dma_start3A_324 = arith.constant 0 : i32
        %dma_start3A_325 = tpu.memref_slice %arg18[%dma_start3A_323, %dma_start3A_324] : memref<10000x32xf32, #tpu.memory_space<vmem_shared>> -> memref<10000x32xf32, #tpu.memory_space<vmem_shared>>
        tpu.enqueue_indirect_dma source(%arg9 : memref<128x32xf32, #tpu.memory_space<vmem>>) target(%dma_start3A_325 : memref<10000x32xf32, #tpu.memory_space<vmem_shared>>) offsets(%dma_start3A_322 : memref<128xi32, #tpu.memory_space<vmem>>) semaphore(%run_scoped3A : memref<!tpu.dma_semaphore, #tpu.memory_space<semaphore_mem>>) {add = true}
        %dma_wait3A_326 = arith.constant 0 : i32
        %dma_wait3A_327 = tpu.memref_slice %arg8[%add3A_180, %dma_wait3A_326] : memref<79x128xi32, #tpu.memory_space<vmem>> -> memref<1x128xi32, #tpu.memory_space<vmem>>
        %dma_wait3A_328 = tpu.memref_squeeze %dma_wait3A_327 : memref<1x128xi32, #tpu.memory_space<vmem>> -> memref<128xi32, #tpu.memory_space<vmem>>
        %dma_wait3A_329 = arith.constant 0 : i32
        %dma_wait3A_330 = arith.constant 0 : i32
        %dma_wait3A_331 = tpu.memref_slice %arg18[%dma_wait3A_329, %dma_wait3A_330] : memref<10000x32xf32, #tpu.memory_space<vmem_shared>> -> memref<10000x32xf32, #tpu.memory_space<vmem_shared>>
        tpu.wait_indirect_dma semaphore(%run_scoped3A : memref<!tpu.dma_semaphore, #tpu.memory_space<semaphore_mem>>) src(%arg9 : memref<128x32xf32, #tpu.memory_space<vmem>>) dst(%dma_wait3A_331 : memref<10000x32xf32, #tpu.memory_space<vmem_shared>>)
        tpu.yield
      }) : () -> ()
      %add3A_186 = arith.constant 8 : i32
      %add3A_187 = arith.addi %add3A_180, %add3A_186 : i32
      %mul3A_188 = arith.constant 128 : i32
      %mul3A_189 = arith.muli %add3A_187, %mul3A_188 : i32
      %dma_start3A_190 = tpu.memref_slice %arg7[%mul3A_189] : memref<10112xi32, #tpu.memory_space<vmem>> -> memref<128xi32, #tpu.memory_space<vmem>>
      %dma_start3A_191 = arith.constant 0 : i32
      %dma_start3A_192 = arith.constant 0 : i32
      %dma_start3A_193 = tpu.memref_slice %arg17[%dma_start3A_191, %dma_start3A_192] : memref<10000x32xf32, #tpu.memory_space<vmem_shared>> -> memref<10000x32xf32, #tpu.memory_space<vmem_shared>>
      tpu.enqueue_indirect_dma source(%dma_start3A_193 : memref<10000x32xf32, #tpu.memory_space<vmem_shared>>) target(%arg9 : memref<128x32xf32, #tpu.memory_space<vmem>>) offsets(%dma_start3A_190 : memref<128xi32, #tpu.memory_space<vmem>>) semaphore(%arg19 : memref<!tpu.dma_semaphore, #tpu.memory_space<semaphore_mem>>)
      %mul3A_194 = arith.constant 8 : i32
      %mul3A_195 = arith.muli %scan3A_176, %mul3A_194 : i32
      %add3A_196 = arith.constant 1 : i32
      %add3A_197 = arith.addi %mul3A_195, %add3A_196 : i32
      %mul3A_198 = arith.constant 128 : i32
      %mul3A_199 = arith.muli %add3A_197, %mul3A_198 : i32
      %dma_wait3A_200 = tpu.memref_slice %arg7[%mul3A_199] : memref<10112xi32, #tpu.memory_space<vmem>> -> memref<128xi32, #tpu.memory_space<vmem>>
      %dma_wait3A_201 = arith.constant 0 : i32
      %dma_wait3A_202 = arith.constant 0 : i32
      %dma_wait3A_203 = tpu.memref_slice %arg17[%dma_wait3A_201, %dma_wait3A_202] : memref<10000x32xf32, #tpu.memory_space<vmem_shared>> -> memref<10000x32xf32, #tpu.memory_space<vmem_shared>>
      tpu.wait_indirect_dma semaphore(%arg20 : memref<!tpu.dma_semaphore, #tpu.memory_space<semaphore_mem>>) src(%dma_wait3A_203 : memref<10000x32xf32, #tpu.memory_space<vmem_shared>>) dst(%arg10 : memref<128x32xf32, #tpu.memory_space<vmem>>)
      "tpu.region"() ({
        %run_scoped3A = tpu.sem_alloc : memref<!tpu.dma_semaphore, #tpu.memory_space<semaphore_mem>>
        %dma_start3A_320 = arith.constant 0 : i32
        %dma_start3A_321 = tpu.memref_slice %arg8[%add3A_197, %dma_start3A_320] : memref<79x128xi32, #tpu.memory_space<vmem>> -> memref<1x128xi32, #tpu.memory_space<vmem>>
        %dma_start3A_322 = tpu.memref_squeeze %dma_start3A_321 : memref<1x128xi32, #tpu.memory_space<vmem>> -> memref<128xi32, #tpu.memory_space<vmem>>
        %dma_start3A_323 = arith.constant 0 : i32
        %dma_start3A_324 = arith.constant 0 : i32
        %dma_start3A_325 = tpu.memref_slice %arg18[%dma_start3A_323, %dma_start3A_324] : memref<10000x32xf32, #tpu.memory_space<vmem_shared>> -> memref<10000x32xf32, #tpu.memory_space<vmem_shared>>
        tpu.enqueue_indirect_dma source(%arg10 : memref<128x32xf32, #tpu.memory_space<vmem>>) target(%dma_start3A_325 : memref<10000x32xf32, #tpu.memory_space<vmem_shared>>) offsets(%dma_start3A_322 : memref<128xi32, #tpu.memory_space<vmem>>) semaphore(%run_scoped3A : memref<!tpu.dma_semaphore, #tpu.memory_space<semaphore_mem>>) {add = true}
        %dma_wait3A_326 = arith.constant 0 : i32
        %dma_wait3A_327 = tpu.memref_slice %arg8[%add3A_197, %dma_wait3A_326] : memref<79x128xi32, #tpu.memory_space<vmem>> -> memref<1x128xi32, #tpu.memory_space<vmem>>
        %dma_wait3A_328 = tpu.memref_squeeze %dma_wait3A_327 : memref<1x128xi32, #tpu.memory_space<vmem>> -> memref<128xi32, #tpu.memory_space<vmem>>
        %dma_wait3A_329 = arith.constant 0 : i32
        %dma_wait3A_330 = arith.constant 0 : i32
        %dma_wait3A_331 = tpu.memref_slice %arg18[%dma_wait3A_329, %dma_wait3A_330] : memref<10000x32xf32, #tpu.memory_space<vmem_shared>> -> memref<10000x32xf32, #tpu.memory_space<vmem_shared>>
        tpu.wait_indirect_dma semaphore(%run_scoped3A : memref<!tpu.dma_semaphore, #tpu.memory_space<semaphore_mem>>) src(%arg10 : memref<128x32xf32, #tpu.memory_space<vmem>>) dst(%dma_wait3A_331 : memref<10000x32xf32, #tpu.memory_space<vmem_shared>>)
        tpu.yield
      }) : () -> ()
      %add3A_204 = arith.constant 8 : i32
      %add3A_205 = arith.addi %add3A_197, %add3A_204 : i32
      %mul3A_206 = arith.constant 128 : i32
      %mul3A_207 = arith.muli %add3A_205, %mul3A_206 : i32
      %dma_start3A_208 = tpu.memref_slice %arg7[%mul3A_207] : memref<10112xi32, #tpu.memory_space<vmem>> -> memref<128xi32, #tpu.memory_space<vmem>>
      %dma_start3A_209 = arith.constant 0 : i32
      %dma_start3A_210 = arith.constant 0 : i32
      %dma_start3A_211 = tpu.memref_slice %arg17[%dma_start3A_209, %dma_start3A_210] : memref<10000x32xf32, #tpu.memory_space<vmem_shared>> -> memref<10000x32xf32, #tpu.memory_space<vmem_shared>>
      tpu.enqueue_indirect_dma source(%dma_start3A_211 : memref<10000x32xf32, #tpu.memory_space<vmem_shared>>) target(%arg10 : memref<128x32xf32, #tpu.memory_space<vmem>>) offsets(%dma_start3A_208 : memref<128xi32, #tpu.memory_space<vmem>>) semaphore(%arg20 : memref<!tpu.dma_semaphore, #tpu.memory_space<semaphore_mem>>)
      %mul3A_212 = arith.constant 8 : i32
      %mul3A_213 = arith.muli %scan3A_176, %mul3A_212 : i32
      %add3A_214 = arith.constant 2 : i32
      %add3A_215 = arith.addi %mul3A_213, %add3A_214 : i32
      %mul3A_216 = arith.constant 128 : i32
      %mul3A_217 = arith.muli %add3A_215, %mul3A_216 : i32
      %dma_wait3A_218 = tpu.memref_slice %arg7[%mul3A_217] : memref<10112xi32, #tpu.memory_space<vmem>> -> memref<128xi32, #tpu.memory_space<vmem>>
      %dma_wait3A_219 = arith.constant 0 : i32
      %dma_wait3A_220 = arith.constant 0 : i32
      %dma_wait3A_221 = tpu.memref_slice %arg17[%dma_wait3A_219, %dma_wait3A_220] : memref<10000x32xf32, #tpu.memory_space<vmem_shared>> -> memref<10000x32xf32, #tpu.memory_space<vmem_shared>>
      tpu.wait_indirect_dma semaphore(%arg21 : memref<!tpu.dma_semaphore, #tpu.memory_space<semaphore_mem>>) src(%dma_wait3A_221 : memref<10000x32xf32, #tpu.memory_space<vmem_shared>>) dst(%arg11 : memref<128x32xf32, #tpu.memory_space<vmem>>)
      "tpu.region"() ({
        %run_scoped3A = tpu.sem_alloc : memref<!tpu.dma_semaphore, #tpu.memory_space<semaphore_mem>>
        %dma_start3A_320 = arith.constant 0 : i32
        %dma_start3A_321 = tpu.memref_slice %arg8[%add3A_215, %dma_start3A_320] : memref<79x128xi32, #tpu.memory_space<vmem>> -> memref<1x128xi32, #tpu.memory_space<vmem>>
        %dma_start3A_322 = tpu.memref_squeeze %dma_start3A_321 : memref<1x128xi32, #tpu.memory_space<vmem>> -> memref<128xi32, #tpu.memory_space<vmem>>
        %dma_start3A_323 = arith.constant 0 : i32
        %dma_start3A_324 = arith.constant 0 : i32
        %dma_start3A_325 = tpu.memref_slice %arg18[%dma_start3A_323, %dma_start3A_324] : memref<10000x32xf32, #tpu.memory_space<vmem_shared>> -> memref<10000x32xf32, #tpu.memory_space<vmem_shared>>
        tpu.enqueue_indirect_dma source(%arg11 : memref<128x32xf32, #tpu.memory_space<vmem>>) target(%dma_start3A_325 : memref<10000x32xf32, #tpu.memory_space<vmem_shared>>) offsets(%dma_start3A_322 : memref<128xi32, #tpu.memory_space<vmem>>) semaphore(%run_scoped3A : memref<!tpu.dma_semaphore, #tpu.memory_space<semaphore_mem>>) {add = true}
        %dma_wait3A_326 = arith.constant 0 : i32
        %dma_wait3A_327 = tpu.memref_slice %arg8[%add3A_215, %dma_wait3A_326] : memref<79x128xi32, #tpu.memory_space<vmem>> -> memref<1x128xi32, #tpu.memory_space<vmem>>
        %dma_wait3A_328 = tpu.memref_squeeze %dma_wait3A_327 : memref<1x128xi32, #tpu.memory_space<vmem>> -> memref<128xi32, #tpu.memory_space<vmem>>
        %dma_wait3A_329 = arith.constant 0 : i32
        %dma_wait3A_330 = arith.constant 0 : i32
        %dma_wait3A_331 = tpu.memref_slice %arg18[%dma_wait3A_329, %dma_wait3A_330] : memref<10000x32xf32, #tpu.memory_space<vmem_shared>> -> memref<10000x32xf32, #tpu.memory_space<vmem_shared>>
        tpu.wait_indirect_dma semaphore(%run_scoped3A : memref<!tpu.dma_semaphore, #tpu.memory_space<semaphore_mem>>) src(%arg11 : memref<128x32xf32, #tpu.memory_space<vmem>>) dst(%dma_wait3A_331 : memref<10000x32xf32, #tpu.memory_space<vmem_shared>>)
        tpu.yield
      }) : () -> ()
      %add3A_222 = arith.constant 8 : i32
      %add3A_223 = arith.addi %add3A_215, %add3A_222 : i32
      %mul3A_224 = arith.constant 128 : i32
      %mul3A_225 = arith.muli %add3A_223, %mul3A_224 : i32
      %dma_start3A_226 = tpu.memref_slice %arg7[%mul3A_225] : memref<10112xi32, #tpu.memory_space<vmem>> -> memref<128xi32, #tpu.memory_space<vmem>>
      %dma_start3A_227 = arith.constant 0 : i32
      %dma_start3A_228 = arith.constant 0 : i32
      %dma_start3A_229 = tpu.memref_slice %arg17[%dma_start3A_227, %dma_start3A_228] : memref<10000x32xf32, #tpu.memory_space<vmem_shared>> -> memref<10000x32xf32, #tpu.memory_space<vmem_shared>>
      tpu.enqueue_indirect_dma source(%dma_start3A_229 : memref<10000x32xf32, #tpu.memory_space<vmem_shared>>) target(%arg11 : memref<128x32xf32, #tpu.memory_space<vmem>>) offsets(%dma_start3A_226 : memref<128xi32, #tpu.memory_space<vmem>>) semaphore(%arg21 : memref<!tpu.dma_semaphore, #tpu.memory_space<semaphore_mem>>)
      %mul3A_230 = arith.constant 8 : i32
      %mul3A_231 = arith.muli %scan3A_176, %mul3A_230 : i32
      %add3A_232 = arith.constant 3 : i32
      %add3A_233 = arith.addi %mul3A_231, %add3A_232 : i32
      %mul3A_234 = arith.constant 128 : i32
      %mul3A_235 = arith.muli %add3A_233, %mul3A_234 : i32
      %dma_wait3A_236 = tpu.memref_slice %arg7[%mul3A_235] : memref<10112xi32, #tpu.memory_space<vmem>> -> memref<128xi32, #tpu.memory_space<vmem>>
      %dma_wait3A_237 = arith.constant 0 : i32
      %dma_wait3A_238 = arith.constant 0 : i32
      %dma_wait3A_239 = tpu.memref_slice %arg17[%dma_wait3A_237, %dma_wait3A_238] : memref<10000x32xf32, #tpu.memory_space<vmem_shared>> -> memref<10000x32xf32, #tpu.memory_space<vmem_shared>>
      tpu.wait_indirect_dma semaphore(%arg22 : memref<!tpu.dma_semaphore, #tpu.memory_space<semaphore_mem>>) src(%dma_wait3A_239 : memref<10000x32xf32, #tpu.memory_space<vmem_shared>>) dst(%arg12 : memref<128x32xf32, #tpu.memory_space<vmem>>)
      "tpu.region"() ({
        %run_scoped3A = tpu.sem_alloc : memref<!tpu.dma_semaphore, #tpu.memory_space<semaphore_mem>>
        %dma_start3A_320 = arith.constant 0 : i32
        %dma_start3A_321 = tpu.memref_slice %arg8[%add3A_233, %dma_start3A_320] : memref<79x128xi32, #tpu.memory_space<vmem>> -> memref<1x128xi32, #tpu.memory_space<vmem>>
        %dma_start3A_322 = tpu.memref_squeeze %dma_start3A_321 : memref<1x128xi32, #tpu.memory_space<vmem>> -> memref<128xi32, #tpu.memory_space<vmem>>
        %dma_start3A_323 = arith.constant 0 : i32
        %dma_start3A_324 = arith.constant 0 : i32
        %dma_start3A_325 = tpu.memref_slice %arg18[%dma_start3A_323, %dma_start3A_324] : memref<10000x32xf32, #tpu.memory_space<vmem_shared>> -> memref<10000x32xf32, #tpu.memory_space<vmem_shared>>
        tpu.enqueue_indirect_dma source(%arg12 : memref<128x32xf32, #tpu.memory_space<vmem>>) target(%dma_start3A_325 : memref<10000x32xf32, #tpu.memory_space<vmem_shared>>) offsets(%dma_start3A_322 : memref<128xi32, #tpu.memory_space<vmem>>) semaphore(%run_scoped3A : memref<!tpu.dma_semaphore, #tpu.memory_space<semaphore_mem>>) {add = true}
        %dma_wait3A_326 = arith.constant 0 : i32
        %dma_wait3A_327 = tpu.memref_slice %arg8[%add3A_233, %dma_wait3A_326] : memref<79x128xi32, #tpu.memory_space<vmem>> -> memref<1x128xi32, #tpu.memory_space<vmem>>
        %dma_wait3A_328 = tpu.memref_squeeze %dma_wait3A_327 : memref<1x128xi32, #tpu.memory_space<vmem>> -> memref<128xi32, #tpu.memory_space<vmem>>
        %dma_wait3A_329 = arith.constant 0 : i32
        %dma_wait3A_330 = arith.constant 0 : i32
        %dma_wait3A_331 = tpu.memref_slice %arg18[%dma_wait3A_329, %dma_wait3A_330] : memref<10000x32xf32, #tpu.memory_space<vmem_shared>> -> memref<10000x32xf32, #tpu.memory_space<vmem_shared>>
        tpu.wait_indirect_dma semaphore(%run_scoped3A : memref<!tpu.dma_semaphore, #tpu.memory_space<semaphore_mem>>) src(%arg12 : memref<128x32xf32, #tpu.memory_space<vmem>>) dst(%dma_wait3A_331 : memref<10000x32xf32, #tpu.memory_space<vmem_shared>>)
        tpu.yield
      }) : () -> ()
      %add3A_240 = arith.constant 8 : i32
      %add3A_241 = arith.addi %add3A_233, %add3A_240 : i32
      %mul3A_242 = arith.constant 128 : i32
      %mul3A_243 = arith.muli %add3A_241, %mul3A_242 : i32
      %dma_start3A_244 = tpu.memref_slice %arg7[%mul3A_243] : memref<10112xi32, #tpu.memory_space<vmem>> -> memref<128xi32, #tpu.memory_space<vmem>>
      %dma_start3A_245 = arith.constant 0 : i32
      %dma_start3A_246 = arith.constant 0 : i32
      %dma_start3A_247 = tpu.memref_slice %arg17[%dma_start3A_245, %dma_start3A_246] : memref<10000x32xf32, #tpu.memory_space<vmem_shared>> -> memref<10000x32xf32, #tpu.memory_space<vmem_shared>>
      tpu.enqueue_indirect_dma source(%dma_start3A_247 : memref<10000x32xf32, #tpu.memory_space<vmem_shared>>) target(%arg12 : memref<128x32xf32, #tpu.memory_space<vmem>>) offsets(%dma_start3A_244 : memref<128xi32, #tpu.memory_space<vmem>>) semaphore(%arg22 : memref<!tpu.dma_semaphore, #tpu.memory_space<semaphore_mem>>)
      %mul3A_248 = arith.constant 8 : i32
      %mul3A_249 = arith.muli %scan3A_176, %mul3A_248 : i32
      %add3A_250 = arith.constant 4 : i32
      %add3A_251 = arith.addi %mul3A_249, %add3A_250 : i32
      %mul3A_252 = arith.constant 128 : i32
      %mul3A_253 = arith.muli %add3A_251, %mul3A_252 : i32
      %dma_wait3A_254 = tpu.memref_slice %arg7[%mul3A_253] : memref<10112xi32, #tpu.memory_space<vmem>> -> memref<128xi32, #tpu.memory_space<vmem>>
      %dma_wait3A_255 = arith.constant 0 : i32
      %dma_wait3A_256 = arith.constant 0 : i32
      %dma_wait3A_257 = tpu.memref_slice %arg17[%dma_wait3A_255, %dma_wait3A_256] : memref<10000x32xf32, #tpu.memory_space<vmem_shared>> -> memref<10000x32xf32, #tpu.memory_space<vmem_shared>>
      tpu.wait_indirect_dma semaphore(%arg23 : memref<!tpu.dma_semaphore, #tpu.memory_space<semaphore_mem>>) src(%dma_wait3A_257 : memref<10000x32xf32, #tpu.memory_space<vmem_shared>>) dst(%arg13 : memref<128x32xf32, #tpu.memory_space<vmem>>)
      "tpu.region"() ({
        %run_scoped3A = tpu.sem_alloc : memref<!tpu.dma_semaphore, #tpu.memory_space<semaphore_mem>>
        %dma_start3A_320 = arith.constant 0 : i32
        %dma_start3A_321 = tpu.memref_slice %arg8[%add3A_251, %dma_start3A_320] : memref<79x128xi32, #tpu.memory_space<vmem>> -> memref<1x128xi32, #tpu.memory_space<vmem>>
        %dma_start3A_322 = tpu.memref_squeeze %dma_start3A_321 : memref<1x128xi32, #tpu.memory_space<vmem>> -> memref<128xi32, #tpu.memory_space<vmem>>
        %dma_start3A_323 = arith.constant 0 : i32
        %dma_start3A_324 = arith.constant 0 : i32
        %dma_start3A_325 = tpu.memref_slice %arg18[%dma_start3A_323, %dma_start3A_324] : memref<10000x32xf32, #tpu.memory_space<vmem_shared>> -> memref<10000x32xf32, #tpu.memory_space<vmem_shared>>
        tpu.enqueue_indirect_dma source(%arg13 : memref<128x32xf32, #tpu.memory_space<vmem>>) target(%dma_start3A_325 : memref<10000x32xf32, #tpu.memory_space<vmem_shared>>) offsets(%dma_start3A_322 : memref<128xi32, #tpu.memory_space<vmem>>) semaphore(%run_scoped3A : memref<!tpu.dma_semaphore, #tpu.memory_space<semaphore_mem>>) {add = true}
        %dma_wait3A_326 = arith.constant 0 : i32
        %dma_wait3A_327 = tpu.memref_slice %arg8[%add3A_251, %dma_wait3A_326] : memref<79x128xi32, #tpu.memory_space<vmem>> -> memref<1x128xi32, #tpu.memory_space<vmem>>
        %dma_wait3A_328 = tpu.memref_squeeze %dma_wait3A_327 : memref<1x128xi32, #tpu.memory_space<vmem>> -> memref<128xi32, #tpu.memory_space<vmem>>
        %dma_wait3A_329 = arith.constant 0 : i32
        %dma_wait3A_330 = arith.constant 0 : i32
        %dma_wait3A_331 = tpu.memref_slice %arg18[%dma_wait3A_329, %dma_wait3A_330] : memref<10000x32xf32, #tpu.memory_space<vmem_shared>> -> memref<10000x32xf32, #tpu.memory_space<vmem_shared>>
        tpu.wait_indirect_dma semaphore(%run_scoped3A : memref<!tpu.dma_semaphore, #tpu.memory_space<semaphore_mem>>) src(%arg13 : memref<128x32xf32, #tpu.memory_space<vmem>>) dst(%dma_wait3A_331 : memref<10000x32xf32, #tpu.memory_space<vmem_shared>>)
        tpu.yield
      }) : () -> ()
      %add3A_258 = arith.constant 8 : i32
      %add3A_259 = arith.addi %add3A_251, %add3A_258 : i32
      %mul3A_260 = arith.constant 128 : i32
      %mul3A_261 = arith.muli %add3A_259, %mul3A_260 : i32
      %dma_start3A_262 = tpu.memref_slice %arg7[%mul3A_261] : memref<10112xi32, #tpu.memory_space<vmem>> -> memref<128xi32, #tpu.memory_space<vmem>>
      %dma_start3A_263 = arith.constant 0 : i32
      %dma_start3A_264 = arith.constant 0 : i32
      %dma_start3A_265 = tpu.memref_slice %arg17[%dma_start3A_263, %dma_start3A_264] : memref<10000x32xf32, #tpu.memory_space<vmem_shared>> -> memref<10000x32xf32, #tpu.memory_space<vmem_shared>>
      tpu.enqueue_indirect_dma source(%dma_start3A_265 : memref<10000x32xf32, #tpu.memory_space<vmem_shared>>) target(%arg13 : memref<128x32xf32, #tpu.memory_space<vmem>>) offsets(%dma_start3A_262 : memref<128xi32, #tpu.memory_space<vmem>>) semaphore(%arg23 : memref<!tpu.dma_semaphore, #tpu.memory_space<semaphore_mem>>)
      %mul3A_266 = arith.constant 8 : i32
      %mul3A_267 = arith.muli %scan3A_176, %mul3A_266 : i32
      %add3A_268 = arith.constant 5 : i32
      %add3A_269 = arith.addi %mul3A_267, %add3A_268 : i32
      %mul3A_270 = arith.constant 128 : i32
      %mul3A_271 = arith.muli %add3A_269, %mul3A_270 : i32
      %dma_wait3A_272 = tpu.memref_slice %arg7[%mul3A_271] : memref<10112xi32, #tpu.memory_space<vmem>> -> memref<128xi32, #tpu.memory_space<vmem>>
      %dma_wait3A_273 = arith.constant 0 : i32
      %dma_wait3A_274 = arith.constant 0 : i32
      %dma_wait3A_275 = tpu.memref_slice %arg17[%dma_wait3A_273, %dma_wait3A_274] : memref<10000x32xf32, #tpu.memory_space<vmem_shared>> -> memref<10000x32xf32, #tpu.memory_space<vmem_shared>>
      tpu.wait_indirect_dma semaphore(%arg24 : memref<!tpu.dma_semaphore, #tpu.memory_space<semaphore_mem>>) src(%dma_wait3A_275 : memref<10000x32xf32, #tpu.memory_space<vmem_shared>>) dst(%arg14 : memref<128x32xf32, #tpu.memory_space<vmem>>)
      "tpu.region"() ({
        %run_scoped3A = tpu.sem_alloc : memref<!tpu.dma_semaphore, #tpu.memory_space<semaphore_mem>>
        %dma_start3A_320 = arith.constant 0 : i32
        %dma_start3A_321 = tpu.memref_slice %arg8[%add3A_269, %dma_start3A_320] : memref<79x128xi32, #tpu.memory_space<vmem>> -> memref<1x128xi32, #tpu.memory_space<vmem>>
        %dma_start3A_322 = tpu.memref_squeeze %dma_start3A_321 : memref<1x128xi32, #tpu.memory_space<vmem>> -> memref<128xi32, #tpu.memory_space<vmem>>
        %dma_start3A_323 = arith.constant 0 : i32
        %dma_start3A_324 = arith.constant 0 : i32
        %dma_start3A_325 = tpu.memref_slice %arg18[%dma_start3A_323, %dma_start3A_324] : memref<10000x32xf32, #tpu.memory_space<vmem_shared>> -> memref<10000x32xf32, #tpu.memory_space<vmem_shared>>
        tpu.enqueue_indirect_dma source(%arg14 : memref<128x32xf32, #tpu.memory_space<vmem>>) target(%dma_start3A_325 : memref<10000x32xf32, #tpu.memory_space<vmem_shared>>) offsets(%dma_start3A_322 : memref<128xi32, #tpu.memory_space<vmem>>) semaphore(%run_scoped3A : memref<!tpu.dma_semaphore, #tpu.memory_space<semaphore_mem>>) {add = true}
        %dma_wait3A_326 = arith.constant 0 : i32
        %dma_wait3A_327 = tpu.memref_slice %arg8[%add3A_269, %dma_wait3A_326] : memref<79x128xi32, #tpu.memory_space<vmem>> -> memref<1x128xi32, #tpu.memory_space<vmem>>
        %dma_wait3A_328 = tpu.memref_squeeze %dma_wait3A_327 : memref<1x128xi32, #tpu.memory_space<vmem>> -> memref<128xi32, #tpu.memory_space<vmem>>
        %dma_wait3A_329 = arith.constant 0 : i32
        %dma_wait3A_330 = arith.constant 0 : i32
        %dma_wait3A_331 = tpu.memref_slice %arg18[%dma_wait3A_329, %dma_wait3A_330] : memref<10000x32xf32, #tpu.memory_space<vmem_shared>> -> memref<10000x32xf32, #tpu.memory_space<vmem_shared>>
        tpu.wait_indirect_dma semaphore(%run_scoped3A : memref<!tpu.dma_semaphore, #tpu.memory_space<semaphore_mem>>) src(%arg14 : memref<128x32xf32, #tpu.memory_space<vmem>>) dst(%dma_wait3A_331 : memref<10000x32xf32, #tpu.memory_space<vmem_shared>>)
        tpu.yield
      }) : () -> ()
      %add3A_276 = arith.constant 8 : i32
      %add3A_277 = arith.addi %add3A_269, %add3A_276 : i32
      %mul3A_278 = arith.constant 128 : i32
      %mul3A_279 = arith.muli %add3A_277, %mul3A_278 : i32
      %dma_start3A_280 = tpu.memref_slice %arg7[%mul3A_279] : memref<10112xi32, #tpu.memory_space<vmem>> -> memref<128xi32, #tpu.memory_space<vmem>>
      %dma_start3A_281 = arith.constant 0 : i32
      %dma_start3A_282 = arith.constant 0 : i32
      %dma_start3A_283 = tpu.memref_slice %arg17[%dma_start3A_281, %dma_start3A_282] : memref<10000x32xf32, #tpu.memory_space<vmem_shared>> -> memref<10000x32xf32, #tpu.memory_space<vmem_shared>>
      tpu.enqueue_indirect_dma source(%dma_start3A_283 : memref<10000x32xf32, #tpu.memory_space<vmem_shared>>) target(%arg14 : memref<128x32xf32, #tpu.memory_space<vmem>>) offsets(%dma_start3A_280 : memref<128xi32, #tpu.memory_space<vmem>>) semaphore(%arg24 : memref<!tpu.dma_semaphore, #tpu.memory_space<semaphore_mem>>)
      %mul3A_284 = arith.constant 8 : i32
      %mul3A_285 = arith.muli %scan3A_176, %mul3A_284 : i32
      %add3A_286 = arith.constant 6 : i32
      %add3A_287 = arith.addi %mul3A_285, %add3A_286 : i32
      %mul3A_288 = arith.constant 128 : i32
      %mul3A_289 = arith.muli %add3A_287, %mul3A_288 : i32
      %dma_wait3A_290 = tpu.memref_slice %arg7[%mul3A_289] : memref<10112xi32, #tpu.memory_space<vmem>> -> memref<128xi32, #tpu.memory_space<vmem>>
      %dma_wait3A_291 = arith.constant 0 : i32
      %dma_wait3A_292 = arith.constant 0 : i32
      %dma_wait3A_293 = tpu.memref_slice %arg17[%dma_wait3A_291, %dma_wait3A_292] : memref<10000x32xf32, #tpu.memory_space<vmem_shared>> -> memref<10000x32xf32, #tpu.memory_space<vmem_shared>>
      tpu.wait_indirect_dma semaphore(%arg25 : memref<!tpu.dma_semaphore, #tpu.memory_space<semaphore_mem>>) src(%dma_wait3A_293 : memref<10000x32xf32, #tpu.memory_space<vmem_shared>>) dst(%arg15 : memref<128x32xf32, #tpu.memory_space<vmem>>)
      "tpu.region"() ({
        %run_scoped3A = tpu.sem_alloc : memref<!tpu.dma_semaphore, #tpu.memory_space<semaphore_mem>>
        %dma_start3A_320 = arith.constant 0 : i32
        %dma_start3A_321 = tpu.memref_slice %arg8[%add3A_287, %dma_start3A_320] : memref<79x128xi32, #tpu.memory_space<vmem>> -> memref<1x128xi32, #tpu.memory_space<vmem>>
        %dma_start3A_322 = tpu.memref_squeeze %dma_start3A_321 : memref<1x128xi32, #tpu.memory_space<vmem>> -> memref<128xi32, #tpu.memory_space<vmem>>
        %dma_start3A_323 = arith.constant 0 : i32
        %dma_start3A_324 = arith.constant 0 : i32
        %dma_start3A_325 = tpu.memref_slice %arg18[%dma_start3A_323, %dma_start3A_324] : memref<10000x32xf32, #tpu.memory_space<vmem_shared>> -> memref<10000x32xf32, #tpu.memory_space<vmem_shared>>
        tpu.enqueue_indirect_dma source(%arg15 : memref<128x32xf32, #tpu.memory_space<vmem>>) target(%dma_start3A_325 : memref<10000x32xf32, #tpu.memory_space<vmem_shared>>) offsets(%dma_start3A_322 : memref<128xi32, #tpu.memory_space<vmem>>) semaphore(%run_scoped3A : memref<!tpu.dma_semaphore, #tpu.memory_space<semaphore_mem>>) {add = true}
        %dma_wait3A_326 = arith.constant 0 : i32
        %dma_wait3A_327 = tpu.memref_slice %arg8[%add3A_287, %dma_wait3A_326] : memref<79x128xi32, #tpu.memory_space<vmem>> -> memref<1x128xi32, #tpu.memory_space<vmem>>
        %dma_wait3A_328 = tpu.memref_squeeze %dma_wait3A_327 : memref<1x128xi32, #tpu.memory_space<vmem>> -> memref<128xi32, #tpu.memory_space<vmem>>
        %dma_wait3A_329 = arith.constant 0 : i32
        %dma_wait3A_330 = arith.constant 0 : i32
        %dma_wait3A_331 = tpu.memref_slice %arg18[%dma_wait3A_329, %dma_wait3A_330] : memref<10000x32xf32, #tpu.memory_space<vmem_shared>> -> memref<10000x32xf32, #tpu.memory_space<vmem_shared>>
        tpu.wait_indirect_dma semaphore(%run_scoped3A : memref<!tpu.dma_semaphore, #tpu.memory_space<semaphore_mem>>) src(%arg15 : memref<128x32xf32, #tpu.memory_space<vmem>>) dst(%dma_wait3A_331 : memref<10000x32xf32, #tpu.memory_space<vmem_shared>>)
        tpu.yield
      }) : () -> ()
      %add3A_294 = arith.constant 8 : i32
      %add3A_295 = arith.addi %add3A_287, %add3A_294 : i32
      %mul3A_296 = arith.constant 128 : i32
      %mul3A_297 = arith.muli %add3A_295, %mul3A_296 : i32
      %dma_start3A_298 = tpu.memref_slice %arg7[%mul3A_297] : memref<10112xi32, #tpu.memory_space<vmem>> -> memref<128xi32, #tpu.memory_space<vmem>>
      %dma_start3A_299 = arith.constant 0 : i32
      %dma_start3A_300 = arith.constant 0 : i32
      %dma_start3A_301 = tpu.memref_slice %arg17[%dma_start3A_299, %dma_start3A_300] : memref<10000x32xf32, #tpu.memory_space<vmem_shared>> -> memref<10000x32xf32, #tpu.memory_space<vmem_shared>>
      tpu.enqueue_indirect_dma source(%dma_start3A_301 : memref<10000x32xf32, #tpu.memory_space<vmem_shared>>) target(%arg15 : memref<128x32xf32, #tpu.memory_space<vmem>>) offsets(%dma_start3A_298 : memref<128xi32, #tpu.memory_space<vmem>>) semaphore(%arg25 : memref<!tpu.dma_semaphore, #tpu.memory_space<semaphore_mem>>)
      %mul3A_302 = arith.constant 8 : i32
      %mul3A_303 = arith.muli %scan3A_176, %mul3A_302 : i32
      %add3A_304 = arith.constant 7 : i32
      %add3A_305 = arith.addi %mul3A_303, %add3A_304 : i32
      %mul3A_306 = arith.constant 128 : i32
      %mul3A_307 = arith.muli %add3A_305, %mul3A_306 : i32
      %dma_wait3A_308 = tpu.memref_slice %arg7[%mul3A_307] : memref<10112xi32, #tpu.memory_space<vmem>> -> memref<128xi32, #tpu.memory_space<vmem>>
      %dma_wait3A_309 = arith.constant 0 : i32
      %dma_wait3A_310 = arith.constant 0 : i32
      %dma_wait3A_311 = tpu.memref_slice %arg17[%dma_wait3A_309, %dma_wait3A_310] : memref<10000x32xf32, #tpu.memory_space<vmem_shared>> -> memref<10000x32xf32, #tpu.memory_space<vmem_shared>>
      tpu.wait_indirect_dma semaphore(%arg26 : memref<!tpu.dma_semaphore, #tpu.memory_space<semaphore_mem>>) src(%dma_wait3A_311 : memref<10000x32xf32, #tpu.memory_space<vmem_shared>>) dst(%arg16 : memref<128x32xf32, #tpu.memory_space<vmem>>)
      "tpu.region"() ({
        %run_scoped3A = tpu.sem_alloc : memref<!tpu.dma_semaphore, #tpu.memory_space<semaphore_mem>>
        %dma_start3A_320 = arith.constant 0 : i32
        %dma_start3A_321 = tpu.memref_slice %arg8[%add3A_305, %dma_start3A_320] : memref<79x128xi32, #tpu.memory_space<vmem>> -> memref<1x128xi32, #tpu.memory_space<vmem>>
        %dma_start3A_322 = tpu.memref_squeeze %dma_start3A_321 : memref<1x128xi32, #tpu.memory_space<vmem>> -> memref<128xi32, #tpu.memory_space<vmem>>
        %dma_start3A_323 = arith.constant 0 : i32
        %dma_start3A_324 = arith.constant 0 : i32
        %dma_start3A_325 = tpu.memref_slice %arg18[%dma_start3A_323, %dma_start3A_324] : memref<10000x32xf32, #tpu.memory_space<vmem_shared>> -> memref<10000x32xf32, #tpu.memory_space<vmem_shared>>
        tpu.enqueue_indirect_dma source(%arg16 : memref<128x32xf32, #tpu.memory_space<vmem>>) target(%dma_start3A_325 : memref<10000x32xf32, #tpu.memory_space<vmem_shared>>) offsets(%dma_start3A_322 : memref<128xi32, #tpu.memory_space<vmem>>) semaphore(%run_scoped3A : memref<!tpu.dma_semaphore, #tpu.memory_space<semaphore_mem>>) {add = true}
        %dma_wait3A_326 = arith.constant 0 : i32
        %dma_wait3A_327 = tpu.memref_slice %arg8[%add3A_305, %dma_wait3A_326] : memref<79x128xi32, #tpu.memory_space<vmem>> -> memref<1x128xi32, #tpu.memory_space<vmem>>
        %dma_wait3A_328 = tpu.memref_squeeze %dma_wait3A_327 : memref<1x128xi32, #tpu.memory_space<vmem>> -> memref<128xi32, #tpu.memory_space<vmem>>
        %dma_wait3A_329 = arith.constant 0 : i32
        %dma_wait3A_330 = arith.constant 0 : i32
        %dma_wait3A_331 = tpu.memref_slice %arg18[%dma_wait3A_329, %dma_wait3A_330] : memref<10000x32xf32, #tpu.memory_space<vmem_shared>> -> memref<10000x32xf32, #tpu.memory_space<vmem_shared>>
        tpu.wait_indirect_dma semaphore(%run_scoped3A : memref<!tpu.dma_semaphore, #tpu.memory_space<semaphore_mem>>) src(%arg16 : memref<128x32xf32, #tpu.memory_space<vmem>>) dst(%dma_wait3A_331 : memref<10000x32xf32, #tpu.memory_space<vmem_shared>>)
        tpu.yield
      }) : () -> ()
      %add3A_312 = arith.constant 8 : i32
      %add3A_313 = arith.addi %add3A_305, %add3A_312 : i32
      %mul3A_314 = arith.constant 128 : i32
      %mul3A_315 = arith.muli %add3A_313, %mul3A_314 : i32
      %dma_start3A_316 = tpu.memref_slice %arg7[%mul3A_315] : memref<10112xi32, #tpu.memory_space<vmem>> -> memref<128xi32, #tpu.memory_space<vmem>>
      %dma_start3A_317 = arith.constant 0 : i32
      %dma_start3A_318 = arith.constant 0 : i32
      %dma_start3A_319 = tpu.memref_slice %arg17[%dma_start3A_317, %dma_start3A_318] : memref<10000x32xf32, #tpu.memory_space<vmem_shared>> -> memref<10000x32xf32, #tpu.memory_space<vmem_shared>>
      tpu.enqueue_indirect_dma source(%dma_start3A_319 : memref<10000x32xf32, #tpu.memory_space<vmem_shared>>) target(%arg16 : memref<128x32xf32, #tpu.memory_space<vmem>>) offsets(%dma_start3A_316 : memref<128xi32, #tpu.memory_space<vmem>>) semaphore(%arg26 : memref<!tpu.dma_semaphore, #tpu.memory_space<semaphore_mem>>)
    }
    %scan3A_61 = arith.constant 8 : i32
    %gt3A = arith.constant 64 : i32
    %gt3A_62 = arith.cmpi sgt, %select_n3A, %gt3A : i32
    %convert_element_type3A = arith.extui %gt3A_62 : i1 to i32
    %cond3A = arith.constant 0 : i32
    %cond3A_63 = arith.cmpi ne, %convert_element_type3A, %cond3A : i32
    scf.if %cond3A_63 {
      %dma_wait3A = arith.constant 8192 : i32
      %dma_wait3A_176 = tpu.memref_slice %arg7[%dma_wait3A] : memref<10112xi32, #tpu.memory_space<vmem>> -> memref<128xi32, #tpu.memory_space<vmem>>
      %dma_wait3A_177 = arith.constant 0 : i32
      %dma_wait3A_178 = arith.constant 0 : i32
      %dma_wait3A_179 = tpu.memref_slice %arg17[%dma_wait3A_177, %dma_wait3A_178] : memref<10000x32xf32, #tpu.memory_space<vmem_shared>> -> memref<10000x32xf32, #tpu.memory_space<vmem_shared>>
      tpu.wait_indirect_dma semaphore(%arg19 : memref<!tpu.dma_semaphore, #tpu.memory_space<semaphore_mem>>) src(%dma_wait3A_179 : memref<10000x32xf32, #tpu.memory_space<vmem_shared>>) dst(%arg9 : memref<128x32xf32, #tpu.memory_space<vmem>>)
      %run_scoped3A = arith.constant 64 : i32
      "tpu.region"() ({
        %run_scoped3A_180 = tpu.sem_alloc : memref<!tpu.dma_semaphore, #tpu.memory_space<semaphore_mem>>
        %dma_start3A_181 = arith.constant 0 : i32
        %dma_start3A_182 = tpu.memref_slice %arg8[%run_scoped3A, %dma_start3A_181] : memref<79x128xi32, #tpu.memory_space<vmem>> -> memref<1x128xi32, #tpu.memory_space<vmem>>
        %dma_start3A_183 = tpu.memref_squeeze %dma_start3A_182 : memref<1x128xi32, #tpu.memory_space<vmem>> -> memref<128xi32, #tpu.memory_space<vmem>>
        %dma_start3A_184 = arith.constant 0 : i32
        %dma_start3A_185 = arith.constant 0 : i32
        %dma_start3A_186 = tpu.memref_slice %arg18[%dma_start3A_184, %dma_start3A_185] : memref<10000x32xf32, #tpu.memory_space<vmem_shared>> -> memref<10000x32xf32, #tpu.memory_space<vmem_shared>>
        tpu.enqueue_indirect_dma source(%arg9 : memref<128x32xf32, #tpu.memory_space<vmem>>) target(%dma_start3A_186 : memref<10000x32xf32, #tpu.memory_space<vmem_shared>>) offsets(%dma_start3A_183 : memref<128xi32, #tpu.memory_space<vmem>>) semaphore(%run_scoped3A_180 : memref<!tpu.dma_semaphore, #tpu.memory_space<semaphore_mem>>) {add = true}
        %dma_wait3A_187 = arith.constant 0 : i32
        %dma_wait3A_188 = tpu.memref_slice %arg8[%run_scoped3A, %dma_wait3A_187] : memref<79x128xi32, #tpu.memory_space<vmem>> -> memref<1x128xi32, #tpu.memory_space<vmem>>
        %dma_wait3A_189 = tpu.memref_squeeze %dma_wait3A_188 : memref<1x128xi32, #tpu.memory_space<vmem>> -> memref<128xi32, #tpu.memory_space<vmem>>
        %dma_wait3A_190 = arith.constant 0 : i32
        %dma_wait3A_191 = arith.constant 0 : i32
        %dma_wait3A_192 = tpu.memref_slice %arg18[%dma_wait3A_190, %dma_wait3A_191] : memref<10000x32xf32, #tpu.memory_space<vmem_shared>> -> memref<10000x32xf32, #tpu.memory_space<vmem_shared>>
        tpu.wait_indirect_dma semaphore(%run_scoped3A_180 : memref<!tpu.dma_semaphore, #tpu.memory_space<semaphore_mem>>) src(%arg9 : memref<128x32xf32, #tpu.memory_space<vmem>>) dst(%dma_wait3A_192 : memref<10000x32xf32, #tpu.memory_space<vmem_shared>>)
        tpu.yield
      }) : () -> ()
    } else {
    }
    %gt3A_64 = arith.constant 72 : i32
    %gt3A_65 = arith.cmpi sgt, %select_n3A, %gt3A_64 : i32
    %convert_element_type3A_66 = arith.extui %gt3A_65 : i1 to i32
    %cond3A_67 = arith.constant 0 : i32
    %cond3A_68 = arith.cmpi ne, %convert_element_type3A_66, %cond3A_67 : i32
    scf.if %cond3A_68 {
      %dma_start3A_176 = arith.constant 9216 : i32
      %dma_start3A_177 = tpu.memref_slice %arg7[%dma_start3A_176] : memref<10112xi32, #tpu.memory_space<vmem>> -> memref<128xi32, #tpu.memory_space<vmem>>
      %dma_start3A_178 = arith.constant 0 : i32
      %dma_start3A_179 = arith.constant 0 : i32
      %dma_start3A_180 = tpu.memref_slice %arg17[%dma_start3A_178, %dma_start3A_179] : memref<10000x32xf32, #tpu.memory_space<vmem_shared>> -> memref<10000x32xf32, #tpu.memory_space<vmem_shared>>
      tpu.enqueue_indirect_dma source(%dma_start3A_180 : memref<10000x32xf32, #tpu.memory_space<vmem_shared>>) target(%arg9 : memref<128x32xf32, #tpu.memory_space<vmem>>) offsets(%dma_start3A_177 : memref<128xi32, #tpu.memory_space<vmem>>) semaphore(%arg19 : memref<!tpu.dma_semaphore, #tpu.memory_space<semaphore_mem>>)
    } else {
    }
    %gt3A_69 = arith.constant 65 : i32
    %gt3A_70 = arith.cmpi sgt, %select_n3A, %gt3A_69 : i32
    %convert_element_type3A_71 = arith.extui %gt3A_70 : i1 to i32
    %cond3A_72 = arith.constant 0 : i32
    %cond3A_73 = arith.cmpi ne, %convert_element_type3A_71, %cond3A_72 : i32
    scf.if %cond3A_73 {
      %dma_wait3A = arith.constant 8320 : i32
      %dma_wait3A_176 = tpu.memref_slice %arg7[%dma_wait3A] : memref<10112xi32, #tpu.memory_space<vmem>> -> memref<128xi32, #tpu.memory_space<vmem>>
      %dma_wait3A_177 = arith.constant 0 : i32
      %dma_wait3A_178 = arith.constant 0 : i32
      %dma_wait3A_179 = tpu.memref_slice %arg17[%dma_wait3A_177, %dma_wait3A_178] : memref<10000x32xf32, #tpu.memory_space<vmem_shared>> -> memref<10000x32xf32, #tpu.memory_space<vmem_shared>>
      tpu.wait_indirect_dma semaphore(%arg20 : memref<!tpu.dma_semaphore, #tpu.memory_space<semaphore_mem>>) src(%dma_wait3A_179 : memref<10000x32xf32, #tpu.memory_space<vmem_shared>>) dst(%arg10 : memref<128x32xf32, #tpu.memory_space<vmem>>)
      %run_scoped3A = arith.constant 65 : i32
      "tpu.region"() ({
        %run_scoped3A_180 = tpu.sem_alloc : memref<!tpu.dma_semaphore, #tpu.memory_space<semaphore_mem>>
        %dma_start3A_181 = arith.constant 0 : i32
        %dma_start3A_182 = tpu.memref_slice %arg8[%run_scoped3A, %dma_start3A_181] : memref<79x128xi32, #tpu.memory_space<vmem>> -> memref<1x128xi32, #tpu.memory_space<vmem>>
        %dma_start3A_183 = tpu.memref_squeeze %dma_start3A_182 : memref<1x128xi32, #tpu.memory_space<vmem>> -> memref<128xi32, #tpu.memory_space<vmem>>
        %dma_start3A_184 = arith.constant 0 : i32
        %dma_start3A_185 = arith.constant 0 : i32
        %dma_start3A_186 = tpu.memref_slice %arg18[%dma_start3A_184, %dma_start3A_185] : memref<10000x32xf32, #tpu.memory_space<vmem_shared>> -> memref<10000x32xf32, #tpu.memory_space<vmem_shared>>
        tpu.enqueue_indirect_dma source(%arg10 : memref<128x32xf32, #tpu.memory_space<vmem>>) target(%dma_start3A_186 : memref<10000x32xf32, #tpu.memory_space<vmem_shared>>) offsets(%dma_start3A_183 : memref<128xi32, #tpu.memory_space<vmem>>) semaphore(%run_scoped3A_180 : memref<!tpu.dma_semaphore, #tpu.memory_space<semaphore_mem>>) {add = true}
        %dma_wait3A_187 = arith.constant 0 : i32
        %dma_wait3A_188 = tpu.memref_slice %arg8[%run_scoped3A, %dma_wait3A_187] : memref<79x128xi32, #tpu.memory_space<vmem>> -> memref<1x128xi32, #tpu.memory_space<vmem>>
        %dma_wait3A_189 = tpu.memref_squeeze %dma_wait3A_188 : memref<1x128xi32, #tpu.memory_space<vmem>> -> memref<128xi32, #tpu.memory_space<vmem>>
        %dma_wait3A_190 = arith.constant 0 : i32
        %dma_wait3A_191 = arith.constant 0 : i32
        %dma_wait3A_192 = tpu.memref_slice %arg18[%dma_wait3A_190, %dma_wait3A_191] : memref<10000x32xf32, #tpu.memory_space<vmem_shared>> -> memref<10000x32xf32, #tpu.memory_space<vmem_shared>>
        tpu.wait_indirect_dma semaphore(%run_scoped3A_180 : memref<!tpu.dma_semaphore, #tpu.memory_space<semaphore_mem>>) src(%arg10 : memref<128x32xf32, #tpu.memory_space<vmem>>) dst(%dma_wait3A_192 : memref<10000x32xf32, #tpu.memory_space<vmem_shared>>)
        tpu.yield
      }) : () -> ()
    } else {
    }
    %gt3A_74 = arith.constant 73 : i32
    %gt3A_75 = arith.cmpi sgt, %select_n3A, %gt3A_74 : i32
    %convert_element_type3A_76 = arith.extui %gt3A_75 : i1 to i32
    %cond3A_77 = arith.constant 0 : i32
    %cond3A_78 = arith.cmpi ne, %convert_element_type3A_76, %cond3A_77 : i32
    scf.if %cond3A_78 {
      %dma_start3A_176 = arith.constant 9344 : i32
      %dma_start3A_177 = tpu.memref_slice %arg7[%dma_start3A_176] : memref<10112xi32, #tpu.memory_space<vmem>> -> memref<128xi32, #tpu.memory_space<vmem>>
      %dma_start3A_178 = arith.constant 0 : i32
      %dma_start3A_179 = arith.constant 0 : i32
      %dma_start3A_180 = tpu.memref_slice %arg17[%dma_start3A_178, %dma_start3A_179] : memref<10000x32xf32, #tpu.memory_space<vmem_shared>> -> memref<10000x32xf32, #tpu.memory_space<vmem_shared>>
      tpu.enqueue_indirect_dma source(%dma_start3A_180 : memref<10000x32xf32, #tpu.memory_space<vmem_shared>>) target(%arg10 : memref<128x32xf32, #tpu.memory_space<vmem>>) offsets(%dma_start3A_177 : memref<128xi32, #tpu.memory_space<vmem>>) semaphore(%arg20 : memref<!tpu.dma_semaphore, #tpu.memory_space<semaphore_mem>>)
    } else {
    }
    %gt3A_79 = arith.constant 66 : i32
    %gt3A_80 = arith.cmpi sgt, %select_n3A, %gt3A_79 : i32
    %convert_element_type3A_81 = arith.extui %gt3A_80 : i1 to i32
    %cond3A_82 = arith.constant 0 : i32
    %cond3A_83 = arith.cmpi ne, %convert_element_type3A_81, %cond3A_82 : i32
    scf.if %cond3A_83 {
      %dma_wait3A = arith.constant 8448 : i32
      %dma_wait3A_176 = tpu.memref_slice %arg7[%dma_wait3A] : memref<10112xi32, #tpu.memory_space<vmem>> -> memref<128xi32, #tpu.memory_space<vmem>>
      %dma_wait3A_177 = arith.constant 0 : i32
      %dma_wait3A_178 = arith.constant 0 : i32
      %dma_wait3A_179 = tpu.memref_slice %arg17[%dma_wait3A_177, %dma_wait3A_178] : memref<10000x32xf32, #tpu.memory_space<vmem_shared>> -> memref<10000x32xf32, #tpu.memory_space<vmem_shared>>
      tpu.wait_indirect_dma semaphore(%arg21 : memref<!tpu.dma_semaphore, #tpu.memory_space<semaphore_mem>>) src(%dma_wait3A_179 : memref<10000x32xf32, #tpu.memory_space<vmem_shared>>) dst(%arg11 : memref<128x32xf32, #tpu.memory_space<vmem>>)
      %run_scoped3A = arith.constant 66 : i32
      "tpu.region"() ({
        %run_scoped3A_180 = tpu.sem_alloc : memref<!tpu.dma_semaphore, #tpu.memory_space<semaphore_mem>>
        %dma_start3A_181 = arith.constant 0 : i32
        %dma_start3A_182 = tpu.memref_slice %arg8[%run_scoped3A, %dma_start3A_181] : memref<79x128xi32, #tpu.memory_space<vmem>> -> memref<1x128xi32, #tpu.memory_space<vmem>>
        %dma_start3A_183 = tpu.memref_squeeze %dma_start3A_182 : memref<1x128xi32, #tpu.memory_space<vmem>> -> memref<128xi32, #tpu.memory_space<vmem>>
        %dma_start3A_184 = arith.constant 0 : i32
        %dma_start3A_185 = arith.constant 0 : i32
        %dma_start3A_186 = tpu.memref_slice %arg18[%dma_start3A_184, %dma_start3A_185] : memref<10000x32xf32, #tpu.memory_space<vmem_shared>> -> memref<10000x32xf32, #tpu.memory_space<vmem_shared>>
        tpu.enqueue_indirect_dma source(%arg11 : memref<128x32xf32, #tpu.memory_space<vmem>>) target(%dma_start3A_186 : memref<10000x32xf32, #tpu.memory_space<vmem_shared>>) offsets(%dma_start3A_183 : memref<128xi32, #tpu.memory_space<vmem>>) semaphore(%run_scoped3A_180 : memref<!tpu.dma_semaphore, #tpu.memory_space<semaphore_mem>>) {add = true}
        %dma_wait3A_187 = arith.constant 0 : i32
        %dma_wait3A_188 = tpu.memref_slice %arg8[%run_scoped3A, %dma_wait3A_187] : memref<79x128xi32, #tpu.memory_space<vmem>> -> memref<1x128xi32, #tpu.memory_space<vmem>>
        %dma_wait3A_189 = tpu.memref_squeeze %dma_wait3A_188 : memref<1x128xi32, #tpu.memory_space<vmem>> -> memref<128xi32, #tpu.memory_space<vmem>>
        %dma_wait3A_190 = arith.constant 0 : i32
        %dma_wait3A_191 = arith.constant 0 : i32
        %dma_wait3A_192 = tpu.memref_slice %arg18[%dma_wait3A_190, %dma_wait3A_191] : memref<10000x32xf32, #tpu.memory_space<vmem_shared>> -> memref<10000x32xf32, #tpu.memory_space<vmem_shared>>
        tpu.wait_indirect_dma semaphore(%run_scoped3A_180 : memref<!tpu.dma_semaphore, #tpu.memory_space<semaphore_mem>>) src(%arg11 : memref<128x32xf32, #tpu.memory_space<vmem>>) dst(%dma_wait3A_192 : memref<10000x32xf32, #tpu.memory_space<vmem_shared>>)
        tpu.yield
      }) : () -> ()
    } else {
    }
    %gt3A_84 = arith.constant 74 : i32
    %gt3A_85 = arith.cmpi sgt, %select_n3A, %gt3A_84 : i32
    %convert_element_type3A_86 = arith.extui %gt3A_85 : i1 to i32
    %cond3A_87 = arith.constant 0 : i32
    %cond3A_88 = arith.cmpi ne, %convert_element_type3A_86, %cond3A_87 : i32
    scf.if %cond3A_88 {
      %dma_start3A_176 = arith.constant 9472 : i32
      %dma_start3A_177 = tpu.memref_slice %arg7[%dma_start3A_176] : memref<10112xi32, #tpu.memory_space<vmem>> -> memref<128xi32, #tpu.memory_space<vmem>>
      %dma_start3A_178 = arith.constant 0 : i32
      %dma_start3A_179 = arith.constant 0 : i32
      %dma_start3A_180 = tpu.memref_slice %arg17[%dma_start3A_178, %dma_start3A_179] : memref<10000x32xf32, #tpu.memory_space<vmem_shared>> -> memref<10000x32xf32, #tpu.memory_space<vmem_shared>>
      tpu.enqueue_indirect_dma source(%dma_start3A_180 : memref<10000x32xf32, #tpu.memory_space<vmem_shared>>) target(%arg11 : memref<128x32xf32, #tpu.memory_space<vmem>>) offsets(%dma_start3A_177 : memref<128xi32, #tpu.memory_space<vmem>>) semaphore(%arg21 : memref<!tpu.dma_semaphore, #tpu.memory_space<semaphore_mem>>)
    } else {
    }
    %gt3A_89 = arith.constant 67 : i32
    %gt3A_90 = arith.cmpi sgt, %select_n3A, %gt3A_89 : i32
    %convert_element_type3A_91 = arith.extui %gt3A_90 : i1 to i32
    %cond3A_92 = arith.constant 0 : i32
    %cond3A_93 = arith.cmpi ne, %convert_element_type3A_91, %cond3A_92 : i32
    scf.if %cond3A_93 {
      %dma_wait3A = arith.constant 8576 : i32
      %dma_wait3A_176 = tpu.memref_slice %arg7[%dma_wait3A] : memref<10112xi32, #tpu.memory_space<vmem>> -> memref<128xi32, #tpu.memory_space<vmem>>
      %dma_wait3A_177 = arith.constant 0 : i32
      %dma_wait3A_178 = arith.constant 0 : i32
      %dma_wait3A_179 = tpu.memref_slice %arg17[%dma_wait3A_177, %dma_wait3A_178] : memref<10000x32xf32, #tpu.memory_space<vmem_shared>> -> memref<10000x32xf32, #tpu.memory_space<vmem_shared>>
      tpu.wait_indirect_dma semaphore(%arg22 : memref<!tpu.dma_semaphore, #tpu.memory_space<semaphore_mem>>) src(%dma_wait3A_179 : memref<10000x32xf32, #tpu.memory_space<vmem_shared>>) dst(%arg12 : memref<128x32xf32, #tpu.memory_space<vmem>>)
      %run_scoped3A = arith.constant 67 : i32
      "tpu.region"() ({
        %run_scoped3A_180 = tpu.sem_alloc : memref<!tpu.dma_semaphore, #tpu.memory_space<semaphore_mem>>
        %dma_start3A_181 = arith.constant 0 : i32
        %dma_start3A_182 = tpu.memref_slice %arg8[%run_scoped3A, %dma_start3A_181] : memref<79x128xi32, #tpu.memory_space<vmem>> -> memref<1x128xi32, #tpu.memory_space<vmem>>
        %dma_start3A_183 = tpu.memref_squeeze %dma_start3A_182 : memref<1x128xi32, #tpu.memory_space<vmem>> -> memref<128xi32, #tpu.memory_space<vmem>>
        %dma_start3A_184 = arith.constant 0 : i32
        %dma_start3A_185 = arith.constant 0 : i32
        %dma_start3A_186 = tpu.memref_slice %arg18[%dma_start3A_184, %dma_start3A_185] : memref<10000x32xf32, #tpu.memory_space<vmem_shared>> -> memref<10000x32xf32, #tpu.memory_space<vmem_shared>>
        tpu.enqueue_indirect_dma source(%arg12 : memref<128x32xf32, #tpu.memory_space<vmem>>) target(%dma_start3A_186 : memref<10000x32xf32, #tpu.memory_space<vmem_shared>>) offsets(%dma_start3A_183 : memref<128xi32, #tpu.memory_space<vmem>>) semaphore(%run_scoped3A_180 : memref<!tpu.dma_semaphore, #tpu.memory_space<semaphore_mem>>) {add = true}
        %dma_wait3A_187 = arith.constant 0 : i32
        %dma_wait3A_188 = tpu.memref_slice %arg8[%run_scoped3A, %dma_wait3A_187] : memref<79x128xi32, #tpu.memory_space<vmem>> -> memref<1x128xi32, #tpu.memory_space<vmem>>
        %dma_wait3A_189 = tpu.memref_squeeze %dma_wait3A_188 : memref<1x128xi32, #tpu.memory_space<vmem>> -> memref<128xi32, #tpu.memory_space<vmem>>
        %dma_wait3A_190 = arith.constant 0 : i32
        %dma_wait3A_191 = arith.constant 0 : i32
        %dma_wait3A_192 = tpu.memref_slice %arg18[%dma_wait3A_190, %dma_wait3A_191] : memref<10000x32xf32, #tpu.memory_space<vmem_shared>> -> memref<10000x32xf32, #tpu.memory_space<vmem_shared>>
        tpu.wait_indirect_dma semaphore(%run_scoped3A_180 : memref<!tpu.dma_semaphore, #tpu.memory_space<semaphore_mem>>) src(%arg12 : memref<128x32xf32, #tpu.memory_space<vmem>>) dst(%dma_wait3A_192 : memref<10000x32xf32, #tpu.memory_space<vmem_shared>>)
        tpu.yield
      }) : () -> ()
    } else {
    }
    %gt3A_94 = arith.constant 75 : i32
    %gt3A_95 = arith.cmpi sgt, %select_n3A, %gt3A_94 : i32
    %convert_element_type3A_96 = arith.extui %gt3A_95 : i1 to i32
    %cond3A_97 = arith.constant 0 : i32
    %cond3A_98 = arith.cmpi ne, %convert_element_type3A_96, %cond3A_97 : i32
    scf.if %cond3A_98 {
      %dma_start3A_176 = arith.constant 9600 : i32
      %dma_start3A_177 = tpu.memref_slice %arg7[%dma_start3A_176] : memref<10112xi32, #tpu.memory_space<vmem>> -> memref<128xi32, #tpu.memory_space<vmem>>
      %dma_start3A_178 = arith.constant 0 : i32
      %dma_start3A_179 = arith.constant 0 : i32
      %dma_start3A_180 = tpu.memref_slice %arg17[%dma_start3A_178, %dma_start3A_179] : memref<10000x32xf32, #tpu.memory_space<vmem_shared>> -> memref<10000x32xf32, #tpu.memory_space<vmem_shared>>
      tpu.enqueue_indirect_dma source(%dma_start3A_180 : memref<10000x32xf32, #tpu.memory_space<vmem_shared>>) target(%arg12 : memref<128x32xf32, #tpu.memory_space<vmem>>) offsets(%dma_start3A_177 : memref<128xi32, #tpu.memory_space<vmem>>) semaphore(%arg22 : memref<!tpu.dma_semaphore, #tpu.memory_space<semaphore_mem>>)
    } else {
    }
    %gt3A_99 = arith.constant 68 : i32
    %gt3A_100 = arith.cmpi sgt, %select_n3A, %gt3A_99 : i32
    %convert_element_type3A_101 = arith.extui %gt3A_100 : i1 to i32
    %cond3A_102 = arith.constant 0 : i32
    %cond3A_103 = arith.cmpi ne, %convert_element_type3A_101, %cond3A_102 : i32
    scf.if %cond3A_103 {
      %dma_wait3A = arith.constant 8704 : i32
      %dma_wait3A_176 = tpu.memref_slice %arg7[%dma_wait3A] : memref<10112xi32, #tpu.memory_space<vmem>> -> memref<128xi32, #tpu.memory_space<vmem>>
      %dma_wait3A_177 = arith.constant 0 : i32
      %dma_wait3A_178 = arith.constant 0 : i32
      %dma_wait3A_179 = tpu.memref_slice %arg17[%dma_wait3A_177, %dma_wait3A_178] : memref<10000x32xf32, #tpu.memory_space<vmem_shared>> -> memref<10000x32xf32, #tpu.memory_space<vmem_shared>>
      tpu.wait_indirect_dma semaphore(%arg23 : memref<!tpu.dma_semaphore, #tpu.memory_space<semaphore_mem>>) src(%dma_wait3A_179 : memref<10000x32xf32, #tpu.memory_space<vmem_shared>>) dst(%arg13 : memref<128x32xf32, #tpu.memory_space<vmem>>)
      %run_scoped3A = arith.constant 68 : i32
      "tpu.region"() ({
        %run_scoped3A_180 = tpu.sem_alloc : memref<!tpu.dma_semaphore, #tpu.memory_space<semaphore_mem>>
        %dma_start3A_181 = arith.constant 0 : i32
        %dma_start3A_182 = tpu.memref_slice %arg8[%run_scoped3A, %dma_start3A_181] : memref<79x128xi32, #tpu.memory_space<vmem>> -> memref<1x128xi32, #tpu.memory_space<vmem>>
        %dma_start3A_183 = tpu.memref_squeeze %dma_start3A_182 : memref<1x128xi32, #tpu.memory_space<vmem>> -> memref<128xi32, #tpu.memory_space<vmem>>
        %dma_start3A_184 = arith.constant 0 : i32
        %dma_start3A_185 = arith.constant 0 : i32
        %dma_start3A_186 = tpu.memref_slice %arg18[%dma_start3A_184, %dma_start3A_185] : memref<10000x32xf32, #tpu.memory_space<vmem_shared>> -> memref<10000x32xf32, #tpu.memory_space<vmem_shared>>
        tpu.enqueue_indirect_dma source(%arg13 : memref<128x32xf32, #tpu.memory_space<vmem>>) target(%dma_start3A_186 : memref<10000x32xf32, #tpu.memory_space<vmem_shared>>) offsets(%dma_start3A_183 : memref<128xi32, #tpu.memory_space<vmem>>) semaphore(%run_scoped3A_180 : memref<!tpu.dma_semaphore, #tpu.memory_space<semaphore_mem>>) {add = true}
        %dma_wait3A_187 = arith.constant 0 : i32
        %dma_wait3A_188 = tpu.memref_slice %arg8[%run_scoped3A, %dma_wait3A_187] : memref<79x128xi32, #tpu.memory_space<vmem>> -> memref<1x128xi32, #tpu.memory_space<vmem>>
        %dma_wait3A_189 = tpu.memref_squeeze %dma_wait3A_188 : memref<1x128xi32, #tpu.memory_space<vmem>> -> memref<128xi32, #tpu.memory_space<vmem>>
        %dma_wait3A_190 = arith.constant 0 : i32
        %dma_wait3A_191 = arith.constant 0 : i32
        %dma_wait3A_192 = tpu.memref_slice %arg18[%dma_wait3A_190, %dma_wait3A_191] : memref<10000x32xf32, #tpu.memory_space<vmem_shared>> -> memref<10000x32xf32, #tpu.memory_space<vmem_shared>>
        tpu.wait_indirect_dma semaphore(%run_scoped3A_180 : memref<!tpu.dma_semaphore, #tpu.memory_space<semaphore_mem>>) src(%arg13 : memref<128x32xf32, #tpu.memory_space<vmem>>) dst(%dma_wait3A_192 : memref<10000x32xf32, #tpu.memory_space<vmem_shared>>)
        tpu.yield
      }) : () -> ()
    } else {
    }
    %gt3A_104 = arith.constant 76 : i32
    %gt3A_105 = arith.cmpi sgt, %select_n3A, %gt3A_104 : i32
    %convert_element_type3A_106 = arith.extui %gt3A_105 : i1 to i32
    %cond3A_107 = arith.constant 0 : i32
    %cond3A_108 = arith.cmpi ne, %convert_element_type3A_106, %cond3A_107 : i32
    scf.if %cond3A_108 {
      %dma_start3A_176 = arith.constant 9728 : i32
      %dma_start3A_177 = tpu.memref_slice %arg7[%dma_start3A_176] : memref<10112xi32, #tpu.memory_space<vmem>> -> memref<128xi32, #tpu.memory_space<vmem>>
      %dma_start3A_178 = arith.constant 0 : i32
      %dma_start3A_179 = arith.constant 0 : i32
      %dma_start3A_180 = tpu.memref_slice %arg17[%dma_start3A_178, %dma_start3A_179] : memref<10000x32xf32, #tpu.memory_space<vmem_shared>> -> memref<10000x32xf32, #tpu.memory_space<vmem_shared>>
      tpu.enqueue_indirect_dma source(%dma_start3A_180 : memref<10000x32xf32, #tpu.memory_space<vmem_shared>>) target(%arg13 : memref<128x32xf32, #tpu.memory_space<vmem>>) offsets(%dma_start3A_177 : memref<128xi32, #tpu.memory_space<vmem>>) semaphore(%arg23 : memref<!tpu.dma_semaphore, #tpu.memory_space<semaphore_mem>>)
    } else {
    }
    %gt3A_109 = arith.constant 69 : i32
    %gt3A_110 = arith.cmpi sgt, %select_n3A, %gt3A_109 : i32
    %convert_element_type3A_111 = arith.extui %gt3A_110 : i1 to i32
    %cond3A_112 = arith.constant 0 : i32
    %cond3A_113 = arith.cmpi ne, %convert_element_type3A_111, %cond3A_112 : i32
    scf.if %cond3A_113 {
      %dma_wait3A = arith.constant 8832 : i32
      %dma_wait3A_176 = tpu.memref_slice %arg7[%dma_wait3A] : memref<10112xi32, #tpu.memory_space<vmem>> -> memref<128xi32, #tpu.memory_space<vmem>>
      %dma_wait3A_177 = arith.constant 0 : i32
      %dma_wait3A_178 = arith.constant 0 : i32
      %dma_wait3A_179 = tpu.memref_slice %arg17[%dma_wait3A_177, %dma_wait3A_178] : memref<10000x32xf32, #tpu.memory_space<vmem_shared>> -> memref<10000x32xf32, #tpu.memory_space<vmem_shared>>
      tpu.wait_indirect_dma semaphore(%arg24 : memref<!tpu.dma_semaphore, #tpu.memory_space<semaphore_mem>>) src(%dma_wait3A_179 : memref<10000x32xf32, #tpu.memory_space<vmem_shared>>) dst(%arg14 : memref<128x32xf32, #tpu.memory_space<vmem>>)
      %run_scoped3A = arith.constant 69 : i32
      "tpu.region"() ({
        %run_scoped3A_180 = tpu.sem_alloc : memref<!tpu.dma_semaphore, #tpu.memory_space<semaphore_mem>>
        %dma_start3A_181 = arith.constant 0 : i32
        %dma_start3A_182 = tpu.memref_slice %arg8[%run_scoped3A, %dma_start3A_181] : memref<79x128xi32, #tpu.memory_space<vmem>> -> memref<1x128xi32, #tpu.memory_space<vmem>>
        %dma_start3A_183 = tpu.memref_squeeze %dma_start3A_182 : memref<1x128xi32, #tpu.memory_space<vmem>> -> memref<128xi32, #tpu.memory_space<vmem>>
        %dma_start3A_184 = arith.constant 0 : i32
        %dma_start3A_185 = arith.constant 0 : i32
        %dma_start3A_186 = tpu.memref_slice %arg18[%dma_start3A_184, %dma_start3A_185] : memref<10000x32xf32, #tpu.memory_space<vmem_shared>> -> memref<10000x32xf32, #tpu.memory_space<vmem_shared>>
        tpu.enqueue_indirect_dma source(%arg14 : memref<128x32xf32, #tpu.memory_space<vmem>>) target(%dma_start3A_186 : memref<10000x32xf32, #tpu.memory_space<vmem_shared>>) offsets(%dma_start3A_183 : memref<128xi32, #tpu.memory_space<vmem>>) semaphore(%run_scoped3A_180 : memref<!tpu.dma_semaphore, #tpu.memory_space<semaphore_mem>>) {add = true}
        %dma_wait3A_187 = arith.constant 0 : i32
        %dma_wait3A_188 = tpu.memref_slice %arg8[%run_scoped3A, %dma_wait3A_187] : memref<79x128xi32, #tpu.memory_space<vmem>> -> memref<1x128xi32, #tpu.memory_space<vmem>>
        %dma_wait3A_189 = tpu.memref_squeeze %dma_wait3A_188 : memref<1x128xi32, #tpu.memory_space<vmem>> -> memref<128xi32, #tpu.memory_space<vmem>>
        %dma_wait3A_190 = arith.constant 0 : i32
        %dma_wait3A_191 = arith.constant 0 : i32
        %dma_wait3A_192 = tpu.memref_slice %arg18[%dma_wait3A_190, %dma_wait3A_191] : memref<10000x32xf32, #tpu.memory_space<vmem_shared>> -> memref<10000x32xf32, #tpu.memory_space<vmem_shared>>
        tpu.wait_indirect_dma semaphore(%run_scoped3A_180 : memref<!tpu.dma_semaphore, #tpu.memory_space<semaphore_mem>>) src(%arg14 : memref<128x32xf32, #tpu.memory_space<vmem>>) dst(%dma_wait3A_192 : memref<10000x32xf32, #tpu.memory_space<vmem_shared>>)
        tpu.yield
      }) : () -> ()
    } else {
    }
    %gt3A_114 = arith.constant 77 : i32
    %gt3A_115 = arith.cmpi sgt, %select_n3A, %gt3A_114 : i32
    %convert_element_type3A_116 = arith.extui %gt3A_115 : i1 to i32
    %cond3A_117 = arith.constant 0 : i32
    %cond3A_118 = arith.cmpi ne, %convert_element_type3A_116, %cond3A_117 : i32
    scf.if %cond3A_118 {
      %dma_start3A_176 = arith.constant 9856 : i32
      %dma_start3A_177 = tpu.memref_slice %arg7[%dma_start3A_176] : memref<10112xi32, #tpu.memory_space<vmem>> -> memref<128xi32, #tpu.memory_space<vmem>>
      %dma_start3A_178 = arith.constant 0 : i32
      %dma_start3A_179 = arith.constant 0 : i32
      %dma_start3A_180 = tpu.memref_slice %arg17[%dma_start3A_178, %dma_start3A_179] : memref<10000x32xf32, #tpu.memory_space<vmem_shared>> -> memref<10000x32xf32, #tpu.memory_space<vmem_shared>>
      tpu.enqueue_indirect_dma source(%dma_start3A_180 : memref<10000x32xf32, #tpu.memory_space<vmem_shared>>) target(%arg14 : memref<128x32xf32, #tpu.memory_space<vmem>>) offsets(%dma_start3A_177 : memref<128xi32, #tpu.memory_space<vmem>>) semaphore(%arg24 : memref<!tpu.dma_semaphore, #tpu.memory_space<semaphore_mem>>)
    } else {
    }
    %gt3A_119 = arith.constant 70 : i32
    %gt3A_120 = arith.cmpi sgt, %select_n3A, %gt3A_119 : i32
    %convert_element_type3A_121 = arith.extui %gt3A_120 : i1 to i32
    %cond3A_122 = arith.constant 0 : i32
    %cond3A_123 = arith.cmpi ne, %convert_element_type3A_121, %cond3A_122 : i32
    scf.if %cond3A_123 {
      %dma_wait3A = arith.constant 8960 : i32
      %dma_wait3A_176 = tpu.memref_slice %arg7[%dma_wait3A] : memref<10112xi32, #tpu.memory_space<vmem>> -> memref<128xi32, #tpu.memory_space<vmem>>
      %dma_wait3A_177 = arith.constant 0 : i32
      %dma_wait3A_178 = arith.constant 0 : i32
      %dma_wait3A_179 = tpu.memref_slice %arg17[%dma_wait3A_177, %dma_wait3A_178] : memref<10000x32xf32, #tpu.memory_space<vmem_shared>> -> memref<10000x32xf32, #tpu.memory_space<vmem_shared>>
      tpu.wait_indirect_dma semaphore(%arg25 : memref<!tpu.dma_semaphore, #tpu.memory_space<semaphore_mem>>) src(%dma_wait3A_179 : memref<10000x32xf32, #tpu.memory_space<vmem_shared>>) dst(%arg15 : memref<128x32xf32, #tpu.memory_space<vmem>>)
      %run_scoped3A = arith.constant 70 : i32
      "tpu.region"() ({
        %run_scoped3A_180 = tpu.sem_alloc : memref<!tpu.dma_semaphore, #tpu.memory_space<semaphore_mem>>
        %dma_start3A_181 = arith.constant 0 : i32
        %dma_start3A_182 = tpu.memref_slice %arg8[%run_scoped3A, %dma_start3A_181] : memref<79x128xi32, #tpu.memory_space<vmem>> -> memref<1x128xi32, #tpu.memory_space<vmem>>
        %dma_start3A_183 = tpu.memref_squeeze %dma_start3A_182 : memref<1x128xi32, #tpu.memory_space<vmem>> -> memref<128xi32, #tpu.memory_space<vmem>>
        %dma_start3A_184 = arith.constant 0 : i32
        %dma_start3A_185 = arith.constant 0 : i32
        %dma_start3A_186 = tpu.memref_slice %arg18[%dma_start3A_184, %dma_start3A_185] : memref<10000x32xf32, #tpu.memory_space<vmem_shared>> -> memref<10000x32xf32, #tpu.memory_space<vmem_shared>>
        tpu.enqueue_indirect_dma source(%arg15 : memref<128x32xf32, #tpu.memory_space<vmem>>) target(%dma_start3A_186 : memref<10000x32xf32, #tpu.memory_space<vmem_shared>>) offsets(%dma_start3A_183 : memref<128xi32, #tpu.memory_space<vmem>>) semaphore(%run_scoped3A_180 : memref<!tpu.dma_semaphore, #tpu.memory_space<semaphore_mem>>) {add = true}
        %dma_wait3A_187 = arith.constant 0 : i32
        %dma_wait3A_188 = tpu.memref_slice %arg8[%run_scoped3A, %dma_wait3A_187] : memref<79x128xi32, #tpu.memory_space<vmem>> -> memref<1x128xi32, #tpu.memory_space<vmem>>
        %dma_wait3A_189 = tpu.memref_squeeze %dma_wait3A_188 : memref<1x128xi32, #tpu.memory_space<vmem>> -> memref<128xi32, #tpu.memory_space<vmem>>
        %dma_wait3A_190 = arith.constant 0 : i32
        %dma_wait3A_191 = arith.constant 0 : i32
        %dma_wait3A_192 = tpu.memref_slice %arg18[%dma_wait3A_190, %dma_wait3A_191] : memref<10000x32xf32, #tpu.memory_space<vmem_shared>> -> memref<10000x32xf32, #tpu.memory_space<vmem_shared>>
        tpu.wait_indirect_dma semaphore(%run_scoped3A_180 : memref<!tpu.dma_semaphore, #tpu.memory_space<semaphore_mem>>) src(%arg15 : memref<128x32xf32, #tpu.memory_space<vmem>>) dst(%dma_wait3A_192 : memref<10000x32xf32, #tpu.memory_space<vmem_shared>>)
        tpu.yield
      }) : () -> ()
    } else {
    }
    %gt3A_124 = arith.constant 78 : i32
    %gt3A_125 = arith.cmpi sgt, %select_n3A, %gt3A_124 : i32
    %convert_element_type3A_126 = arith.extui %gt3A_125 : i1 to i32
    %cond3A_127 = arith.constant 0 : i32
    %cond3A_128 = arith.cmpi ne, %convert_element_type3A_126, %cond3A_127 : i32
    scf.if %cond3A_128 {
      %dma_start3A_176 = arith.constant 9984 : i32
      %dma_start3A_177 = tpu.memref_slice %arg7[%dma_start3A_176] : memref<10112xi32, #tpu.memory_space<vmem>> -> memref<128xi32, #tpu.memory_space<vmem>>
      %dma_start3A_178 = arith.constant 0 : i32
      %dma_start3A_179 = arith.constant 0 : i32
      %dma_start3A_180 = tpu.memref_slice %arg17[%dma_start3A_178, %dma_start3A_179] : memref<10000x32xf32, #tpu.memory_space<vmem_shared>> -> memref<10000x32xf32, #tpu.memory_space<vmem_shared>>
      tpu.enqueue_indirect_dma source(%dma_start3A_180 : memref<10000x32xf32, #tpu.memory_space<vmem_shared>>) target(%arg15 : memref<128x32xf32, #tpu.memory_space<vmem>>) offsets(%dma_start3A_177 : memref<128xi32, #tpu.memory_space<vmem>>) semaphore(%arg25 : memref<!tpu.dma_semaphore, #tpu.memory_space<semaphore_mem>>)
    } else {
    }
    %gt3A_129 = arith.constant 71 : i32
    %gt3A_130 = arith.cmpi sgt, %select_n3A, %gt3A_129 : i32
    %convert_element_type3A_131 = arith.extui %gt3A_130 : i1 to i32
    %cond3A_132 = arith.constant 0 : i32
    %cond3A_133 = arith.cmpi ne, %convert_element_type3A_131, %cond3A_132 : i32
    scf.if %cond3A_133 {
      %dma_wait3A = arith.constant 9088 : i32
      %dma_wait3A_176 = tpu.memref_slice %arg7[%dma_wait3A] : memref<10112xi32, #tpu.memory_space<vmem>> -> memref<128xi32, #tpu.memory_space<vmem>>
      %dma_wait3A_177 = arith.constant 0 : i32
      %dma_wait3A_178 = arith.constant 0 : i32
      %dma_wait3A_179 = tpu.memref_slice %arg17[%dma_wait3A_177, %dma_wait3A_178] : memref<10000x32xf32, #tpu.memory_space<vmem_shared>> -> memref<10000x32xf32, #tpu.memory_space<vmem_shared>>
      tpu.wait_indirect_dma semaphore(%arg26 : memref<!tpu.dma_semaphore, #tpu.memory_space<semaphore_mem>>) src(%dma_wait3A_179 : memref<10000x32xf32, #tpu.memory_space<vmem_shared>>) dst(%arg16 : memref<128x32xf32, #tpu.memory_space<vmem>>)
      %run_scoped3A = arith.constant 71 : i32
      "tpu.region"() ({
        %run_scoped3A_180 = tpu.sem_alloc : memref<!tpu.dma_semaphore, #tpu.memory_space<semaphore_mem>>
        %dma_start3A_181 = arith.constant 0 : i32
        %dma_start3A_182 = tpu.memref_slice %arg8[%run_scoped3A, %dma_start3A_181] : memref<79x128xi32, #tpu.memory_space<vmem>> -> memref<1x128xi32, #tpu.memory_space<vmem>>
        %dma_start3A_183 = tpu.memref_squeeze %dma_start3A_182 : memref<1x128xi32, #tpu.memory_space<vmem>> -> memref<128xi32, #tpu.memory_space<vmem>>
        %dma_start3A_184 = arith.constant 0 : i32
        %dma_start3A_185 = arith.constant 0 : i32
        %dma_start3A_186 = tpu.memref_slice %arg18[%dma_start3A_184, %dma_start3A_185] : memref<10000x32xf32, #tpu.memory_space<vmem_shared>> -> memref<10000x32xf32, #tpu.memory_space<vmem_shared>>
        tpu.enqueue_indirect_dma source(%arg16 : memref<128x32xf32, #tpu.memory_space<vmem>>) target(%dma_start3A_186 : memref<10000x32xf32, #tpu.memory_space<vmem_shared>>) offsets(%dma_start3A_183 : memref<128xi32, #tpu.memory_space<vmem>>) semaphore(%run_scoped3A_180 : memref<!tpu.dma_semaphore, #tpu.memory_space<semaphore_mem>>) {add = true}
        %dma_wait3A_187 = arith.constant 0 : i32
        %dma_wait3A_188 = tpu.memref_slice %arg8[%run_scoped3A, %dma_wait3A_187] : memref<79x128xi32, #tpu.memory_space<vmem>> -> memref<1x128xi32, #tpu.memory_space<vmem>>
        %dma_wait3A_189 = tpu.memref_squeeze %dma_wait3A_188 : memref<1x128xi32, #tpu.memory_space<vmem>> -> memref<128xi32, #tpu.memory_space<vmem>>
        %dma_wait3A_190 = arith.constant 0 : i32
        %dma_wait3A_191 = arith.constant 0 : i32
        %dma_wait3A_192 = tpu.memref_slice %arg18[%dma_wait3A_190, %dma_wait3A_191] : memref<10000x32xf32, #tpu.memory_space<vmem_shared>> -> memref<10000x32xf32, #tpu.memory_space<vmem_shared>>
        tpu.wait_indirect_dma semaphore(%run_scoped3A_180 : memref<!tpu.dma_semaphore, #tpu.memory_space<semaphore_mem>>) src(%arg16 : memref<128x32xf32, #tpu.memory_space<vmem>>) dst(%dma_wait3A_192 : memref<10000x32xf32, #tpu.memory_space<vmem_shared>>)
        tpu.yield
      }) : () -> ()
    } else {
    }
    %gt3A_134 = arith.constant 72 : i32
    %gt3A_135 = arith.cmpi sgt, %select_n3A, %gt3A_134 : i32
    %convert_element_type3A_136 = arith.extui %gt3A_135 : i1 to i32
    %cond3A_137 = arith.constant 0 : i32
    %cond3A_138 = arith.cmpi ne, %convert_element_type3A_136, %cond3A_137 : i32
    scf.if %cond3A_138 {
      %dma_wait3A = arith.constant 9216 : i32
      %dma_wait3A_176 = tpu.memref_slice %arg7[%dma_wait3A] : memref<10112xi32, #tpu.memory_space<vmem>> -> memref<128xi32, #tpu.memory_space<vmem>>
      %dma_wait3A_177 = arith.constant 0 : i32
      %dma_wait3A_178 = arith.constant 0 : i32
      %dma_wait3A_179 = tpu.memref_slice %arg17[%dma_wait3A_177, %dma_wait3A_178] : memref<10000x32xf32, #tpu.memory_space<vmem_shared>> -> memref<10000x32xf32, #tpu.memory_space<vmem_shared>>
      tpu.wait_indirect_dma semaphore(%arg19 : memref<!tpu.dma_semaphore, #tpu.memory_space<semaphore_mem>>) src(%dma_wait3A_179 : memref<10000x32xf32, #tpu.memory_space<vmem_shared>>) dst(%arg9 : memref<128x32xf32, #tpu.memory_space<vmem>>)
      %run_scoped3A = arith.constant 72 : i32
      "tpu.region"() ({
        %run_scoped3A_180 = tpu.sem_alloc : memref<!tpu.dma_semaphore, #tpu.memory_space<semaphore_mem>>
        %dma_start3A_181 = arith.constant 0 : i32
        %dma_start3A_182 = tpu.memref_slice %arg8[%run_scoped3A, %dma_start3A_181] : memref<79x128xi32, #tpu.memory_space<vmem>> -> memref<1x128xi32, #tpu.memory_space<vmem>>
        %dma_start3A_183 = tpu.memref_squeeze %dma_start3A_182 : memref<1x128xi32, #tpu.memory_space<vmem>> -> memref<128xi32, #tpu.memory_space<vmem>>
        %dma_start3A_184 = arith.constant 0 : i32
        %dma_start3A_185 = arith.constant 0 : i32
        %dma_start3A_186 = tpu.memref_slice %arg18[%dma_start3A_184, %dma_start3A_185] : memref<10000x32xf32, #tpu.memory_space<vmem_shared>> -> memref<10000x32xf32, #tpu.memory_space<vmem_shared>>
        tpu.enqueue_indirect_dma source(%arg9 : memref<128x32xf32, #tpu.memory_space<vmem>>) target(%dma_start3A_186 : memref<10000x32xf32, #tpu.memory_space<vmem_shared>>) offsets(%dma_start3A_183 : memref<128xi32, #tpu.memory_space<vmem>>) semaphore(%run_scoped3A_180 : memref<!tpu.dma_semaphore, #tpu.memory_space<semaphore_mem>>) {add = true}
        %dma_wait3A_187 = arith.constant 0 : i32
        %dma_wait3A_188 = tpu.memref_slice %arg8[%run_scoped3A, %dma_wait3A_187] : memref<79x128xi32, #tpu.memory_space<vmem>> -> memref<1x128xi32, #tpu.memory_space<vmem>>
        %dma_wait3A_189 = tpu.memref_squeeze %dma_wait3A_188 : memref<1x128xi32, #tpu.memory_space<vmem>> -> memref<128xi32, #tpu.memory_space<vmem>>
        %dma_wait3A_190 = arith.constant 0 : i32
        %dma_wait3A_191 = arith.constant 0 : i32
        %dma_wait3A_192 = tpu.memref_slice %arg18[%dma_wait3A_190, %dma_wait3A_191] : memref<10000x32xf32, #tpu.memory_space<vmem_shared>> -> memref<10000x32xf32, #tpu.memory_space<vmem_shared>>
        tpu.wait_indirect_dma semaphore(%run_scoped3A_180 : memref<!tpu.dma_semaphore, #tpu.memory_space<semaphore_mem>>) src(%arg9 : memref<128x32xf32, #tpu.memory_space<vmem>>) dst(%dma_wait3A_192 : memref<10000x32xf32, #tpu.memory_space<vmem_shared>>)
        tpu.yield
      }) : () -> ()
    } else {
    }
    %gt3A_139 = arith.constant 73 : i32
    %gt3A_140 = arith.cmpi sgt, %select_n3A, %gt3A_139 : i32
    %convert_element_type3A_141 = arith.extui %gt3A_140 : i1 to i32
    %cond3A_142 = arith.constant 0 : i32
    %cond3A_143 = arith.cmpi ne, %convert_element_type3A_141, %cond3A_142 : i32
    scf.if %cond3A_143 {
      %dma_wait3A = arith.constant 9344 : i32
      %dma_wait3A_176 = tpu.memref_slice %arg7[%dma_wait3A] : memref<10112xi32, #tpu.memory_space<vmem>> -> memref<128xi32, #tpu.memory_space<vmem>>
      %dma_wait3A_177 = arith.constant 0 : i32
      %dma_wait3A_178 = arith.constant 0 : i32
      %dma_wait3A_179 = tpu.memref_slice %arg17[%dma_wait3A_177, %dma_wait3A_178] : memref<10000x32xf32, #tpu.memory_space<vmem_shared>> -> memref<10000x32xf32, #tpu.memory_space<vmem_shared>>
      tpu.wait_indirect_dma semaphore(%arg20 : memref<!tpu.dma_semaphore, #tpu.memory_space<semaphore_mem>>) src(%dma_wait3A_179 : memref<10000x32xf32, #tpu.memory_space<vmem_shared>>) dst(%arg10 : memref<128x32xf32, #tpu.memory_space<vmem>>)
      %run_scoped3A = arith.constant 73 : i32
      "tpu.region"() ({
        %run_scoped3A_180 = tpu.sem_alloc : memref<!tpu.dma_semaphore, #tpu.memory_space<semaphore_mem>>
        %dma_start3A_181 = arith.constant 0 : i32
        %dma_start3A_182 = tpu.memref_slice %arg8[%run_scoped3A, %dma_start3A_181] : memref<79x128xi32, #tpu.memory_space<vmem>> -> memref<1x128xi32, #tpu.memory_space<vmem>>
        %dma_start3A_183 = tpu.memref_squeeze %dma_start3A_182 : memref<1x128xi32, #tpu.memory_space<vmem>> -> memref<128xi32, #tpu.memory_space<vmem>>
        %dma_start3A_184 = arith.constant 0 : i32
        %dma_start3A_185 = arith.constant 0 : i32
        %dma_start3A_186 = tpu.memref_slice %arg18[%dma_start3A_184, %dma_start3A_185] : memref<10000x32xf32, #tpu.memory_space<vmem_shared>> -> memref<10000x32xf32, #tpu.memory_space<vmem_shared>>
        tpu.enqueue_indirect_dma source(%arg10 : memref<128x32xf32, #tpu.memory_space<vmem>>) target(%dma_start3A_186 : memref<10000x32xf32, #tpu.memory_space<vmem_shared>>) offsets(%dma_start3A_183 : memref<128xi32, #tpu.memory_space<vmem>>) semaphore(%run_scoped3A_180 : memref<!tpu.dma_semaphore, #tpu.memory_space<semaphore_mem>>) {add = true}
        %dma_wait3A_187 = arith.constant 0 : i32
        %dma_wait3A_188 = tpu.memref_slice %arg8[%run_scoped3A, %dma_wait3A_187] : memref<79x128xi32, #tpu.memory_space<vmem>> -> memref<1x128xi32, #tpu.memory_space<vmem>>
        %dma_wait3A_189 = tpu.memref_squeeze %dma_wait3A_188 : memref<1x128xi32, #tpu.memory_space<vmem>> -> memref<128xi32, #tpu.memory_space<vmem>>
        %dma_wait3A_190 = arith.constant 0 : i32
        %dma_wait3A_191 = arith.constant 0 : i32
        %dma_wait3A_192 = tpu.memref_slice %arg18[%dma_wait3A_190, %dma_wait3A_191] : memref<10000x32xf32, #tpu.memory_space<vmem_shared>> -> memref<10000x32xf32, #tpu.memory_space<vmem_shared>>
        tpu.wait_indirect_dma semaphore(%run_scoped3A_180 : memref<!tpu.dma_semaphore, #tpu.memory_space<semaphore_mem>>) src(%arg10 : memref<128x32xf32, #tpu.memory_space<vmem>>) dst(%dma_wait3A_192 : memref<10000x32xf32, #tpu.memory_space<vmem_shared>>)
        tpu.yield
      }) : () -> ()
    } else {
    }
    %gt3A_144 = arith.constant 74 : i32
    %gt3A_145 = arith.cmpi sgt, %select_n3A, %gt3A_144 : i32
    %convert_element_type3A_146 = arith.extui %gt3A_145 : i1 to i32
    %cond3A_147 = arith.constant 0 : i32
    %cond3A_148 = arith.cmpi ne, %convert_element_type3A_146, %cond3A_147 : i32
    scf.if %cond3A_148 {
      %dma_wait3A = arith.constant 9472 : i32
      %dma_wait3A_176 = tpu.memref_slice %arg7[%dma_wait3A] : memref<10112xi32, #tpu.memory_space<vmem>> -> memref<128xi32, #tpu.memory_space<vmem>>
      %dma_wait3A_177 = arith.constant 0 : i32
      %dma_wait3A_178 = arith.constant 0 : i32
      %dma_wait3A_179 = tpu.memref_slice %arg17[%dma_wait3A_177, %dma_wait3A_178] : memref<10000x32xf32, #tpu.memory_space<vmem_shared>> -> memref<10000x32xf32, #tpu.memory_space<vmem_shared>>
      tpu.wait_indirect_dma semaphore(%arg21 : memref<!tpu.dma_semaphore, #tpu.memory_space<semaphore_mem>>) src(%dma_wait3A_179 : memref<10000x32xf32, #tpu.memory_space<vmem_shared>>) dst(%arg11 : memref<128x32xf32, #tpu.memory_space<vmem>>)
      %run_scoped3A = arith.constant 74 : i32
      "tpu.region"() ({
        %run_scoped3A_180 = tpu.sem_alloc : memref<!tpu.dma_semaphore, #tpu.memory_space<semaphore_mem>>
        %dma_start3A_181 = arith.constant 0 : i32
        %dma_start3A_182 = tpu.memref_slice %arg8[%run_scoped3A, %dma_start3A_181] : memref<79x128xi32, #tpu.memory_space<vmem>> -> memref<1x128xi32, #tpu.memory_space<vmem>>
        %dma_start3A_183 = tpu.memref_squeeze %dma_start3A_182 : memref<1x128xi32, #tpu.memory_space<vmem>> -> memref<128xi32, #tpu.memory_space<vmem>>
        %dma_start3A_184 = arith.constant 0 : i32
        %dma_start3A_185 = arith.constant 0 : i32
        %dma_start3A_186 = tpu.memref_slice %arg18[%dma_start3A_184, %dma_start3A_185] : memref<10000x32xf32, #tpu.memory_space<vmem_shared>> -> memref<10000x32xf32, #tpu.memory_space<vmem_shared>>
        tpu.enqueue_indirect_dma source(%arg11 : memref<128x32xf32, #tpu.memory_space<vmem>>) target(%dma_start3A_186 : memref<10000x32xf32, #tpu.memory_space<vmem_shared>>) offsets(%dma_start3A_183 : memref<128xi32, #tpu.memory_space<vmem>>) semaphore(%run_scoped3A_180 : memref<!tpu.dma_semaphore, #tpu.memory_space<semaphore_mem>>) {add = true}
        %dma_wait3A_187 = arith.constant 0 : i32
        %dma_wait3A_188 = tpu.memref_slice %arg8[%run_scoped3A, %dma_wait3A_187] : memref<79x128xi32, #tpu.memory_space<vmem>> -> memref<1x128xi32, #tpu.memory_space<vmem>>
        %dma_wait3A_189 = tpu.memref_squeeze %dma_wait3A_188 : memref<1x128xi32, #tpu.memory_space<vmem>> -> memref<128xi32, #tpu.memory_space<vmem>>
        %dma_wait3A_190 = arith.constant 0 : i32
        %dma_wait3A_191 = arith.constant 0 : i32
        %dma_wait3A_192 = tpu.memref_slice %arg18[%dma_wait3A_190, %dma_wait3A_191] : memref<10000x32xf32, #tpu.memory_space<vmem_shared>> -> memref<10000x32xf32, #tpu.memory_space<vmem_shared>>
        tpu.wait_indirect_dma semaphore(%run_scoped3A_180 : memref<!tpu.dma_semaphore, #tpu.memory_space<semaphore_mem>>) src(%arg11 : memref<128x32xf32, #tpu.memory_space<vmem>>) dst(%dma_wait3A_192 : memref<10000x32xf32, #tpu.memory_space<vmem_shared>>)
        tpu.yield
      }) : () -> ()
    } else {
    }
    %gt3A_149 = arith.constant 75 : i32
    %gt3A_150 = arith.cmpi sgt, %select_n3A, %gt3A_149 : i32
    %convert_element_type3A_151 = arith.extui %gt3A_150 : i1 to i32
    %cond3A_152 = arith.constant 0 : i32
    %cond3A_153 = arith.cmpi ne, %convert_element_type3A_151, %cond3A_152 : i32
    scf.if %cond3A_153 {
      %dma_wait3A = arith.constant 9600 : i32
      %dma_wait3A_176 = tpu.memref_slice %arg7[%dma_wait3A] : memref<10112xi32, #tpu.memory_space<vmem>> -> memref<128xi32, #tpu.memory_space<vmem>>
      %dma_wait3A_177 = arith.constant 0 : i32
      %dma_wait3A_178 = arith.constant 0 : i32
      %dma_wait3A_179 = tpu.memref_slice %arg17[%dma_wait3A_177, %dma_wait3A_178] : memref<10000x32xf32, #tpu.memory_space<vmem_shared>> -> memref<10000x32xf32, #tpu.memory_space<vmem_shared>>
      tpu.wait_indirect_dma semaphore(%arg22 : memref<!tpu.dma_semaphore, #tpu.memory_space<semaphore_mem>>) src(%dma_wait3A_179 : memref<10000x32xf32, #tpu.memory_space<vmem_shared>>) dst(%arg12 : memref<128x32xf32, #tpu.memory_space<vmem>>)
      %run_scoped3A = arith.constant 75 : i32
      "tpu.region"() ({
        %run_scoped3A_180 = tpu.sem_alloc : memref<!tpu.dma_semaphore, #tpu.memory_space<semaphore_mem>>
        %dma_start3A_181 = arith.constant 0 : i32
        %dma_start3A_182 = tpu.memref_slice %arg8[%run_scoped3A, %dma_start3A_181] : memref<79x128xi32, #tpu.memory_space<vmem>> -> memref<1x128xi32, #tpu.memory_space<vmem>>
        %dma_start3A_183 = tpu.memref_squeeze %dma_start3A_182 : memref<1x128xi32, #tpu.memory_space<vmem>> -> memref<128xi32, #tpu.memory_space<vmem>>
        %dma_start3A_184 = arith.constant 0 : i32
        %dma_start3A_185 = arith.constant 0 : i32
        %dma_start3A_186 = tpu.memref_slice %arg18[%dma_start3A_184, %dma_start3A_185] : memref<10000x32xf32, #tpu.memory_space<vmem_shared>> -> memref<10000x32xf32, #tpu.memory_space<vmem_shared>>
        tpu.enqueue_indirect_dma source(%arg12 : memref<128x32xf32, #tpu.memory_space<vmem>>) target(%dma_start3A_186 : memref<10000x32xf32, #tpu.memory_space<vmem_shared>>) offsets(%dma_start3A_183 : memref<128xi32, #tpu.memory_space<vmem>>) semaphore(%run_scoped3A_180 : memref<!tpu.dma_semaphore, #tpu.memory_space<semaphore_mem>>) {add = true}
        %dma_wait3A_187 = arith.constant 0 : i32
        %dma_wait3A_188 = tpu.memref_slice %arg8[%run_scoped3A, %dma_wait3A_187] : memref<79x128xi32, #tpu.memory_space<vmem>> -> memref<1x128xi32, #tpu.memory_space<vmem>>
        %dma_wait3A_189 = tpu.memref_squeeze %dma_wait3A_188 : memref<1x128xi32, #tpu.memory_space<vmem>> -> memref<128xi32, #tpu.memory_space<vmem>>
        %dma_wait3A_190 = arith.constant 0 : i32
        %dma_wait3A_191 = arith.constant 0 : i32
        %dma_wait3A_192 = tpu.memref_slice %arg18[%dma_wait3A_190, %dma_wait3A_191] : memref<10000x32xf32, #tpu.memory_space<vmem_shared>> -> memref<10000x32xf32, #tpu.memory_space<vmem_shared>>
        tpu.wait_indirect_dma semaphore(%run_scoped3A_180 : memref<!tpu.dma_semaphore, #tpu.memory_space<semaphore_mem>>) src(%arg12 : memref<128x32xf32, #tpu.memory_space<vmem>>) dst(%dma_wait3A_192 : memref<10000x32xf32, #tpu.memory_space<vmem_shared>>)
        tpu.yield
      }) : () -> ()
    } else {
    }
    %gt3A_154 = arith.constant 76 : i32
    %gt3A_155 = arith.cmpi sgt, %select_n3A, %gt3A_154 : i32
    %convert_element_type3A_156 = arith.extui %gt3A_155 : i1 to i32
    %cond3A_157 = arith.constant 0 : i32
    %cond3A_158 = arith.cmpi ne, %convert_element_type3A_156, %cond3A_157 : i32
    scf.if %cond3A_158 {
      %dma_wait3A = arith.constant 9728 : i32
      %dma_wait3A_176 = tpu.memref_slice %arg7[%dma_wait3A] : memref<10112xi32, #tpu.memory_space<vmem>> -> memref<128xi32, #tpu.memory_space<vmem>>
      %dma_wait3A_177 = arith.constant 0 : i32
      %dma_wait3A_178 = arith.constant 0 : i32
      %dma_wait3A_179 = tpu.memref_slice %arg17[%dma_wait3A_177, %dma_wait3A_178] : memref<10000x32xf32, #tpu.memory_space<vmem_shared>> -> memref<10000x32xf32, #tpu.memory_space<vmem_shared>>
      tpu.wait_indirect_dma semaphore(%arg23 : memref<!tpu.dma_semaphore, #tpu.memory_space<semaphore_mem>>) src(%dma_wait3A_179 : memref<10000x32xf32, #tpu.memory_space<vmem_shared>>) dst(%arg13 : memref<128x32xf32, #tpu.memory_space<vmem>>)
      %run_scoped3A = arith.constant 76 : i32
      "tpu.region"() ({
        %run_scoped3A_180 = tpu.sem_alloc : memref<!tpu.dma_semaphore, #tpu.memory_space<semaphore_mem>>
        %dma_start3A_181 = arith.constant 0 : i32
        %dma_start3A_182 = tpu.memref_slice %arg8[%run_scoped3A, %dma_start3A_181] : memref<79x128xi32, #tpu.memory_space<vmem>> -> memref<1x128xi32, #tpu.memory_space<vmem>>
        %dma_start3A_183 = tpu.memref_squeeze %dma_start3A_182 : memref<1x128xi32, #tpu.memory_space<vmem>> -> memref<128xi32, #tpu.memory_space<vmem>>
        %dma_start3A_184 = arith.constant 0 : i32
        %dma_start3A_185 = arith.constant 0 : i32
        %dma_start3A_186 = tpu.memref_slice %arg18[%dma_start3A_184, %dma_start3A_185] : memref<10000x32xf32, #tpu.memory_space<vmem_shared>> -> memref<10000x32xf32, #tpu.memory_space<vmem_shared>>
        tpu.enqueue_indirect_dma source(%arg13 : memref<128x32xf32, #tpu.memory_space<vmem>>) target(%dma_start3A_186 : memref<10000x32xf32, #tpu.memory_space<vmem_shared>>) offsets(%dma_start3A_183 : memref<128xi32, #tpu.memory_space<vmem>>) semaphore(%run_scoped3A_180 : memref<!tpu.dma_semaphore, #tpu.memory_space<semaphore_mem>>) {add = true}
        %dma_wait3A_187 = arith.constant 0 : i32
        %dma_wait3A_188 = tpu.memref_slice %arg8[%run_scoped3A, %dma_wait3A_187] : memref<79x128xi32, #tpu.memory_space<vmem>> -> memref<1x128xi32, #tpu.memory_space<vmem>>
        %dma_wait3A_189 = tpu.memref_squeeze %dma_wait3A_188 : memref<1x128xi32, #tpu.memory_space<vmem>> -> memref<128xi32, #tpu.memory_space<vmem>>
        %dma_wait3A_190 = arith.constant 0 : i32
        %dma_wait3A_191 = arith.constant 0 : i32
        %dma_wait3A_192 = tpu.memref_slice %arg18[%dma_wait3A_190, %dma_wait3A_191] : memref<10000x32xf32, #tpu.memory_space<vmem_shared>> -> memref<10000x32xf32, #tpu.memory_space<vmem_shared>>
        tpu.wait_indirect_dma semaphore(%run_scoped3A_180 : memref<!tpu.dma_semaphore, #tpu.memory_space<semaphore_mem>>) src(%arg13 : memref<128x32xf32, #tpu.memory_space<vmem>>) dst(%dma_wait3A_192 : memref<10000x32xf32, #tpu.memory_space<vmem_shared>>)
        tpu.yield
      }) : () -> ()
    } else {
    }
    %gt3A_159 = arith.constant 77 : i32
    %gt3A_160 = arith.cmpi sgt, %select_n3A, %gt3A_159 : i32
    %convert_element_type3A_161 = arith.extui %gt3A_160 : i1 to i32
    %cond3A_162 = arith.constant 0 : i32
    %cond3A_163 = arith.cmpi ne, %convert_element_type3A_161, %cond3A_162 : i32
    scf.if %cond3A_163 {
      %dma_wait3A = arith.constant 9856 : i32
      %dma_wait3A_176 = tpu.memref_slice %arg7[%dma_wait3A] : memref<10112xi32, #tpu.memory_space<vmem>> -> memref<128xi32, #tpu.memory_space<vmem>>
      %dma_wait3A_177 = arith.constant 0 : i32
      %dma_wait3A_178 = arith.constant 0 : i32
      %dma_wait3A_179 = tpu.memref_slice %arg17[%dma_wait3A_177, %dma_wait3A_178] : memref<10000x32xf32, #tpu.memory_space<vmem_shared>> -> memref<10000x32xf32, #tpu.memory_space<vmem_shared>>
      tpu.wait_indirect_dma semaphore(%arg24 : memref<!tpu.dma_semaphore, #tpu.memory_space<semaphore_mem>>) src(%dma_wait3A_179 : memref<10000x32xf32, #tpu.memory_space<vmem_shared>>) dst(%arg14 : memref<128x32xf32, #tpu.memory_space<vmem>>)
      %run_scoped3A = arith.constant 77 : i32
      "tpu.region"() ({
        %run_scoped3A_180 = tpu.sem_alloc : memref<!tpu.dma_semaphore, #tpu.memory_space<semaphore_mem>>
        %dma_start3A_181 = arith.constant 0 : i32
        %dma_start3A_182 = tpu.memref_slice %arg8[%run_scoped3A, %dma_start3A_181] : memref<79x128xi32, #tpu.memory_space<vmem>> -> memref<1x128xi32, #tpu.memory_space<vmem>>
        %dma_start3A_183 = tpu.memref_squeeze %dma_start3A_182 : memref<1x128xi32, #tpu.memory_space<vmem>> -> memref<128xi32, #tpu.memory_space<vmem>>
        %dma_start3A_184 = arith.constant 0 : i32
        %dma_start3A_185 = arith.constant 0 : i32
        %dma_start3A_186 = tpu.memref_slice %arg18[%dma_start3A_184, %dma_start3A_185] : memref<10000x32xf32, #tpu.memory_space<vmem_shared>> -> memref<10000x32xf32, #tpu.memory_space<vmem_shared>>
        tpu.enqueue_indirect_dma source(%arg14 : memref<128x32xf32, #tpu.memory_space<vmem>>) target(%dma_start3A_186 : memref<10000x32xf32, #tpu.memory_space<vmem_shared>>) offsets(%dma_start3A_183 : memref<128xi32, #tpu.memory_space<vmem>>) semaphore(%run_scoped3A_180 : memref<!tpu.dma_semaphore, #tpu.memory_space<semaphore_mem>>) {add = true}
        %dma_wait3A_187 = arith.constant 0 : i32
        %dma_wait3A_188 = tpu.memref_slice %arg8[%run_scoped3A, %dma_wait3A_187] : memref<79x128xi32, #tpu.memory_space<vmem>> -> memref<1x128xi32, #tpu.memory_space<vmem>>
        %dma_wait3A_189 = tpu.memref_squeeze %dma_wait3A_188 : memref<1x128xi32, #tpu.memory_space<vmem>> -> memref<128xi32, #tpu.memory_space<vmem>>
        %dma_wait3A_190 = arith.constant 0 : i32
        %dma_wait3A_191 = arith.constant 0 : i32
        %dma_wait3A_192 = tpu.memref_slice %arg18[%dma_wait3A_190, %dma_wait3A_191] : memref<10000x32xf32, #tpu.memory_space<vmem_shared>> -> memref<10000x32xf32, #tpu.memory_space<vmem_shared>>
        tpu.wait_indirect_dma semaphore(%run_scoped3A_180 : memref<!tpu.dma_semaphore, #tpu.memory_space<semaphore_mem>>) src(%arg14 : memref<128x32xf32, #tpu.memory_space<vmem>>) dst(%dma_wait3A_192 : memref<10000x32xf32, #tpu.memory_space<vmem_shared>>)
        tpu.yield
      }) : () -> ()
    } else {
    }
    %gt3A_164 = arith.constant 78 : i32
    %gt3A_165 = arith.cmpi sgt, %select_n3A, %gt3A_164 : i32
    %convert_element_type3A_166 = arith.extui %gt3A_165 : i1 to i32
    %cond3A_167 = arith.constant 0 : i32
    %cond3A_168 = arith.cmpi ne, %convert_element_type3A_166, %cond3A_167 : i32
    scf.if %cond3A_168 {
      %dma_wait3A = arith.constant 9984 : i32
      %dma_wait3A_176 = tpu.memref_slice %arg7[%dma_wait3A] : memref<10112xi32, #tpu.memory_space<vmem>> -> memref<128xi32, #tpu.memory_space<vmem>>
      %dma_wait3A_177 = arith.constant 0 : i32
      %dma_wait3A_178 = arith.constant 0 : i32
      %dma_wait3A_179 = tpu.memref_slice %arg17[%dma_wait3A_177, %dma_wait3A_178] : memref<10000x32xf32, #tpu.memory_space<vmem_shared>> -> memref<10000x32xf32, #tpu.memory_space<vmem_shared>>
      tpu.wait_indirect_dma semaphore(%arg25 : memref<!tpu.dma_semaphore, #tpu.memory_space<semaphore_mem>>) src(%dma_wait3A_179 : memref<10000x32xf32, #tpu.memory_space<vmem_shared>>) dst(%arg15 : memref<128x32xf32, #tpu.memory_space<vmem>>)
      %run_scoped3A = arith.constant 78 : i32
      "tpu.region"() ({
        %run_scoped3A_180 = tpu.sem_alloc : memref<!tpu.dma_semaphore, #tpu.memory_space<semaphore_mem>>
        %dma_start3A_181 = arith.constant 0 : i32
        %dma_start3A_182 = tpu.memref_slice %arg8[%run_scoped3A, %dma_start3A_181] : memref<79x128xi32, #tpu.memory_space<vmem>> -> memref<1x128xi32, #tpu.memory_space<vmem>>
        %dma_start3A_183 = tpu.memref_squeeze %dma_start3A_182 : memref<1x128xi32, #tpu.memory_space<vmem>> -> memref<128xi32, #tpu.memory_space<vmem>>
        %dma_start3A_184 = arith.constant 0 : i32
        %dma_start3A_185 = arith.constant 0 : i32
        %dma_start3A_186 = tpu.memref_slice %arg18[%dma_start3A_184, %dma_start3A_185] : memref<10000x32xf32, #tpu.memory_space<vmem_shared>> -> memref<10000x32xf32, #tpu.memory_space<vmem_shared>>
        tpu.enqueue_indirect_dma source(%arg15 : memref<128x32xf32, #tpu.memory_space<vmem>>) target(%dma_start3A_186 : memref<10000x32xf32, #tpu.memory_space<vmem_shared>>) offsets(%dma_start3A_183 : memref<128xi32, #tpu.memory_space<vmem>>) semaphore(%run_scoped3A_180 : memref<!tpu.dma_semaphore, #tpu.memory_space<semaphore_mem>>) {add = true}
        %dma_wait3A_187 = arith.constant 0 : i32
        %dma_wait3A_188 = tpu.memref_slice %arg8[%run_scoped3A, %dma_wait3A_187] : memref<79x128xi32, #tpu.memory_space<vmem>> -> memref<1x128xi32, #tpu.memory_space<vmem>>
        %dma_wait3A_189 = tpu.memref_squeeze %dma_wait3A_188 : memref<1x128xi32, #tpu.memory_space<vmem>> -> memref<128xi32, #tpu.memory_space<vmem>>
        %dma_wait3A_190 = arith.constant 0 : i32
        %dma_wait3A_191 = arith.constant 0 : i32
        %dma_wait3A_192 = tpu.memref_slice %arg18[%dma_wait3A_190, %dma_wait3A_191] : memref<10000x32xf32, #tpu.memory_space<vmem_shared>> -> memref<10000x32xf32, #tpu.memory_space<vmem_shared>>
        tpu.wait_indirect_dma semaphore(%run_scoped3A_180 : memref<!tpu.dma_semaphore, #tpu.memory_space<semaphore_mem>>) src(%arg15 : memref<128x32xf32, #tpu.memory_space<vmem>>) dst(%dma_wait3A_192 : memref<10000x32xf32, #tpu.memory_space<vmem_shared>>)
        tpu.yield
      }) : () -> ()
    } else {
    }
    %barrier3A_169 = arith.constant 0 : index
    tpu.barrier barrier_id(%barrier3A_169)
    %mul3A_170 = arith.constant 625 : i32
    %mul3A_171 = arith.muli %arg1, %mul3A_170 : i32
    %mul3A_172 = arith.constant 625 : i32
    %mul3A_173 = arith.muli %arg1, %mul3A_172 : i32
    %mul3A_174 = arith.constant 32 : i32
    %mul3A_175 = arith.muli %arg0, %mul3A_174 : i32
    "tpu.region"() ({
      %run_scoped3A = tpu.sem_alloc : memref<!tpu.dma_semaphore, #tpu.memory_space<semaphore_mem>>
      %dma_start3A_176 = tpu.memref_slice %arg6[%mul3A_173, %mul3A_175] : memref<10000x128xf32, #tpu.memory_space<hbm>> -> memref<625x32xf32, #tpu.memory_space<hbm>>
      %dma_start3A_177 = arith.constant 0 : i32
      %dma_start3A_178 = tpu.memref_slice %arg18[%mul3A_171, %dma_start3A_177] : memref<10000x32xf32, #tpu.memory_space<vmem_shared>> -> memref<625x32xf32, #tpu.memory_space<vmem_shared>>
      tpu.enqueue_dma source(%dma_start3A_178 : memref<625x32xf32, #tpu.memory_space<vmem_shared>>) target(%dma_start3A_176 : memref<625x32xf32, #tpu.memory_space<hbm>>) target_semaphore(%run_scoped3A : memref<!tpu.dma_semaphore, #tpu.memory_space<semaphore_mem>>)
      %dma_wait3A = tpu.memref_slice %arg6[%mul3A_173, %mul3A_175] : memref<10000x128xf32, #tpu.memory_space<hbm>> -> memref<625x32xf32, #tpu.memory_space<hbm>>
      %dma_wait3A_179 = arith.constant 0 : i32
      %dma_wait3A_180 = tpu.memref_slice %arg18[%mul3A_171, %dma_wait3A_179] : memref<10000x32xf32, #tpu.memory_space<vmem_shared>> -> memref<625x32xf32, #tpu.memory_space<vmem_shared>>
      tpu.wait_dma2 semaphore(%run_scoped3A : memref<!tpu.dma_semaphore, #tpu.memory_space<semaphore_mem>>) src(%dma_wait3A_180 : memref<625x32xf32, #tpu.memory_space<vmem_shared>>) dst(%dma_wait3A : memref<625x32xf32, #tpu.memory_space<hbm>>)
      tpu.yield
    }) : () -> ()
    return
  }
}

module attributes {stable_mosaic.version = 14 : i64} {
  func.func @_tc1a_body(%arg0: memref<10000x128xf32, #tpu.memory_space<vmem>>, %arg1: memref<128x32xf32, #tpu.memory_space<vmem>>, %arg2: memref<10000x128xf32, #tpu.memory_space<vmem>>) attributes {dimension_semantics = [], scalar_prefetch = 0 : i64, scratch_operands = 0 : i64, tpu.core_type = #tpu.core_type<tc>} {
    %get3A = arith.constant 0 : index
    %get3A_0 = arith.constant 0 : index
    %get3A_1 = vector.load %arg0[%get3A, %get3A_0] : memref<10000x128xf32, #tpu.memory_space<vmem>>, vector<10000x128xf32>
    %get3A_2 = arith.constant 0 : index
    %get3A_3 = arith.constant 0 : index
    %get3A_4 = vector.load %arg1[%get3A_2, %get3A_3] : memref<128x32xf32, #tpu.memory_space<vmem>>, vector<128x32xf32>
    %dot_general3A = arith.constant dense<0.000000e+00> : vector<10000x32xf32>
    %dot_general3A_5 = tpu.matmul %get3A_1, %get3A_4, %dot_general3A {dimension_numbers = #tpu.dot_dimension_numbers<[1], [0], [0], [1], [0, 0, 1, 1], [], []>, transpose_lhs_hint = false} : vector<10000x128xf32>, vector<128x32xf32>, vector<10000x32xf32> -> vector<10000x32xf32>
    %jit3A = arith.constant 0 : i32
    %convert_element_type3A = arith.sitofp %jit3A : i32 to f32
    %pad3A = vector.broadcast %convert_element_type3A : f32 to vector<10000x96xf32>
    %pad3A_6 = tpu.concatenate %dot_general3A_5, %pad3A in 1 : vector<10000x32xf32>, vector<10000x96xf32> -> vector<10000x128xf32>
    %swap3A = arith.constant 0 : index
    %swap3A_7 = arith.constant 0 : index
    %swap3A_8 = vector.load %arg2[%swap3A, %swap3A_7] : memref<10000x128xf32, #tpu.memory_space<vmem>>, vector<10000x128xf32>
    tpu.vector_store %arg2[%swap3A, %swap3A_7], %pad3A_6 {strides = array<i32>} : memref<10000x128xf32, #tpu.memory_space<vmem>>, vector<10000x128xf32>,
    return
  }
}

module attributes {stable_mosaic.version = 14 : i64} {
  func.func @_tc1b_body(%arg0: memref<10000x128xf32, #tpu.memory_space<vmem>>, %arg1: memref<10000x128xf32, #tpu.memory_space<vmem>>, %arg2: memref<10000x128xf32, #tpu.memory_space<vmem>>) attributes {dimension_semantics = [], scalar_prefetch = 0 : i64, scratch_operands = 0 : i64, tpu.core_type = #tpu.core_type<tc>} {
    %get3A = arith.constant 0 : index
    %get3A_0 = arith.constant 0 : index
    %get3A_1 = vector.load %arg0[%get3A, %get3A_0] : memref<10000x128xf32, #tpu.memory_space<vmem>>, vector<10000x128xf32>
    %slice3A = vector.extract_strided_slice %get3A_1 {offsets = [0, 0], sizes = [10000, 1], strides = [1, 1]} : vector<10000x128xf32> to vector<10000x1xf32>
    %slice3A_2 = vector.extract_strided_slice %get3A_1 {offsets = [0, 8], sizes = [10000, 1], strides = [1, 1]} : vector<10000x128xf32> to vector<10000x1xf32>
    %add3A = arith.addf %slice3A, %slice3A_2 : vector<10000x1xf32>
    %add3A_3 = arith.constant 1.000000e+00 : f32
    %add3A_4 = vector.broadcast %add3A_3 : f32 to vector<10000x1xf32>
    %add3A_5 = arith.addf %add3A, %add3A_4 : vector<10000x1xf32>
    %rsqrt3A = math.rsqrt %add3A_5 : vector<10000x1xf32>
    %get3A_6 = arith.constant 0 : index
    %get3A_7 = arith.constant 0 : index
    %get3A_8 = vector.load %arg1[%get3A_6, %get3A_7] : memref<10000x128xf32, #tpu.memory_space<vmem>>, vector<10000x32xf32>
    %mul3A = vector.broadcast %rsqrt3A : vector<10000x1xf32> to vector<10000x32xf32>
    %mul3A_9 = arith.mulf %mul3A, %get3A_8 : vector<10000x32xf32>
    %broadcast_in_dim3A = arith.constant 0.000000e+00 : f32
    %broadcast_in_dim3A_10 = vector.broadcast %broadcast_in_dim3A : f32 to vector<10000x95xf32>
    %concatenate3A = tpu.concatenate %mul3A_9, %rsqrt3A, %broadcast_in_dim3A_10 in 1 : vector<10000x32xf32>, vector<10000x1xf32>, vector<10000x95xf32> -> vector<10000x128xf32>
    %swap3A = arith.constant 0 : index
    %swap3A_11 = arith.constant 0 : index
    %swap3A_12 = vector.load %arg2[%swap3A, %swap3A_11] : memref<10000x128xf32, #tpu.memory_space<vmem>>, vector<10000x128xf32>
    tpu.vector_store %arg2[%swap3A, %swap3A_11], %concatenate3A {strides = array<i32>} : memref<10000x128xf32, #tpu.memory_space<vmem>>, vector<10000x128xf32>,
    return
  }
}

module attributes {stable_mosaic.version = 14 : i64} {
  func.func @_tc_mid_body(%arg0: memref<10000x128xf32, #tpu.memory_space<vmem>>, %arg1: memref<10000x128xf32, #tpu.memory_space<vmem>>, %arg2: memref<1x32xf32, #tpu.memory_space<vmem>>, %arg3: memref<32x32xf32, #tpu.memory_space<vmem>>, %arg4: memref<10000x128xf32, #tpu.memory_space<vmem>>) attributes {dimension_semantics = [], scalar_prefetch = 0 : i64, scratch_operands = 0 : i64, tpu.core_type = #tpu.core_type<tc>} {
    %get3A = arith.constant 0 : index
    %get3A_0 = arith.constant 0 : index
    %get3A_1 = vector.load %arg1[%get3A, %get3A_0] : memref<10000x128xf32, #tpu.memory_space<vmem>>, vector<10000x128xf32>
    %slice3A = vector.extract_strided_slice %get3A_1 {offsets = [0, 32], sizes = [10000, 1], strides = [1, 1]} : vector<10000x128xf32> to vector<10000x1xf32>
    %get3A_2 = arith.constant 0 : index
    %get3A_3 = arith.constant 0 : index
    %get3A_4 = vector.load %arg0[%get3A_2, %get3A_3] : memref<10000x128xf32, #tpu.memory_space<vmem>>, vector<10000x128xf32>
    %slice3A_5 = vector.extract_strided_slice %get3A_4 {offsets = [0, 0], sizes = [10000, 32], strides = [1, 1]} : vector<10000x128xf32> to vector<10000x32xf32>
    %slice3A_6 = vector.extract_strided_slice %get3A_4 {offsets = [0, 32], sizes = [10000, 32], strides = [1, 1]} : vector<10000x128xf32> to vector<10000x32xf32>
    %add3A = arith.addf %slice3A_5, %slice3A_6 : vector<10000x32xf32>
    %slice3A_7 = vector.extract_strided_slice %get3A_1 {offsets = [0, 0], sizes = [10000, 32], strides = [1, 1]} : vector<10000x128xf32> to vector<10000x32xf32>
    %add3A_8 = arith.addf %add3A, %slice3A_7 : vector<10000x32xf32>
    %mul3A = vector.broadcast %slice3A : vector<10000x1xf32> to vector<10000x32xf32>
    %mul3A_9 = arith.mulf %mul3A, %add3A_8 : vector<10000x32xf32>
    %get3A_10 = arith.constant 0 : index
    %get3A_11 = arith.constant 0 : index
    %get3A_12 = vector.load %arg2[%get3A_10, %get3A_11] : memref<1x32xf32, #tpu.memory_space<vmem>>, vector<1x32xf32>
    %add3A_13 = vector.broadcast %get3A_12 : vector<1x32xf32> to vector<10000x32xf32>
    %add3A_14 = arith.addf %mul3A_9, %add3A_13 : vector<10000x32xf32>
    %max3A = arith.constant 0.000000e+00 : f32
    %max3A_15 = vector.broadcast %max3A : f32 to vector<10000x32xf32>
    %max3A_16 = arith.maximumf %add3A_14, %max3A_15 : vector<10000x32xf32>
    %get3A_17 = arith.constant 0 : index
    %get3A_18 = arith.constant 0 : index
    %get3A_19 = vector.load %arg3[%get3A_17, %get3A_18] : memref<32x32xf32, #tpu.memory_space<vmem>>, vector<32x32xf32>
    %dot_general3A = arith.constant dense<0.000000e+00> : vector<10000x32xf32>
    %dot_general3A_20 = tpu.matmul %max3A_16, %get3A_19, %dot_general3A {dimension_numbers = #tpu.dot_dimension_numbers<[1], [0], [0], [1], [0, 0, 1, 1], [], []>, transpose_lhs_hint = false} : vector<10000x32xf32>, vector<32x32xf32>, vector<10000x32xf32> -> vector<10000x32xf32>
    %mul3A_21 = vector.broadcast %slice3A : vector<10000x1xf32> to vector<10000x32xf32>
    %mul3A_22 = arith.mulf %mul3A_21, %dot_general3A_20 : vector<10000x32xf32>
    %broadcast_in_dim3A = arith.constant 0.000000e+00 : f32
    %broadcast_in_dim3A_23 = vector.broadcast %broadcast_in_dim3A : f32 to vector<10000x95xf32>
    %concatenate3A = tpu.concatenate %mul3A_22, %slice3A, %broadcast_in_dim3A_23 in 1 : vector<10000x32xf32>, vector<10000x1xf32>, vector<10000x95xf32> -> vector<10000x128xf32>
    %swap3A = arith.constant 0 : index
    %swap3A_24 = arith.constant 0 : index
    %swap3A_25 = vector.load %arg4[%swap3A, %swap3A_24] : memref<10000x128xf32, #tpu.memory_space<vmem>>, vector<10000x128xf32>
    tpu.vector_store %arg4[%swap3A, %swap3A_24], %concatenate3A {strides = array<i32>} : memref<10000x128xf32, #tpu.memory_space<vmem>>, vector<10000x128xf32>,
    return
  }
}

module attributes {stable_mosaic.version = 14 : i64} {
  func.func @_tc4_body(%arg0: memref<10000x128xf32, #tpu.memory_space<vmem>>, %arg1: memref<10000x128xf32, #tpu.memory_space<vmem>>, %arg2: memref<1x32xf32, #tpu.memory_space<vmem>>, %arg3: memref<32x128xf32, #tpu.memory_space<vmem>>, %arg4: memref<1x128xf32, #tpu.memory_space<vmem>>, %arg5: memref<128x128xf32, #tpu.memory_space<vmem>>, %arg6: memref<1x128xf32, #tpu.memory_space<vmem>>, %arg7: memref<1x128xf32, #tpu.memory_space<vmem>>) attributes {dimension_semantics = [], scalar_prefetch = 0 : i64, scratch_operands = 0 : i64, tpu.core_type = #tpu.core_type<tc>} {
    %get3A = arith.constant 0 : index
    %get3A_0 = arith.constant 0 : index
    %get3A_1 = vector.load %arg1[%get3A, %get3A_0] : memref<10000x128xf32, #tpu.memory_space<vmem>>, vector<10000x128xf32>
    %slice3A = vector.extract_strided_slice %get3A_1 {offsets = [0, 32], sizes = [10000, 1], strides = [1, 1]} : vector<10000x128xf32> to vector<10000x1xf32>
    %get3A_2 = arith.constant 0 : index
    %get3A_3 = arith.constant 0 : index
    %get3A_4 = vector.load %arg0[%get3A_2, %get3A_3] : memref<10000x128xf32, #tpu.memory_space<vmem>>, vector<10000x128xf32>
    %slice3A_5 = vector.extract_strided_slice %get3A_4 {offsets = [0, 0], sizes = [10000, 32], strides = [1, 1]} : vector<10000x128xf32> to vector<10000x32xf32>
    %slice3A_6 = vector.extract_strided_slice %get3A_4 {offsets = [0, 32], sizes = [10000, 32], strides = [1, 1]} : vector<10000x128xf32> to vector<10000x32xf32>
    %add3A = arith.addf %slice3A_5, %slice3A_6 : vector<10000x32xf32>
    %slice3A_7 = vector.extract_strided_slice %get3A_1 {offsets = [0, 0], sizes = [10000, 32], strides = [1, 1]} : vector<10000x128xf32> to vector<10000x32xf32>
    %add3A_8 = arith.addf %add3A, %slice3A_7 : vector<10000x32xf32>
    %mul3A = vector.broadcast %slice3A : vector<10000x1xf32> to vector<10000x32xf32>
    %mul3A_9 = arith.mulf %mul3A, %add3A_8 : vector<10000x32xf32>
    %get3A_10 = arith.constant 0 : index
    %get3A_11 = arith.constant 0 : index
    %get3A_12 = vector.load %arg2[%get3A_10, %get3A_11] : memref<1x32xf32, #tpu.memory_space<vmem>>, vector<1x32xf32>
    %add3A_13 = vector.broadcast %get3A_12 : vector<1x32xf32> to vector<10000x32xf32>
    %add3A_14 = arith.addf %mul3A_9, %add3A_13 : vector<10000x32xf32>
    %max3A = arith.constant 0.000000e+00 : f32
    %max3A_15 = vector.broadcast %max3A : f32 to vector<10000x32xf32>
    %max3A_16 = arith.maximumf %add3A_14, %max3A_15 : vector<10000x32xf32>
    %reduce_max3A = arith.constant dense<0xFF800000> : vector<32xf32>
    %reduce_max3A_17 = vector.multi_reduction <maximumf>, %max3A_16, %reduce_max3A [0] : vector<10000x32xf32> to vector<32xf32>
    %broadcast_in_dim3A = vector.shape_cast %reduce_max3A_17 : vector<32xf32> to vector<1x32xf32>
    %get3A_18 = arith.constant 0 : index
    %get3A_19 = arith.constant 0 : index
    %get3A_20 = vector.load %arg3[%get3A_18, %get3A_19] : memref<32x128xf32, #tpu.memory_space<vmem>>, vector<32x128xf32>
    %dot_general3A = arith.constant dense<0.000000e+00> : vector<1x128xf32>
    %dot_general3A_21 = tpu.matmul %broadcast_in_dim3A, %get3A_20, %dot_general3A {dimension_numbers = #tpu.dot_dimension_numbers<[1], [0], [0], [1], [0, 0, 1, 1], [], []>, transpose_lhs_hint = false} : vector<1x32xf32>, vector<32x128xf32>, vector<1x128xf32> -> vector<1x128xf32>
    %get3A_22 = arith.constant 0 : index
    %get3A_23 = arith.constant 0 : index
    %get3A_24 = vector.load %arg4[%get3A_22, %get3A_23] : memref<1x128xf32, #tpu.memory_space<vmem>>, vector<1x128xf32>
    %add3A_25 = arith.addf %dot_general3A_21, %get3A_24 : vector<1x128xf32>
    %max3A_26 = arith.constant 0.000000e+00 : f32
    %max3A_27 = vector.broadcast %max3A_26 : f32 to vector<1x128xf32>
    %max3A_28 = arith.maximumf %add3A_25, %max3A_27 : vector<1x128xf32>
    %get3A_29 = arith.constant 0 : index
    %get3A_30 = arith.constant 0 : index
    %get3A_31 = vector.load %arg5[%get3A_29, %get3A_30] : memref<128x128xf32, #tpu.memory_space<vmem>>, vector<128x128xf32>
    %dot_general3A_32 = arith.constant dense<0.000000e+00> : vector<1x128xf32>
    %dot_general3A_33 = tpu.matmul %max3A_28, %get3A_31, %dot_general3A_32 {dimension_numbers = #tpu.dot_dimension_numbers<[1], [0], [0], [1], [0, 0, 1, 1], [], []>, transpose_lhs_hint = false} : vector<1x128xf32>, vector<128x128xf32>, vector<1x128xf32> -> vector<1x128xf32>
    %get3A_34 = arith.constant 0 : index
    %get3A_35 = arith.constant 0 : index
    %get3A_36 = vector.load %arg6[%get3A_34, %get3A_35] : memref<1x128xf32, #tpu.memory_space<vmem>>, vector<1x128xf32>
    %add3A_37 = arith.addf %dot_general3A_33, %get3A_36 : vector<1x128xf32>
    %swap3A = arith.constant 0 : index
    %swap3A_38 = arith.constant 0 : index
    %swap3A_39 = vector.load %arg7[%swap3A, %swap3A_38] : memref<1x128xf32, #tpu.memory_space<vmem>>, vector<1x128xf32>
    tpu.vector_store %arg7[%swap3A, %swap3A_38], %add3A_37 {strides = array<i32>} : memref<1x128xf32, #tpu.memory_space<vmem>>, vector<1x128xf32>,
    return
  }
}

</mosaic_0001>

<sc_bundles>
// kernel: kernel.11.cloned.1.call-start
scs
__scs_entry_jumppad:
0x0: {  	(pc) =	sbr.rel $0x88, $3  }
0x1: {  	(tag) =	ssettag $0x0;
	lr =	simm.s32 $0x1  }
0x2: {  	[smem:$0x3F95] =	sst lr;
	_ =	strace $0xD0000000  }
0x3: {  	_ = 	snop  }
0x4: {  	_ = 	snop  }
0x5: {  	_ = 	snop  }
0x6: {  	_ = 	snop  }
0x7: {  	_ = 	snop  }
__scs_overlays_trampoline_lowered:
0x8: {  	[smem:$0x3FA4] =	sst s0  }
0x9: {  	[smem:$0x3FA5] =	sst s1  }
0xa: {  	[smem:$0x3FA6] =	sst s2  }
0xb: {  	[smem:$0x3FA7] =	sst s3  }
0xc: {  	[smem:$0x3FA8] =	sst s4  }
0xd: {  	[smem:$0x3FA9] =	sst s5  }
0xe: {  	[smem:$0x3FAA] =	sst s6  }
0xf: {  	[smem:$0x3FAB] =	sst s7  }
0x10: {  	[smem:$0x3FAC] =	sst s8  }
0x11: {  	[smem:$0x3FAD] =	sst s9;
	s0 =	simm.s32 @!p0 $0x0  }
0x12: {  	s1 =	sld [smem:$0x3F93];
	s0 =	simm.s32 @p0 $0x1  }
0x13: {  	[smem:$0x3FAE] =	sst s0;
	s0 =	simm.s32 @!p1 $0x0  }
0x14: {  	s2 =	sld [smem:$0x3F92];
	s0 =	simm.s32 @p1 $0x1  }
0x15: {  	[smem:$0x3FAF] =	sst s0;
	s0 =	simm.s32 @!p2 $0x0  }
0x16: {  	s3 =	sld [smem:$0x3FDB];
	s0 =	simm.s32 @p2 $0x1  }
0x17: {  	s4 =	simm.s32 $0x1BF5;
	[smem:$0x3FB1] =	sst s0  }
0x18: {  	s0 =	sld [smem:$0x3F94];
	_ =	swait.ge [sflag:s4], $0x0  }
0x19: {  	s7 =	sld [smem:$0x3F95]  }
0x1a: {  	s8 =	sadd.s32 $0xFFFFE003, lr  }
0x1b: {  	s9 =	sadd.s32 $0xFFFFFEF7, lr;
	s5 =	simm.s32 $0xFFFFFFFF;
	p2 =	slt.u32 s8, $0xFFFFF086  }
0x1c: {  	p1 =	slt.u32 s9, $0xF7A;
	s5 =	simm.s32 @!p2 $0x0  }
0x1d: {  	s5 =	simm.s32 @p1 $0x1;
	p0 =	seq.s32 s7, s2  }
0x1e: {  	s7 =	smul.u32 @!p0 $0xF7A, s2;
	p2 =	seq.s32 @!p0 s5, $0x0  }
0x1f: {  	s9 =	smul.u32 $0xF7A, s1;
	s8 =	simm.s32 @!p0 $0x1BF5;
	p2 =	por !p2, p0  }
0x20: {  	[sflag:s8] =	ssyncset.s32 @!p0 $0xFFFFF086;
	s6 =	sadd.s32 @!p0 s3, s7;
	s7 =	simm.s32 @!p0 $0x108  }
0x21: {  	s3 =	sadd.s32 s3, s9;
	s6 =	sadd.s32 @!p0 $0x88, s6;
	s7 =	simm.s32 @p2 $0x1082  }
0x22: {  	[simem:s7], [sflag:s8] =	dma.local @!p0 [hbm:s6], $0xF7A  }
0x23: {  	s9 =	sor.u32 $0xD0000000, s2;
	s6 =	simm.s32 $0x108;
	_ =	swait.ge @!p0 [sflag:s8], $0x0  }
0x24: {  	s3 =	sadd.s32 $0x88, s3;
	s6 =	simm.s32 @!p1 $0x1082;
	[sflag:s4] =	ssyncset.s32 $0xFFFFF086  }
0x25: {  	[simem:s6], [sflag:s4] =	dma.local [hbm:s3], $0xF7A  }
0x26: {  	[smem:$0x3F95] =	sst s1;
	(tag) =	ssettag s2;
	_ =	strace s9  }
0x27: {  	s1 =	sld [smem:$0x3FA5]  }
0x28: {  	s2 =	sld [smem:$0x3FA6]  }
0x29: {  	s4 =	sld [smem:$0x3FA8]  }
0x2a: {  	p0 =	seq.s32 s5, $0x0;
	s5 =	sld [smem:$0x3FA9]  }
0x2b: {  	s6 =	sld [smem:$0x3FAA]  }
0x2c: {  	s7 =	sld [smem:$0x3FAB]  }
0x2d: {  	s3 =	simm.s32 $0x108;
	s8 =	sld [smem:$0x3FAC]  }
0x2e: {  	s3 =	simm.s32 @!p0 $0x1082;
	s9 =	sld [smem:$0x3FAD]  }
0x2f: {  	lr =	sadd.s32 s0, s3;
	s0 =	sld [smem:$0x3FA4]  }
0x30: {  	s3 =	sld [smem:$0x3FA7]  }
0x31: {  	[smem:$0x3FB0] =	sst s10  }
0x32: {  	s10 =	sld [smem:$0x3FAE];
	_ =	sdelay $0x3  }
0x33: {  	p0 =	seq.s32 s10, $0x1;
	s10 =	sld [smem:$0x3FB0];
	_ =	sdelay $0x3  }
0x34: {  	[smem:$0x3FB0] =	sst s10  }
0x35: {  	s10 =	sld [smem:$0x3FAF];
	_ =	sdelay $0x3  }
0x36: {  	p1 =	seq.s32 s10, $0x1;
	s10 =	sld [smem:$0x3FB0];
	_ =	sdelay $0x3  }
0x37: {  	[smem:$0x3FB0] =	sst s10  }
0x38: {  	s10 =	sld [smem:$0x3FB1]  }
0x39: {  	_ = 	snop;
	(pc) =	sbr.ind lr, $3  }
0x3a: {  	_ = 	snop  }
0x3b: {  	_ = 	snop  }
0x3c: {  	p2 =	seq.s32 s10, $0x1;
	s10 =	sld [smem:$0x3FB0]  }
0x3d: {  	_ =	shalt  }
0x3e: {  	_ =	shalt  }
0x3f: {  	_ =	shalt  }
0x40: {  	_ =	shalt  }
0x41: {  	_ =	shalt  }
0x42: {  	_ =	shalt  }
0x43: {  	_ =	shalt  }
0x44: {  	_ =	shalt  }
0x45: {  	_ =	shalt  }
0x46: {  	_ =	shalt  }
0x47: {  	_ =	shalt  }
0x48: {  	_ =	shalt  }
0x49: {  	_ =	shalt  }
0x4a: {  	_ =	shalt  }
0x4b: {  	_ =	shalt  }
0x4c: {  	_ =	shalt  }
0x4d: {  	_ =	shalt  }
0x4e: {  	_ =	shalt  }
0x4f: {  	_ =	shalt  }
0x50: {  	_ =	shalt  }
0x51: {  	_ =	shalt  }
0x52: {  	_ =	shalt  }
0x53: {  	_ =	shalt  }
0x54: {  	_ =	shalt  }
0x55: {  	_ =	shalt  }
0x56: {  	_ =	shalt  }
0x57: {  	_ =	shalt  }
0x58: {  	_ =	shalt  }
0x59: {  	_ =	shalt  }
0x5a: {  	_ =	shalt  }
0x5b: {  	_ =	shalt  }
0x5c: {  	_ =	shalt  }
0x5d: {  	_ =	shalt  }
0x5e: {  	_ =	shalt  }
0x5f: {  	_ =	shalt  }
0x60: {  	_ =	shalt  }
0x61: {  	_ =	shalt  }
0x62: {  	_ =	shalt  }
0x63: {  	_ =	shalt  }
0x64: {  	_ =	shalt  }
0x65: {  	_ =	shalt  }
0x66: {  	_ =	shalt  }
0x67: {  	_ =	shalt  }
0x68: {  	_ =	shalt  }
0x69: {  	_ =	shalt  }
0x6a: {  	_ =	shalt  }
0x6b: {  	_ =	shalt  }
0x6c: {  	_ =	shalt  }
0x6d: {  	_ =	shalt  }
0x6e: {  	_ =	shalt  }
0x6f: {  	_ =	shalt  }
0x70: {  	_ =	shalt  }
0x71: {  	_ =	shalt  }
0x72: {  	_ =	shalt  }
0x73: {  	_ =	shalt  }
0x74: {  	_ =	shalt  }
0x75: {  	_ =	shalt  }
0x76: {  	_ =	shalt  }
0x77: {  	_ =	shalt  }
0x78: {  	_ =	shalt  }
0x79: {  	_ =	shalt  }
0x7a: {  	_ =	shalt  }
0x7b: {  	_ =	shalt  }
0x7c: {  	_ =	shalt  }
0x7d: {  	_ =	shalt  }
0x7e: {  	_ =	shalt  }
0x7f: {  	_ =	shalt  }
0x80: {  	_ =	shalt  }
0x81: {  	_ =	shalt  }
0x82: {  	_ =	shalt  }
0x83: {  	_ =	shalt  }
0x84: {  	_ =	shalt  }
0x85: {  	_ =	shalt  }
0x86: {  	_ =	shalt  }
0x87: {  	_ =	shalt  }
.Lfunc_end0:
.L_simem_size_0:
called_computation_lowered:
.L_overlay_start_0:
0x88: {  	s2 =	sld [smem:$0x3FD9]  }
0x89: {  	s3 =	sld [smem:$0x3FFE];
	_ =	sdelay $0x1  }
0x8a: {  	s1 =	srdreg.scid  }
0x8b: {  	s0 =	sand.u32 $0x1, s1  }
0x8c: {  	s16 =	sshll.u32 s0, $0xA;
	s2 =	sadd.s32 s3, s2  }
0x8d: {  	s2 =	sadd.s32 s2, s16  }
0x8e: {  	[smem:$0x3FBC] =	sst s2  }
0x8f: {  	_ = 	snop  }
0x90: {  	(tm) =	ssettm $0x1  }
0x91: {  	s17 =	sld [smem:$0x3FFB];
	_ =	sdelay $0x3  }
0x92: {  	_ =	strace s17  }
0x93: {  	s2 =	sld [smem:$0x3FFC];
	_ =	sdelay $0x3  }
0x94: {  	_ =	strace s2  }
0x95: {  	s2 =	sld [smem:$0x3FFD];
	_ =	sdelay $0x3  }
0x96: {  	_ =	strace s2  }
0x97: {  	_ =	strace $0x8FFFFFFF  }
0x98: {  	s18 =	sld [smem:$0x3FDB];
	_ =	sdelay $0x1  }
0x99: {  	s19 =	simm.s32 $_scs_section_size  }
0x9a: {  	s4 =	simm.s32 $_size__tile_overlayer_lowered;
	s5 =	simm.s32 $_tile_overlayer_lowered  }
0x9b: {  	s22 =	simm.s32 $0x1BFF;
	s21 =	sshll.u32 s5, $0x1;
	s2 =	sadd.s32 s19, s18  }
0x9c: {  	s6 =	simm.s32 $0x0;
	s20 =	sshll.u32 s4, $0x1;
	s4 =	sadd.s32 s21, s2  }
0x9d: {  	[timem:s6], [sflag:s22] =	dma.local [hbm:s4], s20  }
0x9e: {  	_ =	swait.ge [sflag:s22], s20  }
0x9f: {  	s3 =	ssub.s32 $0x0, s20;
	[sflag:s22] =	ssyncset.done $0x0  }
0xa0: {  	[sflag:s22] =	ssyncadd.s32 s3;
	_ =	sdelay $0x1  }
0xa1: {  	s23 =	simm.s32 $0x1B8B  }
0xa2: {  	_ =	swait.ge [sflag:s23], $0x1  }
0xa3: {  	[sflag:s23] =	ssyncset.done $0x0  }
0xa4: {  	s25 =	simm.s32 $0x1B8E;
	s24 =	sld [smem:$0x3FFE];
	[sflag:s23] =	ssyncadd.s32 $0xFFFFFFFF  }
0xa5: {  	s26 =	simm.s32 $execute0_lowered;
	[smem:$0x3FD2] =	sst s25  }
0xa6: {  	s4 =	sshll.u32 s26, $0x1;
	_ =	strace $0x80000046;
	[dreg:$0x1] =	wrdreg $0xFFFFFFFF  }
0xa7: {  	s28 =	simm.s32 $_size_execute0_lowered;
	s2 =	sadd.s32 s2, s4;
	[dreg:$0x0] =	wrdreg $0x0  }
0xa8: {  	s4 =	sshll.u32 s28, $0x1;
	[dreg:$0x2] =	wrdreg s2  }
0xa9: {  	[dreg:$0x3] =	wrdreg s4  }
0xaa: {  	[dreg:$0x4] =	wrdreg $0xC0  }
0xab: {  	_ =	task [dreg:s6], $0x5FFFF  }
0xac: {  	[dreg:$0x1] =	wrdreg $0xFFFFFFFF  }
0xad: {  	[dreg:$0x0] =	wrdreg $0x60  }
0xae: {  	[dreg:$0x2] =	wrdreg s24  }
0xaf: {  	[dreg:$0x3] =	wrdreg $0x2B800  }
0xb0: {  	[dreg:$0x4] =	wrdreg $0x9  }
0xb1: {  	_ =	task.clear_ibuf [dreg:s6], $0x5FFFF;
	_ =	strace $0x90000046  }
0xb2: {  	s29 =	simm.s32 $0x9;
	_ =	strace $0x80000048  }
0xb3: {  	_ =	swait.ge [sflag:s29], $0x1  }
0xb4: {  	[sflag:s29] =	ssyncadd.s32 $0xFFFFFFFF  }
0xb5: {  	_ =	strace $0x90000048  }
0xb6: {  	_ =	sfence  }
0xb7: {  	s30 =	sld [smem:$0x0];
	_ =	sdelay $0x2  }
0xb8: {  	s31 =	sshll.u32 s1, $0xD;
	s1 =	sshrl.u32 s1, $0x2  }
0xb9: {  	s3 =	sand.u32 $0x4000, s31;
	s1 =	sadd.s32 s1, s30  }
0xba: {  	s0 =	sor.u32 s3, s0;
	s1 =	sshll.u32 s1, $0x11  }
0xbb: {  	s0 =	sor.u32 s1, s0  }
0xbc: {  	s0 =	sadd.s32 $0x8F2B, s0  }
0xbd: {  	[sflag:s0] =	ssyncadd.remote.s32 $0x1  }
0xbe: {  	_ =	sfence.sel $0xFFFF  }
0xbf: {  	[dreg:$0x0] =	wrdreg $0xFFFFFFFF;
	(pc) =	sbr.abs _section_cstart, $3  }
0xc0: {  	[dreg:$0x1] =	wrdreg $0xFFFFFFFF  }
0xc1: {  	_ =	task.clear_ibuf [dreg:s6], $0x2FFFF;
	_ =	strace $0x9FFFFFFF  }
0xc2: {  	(tm) =	ssettm $0x7FFFFFFF  }
0xc3: {  	_ =	shalt  }
tec
execute0_lowered:
.L_overlay_start_1:
0x0: {  	(tag) =	ssettag $0x1  }
0x1: {  	s6 =	rddreg [dreg:$0x0]  }
0x2: {  	s2 =	rddreg [dreg:$0x1]  }
0x3: {  	s0 =	rddreg [dreg:$0x2];
	s1 =	stileid.u32  }
0x4: {  	s4 =	srdreg.scid;
	s3 =	simm.s32 $0x0;
	s13 =	simm.s32 $0x8  }
0x5: {  	s14 =	simm.s32 $0x80;
	s15 =	simm.s32 $0x2780;
	s16 =	simm.s32 $0x2400  }
0x6: {  	s17 =	simm.s32 $0x2480;
	s18 =	simm.s32 $0x2500;
	s19 =	simm.s32 $0x2580  }
0x7: {  	s20 =	simm.s32 $0x2600;
	s21 =	simm.s32 $0x2680;
	s22 =	simm.s32 $0x0  }
0x8: {  	s7 =	sand.u32 $0x1, s4;
	s26 =	sshll.u32 s1, $0x1;
	s5 =	smul.u32 $0x2710, s1  }
0x9: {  	[smem:$0x7FF] =	sst s3;
	s4 =	sadd.s32 $0x3E800, s6;
	s11 =	smul.u32 $0x4E20, s1  }
0xa: {  	s31 =	sshll.u32 s1, $0x6;
	p0 =	slt.u32 s1, $0xE;
	s8 =	sor.u32 s7, s26  }
0xb: {  	_ =	strace $0x80000047;
	s10 =	ssub.s32 $0x2, s7;
	s9 =	smul.u32 $0x4E, s8  }
0xc: {  	s12 =	sadd.s32 s5, s6;
	s28 =	sshrl.u32 s10, $0x1;
	s8 =	smax.u32 s8, $0x1C  }
0xd: {  	s30 =	sshrl.u32 s11, $0x2;
	s10 =	ssub.s32 s10, s28;
	s29 =	sadd.s32 s9, s8  }
0xe: {  	s5 =	sadd.s32 $0x17600, s12;
	s12 =	sadd.s32 s7, s12;
	s9 =	sshll.u32 s29, $0x4  }
0xf: {  	s11 =	sadd.s32 s30, s2;
	s8 =	sadd.s32 $0x3F000, s12;
	s9 =	sadd.s32 s6, s9  }
0x10: {  	s12 =	simm.s32 $0x10;
	s6 =	sor.u32 $0x1C01, s31;
	s7 =	sadd.s32 $0xD640, s9  }
0x11: {  	s9 =	smax.u32 s10, $0x1;
	s10 =	sshrl.u32 s11, $0x3;
	s11 =	simm.s32 $0x1  }
.LBB2_1:
0x12: {  	[spmem:s10@s11], [sflag:s6] =	dma.strided [hbm:s5@s12], $0x271, s11, $0x1   }
0x13: {  	_ =	swait.ge [sflag:s11], $0x271  }
0x14: {  	[sflag:s11] =	ssyncset.done $0x0  }
0x15: {  	[sflag:s11] =	ssyncadd.s32 $0xFFFFFD8F  }
0x16: {  	[tilespmem:s15], [sflag:$0x1] =	stream.strided.gather [hbm4b:s4+s13], $0x400, s14, s13, $0x38;
	[tilespmem:$0x3F08] =	vst v63  }
0x17: {  	_ =	swait.ge [sflag:s11], $0x400  }
0x18: {  	[sflag:s11] =	ssyncset.done $0x0  }
0x19: {  	[sflag:s11] =	ssyncadd.s32 $0xFFFFFC00  }
0x1a: {  	[tilespmem:s3], [sflag:$0x1] =	stream.linear.gather [hbm4b:s7+s3], $0x2780, $0x38;
	[tilespmem:$0x3F08] =	vst v63  }
0x1b: {  	_ =	swait.ge [sflag:s11], $0x2780  }
0x1c: {  	[sflag:s11] =	ssyncset.done $0x0  }
0x1d: {  	[sflag:s11] =	ssyncadd.s32 $0xFFFFD880  }
0x1e: {  	s23 =	simm.s32 $0x0;
	[bflag:$0x0] =	sbarrier.arrive $0xFFFF  }
0x1f: {  	[spmem:s2] =	stream.indirect.scatter.add.f32 [tilespmem:s15], [sflag:$0x1], $0x8, s23, s14, $0xb8;
	[tilespmem:$0x3F08] =	vst v63  }
0x20: {  	_ =	swait.ge [sflag:s11], $0x400  }
0x21: {  	[sflag:s11] =	ssyncset.done $0x0  }
0x22: {  	s24 =	simm.s32 $0x80;
	[sflag:s11] =	ssyncadd.s32 $0xFFFFFC00  }
0x23: {  	[spmem:s2] =	stream.indirect.scatter.add.f32 [tilespmem:s15], [sflag:$0x1], $0x8, s24, s14, $0xb8;
	[tilespmem:$0x3F08] =	vst v63  }
0x24: {  	_ =	swait.ge [sflag:s11], $0x400  }
0x25: {  	[sflag:s11] =	ssyncset.done $0x0  }
0x26: {  	s25 =	simm.s32 $0x100;
	[sflag:s11] =	ssyncadd.s32 $0xFFFFFC00  }
0x27: {  	[spmem:s2] =	stream.indirect.scatter.add.f32 [tilespmem:s15], [sflag:$0x1], $0x8, s25, s14, $0xb8;
	[tilespmem:$0x3F08] =	vst v63  }
0x28: {  	_ =	swait.ge [sflag:s11], $0x400  }
0x29: {  	[sflag:s11] =	ssyncset.done $0x0  }
0x2a: {  	s26 =	simm.s32 $0x180;
	[sflag:s11] =	ssyncadd.s32 $0xFFFFFC00  }
0x2b: {  	[spmem:s2] =	stream.indirect.scatter.add.f32 [tilespmem:s15], [sflag:$0x1], $0x8, s26, s14, $0xb8;
	[tilespmem:$0x3F08] =	vst v63  }
0x2c: {  	_ =	swait.ge [sflag:s11], $0x400  }
0x2d: {  	[sflag:s11] =	ssyncset.done $0x0  }
0x2e: {  	s28 =	simm.s32 $0x200;
	[sflag:s11] =	ssyncadd.s32 $0xFFFFFC00  }
0x2f: {  	[spmem:s2] =	stream.indirect.scatter.add.f32 [tilespmem:s15], [sflag:$0x1], $0x8, s28, s14, $0xb8;
	[tilespmem:$0x3F08] =	vst v63  }
0x30: {  	_ =	swait.ge [sflag:s11], $0x400  }
0x31: {  	[sflag:s11] =	ssyncset.done $0x0  }
0x32: {  	s29 =	simm.s32 $0x280;
	[sflag:s11] =	ssyncadd.s32 $0xFFFFFC00  }
0x33: {  	[spmem:s2] =	stream.indirect.scatter.add.f32 [tilespmem:s15], [sflag:$0x1], $0x8, s29, s14, $0xb8;
	[tilespmem:$0x3F08] =	vst v63  }
0x34: {  	_ =	swait.ge [sflag:s11], $0x400  }
0x35: {  	[sflag:s11] =	ssyncset.done $0x0  }
0x36: {  	s30 =	simm.s32 $0x300;
	[sflag:s11] =	ssyncadd.s32 $0xFFFFFC00  }
0x37: {  	[spmem:s2] =	stream.indirect.scatter.add.f32 [tilespmem:s15], [sflag:$0x1], $0x8, s30, s14, $0xb8;
	[tilespmem:$0x3F08] =	vst v63  }
0x38: {  	_ =	swait.ge [sflag:s11], $0x400  }
0x39: {  	[sflag:s11] =	ssyncset.done $0x0  }
0x3a: {  	s31 =	simm.s32 $0x380;
	[sflag:s11] =	ssyncadd.s32 $0xFFFFFC00  }
0x3b: {  	[spmem:s2] =	stream.indirect.scatter.add.f32 [tilespmem:s15], [sflag:$0x1], $0x8, s31, s14, $0xb8;
	[tilespmem:$0x3F08] =	vst v63  }
0x3c: {  	_ =	swait.ge [sflag:s11], $0x400  }
0x3d: {  	s23 =	simm.s32 $0x1000;
	s26 =	simm.s32 $0x2000;
	[sflag:s11] =	ssyncset.done $0x0  }
.LBB2_2:
0x3e: {  	s25 =	sshra.s32 s23, $0x2  }
0x3f: {  	[sflag:s11] =	ssyncadd.s32 $0xFFFFFC00;
	s23 =	smov.u32 s26;
	s24 =	sadd.s32 $0x1000, s26  }
0x40: {  	[spmem:s2] =	stream.indirect.scatter.add.f32 [tilespmem:s15], [sflag:$0x1], $0x8, s25, s14, $0xb8;
	[tilespmem:$0x3F08] =	vst v63  }
0x41: {  	p1 =	sne.s32 s26, $0x8000;
	_ =	swait.ge [sflag:s11], $0x400  }
0x42: {  	[sflag:s11] =	ssyncset.done $0x0  }
0x43: {  	s26 =	sadd.s32 $0x80, s25;
	[sflag:s11] =	ssyncadd.s32 $0xFFFFFC00  }
0x44: {  	[spmem:s2] =	stream.indirect.scatter.add.f32 [tilespmem:s15], [sflag:$0x1], $0x8, s26, s14, $0xb8;
	[tilespmem:$0x3F08] =	vst v63  }
0x45: {  	_ =	swait.ge [sflag:s11], $0x400  }
0x46: {  	[sflag:s11] =	ssyncset.done $0x0  }
0x47: {  	s26 =	sadd.s32 $0x100, s25;
	[sflag:s11] =	ssyncadd.s32 $0xFFFFFC00  }
0x48: {  	[spmem:s2] =	stream.indirect.scatter.add.f32 [tilespmem:s15], [sflag:$0x1], $0x8, s26, s14, $0xb8;
	[tilespmem:$0x3F08] =	vst v63  }
0x49: {  	_ =	swait.ge [sflag:s11], $0x400  }
0x4a: {  	[sflag:s11] =	ssyncset.done $0x0  }
0x4b: {  	s26 =	sadd.s32 $0x180, s25;
	[sflag:s11] =	ssyncadd.s32 $0xFFFFFC00  }
0x4c: {  	[spmem:s2] =	stream.indirect.scatter.add.f32 [tilespmem:s15], [sflag:$0x1], $0x8, s26, s14, $0xb8;
	[tilespmem:$0x3F08] =	vst v63  }
0x4d: {  	_ =	swait.ge [sflag:s11], $0x400  }
0x4e: {  	[sflag:s11] =	ssyncset.done $0x0  }
0x4f: {  	s26 =	sadd.s32 $0x200, s25;
	[sflag:s11] =	ssyncadd.s32 $0xFFFFFC00  }
0x50: {  	[spmem:s2] =	stream.indirect.scatter.add.f32 [tilespmem:s15], [sflag:$0x1], $0x8, s26, s14, $0xb8;
	[tilespmem:$0x3F08] =	vst v63  }
0x51: {  	_ =	swait.ge [sflag:s11], $0x400  }
0x52: {  	[sflag:s11] =	ssyncset.done $0x0  }
0x53: {  	s26 =	sadd.s32 $0x280, s25;
	[sflag:s11] =	ssyncadd.s32 $0xFFFFFC00  }
0x54: {  	[spmem:s2] =	stream.indirect.scatter.add.f32 [tilespmem:s15], [sflag:$0x1], $0x8, s26, s14, $0xb8;
	[tilespmem:$0x3F08] =	vst v63  }
0x55: {  	_ =	swait.ge [sflag:s11], $0x400  }
0x56: {  	[sflag:s11] =	ssyncset.done $0x0  }
0x57: {  	s26 =	sadd.s32 $0x300, s25;
	[sflag:s11] =	ssyncadd.s32 $0xFFFFFC00  }
0x58: {  	[spmem:s2] =	stream.indirect.scatter.add.f32 [tilespmem:s15], [sflag:$0x1], $0x8, s26, s14, $0xb8;
	[tilespmem:$0x3F08] =	vst v63  }
0x59: {  	_ =	swait.ge [sflag:s11], $0x400  }
.Ltmp0:
0x5a: {  	[sflag:s11] =	ssyncset.done $0x0;
	(pc) =	sbr.rel @p1 .LBB2_2-.Ltmp0, $4  }
0x5b: {  	s25 =	sadd.s32 $0x380, s25;
	[sflag:s11] =	ssyncadd.s32 $0xFFFFFC00  }
0x5c: {  	[spmem:s2] =	stream.indirect.scatter.add.f32 [tilespmem:s15], [sflag:$0x1], $0x8, s25, s14, $0xb8;
	[tilespmem:$0x3F08] =	vst v63  }
0x5d: {  	_ =	swait.ge [sflag:s11], $0x400  }
0x5e: {  	s26 =	smov.u32 s24;
	[sflag:s11] =	ssyncset.done $0x0  }
0x5f: {  	s23 =	sshra.s32 s23, $0x2;
	[sflag:s11] =	ssyncadd.s32 $0xFFFFFC00  }
0x60: {  	[spmem:s2] =	stream.indirect.scatter.add.f32 [tilespmem:s15], [sflag:$0x1], $0x8, s23, s14, $0xb8;
	[tilespmem:$0x3F08] =	vst v63  }
0x61: {  	_ =	swait.ge [sflag:s11], $0x400  }
0x62: {  	[sflag:s11] =	ssyncset.done $0x0  }
0x63: {  	s24 =	sadd.s32 $0x80, s23;
	[sflag:s11] =	ssyncadd.s32 $0xFFFFFC00  }
0x64: {  	[spmem:s2] =	stream.indirect.scatter.add.f32 [tilespmem:s15], [sflag:$0x1], $0x8, s24, s14, $0xb8;
	[tilespmem:$0x3F08] =	vst v63  }
0x65: {  	_ =	swait.ge [sflag:s11], $0x400  }
0x66: {  	[sflag:s11] =	ssyncset.done $0x0  }
0x67: {  	s26 =	sadd.s32 $0x100, s23;
	[sflag:s11] =	ssyncadd.s32 $0xFFFFFC00  }
0x68: {  	[spmem:s2] =	stream.indirect.scatter.add.f32 [tilespmem:s15], [sflag:$0x1], $0x8, s26, s14, $0xb8;
	[tilespmem:$0x3F08] =	vst v63  }
0x69: {  	_ =	swait.ge [sflag:s11], $0x400  }
0x6a: {  	[sflag:s11] =	ssyncset.done $0x0  }
0x6b: {  	s28 =	sadd.s32 $0x180, s23;
	[sflag:s11] =	ssyncadd.s32 $0xFFFFFC00  }
0x6c: {  	[spmem:s2] =	stream.indirect.scatter.add.f32 [tilespmem:s15], [sflag:$0x1], $0x8, s28, s14, $0xb8;
	[tilespmem:$0x3F08] =	vst v63  }
0x6d: {  	_ =	swait.ge [sflag:s11], $0x400  }
0x6e: {  	[sflag:s11] =	ssyncset.done $0x0  }
0x6f: {  	s29 =	sadd.s32 $0x200, s23;
	[sflag:s11] =	ssyncadd.s32 $0xFFFFFC00  }
0x70: {  	[spmem:s2] =	stream.indirect.scatter.add.f32 [tilespmem:s15], [sflag:$0x1], $0x8, s29, s14, $0xb8;
	[tilespmem:$0x3F08] =	vst v63  }
0x71: {  	_ =	swait.ge [sflag:s11], $0x400  }
0x72: {  	[sflag:s11] =	ssyncset.done $0x0  }
0x73: {  	s30 =	sadd.s32 $0x280, s23;
	[sflag:s11] =	ssyncadd.s32 $0xFFFFFC00  }
0x74: {  	[spmem:s2] =	stream.indirect.scatter.add.f32 [tilespmem:s15], [sflag:$0x1], $0x8, s30, s14, $0xb8;
	[tilespmem:$0x3F08] =	vst v63  }
0x75: {  	_ =	swait.ge [sflag:s11], $0x400  }
0x76: {  	[sflag:s11] =	ssyncset.done $0x0  }
0x77: {  	s31 =	sadd.s32 $0x300, s23;
	[sflag:s11] =	ssyncadd.s32 $0xFFFFFC00  }
0x78: {  	[spmem:s2] =	stream.indirect.scatter.add.f32 [tilespmem:s15], [sflag:$0x1], $0x8, s31, s14, $0xb8;
	[tilespmem:$0x3F08] =	vst v63  }
0x79: {  	_ =	swait.ge [sflag:s11], $0x400  }
0x7a: {  	[sflag:s11] =	ssyncset.done $0x0  }
0x7b: {  	s23 =	sadd.s32 $0x380, s23;
	[sflag:s11] =	ssyncadd.s32 $0xFFFFFC00  }
0x7c: {  	[spmem:s2] =	stream.indirect.scatter.add.f32 [tilespmem:s15], [sflag:$0x1], $0x8, s23, s14, $0xb8;
	[tilespmem:$0x3F08] =	vst v63  }
0x7d: {  	_ =	swait.ge [sflag:s11], $0x400  }
0x7e: {  	[sflag:s11] =	ssyncset.done $0x0  }
0x7f: {  	[sflag:s11] =	ssyncadd.s32 $0xFFFFFC00  }
0x80: {  	[spmem:s2] =	stream.indirect.scatter.add.f32 [tilespmem:s15], [sflag:$0x1], $0x8, s16, s14, $0xb8;
	[tilespmem:$0x3F08] =	vst v63  }
0x81: {  	_ =	swait.ge [sflag:s11], $0x400  }
0x82: {  	[sflag:s11] =	ssyncset.done $0x0  }
0x83: {  	[sflag:s11] =	ssyncadd.s32 $0xFFFFFC00  }
0x84: {  	[spmem:s2] =	stream.indirect.scatter.add.f32 [tilespmem:s15], [sflag:$0x1], $0x8, s17, s14, $0xb8;
	[tilespmem:$0x3F08] =	vst v63  }
0x85: {  	_ =	swait.ge [sflag:s11], $0x400  }
0x86: {  	[sflag:s11] =	ssyncset.done $0x0  }
0x87: {  	[sflag:s11] =	ssyncadd.s32 $0xFFFFFC00  }
0x88: {  	[spmem:s2] =	stream.indirect.scatter.add.f32 [tilespmem:s15], [sflag:$0x1], $0x8, s18, s14, $0xb8;
	[tilespmem:$0x3F08] =	vst v63  }
0x89: {  	_ =	swait.ge [sflag:s11], $0x400  }
0x8a: {  	[sflag:s11] =	ssyncset.done $0x0  }
0x8b: {  	[sflag:s11] =	ssyncadd.s32 $0xFFFFFC00  }
0x8c: {  	[spmem:s2] =	stream.indirect.scatter.add.f32 [tilespmem:s15], [sflag:$0x1], $0x8, s19, s14, $0xb8;
	[tilespmem:$0x3F08] =	vst v63  }
0x8d: {  	_ =	swait.ge [sflag:s11], $0x400  }
0x8e: {  	[sflag:s11] =	ssyncset.done $0x0  }
0x8f: {  	[sflag:s11] =	ssyncadd.s32 $0xFFFFFC00  }
0x90: {  	[spmem:s2] =	stream.indirect.scatter.add.f32 [tilespmem:s15], [sflag:$0x1], $0x8, s20, s14, $0xb8;
	[tilespmem:$0x3F08] =	vst v63  }
0x91: {  	_ =	swait.ge [sflag:s11], $0x400  }
0x92: {  	[sflag:s11] =	ssyncset.done $0x0  }
0x93: {  	[sflag:s11] =	ssyncadd.s32 $0xFFFFFC00  }
0x94: {  	[spmem:s2] =	stream.indirect.scatter.add.f32 [tilespmem:s15], [sflag:$0x1], $0x8, s21, s14, $0xb8;
	[tilespmem:$0x3F08] =	vst v63  }
0x95: {  	_ =	swait.ge [sflag:s11], $0x400  }
0x96: {  	s25 =	simm.s32 @!p0 $0x2780;
	[sflag:s11] =	ssyncset.done $0x0  }
0x97: {  	s24 =	simm.s32 @!p0 $0x2700;
	s23 =	simm.s32 @!p0 $0x80;
	[sflag:s11] =	ssyncadd.s32 $0xFFFFFC00  }
0x98: {  	[spmem:s2] =	stream.indirect.scatter.add.f32 @!p0 [tilespmem:s25], [sflag:$0x1], $0x8, s24, s23, $0xb8;
	[tilespmem:$0x3F08] =	vst v63  }
0x99: {  	s23 =	simm.s32 @!p0 $0x1  }
0x9a: {  	_ =	swait.ge @!p0 [sflag:s23], $0x400  }
0x9b: {  	s22 =	sadd.s32 $0x1, s22;
	[sflag:s23] =	ssyncset.done @!p0 $0x0  }
0x9c: {  	p1 =	sne.s32 s22, s9;
	[sflag:s23] =	ssyncadd.s32 @!p0 $0xFFFFFC00  }
.Ltmp1:
0x9d: {  	[bflag:$0x0] =	sbarrier.arrive $0xFFFF;
	(pc) =	sbr.rel @p1 .LBB2_1-.Ltmp1, $4  }
0x9e: {  	[hbm:s8@s12], [sflag:s6] =	dma.strided [spmem:s10@s11], $0x271, s11, $0x1   }
0x9f: {  	_ =	swait.ge [sflag:s11], $0x271  }
0xa0: {  	[sflag:s11] =	ssyncset.done $0x0  }
0xa1: {  	[sflag:s11] =	ssyncadd.s32 $0xFFFFFD8F  }
0xa2: {  	_ =	sfence.sel $0x180000  }
0xa3: {  	[bflag:$0x0] =	sbarrier.arrive $0xFFFF  }
0xa4: {  	p0 =	sne.s32 s1, $0x0;
	_ =	strace $0x90000047  }
0xa5: {  	s0 =	sadd.s32 @!p0 $0x100000, s0;
	[bflag:$0x2] =	sbarrier.arrive $0xFFFF  }
0xa6: {  	[sflag:s0] =	ssyncadd.tile.s32 @!p0 $0x1;
	_ =	shalt  }
.Lfunc_end2:
_tile_overlayer_lowered:
.L_overlay_start_2:
0xa7: {  	(tag) =	ssettag $0x2  }
0xa8: {  	s0 =	rddreg [dreg:$0x0];
	s2 =	stileid.u32  }
0xa9: {  	s1 =	rddreg [dreg:$0x1];
	p0 =	sne.s32 s2, $0x0  }
0xaa: {  	s3 =	rddreg [dreg:$0x2];
	[bflag:$0x3] =	sbarrier.arrive $0xFFFF;
	s2 =	simm.s32 @!p0 $0x1C01  }
0xab: {  	[timem:s3], [sflag:s2] =	dma.local @!p0 [hbm:s0], s1  }
0xac: {  	s0 =	simm.s32 @!p0 $0x1  }
0xad: {  	_ =	swait.ge @!p0 [sflag:s0], s1  }
0xae: {  	s1 =	ssub.s32 @!p0 $0x0, s1;
	[sflag:s0] =	ssyncset.done @!p0 $0x0  }
0xaf: {  	[sflag:s0] =	ssyncadd.s32 @!p0 s1  }
0xb0: {  	[bflag:$0x3] =	sbarrier.arrive $0xFFFF  }
0xb1: {  	_ =	shalt  }

// kernel: kernel.14.cloned.1.call-start
scs
__scs_entry_jumppad:
0x0: {  	(pc) =	sbr.rel $0x88, $3  }
0x1: {  	(tag) =	ssettag $0x0;
	lr =	simm.s32 $0x1  }
0x2: {  	[smem:$0x3F95] =	sst lr;
	_ =	strace $0xD0000000  }
0x3: {  	_ = 	snop  }
0x4: {  	_ = 	snop  }
0x5: {  	_ = 	snop  }
0x6: {  	_ = 	snop  }
0x7: {  	_ = 	snop  }
__scs_overlays_trampoline_lowered:
0x8: {  	[smem:$0x3FA4] =	sst s0  }
0x9: {  	[smem:$0x3FA5] =	sst s1  }
0xa: {  	[smem:$0x3FA6] =	sst s2  }
0xb: {  	[smem:$0x3FA7] =	sst s3  }
0xc: {  	[smem:$0x3FA8] =	sst s4  }
0xd: {  	[smem:$0x3FA9] =	sst s5  }
0xe: {  	[smem:$0x3FAA] =	sst s6  }
0xf: {  	[smem:$0x3FAB] =	sst s7  }
0x10: {  	[smem:$0x3FAC] =	sst s8  }
0x11: {  	[smem:$0x3FAD] =	sst s9;
	s0 =	simm.s32 @!p0 $0x0  }
0x12: {  	s1 =	sld [smem:$0x3F93];
	s0 =	simm.s32 @p0 $0x1  }
0x13: {  	[smem:$0x3FAE] =	sst s0;
	s0 =	simm.s32 @!p1 $0x0  }
0x14: {  	s2 =	sld [smem:$0x3F92];
	s0 =	simm.s32 @p1 $0x1  }
0x15: {  	[smem:$0x3FAF] =	sst s0;
	s0 =	simm.s32 @!p2 $0x0  }
0x16: {  	s3 =	sld [smem:$0x3FDB];
	s0 =	simm.s32 @p2 $0x1  }
0x17: {  	s4 =	simm.s32 $0x1BF5;
	[smem:$0x3FB1] =	sst s0  }
0x18: {  	s0 =	sld [smem:$0x3F94];
	_ =	swait.ge [sflag:s4], $0x0  }
0x19: {  	s7 =	sld [smem:$0x3F95]  }
0x1a: {  	s8 =	sadd.s32 $0xFFFFE003, lr  }
0x1b: {  	s9 =	sadd.s32 $0xFFFFFEF7, lr;
	s5 =	simm.s32 $0xFFFFFFFF;
	p2 =	slt.u32 s8, $0xFFFFF086  }
0x1c: {  	p1 =	slt.u32 s9, $0xF7A;
	s5 =	simm.s32 @!p2 $0x0  }
0x1d: {  	s5 =	simm.s32 @p1 $0x1;
	p0 =	seq.s32 s7, s2  }
0x1e: {  	s7 =	smul.u32 @!p0 $0xF7A, s2;
	p2 =	seq.s32 @!p0 s5, $0x0  }
0x1f: {  	s9 =	smul.u32 $0xF7A, s1;
	s8 =	simm.s32 @!p0 $0x1BF5;
	p2 =	por !p2, p0  }
0x20: {  	[sflag:s8] =	ssyncset.s32 @!p0 $0xFFFFF086;
	s6 =	sadd.s32 @!p0 s3, s7;
	s7 =	simm.s32 @!p0 $0x108  }
0x21: {  	s3 =	sadd.s32 s3, s9;
	s6 =	sadd.s32 @!p0 $0x88, s6;
	s7 =	simm.s32 @p2 $0x1082  }
0x22: {  	[simem:s7], [sflag:s8] =	dma.local @!p0 [hbm:s6], $0xF7A  }
0x23: {  	s9 =	sor.u32 $0xD0000000, s2;
	s6 =	simm.s32 $0x108;
	_ =	swait.ge @!p0 [sflag:s8], $0x0  }
0x24: {  	s3 =	sadd.s32 $0x88, s3;
	s6 =	simm.s32 @!p1 $0x1082;
	[sflag:s4] =	ssyncset.s32 $0xFFFFF086  }
0x25: {  	[simem:s6], [sflag:s4] =	dma.local [hbm:s3], $0xF7A  }
0x26: {  	[smem:$0x3F95] =	sst s1;
	(tag) =	ssettag s2;
	_ =	strace s9  }
0x27: {  	s1 =	sld [smem:$0x3FA5]  }
0x28: {  	s2 =	sld [smem:$0x3FA6]  }
0x29: {  	s4 =	sld [smem:$0x3FA8]  }
0x2a: {  	p0 =	seq.s32 s5, $0x0;
	s5 =	sld [smem:$0x3FA9]  }
0x2b: {  	s6 =	sld [smem:$0x3FAA]  }
0x2c: {  	s7 =	sld [smem:$0x3FAB]  }
0x2d: {  	s3 =	simm.s32 $0x108;
	s8 =	sld [smem:$0x3FAC]  }
0x2e: {  	s3 =	simm.s32 @!p0 $0x1082;
	s9 =	sld [smem:$0x3FAD]  }
0x2f: {  	lr =	sadd.s32 s0, s3;
	s0 =	sld [smem:$0x3FA4]  }
0x30: {  	s3 =	sld [smem:$0x3FA7]  }
0x31: {  	[smem:$0x3FB0] =	sst s10  }
0x32: {  	s10 =	sld [smem:$0x3FAE];
	_ =	sdelay $0x3  }
0x33: {  	p0 =	seq.s32 s10, $0x1;
	s10 =	sld [smem:$0x3FB0];
	_ =	sdelay $0x3  }
0x34: {  	[smem:$0x3FB0] =	sst s10  }
0x35: {  	s10 =	sld [smem:$0x3FAF];
	_ =	sdelay $0x3  }
0x36: {  	p1 =	seq.s32 s10, $0x1;
	s10 =	sld [smem:$0x3FB0];
	_ =	sdelay $0x3  }
0x37: {  	[smem:$0x3FB0] =	sst s10  }
0x38: {  	s10 =	sld [smem:$0x3FB1]  }
0x39: {  	_ = 	snop;
	(pc) =	sbr.ind lr, $3  }
0x3a: {  	_ = 	snop  }
0x3b: {  	_ = 	snop  }
0x3c: {  	p2 =	seq.s32 s10, $0x1;
	s10 =	sld [smem:$0x3FB0]  }
0x3d: {  	_ =	shalt  }
0x3e: {  	_ =	shalt  }
0x3f: {  	_ =	shalt  }
0x40: {  	_ =	shalt  }
0x41: {  	_ =	shalt  }
0x42: {  	_ =	shalt  }
0x43: {  	_ =	shalt  }
0x44: {  	_ =	shalt  }
0x45: {  	_ =	shalt  }
0x46: {  	_ =	shalt  }
0x47: {  	_ =	shalt  }
0x48: {  	_ =	shalt  }
0x49: {  	_ =	shalt  }
0x4a: {  	_ =	shalt  }
0x4b: {  	_ =	shalt  }
0x4c: {  	_ =	shalt  }
0x4d: {  	_ =	shalt  }
0x4e: {  	_ =	shalt  }
0x4f: {  	_ =	shalt  }
0x50: {  	_ =	shalt  }
0x51: {  	_ =	shalt  }
0x52: {  	_ =	shalt  }
0x53: {  	_ =	shalt  }
0x54: {  	_ =	shalt  }
0x55: {  	_ =	shalt  }
0x56: {  	_ =	shalt  }
0x57: {  	_ =	shalt  }
0x58: {  	_ =	shalt  }
0x59: {  	_ =	shalt  }
0x5a: {  	_ =	shalt  }
0x5b: {  	_ =	shalt  }
0x5c: {  	_ =	shalt  }
0x5d: {  	_ =	shalt  }
0x5e: {  	_ =	shalt  }
0x5f: {  	_ =	shalt  }
0x60: {  	_ =	shalt  }
0x61: {  	_ =	shalt  }
0x62: {  	_ =	shalt  }
0x63: {  	_ =	shalt  }
0x64: {  	_ =	shalt  }
0x65: {  	_ =	shalt  }
0x66: {  	_ =	shalt  }
0x67: {  	_ =	shalt  }
0x68: {  	_ =	shalt  }
0x69: {  	_ =	shalt  }
0x6a: {  	_ =	shalt  }
0x6b: {  	_ =	shalt  }
0x6c: {  	_ =	shalt  }
0x6d: {  	_ =	shalt  }
0x6e: {  	_ =	shalt  }
0x6f: {  	_ =	shalt  }
0x70: {  	_ =	shalt  }
0x71: {  	_ =	shalt  }
0x72: {  	_ =	shalt  }
0x73: {  	_ =	shalt  }
0x74: {  	_ =	shalt  }
0x75: {  	_ =	shalt  }
0x76: {  	_ =	shalt  }
0x77: {  	_ =	shalt  }
0x78: {  	_ =	shalt  }
0x79: {  	_ =	shalt  }
0x7a: {  	_ =	shalt  }
0x7b: {  	_ =	shalt  }
0x7c: {  	_ =	shalt  }
0x7d: {  	_ =	shalt  }
0x7e: {  	_ =	shalt  }
0x7f: {  	_ =	shalt  }
0x80: {  	_ =	shalt  }
0x81: {  	_ =	shalt  }
0x82: {  	_ =	shalt  }
0x83: {  	_ =	shalt  }
0x84: {  	_ =	shalt  }
0x85: {  	_ =	shalt  }
0x86: {  	_ =	shalt  }
0x87: {  	_ =	shalt  }
.Lfunc_end0:
.L_simem_size_0:
called_computation.1_lowered:
.L_overlay_start_0:
0x88: {  	s2 =	sld [smem:$0x3FD9]  }
0x89: {  	s3 =	sld [smem:$0x3FFE];
	_ =	sdelay $0x1  }
0x8a: {  	s1 =	srdreg.scid  }
0x8b: {  	s0 =	sand.u32 $0x1, s1  }
0x8c: {  	s16 =	sshll.u32 s0, $0xA;
	s2 =	sadd.s32 s3, s2  }
0x8d: {  	s2 =	sadd.s32 s2, s16  }
0x8e: {  	[smem:$0x3FBC] =	sst s2  }
0x8f: {  	_ = 	snop  }
0x90: {  	(tm) =	ssettm $0x1  }
0x91: {  	s17 =	sld [smem:$0x3FFB];
	_ =	sdelay $0x3  }
0x92: {  	_ =	strace s17  }
0x93: {  	s2 =	sld [smem:$0x3FFC];
	_ =	sdelay $0x3  }
0x94: {  	_ =	strace s2  }
0x95: {  	s2 =	sld [smem:$0x3FFD];
	_ =	sdelay $0x3  }
0x96: {  	_ =	strace s2  }
0x97: {  	_ =	strace $0x8FFFFFFF  }
0x98: {  	s18 =	sld [smem:$0x3FDB];
	_ =	sdelay $0x1  }
0x99: {  	s19 =	simm.s32 $_scs_section_size  }
0x9a: {  	s4 =	simm.s32 $_size__tile_overlayer_lowered;
	s5 =	simm.s32 $_tile_overlayer_lowered  }
0x9b: {  	s22 =	simm.s32 $0x1BFF;
	s21 =	sshll.u32 s5, $0x1;
	s2 =	sadd.s32 s19, s18  }
0x9c: {  	s6 =	simm.s32 $0x0;
	s20 =	sshll.u32 s4, $0x1;
	s4 =	sadd.s32 s21, s2  }
0x9d: {  	[timem:s6], [sflag:s22] =	dma.local [hbm:s4], s20  }
0x9e: {  	_ =	swait.ge [sflag:s22], s20  }
0x9f: {  	s3 =	ssub.s32 $0x0, s20;
	[sflag:s22] =	ssyncset.done $0x0  }
0xa0: {  	[sflag:s22] =	ssyncadd.s32 s3;
	_ =	sdelay $0x1  }
0xa1: {  	s23 =	simm.s32 $0x1B8B  }
0xa2: {  	_ =	swait.ge [sflag:s23], $0x1  }
0xa3: {  	[sflag:s23] =	ssyncset.done $0x0  }
0xa4: {  	s25 =	simm.s32 $0x1B8E;
	s24 =	sld [smem:$0x3FFE];
	[sflag:s23] =	ssyncadd.s32 $0xFFFFFFFF  }
0xa5: {  	s26 =	simm.s32 $execute0_lowered;
	[smem:$0x3FD2] =	sst s25  }
0xa6: {  	s4 =	sshll.u32 s26, $0x1;
	_ =	strace $0x80000049;
	[dreg:$0x1] =	wrdreg $0xFFFFFFFF  }
0xa7: {  	s28 =	simm.s32 $_size_execute0_lowered;
	s2 =	sadd.s32 s2, s4;
	[dreg:$0x0] =	wrdreg $0x0  }
0xa8: {  	s4 =	sshll.u32 s28, $0x1;
	[dreg:$0x2] =	wrdreg s2  }
0xa9: {  	[dreg:$0x3] =	wrdreg s4  }
0xaa: {  	[dreg:$0x4] =	wrdreg $0xC0  }
0xab: {  	_ =	task [dreg:s6], $0x5FFFF  }
0xac: {  	[dreg:$0x1] =	wrdreg $0xFFFFFFFF  }
0xad: {  	[dreg:$0x0] =	wrdreg $0x60  }
0xae: {  	[dreg:$0x2] =	wrdreg s24  }
0xaf: {  	[dreg:$0x3] =	wrdreg $0x11D200  }
0xb0: {  	[dreg:$0x4] =	wrdreg $0xCF000  }
0xb1: {  	[dreg:$0x5] =	wrdreg $0x9  }
0xb2: {  	_ =	task.clear_ibuf [dreg:s6], $0x6FFFF;
	_ =	strace $0x90000049  }
0xb3: {  	s29 =	simm.s32 $0x9;
	_ =	strace $0x8000004B  }
0xb4: {  	_ =	swait.ge [sflag:s29], $0x1  }
0xb5: {  	[sflag:s29] =	ssyncadd.s32 $0xFFFFFFFF  }
0xb6: {  	_ =	strace $0x9000004B  }
0xb7: {  	_ =	sfence  }
0xb8: {  	s30 =	sld [smem:$0x0];
	_ =	sdelay $0x2  }
0xb9: {  	s31 =	sshll.u32 s1, $0xD;
	s1 =	sshrl.u32 s1, $0x2  }
0xba: {  	s3 =	sand.u32 $0x4000, s31;
	s1 =	sadd.s32 s1, s30  }
0xbb: {  	s0 =	sor.u32 s3, s0;
	s1 =	sshll.u32 s1, $0x11  }
0xbc: {  	s0 =	sor.u32 s1, s0  }
0xbd: {  	s0 =	sadd.s32 $0x8F2B, s0  }
0xbe: {  	[sflag:s0] =	ssyncadd.remote.s32 $0x1  }
0xbf: {  	_ =	sfence.sel $0xFFFF  }
0xc0: {  	[dreg:$0x0] =	wrdreg $0xFFFFFFFF;
	(pc) =	sbr.abs _section_cstart, $3  }
0xc1: {  	[dreg:$0x1] =	wrdreg $0xFFFFFFFF  }
0xc2: {  	_ =	task.clear_ibuf [dreg:s6], $0x2FFFF;
	_ =	strace $0x9FFFFFFF  }
0xc3: {  	(tm) =	ssettm $0x7FFFFFFF  }
tec
execute0_lowered:
.L_overlay_start_1:
0x0: {  	(tag) =	ssettag $0x1  }
0x1: {  	s0 =	rddreg [dreg:$0x0]  }
0x2: {  	s2 =	rddreg [dreg:$0x1]  }
0x3: {  	s3 =	rddreg [dreg:$0x2];
	s4 =	simm.s32 $0x0  }
0x4: {  	s18 =	stileid.u32;
	s1 =	srdreg.scid;
	s13 =	simm.s32 $0x1  }
0x5: {  	s14 =	simm.s32 $0x4;
	s15 =	simm.s32 $0x10;
	s16 =	simm.s32 $0x9  }
0x6: {  	s19 =	simm.s32 $0x80;
	s28 =	simm.s32 $0x8F00;
	s30 =	simm.s32 $0x9F00  }
0x7: {  	s29 =	simm.s32 $0x6;
	s31 =	simm.s32 $0x7;
	[smem:$0x7FF] =	sst s4  }
0x8: {  	s5 =	smul.u32 $0x13880, s18;
	s1 =	sand.u32 $0x1, s1;
	s7 =	sshll.u32 s18, $0x1  }
0x9: {  	s23 =	smul.u32 $0x4E20, s18;
	s25 =	sshll.u32 s18, $0x6;
	p0 =	slt.u32 s18, $0xE  }
0xa: {  	s18 =	simm.s32 $0xBF00;
	_ =	strace $0x8000004A;
	s6 =	sshll.u32 s1, $0x5  }
0xb: {  	s20 =	sor.u32 s1, s7;
	s1 =	ssub.s32 $0x2, s1;
	s8 =	sshrl.u32 s5, $0x3  }
0xc: {  	s5 =	sor.u32 s6, s5;
	s22 =	smul.u32 $0x4E, s20;
	s6 =	smax.u32 s20, $0x1C  }
0xd: {  	s9 =	sshrl.u32 s1, $0x1;
	s12 =	sadd.s32 s23, s2;
	s20 =	simm.s32 $0x4F00  }
0xe: {  	s21 =	sadd.s32 s8, s0;
	s5 =	sshrl.u32 s5, $0x3;
	s1 =	ssub.s32 s1, s9  }
0xf: {  	s8 =	sadd.s32 s23, s3;
	s12 =	sshrl.u32 s12, $0x3;
	s23 =	simm.s32 $0x6F00  }
0x10: {  	s5 =	sadd.s32 s5, s0;
	s6 =	sadd.s32 s22, s6;
	s10 =	sadd.s32 $0x17600, s21  }
0x11: {  	s7 =	sadd.s32 $0x3E800, s21;
	s11 =	smax.u32 s1, $0x1;
	s17 =	sshrl.u32 s8, $0x3  }
0x12: {  	s21 =	simm.s32 $0x5F00;
	s22 =	simm.s32 $0x2;
	s1 =	simm.s32 $0x8  }
0x13: {  	s24 =	sshll.u32 s6, $0x4;
	[dreg:$0x4] =	wrdreg s10;
	s6 =	sor.u32 $0x1C09, s25  }
0x14: {  	[dreg:$0x5] =	wrdreg s7;
	s10 =	sadd.s32 $0x65A00, s5;
	s0 =	sadd.s32 s0, s24  }
0x15: {  	s25 =	simm.s32 $0x7F00;
	s5 =	simm.s32 $0x0;
	s26 =	sadd.s32 $0x3840, s0  }
0x16: {  	s24 =	simm.s32 $0x3;
	s0 =	sadd.s32 $0xD640, s0;
	[dreg:$0x6] =	wrdreg s26  }
0x17: {  	[dreg:$0x7] =	wrdreg s0;
	s0 =	simm.s32 $0xAF00;
	s26 =	simm.s32 $0x5  }
.LBB2_1:
0x18: {  	s7 =	rddreg [dreg:$0x4]  }
0x19: {  	[spmem:s12@s14], [sflag:s6] =	dma.strided [hbm:s7@s15], $0x9C4, s13, $0x4   }
0x1a: {  	_ =	swait.ge [sflag:s16], $0x9C4  }
0x1b: {  	[sflag:s16] =	ssyncset.done $0x0  }
0x1c: {  	s9 =	rddreg [dreg:$0x5];
	[sflag:s16] =	ssyncadd.s32 $0xFFFFF63C  }
0x1d: {  	[spmem:s17@s14], [sflag:s6] =	dma.strided [hbm:s9@s15], $0x9C4, s13, $0x4   }
0x1e: {  	_ =	swait.ge [sflag:s16], $0x9C4  }
0x1f: {  	[sflag:s16] =	ssyncset.done $0x0  }
0x20: {  	s8 =	rddreg [dreg:$0x6];
	[sflag:s16] =	ssyncadd.s32 $0xFFFFF63C  }
0x21: {  	[tilespmem:s4], [sflag:$0x9] =	stream.linear.gather [hbm4b:s8+s4], $0x2780, $0x38;
	[tilespmem:$0x16B40] =	vst v63  }
0x22: {  	_ =	swait.ge [sflag:s16], $0x2780  }
0x23: {  	[sflag:s16] =	ssyncset.done $0x0  }
0x24: {  	s8 =	simm.s32 $0x2780;
	s9 =	rddreg [dreg:$0x7];
	[sflag:s16] =	ssyncadd.s32 $0xFFFFD880  }
0x25: {  	[tilespmem:s8], [sflag:$0x9] =	stream.linear.gather [hbm4b:s9+s4], $0x2780, $0x38;
	[tilespmem:$0x16B40] =	vst v63  }
0x26: {  	_ =	swait.ge [sflag:s16], $0x2780  }
0x27: {  	[sflag:s16] =	ssyncset.done $0x0  }
0x28: {  	[sflag:s16] =	ssyncadd.s32 $0xFFFFD880  }
0x29: {  	[bflag:$0x0] =	sbarrier.arrive $0xFFFF  }
0x2a: {  	[tilespmem:s20], [sflag:$0x1] =	stream.indirect.gather [spmem:s3], $0x20, s4, s19, $0xb8;
	[tilespmem:$0x16B40] =	vst v63  }
0x2b: {  	_ = 	snop  }
0x2c: {  	[tilespmem:s21], [sflag:$0x2] =	stream.indirect.gather [spmem:s3], $0x20, s19, s19, $0xb8;
	[tilespmem:$0x16B40] =	vst v63  }
0x2d: {  	s9 =	simm.s32 $0x100  }
0x2e: {  	[tilespmem:s23], [sflag:$0x3] =	stream.indirect.gather [spmem:s3], $0x20, s9, s19, $0xb8;
	[tilespmem:$0x16B40] =	vst v63  }
0x2f: {  	s8 =	simm.s32 $0x180  }
0x30: {  	[tilespmem:s25], [sflag:$0x4] =	stream.indirect.gather [spmem:s3], $0x20, s8, s19, $0xb8;
	[tilespmem:$0x16B40] =	vst v63  }
0x31: {  	s9 =	simm.s32 $0x200  }
0x32: {  	[tilespmem:s28], [sflag:$0x5] =	stream.indirect.gather [spmem:s3], $0x20, s9, s19, $0xb8;
	[tilespmem:$0x16B40] =	vst v63  }
0x33: {  	s8 =	simm.s32 $0x280  }
0x34: {  	[tilespmem:s30], [sflag:$0x6] =	stream.indirect.gather [spmem:s3], $0x20, s8, s19, $0xb8;
	[tilespmem:$0x16B40] =	vst v63  }
0x35: {  	s9 =	simm.s32 $0x300  }
0x36: {  	[tilespmem:s0], [sflag:$0x7] =	stream.indirect.gather [spmem:s3], $0x20, s9, s19, $0xb8;
	[tilespmem:$0x16B40] =	vst v63  }
0x37: {  	s8 =	simm.s32 $0x380  }
0x38: {  	[tilespmem:s18], [sflag:$0x8] =	stream.indirect.gather [spmem:s3], $0x20, s8, s19, $0xb8;
	[tilespmem:$0x16B40] =	vst v63  }
0x39: {  	_ =	swait.ge [sflag:s13], $0x1000  }
0x3a: {  	[sflag:s13] =	ssyncset.done $0x0  }
0x3b: {  	s9 =	simm.s32 $0x2780;
	[sflag:s13] =	ssyncadd.s32 $0xFFFFF000  }
0x3c: {  	[spmem:s2] =	stream.indirect.scatter.add.f32 [tilespmem:s20], [sflag:$0x9], $0x20, s9, s19, $0xb8;
	[tilespmem:$0x16B40] =	vst v63  }
0x3d: {  	_ =	swait.ge [sflag:s16], $0x1000  }
0x3e: {  	[sflag:s16] =	ssyncset.done $0x0  }
0x3f: {  	s8 =	simm.s32 $0x400;
	[sflag:s16] =	ssyncadd.s32 $0xFFFFF000  }
0x40: {  	[tilespmem:s20], [sflag:$0x1] =	stream.indirect.gather [spmem:s3], $0x20, s8, s19, $0xb8;
	[tilespmem:$0x16B40] =	vst v63  }
0x41: {  	_ =	swait.ge [sflag:s22], $0x1000  }
0x42: {  	[sflag:s22] =	ssyncset.done $0x0  }
0x43: {  	s9 =	simm.s32 $0x2800;
	[sflag:s22] =	ssyncadd.s32 $0xFFFFF000  }
0x44: {  	[spmem:s2] =	stream.indirect.scatter.add.f32 [tilespmem:s21], [sflag:$0x9], $0x20, s9, s19, $0xb8;
	[tilespmem:$0x16B40] =	vst v63  }
0x45: {  	_ =	swait.ge [sflag:s16], $0x1000  }
0x46: {  	[sflag:s16] =	ssyncset.done $0x0  }
0x47: {  	s8 =	simm.s32 $0x480;
	[sflag:s16] =	ssyncadd.s32 $0xFFFFF000  }
0x48: {  	[tilespmem:s21], [sflag:$0x2] =	stream.indirect.gather [spmem:s3], $0x20, s8, s19, $0xb8;
	[tilespmem:$0x16B40] =	vst v63  }
0x49: {  	_ =	swait.ge [sflag:s24], $0x1000  }
0x4a: {  	[sflag:s24] =	ssyncset.done $0x0  }
0x4b: {  	s9 =	simm.s32 $0x2880;
	[sflag:s24] =	ssyncadd.s32 $0xFFFFF000  }
0x4c: {  	[spmem:s2] =	stream.indirect.scatter.add.f32 [tilespmem:s23], [sflag:$0x9], $0x20, s9, s19, $0xb8;
	[tilespmem:$0x16B40] =	vst v63  }
0x4d: {  	_ =	swait.ge [sflag:s16], $0x1000  }
0x4e: {  	[sflag:s16] =	ssyncset.done $0x0  }
0x4f: {  	s8 =	simm.s32 $0x500;
	[sflag:s16] =	ssyncadd.s32 $0xFFFFF000  }
0x50: {  	[tilespmem:s23], [sflag:$0x3] =	stream.indirect.gather [spmem:s3], $0x20, s8, s19, $0xb8;
	[tilespmem:$0x16B40] =	vst v63  }
0x51: {  	_ =	swait.ge [sflag:s14], $0x1000  }
0x52: {  	[sflag:s14] =	ssyncset.done $0x0  }
0x53: {  	s9 =	simm.s32 $0x2900;
	[sflag:s14] =	ssyncadd.s32 $0xFFFFF000  }
0x54: {  	[spmem:s2] =	stream.indirect.scatter.add.f32 [tilespmem:s25], [sflag:$0x9], $0x20, s9, s19, $0xb8;
	[tilespmem:$0x16B40] =	vst v63  }
0x55: {  	_ =	swait.ge [sflag:s16], $0x1000  }
0x56: {  	[sflag:s16] =	ssyncset.done $0x0  }
0x57: {  	s8 =	simm.s32 $0x580;
	[sflag:s16] =	ssyncadd.s32 $0xFFFFF000  }
0x58: {  	[tilespmem:s25], [sflag:$0x4] =	stream.indirect.gather [spmem:s3], $0x20, s8, s19, $0xb8;
	[tilespmem:$0x16B40] =	vst v63  }
0x59: {  	_ =	swait.ge [sflag:s26], $0x1000  }
0x5a: {  	[sflag:s26] =	ssyncset.done $0x0  }
0x5b: {  	s9 =	simm.s32 $0x2980;
	[sflag:s26] =	ssyncadd.s32 $0xFFFFF000  }
0x5c: {  	[spmem:s2] =	stream.indirect.scatter.add.f32 [tilespmem:s28], [sflag:$0x9], $0x20, s9, s19, $0xb8;
	[tilespmem:$0x16B40] =	vst v63  }
0x5d: {  	_ =	swait.ge [sflag:s16], $0x1000  }
0x5e: {  	[sflag:s16] =	ssyncset.done $0x0  }
0x5f: {  	s8 =	simm.s32 $0x600;
	[sflag:s16] =	ssyncadd.s32 $0xFFFFF000  }
0x60: {  	[tilespmem:s28], [sflag:$0x5] =	stream.indirect.gather [spmem:s3], $0x20, s8, s19, $0xb8;
	[tilespmem:$0x16B40] =	vst v63  }
0x61: {  	_ =	swait.ge [sflag:s29], $0x1000  }
0x62: {  	[sflag:s29] =	ssyncset.done $0x0  }
0x63: {  	s9 =	simm.s32 $0x2A00;
	[sflag:s29] =	ssyncadd.s32 $0xFFFFF000  }
0x64: {  	[spmem:s2] =	stream.indirect.scatter.add.f32 [tilespmem:s30], [sflag:$0x9], $0x20, s9, s19, $0xb8;
	[tilespmem:$0x16B40] =	vst v63  }
0x65: {  	_ =	swait.ge [sflag:s16], $0x1000  }
0x66: {  	[sflag:s16] =	ssyncset.done $0x0  }
0x67: {  	s8 =	simm.s32 $0x680;
	[sflag:s16] =	ssyncadd.s32 $0xFFFFF000  }
0x68: {  	[tilespmem:s30], [sflag:$0x6] =	stream.indirect.gather [spmem:s3], $0x20, s8, s19, $0xb8;
	[tilespmem:$0x16B40] =	vst v63  }
0x69: {  	_ =	swait.ge [sflag:s31], $0x1000  }
0x6a: {  	[sflag:s31] =	ssyncset.done $0x0  }
0x6b: {  	s9 =	simm.s32 $0x2A80;
	[sflag:s31] =	ssyncadd.s32 $0xFFFFF000  }
0x6c: {  	[spmem:s2] =	stream.indirect.scatter.add.f32 [tilespmem:s0], [sflag:$0x9], $0x20, s9, s19, $0xb8;
	[tilespmem:$0x16B40] =	vst v63  }
0x6d: {  	_ =	swait.ge [sflag:s16], $0x1000  }
0x6e: {  	[sflag:s16] =	ssyncset.done $0x0  }
0x6f: {  	s8 =	simm.s32 $0x700;
	[sflag:s16] =	ssyncadd.s32 $0xFFFFF000  }
0x70: {  	[tilespmem:s0], [sflag:$0x7] =	stream.indirect.gather [spmem:s3], $0x20, s8, s19, $0xb8;
	[tilespmem:$0x16B40] =	vst v63  }
0x71: {  	_ =	swait.ge [sflag:s1], $0x1000  }
0x72: {  	[sflag:s1] =	ssyncset.done $0x0  }
0x73: {  	s9 =	simm.s32 $0x2B00;
	[sflag:s1] =	ssyncadd.s32 $0xFFFFF000  }
0x74: {  	[spmem:s2] =	stream.indirect.scatter.add.f32 [tilespmem:s18], [sflag:$0x9], $0x20, s9, s19, $0xb8;
	[tilespmem:$0x16B40] =	vst v63  }
0x75: {  	_ =	swait.ge [sflag:s16], $0x1000  }
0x76: {  	[sflag:s16] =	ssyncset.done $0x0  }
0x77: {  	s7 =	simm.s32 $0x1000;
	s8 =	simm.s32 $0x780;
	[sflag:s16] =	ssyncadd.s32 $0xFFFFF000  }
.LBB2_2:
0x78: {  	[tilespmem:s18], [sflag:$0x8] =	stream.indirect.gather [spmem:s3], $0x20, s8, s19, $0xb8;
	[tilespmem:$0x16B40] =	vst v63  }
0x79: {  	s8 =	smov.u32 s7  }
0x7a: {  	p1 =	sne.s32 s7, $0x7000;
	s7 =	sadd.s32 $0x1000, s7;
	_ =	swait.ge [sflag:s13], $0x1000  }
0x7b: {  	s8 =	sshra.s32 s8, $0x2;
	[sflag:s13] =	ssyncset.done $0x0  }
0x7c: {  	s9 =	sadd.s32 $0x2780, s8;
	[sflag:s13] =	ssyncadd.s32 $0xFFFFF000  }
0x7d: {  	[spmem:s2] =	stream.indirect.scatter.add.f32 [tilespmem:s20], [sflag:$0x9], $0x20, s9, s19, $0xb8;
	[tilespmem:$0x16B40] =	vst v63  }
0x7e: {  	_ =	swait.ge [sflag:s16], $0x1000  }
0x7f: {  	[sflag:s16] =	ssyncset.done $0x0  }
0x80: {  	s9 =	sadd.s32 $0x400, s8;
	[sflag:s16] =	ssyncadd.s32 $0xFFFFF000  }
0x81: {  	[tilespmem:s20], [sflag:$0x1] =	stream.indirect.gather [spmem:s3], $0x20, s9, s19, $0xb8;
	[tilespmem:$0x16B40] =	vst v63  }
0x82: {  	_ =	swait.ge [sflag:s22], $0x1000  }
0x83: {  	[sflag:s22] =	ssyncset.done $0x0  }
0x84: {  	s9 =	sadd.s32 $0x2800, s8;
	[sflag:s22] =	ssyncadd.s32 $0xFFFFF000  }
0x85: {  	[spmem:s2] =	stream.indirect.scatter.add.f32 [tilespmem:s21], [sflag:$0x9], $0x20, s9, s19, $0xb8;
	[tilespmem:$0x16B40] =	vst v63  }
0x86: {  	_ =	swait.ge [sflag:s16], $0x1000  }
0x87: {  	[sflag:s16] =	ssyncset.done $0x0  }
0x88: {  	s9 =	sadd.s32 $0x480, s8;
	[sflag:s16] =	ssyncadd.s32 $0xFFFFF000  }
0x89: {  	[tilespmem:s21], [sflag:$0x2] =	stream.indirect.gather [spmem:s3], $0x20, s9, s19, $0xb8;
	[tilespmem:$0x16B40] =	vst v63  }
0x8a: {  	_ =	swait.ge [sflag:s24], $0x1000  }
0x8b: {  	[sflag:s24] =	ssyncset.done $0x0  }
0x8c: {  	s9 =	sadd.s32 $0x2880, s8;
	[sflag:s24] =	ssyncadd.s32 $0xFFFFF000  }
0x8d: {  	[spmem:s2] =	stream.indirect.scatter.add.f32 [tilespmem:s23], [sflag:$0x9], $0x20, s9, s19, $0xb8;
	[tilespmem:$0x16B40] =	vst v63  }
0x8e: {  	_ =	swait.ge [sflag:s16], $0x1000  }
0x8f: {  	[sflag:s16] =	ssyncset.done $0x0  }
0x90: {  	s9 =	sadd.s32 $0x500, s8;
	[sflag:s16] =	ssyncadd.s32 $0xFFFFF000  }
0x91: {  	[tilespmem:s23], [sflag:$0x3] =	stream.indirect.gather [spmem:s3], $0x20, s9, s19, $0xb8;
	[tilespmem:$0x16B40] =	vst v63  }
0x92: {  	_ =	swait.ge [sflag:s14], $0x1000  }
0x93: {  	[sflag:s14] =	ssyncset.done $0x0  }
0x94: {  	s9 =	sadd.s32 $0x2900, s8;
	[sflag:s14] =	ssyncadd.s32 $0xFFFFF000  }
0x95: {  	[spmem:s2] =	stream.indirect.scatter.add.f32 [tilespmem:s25], [sflag:$0x9], $0x20, s9, s19, $0xb8;
	[tilespmem:$0x16B40] =	vst v63  }
0x96: {  	_ =	swait.ge [sflag:s16], $0x1000  }
0x97: {  	[sflag:s16] =	ssyncset.done $0x0  }
0x98: {  	s9 =	sadd.s32 $0x580, s8;
	[sflag:s16] =	ssyncadd.s32 $0xFFFFF000  }
0x99: {  	[tilespmem:s25], [sflag:$0x4] =	stream.indirect.gather [spmem:s3], $0x20, s9, s19, $0xb8;
	[tilespmem:$0x16B40] =	vst v63  }
0x9a: {  	_ =	swait.ge [sflag:s26], $0x1000  }
0x9b: {  	[sflag:s26] =	ssyncset.done $0x0  }
0x9c: {  	s9 =	sadd.s32 $0x2980, s8;
	[sflag:s26] =	ssyncadd.s32 $0xFFFFF000  }
0x9d: {  	[spmem:s2] =	stream.indirect.scatter.add.f32 [tilespmem:s28], [sflag:$0x9], $0x20, s9, s19, $0xb8;
	[tilespmem:$0x16B40] =	vst v63  }
0x9e: {  	_ =	swait.ge [sflag:s16], $0x1000  }
0x9f: {  	[sflag:s16] =	ssyncset.done $0x0  }
0xa0: {  	s9 =	sadd.s32 $0x600, s8;
	[sflag:s16] =	ssyncadd.s32 $0xFFFFF000  }
0xa1: {  	[tilespmem:s28], [sflag:$0x5] =	stream.indirect.gather [spmem:s3], $0x20, s9, s19, $0xb8;
	[tilespmem:$0x16B40] =	vst v63  }
0xa2: {  	_ =	swait.ge [sflag:s29], $0x1000  }
0xa3: {  	[sflag:s29] =	ssyncset.done $0x0  }
0xa4: {  	s9 =	sadd.s32 $0x2A00, s8;
	[sflag:s29] =	ssyncadd.s32 $0xFFFFF000  }
0xa5: {  	[spmem:s2] =	stream.indirect.scatter.add.f32 [tilespmem:s30], [sflag:$0x9], $0x20, s9, s19, $0xb8;
	[tilespmem:$0x16B40] =	vst v63  }
0xa6: {  	_ =	swait.ge [sflag:s16], $0x1000  }
0xa7: {  	[sflag:s16] =	ssyncset.done $0x0  }
0xa8: {  	s9 =	sadd.s32 $0x680, s8;
	[sflag:s16] =	ssyncadd.s32 $0xFFFFF000  }
0xa9: {  	[tilespmem:s30], [sflag:$0x6] =	stream.indirect.gather [spmem:s3], $0x20, s9, s19, $0xb8;
	[tilespmem:$0x16B40] =	vst v63  }
0xaa: {  	_ =	swait.ge [sflag:s31], $0x1000  }
0xab: {  	[sflag:s31] =	ssyncset.done $0x0  }
0xac: {  	s9 =	sadd.s32 $0x2A80, s8;
	[sflag:s31] =	ssyncadd.s32 $0xFFFFF000  }
0xad: {  	[spmem:s2] =	stream.indirect.scatter.add.f32 [tilespmem:s0], [sflag:$0x9], $0x20, s9, s19, $0xb8;
	[tilespmem:$0x16B40] =	vst v63  }
0xae: {  	_ =	swait.ge [sflag:s16], $0x1000  }
0xaf: {  	[sflag:s16] =	ssyncset.done $0x0  }
0xb0: {  	s9 =	sadd.s32 $0x700, s8;
	[sflag:s16] =	ssyncadd.s32 $0xFFFFF000  }
0xb1: {  	[tilespmem:s0], [sflag:$0x7] =	stream.indirect.gather [spmem:s3], $0x20, s9, s19, $0xb8;
	[tilespmem:$0x16B40] =	vst v63  }
0xb2: {  	_ =	swait.ge [sflag:s1], $0x1000  }
0xb3: {  	[sflag:s1] =	ssyncset.done $0x0  }
.Ltmp0:
0xb4: {  	s9 =	sadd.s32 $0x2B00, s8;
	[sflag:s1] =	ssyncadd.s32 $0xFFFFF000;
	(pc) =	sbr.rel @p1 .LBB2_2-.Ltmp0, $4  }
0xb5: {  	[spmem:s2] =	stream.indirect.scatter.add.f32 [tilespmem:s18], [sflag:$0x9], $0x20, s9, s19, $0xb8;
	[tilespmem:$0x16B40] =	vst v63  }
0xb6: {  	_ =	swait.ge [sflag:s16], $0x1000  }
0xb7: {  	[sflag:s16] =	ssyncset.done $0x0  }
0xb8: {  	s8 =	sadd.s32 $0x780, s8;
	[sflag:s16] =	ssyncadd.s32 $0xFFFFF000  }
0xb9: {  	[tilespmem:s18], [sflag:$0x8] =	stream.indirect.gather [spmem:s3], $0x20, s8, s19, $0xb8;
	[tilespmem:$0x16B40] =	vst v63  }
0xba: {  	_ =	swait.ge [sflag:s13], $0x1000  }
0xbb: {  	[sflag:s13] =	ssyncset.done $0x0  }
0xbc: {  	s7 =	simm.s32 $0x4780;
	[sflag:s13] =	ssyncadd.s32 $0xFFFFF000  }
0xbd: {  	[spmem:s2] =	stream.indirect.scatter.add.f32 [tilespmem:s20], [sflag:$0x9], $0x20, s7, s19, $0xb8;
	[tilespmem:$0x16B40] =	vst v63  }
0xbe: {  	_ =	swait.ge [sflag:s16], $0x1000  }
0xbf: {  	[sflag:s16] =	ssyncset.done $0x0  }
0xc0: {  	s8 =	simm.s32 $0x2400;
	[sflag:s16] =	ssyncadd.s32 $0xFFFFF000  }
0xc1: {  	[tilespmem:s20], [sflag:$0x1] =	stream.indirect.gather [spmem:s3], $0x20, s8, s19, $0xb8;
	[tilespmem:$0x16B40] =	vst v63  }
0xc2: {  	_ =	swait.ge [sflag:s22], $0x1000  }
0xc3: {  	[sflag:s22] =	ssyncset.done $0x0  }
0xc4: {  	s9 =	simm.s32 $0x4800;
	[sflag:s22] =	ssyncadd.s32 $0xFFFFF000  }
0xc5: {  	[spmem:s2] =	stream.indirect.scatter.add.f32 [tilespmem:s21], [sflag:$0x9], $0x20, s9, s19, $0xb8;
	[tilespmem:$0x16B40] =	vst v63  }
0xc6: {  	_ =	swait.ge [sflag:s16], $0x1000  }
0xc7: {  	[sflag:s16] =	ssyncset.done $0x0  }
0xc8: {  	s8 =	simm.s32 $0x2480;
	[sflag:s16] =	ssyncadd.s32 $0xFFFFF000  }
0xc9: {  	[tilespmem:s21], [sflag:$0x2] =	stream.indirect.gather [spmem:s3], $0x20, s8, s19, $0xb8;
	[tilespmem:$0x16B40] =	vst v63  }
0xca: {  	_ =	swait.ge [sflag:s24], $0x1000  }
0xcb: {  	[sflag:s24] =	ssyncset.done $0x0  }
0xcc: {  	s9 =	simm.s32 $0x4880;
	[sflag:s24] =	ssyncadd.s32 $0xFFFFF000  }
0xcd: {  	[spmem:s2] =	stream.indirect.scatter.add.f32 [tilespmem:s23], [sflag:$0x9], $0x20, s9, s19, $0xb8;
	[tilespmem:$0x16B40] =	vst v63  }
0xce: {  	_ =	swait.ge [sflag:s16], $0x1000  }
0xcf: {  	[sflag:s16] =	ssyncset.done $0x0  }
0xd0: {  	s8 =	simm.s32 $0x2500;
	[sflag:s16] =	ssyncadd.s32 $0xFFFFF000  }
0xd1: {  	[tilespmem:s23], [sflag:$0x3] =	stream.indirect.gather [spmem:s3], $0x20, s8, s19, $0xb8;
	[tilespmem:$0x16B40] =	vst v63  }
0xd2: {  	_ =	swait.ge [sflag:s14], $0x1000  }
0xd3: {  	[sflag:s14] =	ssyncset.done $0x0  }
0xd4: {  	s9 =	simm.s32 $0x4900;
	[sflag:s14] =	ssyncadd.s32 $0xFFFFF000  }
0xd5: {  	[spmem:s2] =	stream.indirect.scatter.add.f32 [tilespmem:s25], [sflag:$0x9], $0x20, s9, s19, $0xb8;
	[tilespmem:$0x16B40] =	vst v63  }
0xd6: {  	_ =	swait.ge [sflag:s16], $0x1000  }
0xd7: {  	[sflag:s16] =	ssyncset.done $0x0  }
0xd8: {  	s8 =	simm.s32 $0x2580;
	[sflag:s16] =	ssyncadd.s32 $0xFFFFF000  }
0xd9: {  	[tilespmem:s25], [sflag:$0x4] =	stream.indirect.gather [spmem:s3], $0x20, s8, s19, $0xb8;
	[tilespmem:$0x16B40] =	vst v63  }
0xda: {  	_ =	swait.ge [sflag:s26], $0x1000  }
0xdb: {  	[sflag:s26] =	ssyncset.done $0x0  }
0xdc: {  	s9 =	simm.s32 $0x4980;
	[sflag:s26] =	ssyncadd.s32 $0xFFFFF000  }
0xdd: {  	[spmem:s2] =	stream.indirect.scatter.add.f32 [tilespmem:s28], [sflag:$0x9], $0x20, s9, s19, $0xb8;
	[tilespmem:$0x16B40] =	vst v63  }
0xde: {  	_ =	swait.ge [sflag:s16], $0x1000  }
0xdf: {  	[sflag:s16] =	ssyncset.done $0x0  }
0xe0: {  	s8 =	simm.s32 $0x2600;
	[sflag:s16] =	ssyncadd.s32 $0xFFFFF000  }
0xe1: {  	[tilespmem:s28], [sflag:$0x5] =	stream.indirect.gather [spmem:s3], $0x20, s8, s19, $0xb8;
	[tilespmem:$0x16B40] =	vst v63  }
0xe2: {  	_ =	swait.ge [sflag:s29], $0x1000  }
0xe3: {  	[sflag:s29] =	ssyncset.done $0x0  }
0xe4: {  	s9 =	simm.s32 $0x4A00;
	[sflag:s29] =	ssyncadd.s32 $0xFFFFF000  }
0xe5: {  	[spmem:s2] =	stream.indirect.scatter.add.f32 [tilespmem:s30], [sflag:$0x9], $0x20, s9, s19, $0xb8;
	[tilespmem:$0x16B40] =	vst v63  }
0xe6: {  	_ =	swait.ge [sflag:s16], $0x1000  }
0xe7: {  	[sflag:s16] =	ssyncset.done $0x0  }
0xe8: {  	s8 =	simm.s32 $0x2680;
	[sflag:s16] =	ssyncadd.s32 $0xFFFFF000  }
0xe9: {  	[tilespmem:s30], [sflag:$0x6] =	stream.indirect.gather [spmem:s3], $0x20, s8, s19, $0xb8;
	[tilespmem:$0x16B40] =	vst v63  }
0xea: {  	_ =	swait.ge [sflag:s31], $0x1000  }
0xeb: {  	[sflag:s31] =	ssyncset.done $0x0  }
0xec: {  	s9 =	simm.s32 $0x4A80;
	[sflag:s31] =	ssyncadd.s32 $0xFFFFF000  }
0xed: {  	[spmem:s2] =	stream.indirect.scatter.add.f32 [tilespmem:s0], [sflag:$0x9], $0x20, s9, s19, $0xb8;
	[tilespmem:$0x16B40] =	vst v63  }
0xee: {  	_ =	swait.ge [sflag:s16], $0x1000  }
0xef: {  	s7 =	simm.s32 @!p0 $0x80;
	[sflag:s16] =	ssyncset.done $0x0  }
0xf0: {  	s8 =	simm.s32 @!p0 $0x2700;
	s9 =	simm.s32 @!p0 $0xAF00;
	[sflag:s16] =	ssyncadd.s32 $0xFFFFF000  }
0xf1: {  	[tilespmem:s9], [sflag:$0x7] =	stream.indirect.gather @!p0 [spmem:s3], $0x20, s8, s7, $0xb8;
	[tilespmem:$0x16B40] =	vst v63  }
0xf2: {  	_ =	swait.ge [sflag:s1], $0x1000  }
0xf3: {  	[sflag:s1] =	ssyncset.done $0x0  }
0xf4: {  	s8 =	simm.s32 $0x4B00;
	[sflag:s1] =	ssyncadd.s32 $0xFFFFF000  }
0xf5: {  	[spmem:s2] =	stream.indirect.scatter.add.f32 [tilespmem:s18], [sflag:$0x9], $0x20, s8, s19, $0xb8;
	[tilespmem:$0x16B40] =	vst v63  }
0xf6: {  	_ =	swait.ge [sflag:s16], $0x1000  }
0xf7: {  	[sflag:s16] =	ssyncset.done $0x0  }
0xf8: {  	[sflag:s16] =	ssyncadd.s32 $0xFFFFF000  }
0xf9: {  	_ =	swait.ge [sflag:s13], $0x1000  }
0xfa: {  	[sflag:s13] =	ssyncset.done $0x0  }
0xfb: {  	s8 =	simm.s32 $0x4B80;
	[sflag:s13] =	ssyncadd.s32 $0xFFFFF000  }
0xfc: {  	[spmem:s2] =	stream.indirect.scatter.add.f32 [tilespmem:s20], [sflag:$0x9], $0x20, s8, s19, $0xb8;
	[tilespmem:$0x16B40] =	vst v63  }
0xfd: {  	_ =	swait.ge [sflag:s16], $0x1000  }
0xfe: {  	[sflag:s16] =	ssyncset.done $0x0  }
0xff: {  	[sflag:s16] =	ssyncadd.s32 $0xFFFFF000  }
0x100: {  	_ =	swait.ge [sflag:s22], $0x1000  }
0x101: {  	[sflag:s22] =	ssyncset.done $0x0  }
0x102: {  	s8 =	simm.s32 $0x4C00;
	[sflag:s22] =	ssyncadd.s32 $0xFFFFF000  }
0x103: {  	[spmem:s2] =	stream.indirect.scatter.add.f32 [tilespmem:s21], [sflag:$0x9], $0x20, s8, s19, $0xb8;
	[tilespmem:$0x16B40] =	vst v63  }
0x104: {  	_ =	swait.ge [sflag:s16], $0x1000  }
0x105: {  	[sflag:s16] =	ssyncset.done $0x0  }
0x106: {  	[sflag:s16] =	ssyncadd.s32 $0xFFFFF000  }
0x107: {  	_ =	swait.ge [sflag:s24], $0x1000  }
0x108: {  	[sflag:s24] =	ssyncset.done $0x0  }
0x109: {  	s8 =	simm.s32 $0x4C80;
	[sflag:s24] =	ssyncadd.s32 $0xFFFFF000  }
0x10a: {  	[spmem:s2] =	stream.indirect.scatter.add.f32 [tilespmem:s23], [sflag:$0x9], $0x20, s8, s19, $0xb8;
	[tilespmem:$0x16B40] =	vst v63  }
0x10b: {  	_ =	swait.ge [sflag:s16], $0x1000  }
0x10c: {  	[sflag:s16] =	ssyncset.done $0x0  }
0x10d: {  	[sflag:s16] =	ssyncadd.s32 $0xFFFFF000  }
0x10e: {  	_ =	swait.ge [sflag:s14], $0x1000  }
0x10f: {  	[sflag:s14] =	ssyncset.done $0x0  }
0x110: {  	s8 =	simm.s32 $0x4D00;
	[sflag:s14] =	ssyncadd.s32 $0xFFFFF000  }
0x111: {  	[spmem:s2] =	stream.indirect.scatter.add.f32 [tilespmem:s25], [sflag:$0x9], $0x20, s8, s19, $0xb8;
	[tilespmem:$0x16B40] =	vst v63  }
0x112: {  	_ =	swait.ge [sflag:s16], $0x1000  }
0x113: {  	[sflag:s16] =	ssyncset.done $0x0  }
0x114: {  	[sflag:s16] =	ssyncadd.s32 $0xFFFFF000  }
0x115: {  	_ =	swait.ge [sflag:s26], $0x1000  }
0x116: {  	[sflag:s26] =	ssyncset.done $0x0  }
0x117: {  	s8 =	simm.s32 $0x4D80;
	[sflag:s26] =	ssyncadd.s32 $0xFFFFF000  }
0x118: {  	[spmem:s2] =	stream.indirect.scatter.add.f32 [tilespmem:s28], [sflag:$0x9], $0x20, s8, s19, $0xb8;
	[tilespmem:$0x16B40] =	vst v63  }
0x119: {  	_ =	swait.ge [sflag:s16], $0x1000  }
0x11a: {  	[sflag:s16] =	ssyncset.done $0x0  }
0x11b: {  	[sflag:s16] =	ssyncadd.s32 $0xFFFFF000  }
0x11c: {  	_ =	swait.ge [sflag:s29], $0x1000  }
0x11d: {  	[sflag:s29] =	ssyncset.done $0x0  }
0x11e: {  	s8 =	simm.s32 $0x4E00;
	[sflag:s29] =	ssyncadd.s32 $0xFFFFF000  }
0x11f: {  	[spmem:s2] =	stream.indirect.scatter.add.f32 [tilespmem:s30], [sflag:$0x9], $0x20, s8, s19, $0xb8;
	[tilespmem:$0x16B40] =	vst v63  }
0x120: {  	_ =	swait.ge [sflag:s16], $0x1000  }
0x121: {  	[sflag:s16] =	ssyncset.done $0x0  }
0x122: {  	s8 =	simm.s32 @!p0 $0x7;
	[sflag:s16] =	ssyncadd.s32 $0xFFFFF000  }
0x123: {  	_ =	swait.ge @!p0 [sflag:s8], $0x1000  }
0x124: {  	[sflag:s8] =	ssyncset.done @!p0 $0x0  }
0x125: {  	[sflag:s8] =	ssyncadd.s32 @!p0 $0xFFFFF000;
	s8 =	simm.s32 @!p0 $0x4E80  }
0x126: {  	[spmem:s2] =	stream.indirect.scatter.add.f32 @!p0 [tilespmem:s9], [sflag:$0x9], $0x20, s8, s7, $0xb8;
	[tilespmem:$0x16B40] =	vst v63  }
0x127: {  	s7 =	simm.s32 @!p0 $0x9  }
0x128: {  	_ =	swait.ge @!p0 [sflag:s7], $0x1000  }
0x129: {  	s5 =	sadd.s32 $0x1, s5;
	[sflag:s7] =	ssyncset.done @!p0 $0x0  }
0x12a: {  	p1 =	sne.s32 s5, s11;
	[sflag:s7] =	ssyncadd.s32 @!p0 $0xFFFFF000  }
.Ltmp1:
0x12b: {  	[bflag:$0x0] =	sbarrier.arrive $0xFFFF;
	(pc) =	sbr.rel @p1 .LBB2_1-.Ltmp1, $4  }
0x12c: {  	[hbm:s10@s15], [sflag:s6] =	dma.strided [spmem:s12@s14], $0x9C4, s13, $0x4   }
0x12d: {  	_ =	swait.ge [sflag:s16], $0x9C4  }
0x12e: {  	[sflag:s16] =	ssyncset.done $0x0  }
0x12f: {  	[sflag:s16] =	ssyncadd.s32 $0xFFFFF63C  }
0x130: {  	_ =	sfence.sel $0x180000  }
0x131: {  	[bflag:$0x0] =	sbarrier.arrive $0xFFFF  }
0x132: {  	_ =	strace $0x9000004A  }
0x133: {  	s0 =	stileid.u32;
	[bflag:$0x2] =	sbarrier.arrive $0xFFFF  }
0x134: {  	p0 =	sne.s32 s0, $0x0;
	s0 =	rddreg [dreg:$0x3]  }
0x135: {  	s0 =	sadd.s32 @!p0 $0x100000, s0  }
0x136: {  	[sflag:s0] =	ssyncadd.tile.s32 @!p0 $0x1;
	_ =	shalt  }
.Lfunc_end2:
_tile_overlayer_lowered:
.L_overlay_start_2:
0x137: {  	(tag) =	ssettag $0x2  }
0x138: {  	s0 =	rddreg [dreg:$0x0];
	s2 =	stileid.u32  }
0x139: {  	s1 =	rddreg [dreg:$0x1];
	p0 =	sne.s32 s2, $0x0  }
0x13a: {  	s3 =	rddreg [dreg:$0x2];
	[bflag:$0x3] =	sbarrier.arrive $0xFFFF;
	s2 =	simm.s32 @!p0 $0x1C09  }
0x13b: {  	[timem:s3], [sflag:s2] =	dma.local @!p0 [hbm:s0], s1  }
0x13c: {  	s0 =	simm.s32 @!p0 $0x9  }
0x13d: {  	_ =	swait.ge @!p0 [sflag:s0], s1  }
0x13e: {  	s1 =	ssub.s32 @!p0 $0x0, s1;
	[sflag:s0] =	ssyncset.done @!p0 $0x0  }
0x13f: {  	[sflag:s0] =	ssyncadd.s32 @!p0 s1  }
0x140: {  	[bflag:$0x3] =	sbarrier.arrive $0xFFFF  }
0x141: {  	_ =	shalt  }

// kernel: kernel.17.cloned.1.call-start
scs
__scs_entry_jumppad:
0x0: {  	(pc) =	sbr.rel $0x88, $3  }
0x1: {  	(tag) =	ssettag $0x0;
	lr =	simm.s32 $0x1  }
0x2: {  	[smem:$0x3F95] =	sst lr;
	_ =	strace $0xD0000000  }
0x3: {  	_ = 	snop  }
0x4: {  	_ = 	snop  }
0x5: {  	_ = 	snop  }
0x6: {  	_ = 	snop  }
0x7: {  	_ = 	snop  }
__scs_overlays_trampoline_lowered:
0x8: {  	[smem:$0x3FA4] =	sst s0  }
0x9: {  	[smem:$0x3FA5] =	sst s1  }
0xa: {  	[smem:$0x3FA6] =	sst s2  }
0xb: {  	[smem:$0x3FA7] =	sst s3  }
0xc: {  	[smem:$0x3FA8] =	sst s4  }
0xd: {  	[smem:$0x3FA9] =	sst s5  }
0xe: {  	[smem:$0x3FAA] =	sst s6  }
0xf: {  	[smem:$0x3FAB] =	sst s7  }
0x10: {  	[smem:$0x3FAC] =	sst s8  }
0x11: {  	[smem:$0x3FAD] =	sst s9;
	s0 =	simm.s32 @!p0 $0x0  }
0x12: {  	s1 =	sld [smem:$0x3F93];
	s0 =	simm.s32 @p0 $0x1  }
0x13: {  	[smem:$0x3FAE] =	sst s0;
	s0 =	simm.s32 @!p1 $0x0  }
0x14: {  	s2 =	sld [smem:$0x3F92];
	s0 =	simm.s32 @p1 $0x1  }
0x15: {  	[smem:$0x3FAF] =	sst s0;
	s0 =	simm.s32 @!p2 $0x0  }
0x16: {  	s3 =	sld [smem:$0x3FDB];
	s0 =	simm.s32 @p2 $0x1  }
0x17: {  	s4 =	simm.s32 $0x1BF5;
	[smem:$0x3FB1] =	sst s0  }
0x18: {  	s0 =	sld [smem:$0x3F94];
	_ =	swait.ge [sflag:s4], $0x0  }
0x19: {  	s7 =	sld [smem:$0x3F95]  }
0x1a: {  	s8 =	sadd.s32 $0xFFFFE003, lr  }
0x1b: {  	s9 =	sadd.s32 $0xFFFFFEF7, lr;
	s5 =	simm.s32 $0xFFFFFFFF;
	p2 =	slt.u32 s8, $0xFFFFF086  }
0x1c: {  	p1 =	slt.u32 s9, $0xF7A;
	s5 =	simm.s32 @!p2 $0x0  }
0x1d: {  	s5 =	simm.s32 @p1 $0x1;
	p0 =	seq.s32 s7, s2  }
0x1e: {  	s7 =	smul.u32 @!p0 $0xF7A, s2;
	p2 =	seq.s32 @!p0 s5, $0x0  }
0x1f: {  	s9 =	smul.u32 $0xF7A, s1;
	s8 =	simm.s32 @!p0 $0x1BF5;
	p2 =	por !p2, p0  }
0x20: {  	[sflag:s8] =	ssyncset.s32 @!p0 $0xFFFFF086;
	s6 =	sadd.s32 @!p0 s3, s7;
	s7 =	simm.s32 @!p0 $0x108  }
0x21: {  	s3 =	sadd.s32 s3, s9;
	s6 =	sadd.s32 @!p0 $0x88, s6;
	s7 =	simm.s32 @p2 $0x1082  }
0x22: {  	[simem:s7], [sflag:s8] =	dma.local @!p0 [hbm:s6], $0xF7A  }
0x23: {  	s9 =	sor.u32 $0xD0000000, s2;
	s6 =	simm.s32 $0x108;
	_ =	swait.ge @!p0 [sflag:s8], $0x0  }
0x24: {  	s3 =	sadd.s32 $0x88, s3;
	s6 =	simm.s32 @!p1 $0x1082;
	[sflag:s4] =	ssyncset.s32 $0xFFFFF086  }
0x25: {  	[simem:s6], [sflag:s4] =	dma.local [hbm:s3], $0xF7A  }
0x26: {  	[smem:$0x3F95] =	sst s1;
	(tag) =	ssettag s2;
	_ =	strace s9  }
0x27: {  	s1 =	sld [smem:$0x3FA5]  }
0x28: {  	s2 =	sld [smem:$0x3FA6]  }
0x29: {  	s4 =	sld [smem:$0x3FA8]  }
0x2a: {  	p0 =	seq.s32 s5, $0x0;
	s5 =	sld [smem:$0x3FA9]  }
0x2b: {  	s6 =	sld [smem:$0x3FAA]  }
0x2c: {  	s7 =	sld [smem:$0x3FAB]  }
0x2d: {  	s3 =	simm.s32 $0x108;
	s8 =	sld [smem:$0x3FAC]  }
0x2e: {  	s3 =	simm.s32 @!p0 $0x1082;
	s9 =	sld [smem:$0x3FAD]  }
0x2f: {  	lr =	sadd.s32 s0, s3;
	s0 =	sld [smem:$0x3FA4]  }
0x30: {  	s3 =	sld [smem:$0x3FA7]  }
0x31: {  	[smem:$0x3FB0] =	sst s10  }
0x32: {  	s10 =	sld [smem:$0x3FAE];
	_ =	sdelay $0x3  }
0x33: {  	p0 =	seq.s32 s10, $0x1;
	s10 =	sld [smem:$0x3FB0];
	_ =	sdelay $0x3  }
0x34: {  	[smem:$0x3FB0] =	sst s10  }
0x35: {  	s10 =	sld [smem:$0x3FAF];
	_ =	sdelay $0x3  }
0x36: {  	p1 =	seq.s32 s10, $0x1;
	s10 =	sld [smem:$0x3FB0];
	_ =	sdelay $0x3  }
0x37: {  	[smem:$0x3FB0] =	sst s10  }
0x38: {  	s10 =	sld [smem:$0x3FB1]  }
0x39: {  	_ = 	snop;
	(pc) =	sbr.ind lr, $3  }
0x3a: {  	_ = 	snop  }
0x3b: {  	_ = 	snop  }
0x3c: {  	p2 =	seq.s32 s10, $0x1;
	s10 =	sld [smem:$0x3FB0]  }
0x3d: {  	_ =	shalt  }
0x3e: {  	_ =	shalt  }
0x3f: {  	_ =	shalt  }
0x40: {  	_ =	shalt  }
0x41: {  	_ =	shalt  }
0x42: {  	_ =	shalt  }
0x43: {  	_ =	shalt  }
0x44: {  	_ =	shalt  }
0x45: {  	_ =	shalt  }
0x46: {  	_ =	shalt  }
0x47: {  	_ =	shalt  }
0x48: {  	_ =	shalt  }
0x49: {  	_ =	shalt  }
0x4a: {  	_ =	shalt  }
0x4b: {  	_ =	shalt  }
0x4c: {  	_ =	shalt  }
0x4d: {  	_ =	shalt  }
0x4e: {  	_ =	shalt  }
0x4f: {  	_ =	shalt  }
0x50: {  	_ =	shalt  }
0x51: {  	_ =	shalt  }
0x52: {  	_ =	shalt  }
0x53: {  	_ =	shalt  }
0x54: {  	_ =	shalt  }
0x55: {  	_ =	shalt  }
0x56: {  	_ =	shalt  }
0x57: {  	_ =	shalt  }
0x58: {  	_ =	shalt  }
0x59: {  	_ =	shalt  }
0x5a: {  	_ =	shalt  }
0x5b: {  	_ =	shalt  }
0x5c: {  	_ =	shalt  }
0x5d: {  	_ =	shalt  }
0x5e: {  	_ =	shalt  }
0x5f: {  	_ =	shalt  }
0x60: {  	_ =	shalt  }
0x61: {  	_ =	shalt  }
0x62: {  	_ =	shalt  }
0x63: {  	_ =	shalt  }
0x64: {  	_ =	shalt  }
0x65: {  	_ =	shalt  }
0x66: {  	_ =	shalt  }
0x67: {  	_ =	shalt  }
0x68: {  	_ =	shalt  }
0x69: {  	_ =	shalt  }
0x6a: {  	_ =	shalt  }
0x6b: {  	_ =	shalt  }
0x6c: {  	_ =	shalt  }
0x6d: {  	_ =	shalt  }
0x6e: {  	_ =	shalt  }
0x6f: {  	_ =	shalt  }
0x70: {  	_ =	shalt  }
0x71: {  	_ =	shalt  }
0x72: {  	_ =	shalt  }
0x73: {  	_ =	shalt  }
0x74: {  	_ =	shalt  }
0x75: {  	_ =	shalt  }
0x76: {  	_ =	shalt  }
0x77: {  	_ =	shalt  }
0x78: {  	_ =	shalt  }
0x79: {  	_ =	shalt  }
0x7a: {  	_ =	shalt  }
0x7b: {  	_ =	shalt  }
0x7c: {  	_ =	shalt  }
0x7d: {  	_ =	shalt  }
0x7e: {  	_ =	shalt  }
0x7f: {  	_ =	shalt  }
0x80: {  	_ =	shalt  }
0x81: {  	_ =	shalt  }
0x82: {  	_ =	shalt  }
0x83: {  	_ =	shalt  }
0x84: {  	_ =	shalt  }
0x85: {  	_ =	shalt  }
0x86: {  	_ =	shalt  }
0x87: {  	_ =	shalt  }
.Lfunc_end0:
.L_simem_size_0:
called_computation.2_lowered:
.L_overlay_start_0:
0x88: {  	s2 =	sld [smem:$0x3FD9]  }
0x89: {  	s3 =	sld [smem:$0x3FFE];
	_ =	sdelay $0x1  }
0x8a: {  	s1 =	srdreg.scid  }
0x8b: {  	s0 =	sand.u32 $0x1, s1  }
0x8c: {  	s16 =	sshll.u32 s0, $0xA;
	s2 =	sadd.s32 s3, s2  }
0x8d: {  	s2 =	sadd.s32 s2, s16  }
0x8e: {  	[smem:$0x3FBC] =	sst s2  }
0x8f: {  	_ = 	snop  }
0x90: {  	(tm) =	ssettm $0x1  }
0x91: {  	s17 =	sld [smem:$0x3FFB];
	_ =	sdelay $0x3  }
0x92: {  	_ =	strace s17  }
0x93: {  	s2 =	sld [smem:$0x3FFC];
	_ =	sdelay $0x3  }
0x94: {  	_ =	strace s2  }
0x95: {  	s2 =	sld [smem:$0x3FFD];
	_ =	sdelay $0x3  }
0x96: {  	_ =	strace s2  }
0x97: {  	_ =	strace $0x8FFFFFFF  }
0x98: {  	s18 =	sld [smem:$0x3FDB];
	_ =	sdelay $0x1  }
0x99: {  	s19 =	simm.s32 $_scs_section_size  }
0x9a: {  	s4 =	simm.s32 $_size__tile_overlayer_lowered;
	s5 =	simm.s32 $_tile_overlayer_lowered  }
0x9b: {  	s22 =	simm.s32 $0x1BFF;
	s21 =	sshll.u32 s5, $0x1;
	s2 =	sadd.s32 s19, s18  }
0x9c: {  	s6 =	simm.s32 $0x0;
	s20 =	sshll.u32 s4, $0x1;
	s4 =	sadd.s32 s21, s2  }
0x9d: {  	[timem:s6], [sflag:s22] =	dma.local [hbm:s4], s20  }
0x9e: {  	_ =	swait.ge [sflag:s22], s20  }
0x9f: {  	s3 =	ssub.s32 $0x0, s20;
	[sflag:s22] =	ssyncset.done $0x0  }
0xa0: {  	[sflag:s22] =	ssyncadd.s32 s3;
	_ =	sdelay $0x1  }
0xa1: {  	s23 =	simm.s32 $0x1B8B  }
0xa2: {  	_ =	swait.ge [sflag:s23], $0x1  }
0xa3: {  	[sflag:s23] =	ssyncset.done $0x0  }
0xa4: {  	s25 =	simm.s32 $0x1B8E;
	s24 =	sld [smem:$0x3FFE];
	[sflag:s23] =	ssyncadd.s32 $0xFFFFFFFF  }
0xa5: {  	s26 =	simm.s32 $execute0_lowered;
	[smem:$0x3FD2] =	sst s25  }
0xa6: {  	s4 =	sshll.u32 s26, $0x1;
	_ =	strace $0x8000004C;
	[dreg:$0x1] =	wrdreg $0xFFFFFFFF  }
0xa7: {  	s28 =	simm.s32 $_size_execute0_lowered;
	s2 =	sadd.s32 s2, s4;
	[dreg:$0x0] =	wrdreg $0x0  }
0xa8: {  	s4 =	sshll.u32 s28, $0x1;
	[dreg:$0x2] =	wrdreg s2  }
0xa9: {  	[dreg:$0x3] =	wrdreg s4  }
0xaa: {  	[dreg:$0x4] =	wrdreg $0xC0  }
0xab: {  	_ =	task [dreg:s6], $0x5FFFF  }
0xac: {  	[dreg:$0x1] =	wrdreg $0xFFFFFFFF  }
0xad: {  	[dreg:$0x0] =	wrdreg $0x60  }
0xae: {  	[dreg:$0x2] =	wrdreg s24  }
0xaf: {  	[dreg:$0x3] =	wrdreg $0x11D200  }
0xb0: {  	[dreg:$0x4] =	wrdreg $0xCF000  }
0xb1: {  	[dreg:$0x5] =	wrdreg $0x9  }
0xb2: {  	_ =	task.clear_ibuf [dreg:s6], $0x6FFFF;
	_ =	strace $0x9000004C  }
0xb3: {  	s29 =	simm.s32 $0x9;
	_ =	strace $0x8000004E  }
0xb4: {  	_ =	swait.ge [sflag:s29], $0x1  }
0xb5: {  	[sflag:s29] =	ssyncadd.s32 $0xFFFFFFFF  }
0xb6: {  	_ =	strace $0x9000004E  }
0xb7: {  	_ =	sfence  }
0xb8: {  	s30 =	sld [smem:$0x0];
	_ =	sdelay $0x2  }
0xb9: {  	s31 =	sshll.u32 s1, $0xD;
	s1 =	sshrl.u32 s1, $0x2  }
0xba: {  	s3 =	sand.u32 $0x4000, s31;
	s1 =	sadd.s32 s1, s30  }
0xbb: {  	s0 =	sor.u32 s3, s0;
	s1 =	sshll.u32 s1, $0x11  }
0xbc: {  	s0 =	sor.u32 s1, s0  }
0xbd: {  	s0 =	sadd.s32 $0x8F2B, s0  }
0xbe: {  	[sflag:s0] =	ssyncadd.remote.s32 $0x1  }
0xbf: {  	_ =	sfence.sel $0xFFFF  }
0xc0: {  	[dreg:$0x0] =	wrdreg $0xFFFFFFFF;
	(pc) =	sbr.abs _section_cstart, $3  }
0xc1: {  	[dreg:$0x1] =	wrdreg $0xFFFFFFFF  }
0xc2: {  	_ =	task.clear_ibuf [dreg:s6], $0x2FFFF;
	_ =	strace $0x9FFFFFFF  }
0xc3: {  	(tm) =	ssettm $0x7FFFFFFF  }
tec
execute0_lowered:
.L_overlay_start_1:
0x0: {  	(tag) =	ssettag $0x1  }
0x1: {  	s0 =	rddreg [dreg:$0x0]  }
0x2: {  	s2 =	rddreg [dreg:$0x1]  }
0x3: {  	s3 =	rddreg [dreg:$0x2];
	s4 =	simm.s32 $0x0  }
0x4: {  	s18 =	stileid.u32;
	s1 =	srdreg.scid;
	s13 =	simm.s32 $0x1  }
0x5: {  	s14 =	simm.s32 $0x4;
	s15 =	simm.s32 $0x10;
	s16 =	simm.s32 $0x9  }
0x6: {  	s19 =	simm.s32 $0x80;
	s28 =	simm.s32 $0x8F00;
	s30 =	simm.s32 $0x9F00  }
0x7: {  	s29 =	simm.s32 $0x6;
	s31 =	simm.s32 $0x7;
	[smem:$0x7FF] =	sst s4  }
0x8: {  	s5 =	smul.u32 $0x13880, s18;
	s1 =	sand.u32 $0x1, s1;
	s7 =	sshll.u32 s18, $0x1  }
0x9: {  	s23 =	smul.u32 $0x4E20, s18;
	s25 =	sshll.u32 s18, $0x6;
	p0 =	slt.u32 s18, $0xE  }
0xa: {  	s18 =	simm.s32 $0xBF00;
	_ =	strace $0x8000004D;
	s6 =	sshll.u32 s1, $0x5  }
0xb: {  	s20 =	sor.u32 s1, s7;
	s1 =	ssub.s32 $0x2, s1;
	s8 =	sshrl.u32 s5, $0x3  }
0xc: {  	s5 =	sor.u32 s6, s5;
	s22 =	smul.u32 $0x4E, s20;
	s6 =	smax.u32 s20, $0x1C  }
0xd: {  	s9 =	sshrl.u32 s1, $0x1;
	s12 =	sadd.s32 s23, s2;
	s20 =	simm.s32 $0x4F00  }
0xe: {  	s21 =	sadd.s32 s8, s0;
	s5 =	sshrl.u32 s5, $0x3;
	s1 =	ssub.s32 s1, s9  }
0xf: {  	s8 =	sadd.s32 s23, s3;
	s12 =	sshrl.u32 s12, $0x3;
	s23 =	simm.s32 $0x6F00  }
0x10: {  	s5 =	sadd.s32 s5, s0;
	s6 =	sadd.s32 s22, s6;
	s10 =	sadd.s32 $0x17600, s21  }
0x11: {  	s7 =	sadd.s32 $0x3E800, s21;
	s11 =	smax.u32 s1, $0x1;
	s17 =	sshrl.u32 s8, $0x3  }
0x12: {  	s21 =	simm.s32 $0x5F00;
	s22 =	simm.s32 $0x2;
	s1 =	simm.s32 $0x8  }
0x13: {  	s24 =	sshll.u32 s6, $0x4;
	[dreg:$0x4] =	wrdreg s10;
	s6 =	sor.u32 $0x1C09, s25  }
0x14: {  	[dreg:$0x5] =	wrdreg s7;
	s10 =	sadd.s32 $0x65A00, s5;
	s0 =	sadd.s32 s0, s24  }
0x15: {  	s25 =	simm.s32 $0x7F00;
	s5 =	simm.s32 $0x0;
	s26 =	sadd.s32 $0x3840, s0  }
0x16: {  	s24 =	simm.s32 $0x3;
	s0 =	sadd.s32 $0xD640, s0;
	[dreg:$0x6] =	wrdreg s26  }
0x17: {  	[dreg:$0x7] =	wrdreg s0;
	s0 =	simm.s32 $0xAF00;
	s26 =	simm.s32 $0x5  }
.LBB2_1:
0x18: {  	s7 =	rddreg [dreg:$0x4]  }
0x19: {  	[spmem:s12@s14], [sflag:s6] =	dma.strided [hbm:s7@s15], $0x9C4, s13, $0x4   }
0x1a: {  	_ =	swait.ge [sflag:s16], $0x9C4  }
0x1b: {  	[sflag:s16] =	ssyncset.done $0x0  }
0x1c: {  	s9 =	rddreg [dreg:$0x5];
	[sflag:s16] =	ssyncadd.s32 $0xFFFFF63C  }
0x1d: {  	[spmem:s17@s14], [sflag:s6] =	dma.strided [hbm:s9@s15], $0x9C4, s13, $0x4   }
0x1e: {  	_ =	swait.ge [sflag:s16], $0x9C4  }
0x1f: {  	[sflag:s16] =	ssyncset.done $0x0  }
0x20: {  	s8 =	rddreg [dreg:$0x6];
	[sflag:s16] =	ssyncadd.s32 $0xFFFFF63C  }
0x21: {  	[tilespmem:s4], [sflag:$0x9] =	stream.linear.gather [hbm4b:s8+s4], $0x2780, $0x38;
	[tilespmem:$0x16B40] =	vst v63  }
0x22: {  	_ =	swait.ge [sflag:s16], $0x2780  }
0x23: {  	[sflag:s16] =	ssyncset.done $0x0  }
0x24: {  	s8 =	simm.s32 $0x2780;
	s9 =	rddreg [dreg:$0x7];
	[sflag:s16] =	ssyncadd.s32 $0xFFFFD880  }
0x25: {  	[tilespmem:s8], [sflag:$0x9] =	stream.linear.gather [hbm4b:s9+s4], $0x2780, $0x38;
	[tilespmem:$0x16B40] =	vst v63  }
0x26: {  	_ =	swait.ge [sflag:s16], $0x2780  }
0x27: {  	[sflag:s16] =	ssyncset.done $0x0  }
0x28: {  	[sflag:s16] =	ssyncadd.s32 $0xFFFFD880  }
0x29: {  	[bflag:$0x0] =	sbarrier.arrive $0xFFFF  }
0x2a: {  	[tilespmem:s20], [sflag:$0x1] =	stream.indirect.gather [spmem:s3], $0x20, s4, s19, $0xb8;
	[tilespmem:$0x16B40] =	vst v63  }
0x2b: {  	_ = 	snop  }
0x2c: {  	[tilespmem:s21], [sflag:$0x2] =	stream.indirect.gather [spmem:s3], $0x20, s19, s19, $0xb8;
	[tilespmem:$0x16B40] =	vst v63  }
0x2d: {  	s9 =	simm.s32 $0x100  }
0x2e: {  	[tilespmem:s23], [sflag:$0x3] =	stream.indirect.gather [spmem:s3], $0x20, s9, s19, $0xb8;
	[tilespmem:$0x16B40] =	vst v63  }
0x2f: {  	s8 =	simm.s32 $0x180  }
0x30: {  	[tilespmem:s25], [sflag:$0x4] =	stream.indirect.gather [spmem:s3], $0x20, s8, s19, $0xb8;
	[tilespmem:$0x16B40] =	vst v63  }
0x31: {  	s9 =	simm.s32 $0x200  }
0x32: {  	[tilespmem:s28], [sflag:$0x5] =	stream.indirect.gather [spmem:s3], $0x20, s9, s19, $0xb8;
	[tilespmem:$0x16B40] =	vst v63  }
0x33: {  	s8 =	simm.s32 $0x280  }
0x34: {  	[tilespmem:s30], [sflag:$0x6] =	stream.indirect.gather [spmem:s3], $0x20, s8, s19, $0xb8;
	[tilespmem:$0x16B40] =	vst v63  }
0x35: {  	s9 =	simm.s32 $0x300  }
0x36: {  	[tilespmem:s0], [sflag:$0x7] =	stream.indirect.gather [spmem:s3], $0x20, s9, s19, $0xb8;
	[tilespmem:$0x16B40] =	vst v63  }
0x37: {  	s8 =	simm.s32 $0x380  }
0x38: {  	[tilespmem:s18], [sflag:$0x8] =	stream.indirect.gather [spmem:s3], $0x20, s8, s19, $0xb8;
	[tilespmem:$0x16B40] =	vst v63  }
0x39: {  	_ =	swait.ge [sflag:s13], $0x1000  }
0x3a: {  	[sflag:s13] =	ssyncset.done $0x0  }
0x3b: {  	s9 =	simm.s32 $0x2780;
	[sflag:s13] =	ssyncadd.s32 $0xFFFFF000  }
0x3c: {  	[spmem:s2] =	stream.indirect.scatter.add.f32 [tilespmem:s20], [sflag:$0x9], $0x20, s9, s19, $0xb8;
	[tilespmem:$0x16B40] =	vst v63  }
0x3d: {  	_ =	swait.ge [sflag:s16], $0x1000  }
0x3e: {  	[sflag:s16] =	ssyncset.done $0x0  }
0x3f: {  	s8 =	simm.s32 $0x400;
	[sflag:s16] =	ssyncadd.s32 $0xFFFFF000  }
0x40: {  	[tilespmem:s20], [sflag:$0x1] =	stream.indirect.gather [spmem:s3], $0x20, s8, s19, $0xb8;
	[tilespmem:$0x16B40] =	vst v63  }
0x41: {  	_ =	swait.ge [sflag:s22], $0x1000  }
0x42: {  	[sflag:s22] =	ssyncset.done $0x0  }
0x43: {  	s9 =	simm.s32 $0x2800;
	[sflag:s22] =	ssyncadd.s32 $0xFFFFF000  }
0x44: {  	[spmem:s2] =	stream.indirect.scatter.add.f32 [tilespmem:s21], [sflag:$0x9], $0x20, s9, s19, $0xb8;
	[tilespmem:$0x16B40] =	vst v63  }
0x45: {  	_ =	swait.ge [sflag:s16], $0x1000  }
0x46: {  	[sflag:s16] =	ssyncset.done $0x0  }
0x47: {  	s8 =	simm.s32 $0x480;
	[sflag:s16] =	ssyncadd.s32 $0xFFFFF000  }
0x48: {  	[tilespmem:s21], [sflag:$0x2] =	stream.indirect.gather [spmem:s3], $0x20, s8, s19, $0xb8;
	[tilespmem:$0x16B40] =	vst v63  }
0x49: {  	_ =	swait.ge [sflag:s24], $0x1000  }
0x4a: {  	[sflag:s24] =	ssyncset.done $0x0  }
0x4b: {  	s9 =	simm.s32 $0x2880;
	[sflag:s24] =	ssyncadd.s32 $0xFFFFF000  }
0x4c: {  	[spmem:s2] =	stream.indirect.scatter.add.f32 [tilespmem:s23], [sflag:$0x9], $0x20, s9, s19, $0xb8;
	[tilespmem:$0x16B40] =	vst v63  }
0x4d: {  	_ =	swait.ge [sflag:s16], $0x1000  }
0x4e: {  	[sflag:s16] =	ssyncset.done $0x0  }
0x4f: {  	s8 =	simm.s32 $0x500;
	[sflag:s16] =	ssyncadd.s32 $0xFFFFF000  }
0x50: {  	[tilespmem:s23], [sflag:$0x3] =	stream.indirect.gather [spmem:s3], $0x20, s8, s19, $0xb8;
	[tilespmem:$0x16B40] =	vst v63  }
0x51: {  	_ =	swait.ge [sflag:s14], $0x1000  }
0x52: {  	[sflag:s14] =	ssyncset.done $0x0  }
0x53: {  	s9 =	simm.s32 $0x2900;
	[sflag:s14] =	ssyncadd.s32 $0xFFFFF000  }
0x54: {  	[spmem:s2] =	stream.indirect.scatter.add.f32 [tilespmem:s25], [sflag:$0x9], $0x20, s9, s19, $0xb8;
	[tilespmem:$0x16B40] =	vst v63  }
0x55: {  	_ =	swait.ge [sflag:s16], $0x1000  }
0x56: {  	[sflag:s16] =	ssyncset.done $0x0  }
0x57: {  	s8 =	simm.s32 $0x580;
	[sflag:s16] =	ssyncadd.s32 $0xFFFFF000  }
0x58: {  	[tilespmem:s25], [sflag:$0x4] =	stream.indirect.gather [spmem:s3], $0x20, s8, s19, $0xb8;
	[tilespmem:$0x16B40] =	vst v63  }
0x59: {  	_ =	swait.ge [sflag:s26], $0x1000  }
0x5a: {  	[sflag:s26] =	ssyncset.done $0x0  }
0x5b: {  	s9 =	simm.s32 $0x2980;
	[sflag:s26] =	ssyncadd.s32 $0xFFFFF000  }
0x5c: {  	[spmem:s2] =	stream.indirect.scatter.add.f32 [tilespmem:s28], [sflag:$0x9], $0x20, s9, s19, $0xb8;
	[tilespmem:$0x16B40] =	vst v63  }
0x5d: {  	_ =	swait.ge [sflag:s16], $0x1000  }
0x5e: {  	[sflag:s16] =	ssyncset.done $0x0  }
0x5f: {  	s8 =	simm.s32 $0x600;
	[sflag:s16] =	ssyncadd.s32 $0xFFFFF000  }
0x60: {  	[tilespmem:s28], [sflag:$0x5] =	stream.indirect.gather [spmem:s3], $0x20, s8, s19, $0xb8;
	[tilespmem:$0x16B40] =	vst v63  }
0x61: {  	_ =	swait.ge [sflag:s29], $0x1000  }
0x62: {  	[sflag:s29] =	ssyncset.done $0x0  }
0x63: {  	s9 =	simm.s32 $0x2A00;
	[sflag:s29] =	ssyncadd.s32 $0xFFFFF000  }
0x64: {  	[spmem:s2] =	stream.indirect.scatter.add.f32 [tilespmem:s30], [sflag:$0x9], $0x20, s9, s19, $0xb8;
	[tilespmem:$0x16B40] =	vst v63  }
0x65: {  	_ =	swait.ge [sflag:s16], $0x1000  }
0x66: {  	[sflag:s16] =	ssyncset.done $0x0  }
0x67: {  	s8 =	simm.s32 $0x680;
	[sflag:s16] =	ssyncadd.s32 $0xFFFFF000  }
0x68: {  	[tilespmem:s30], [sflag:$0x6] =	stream.indirect.gather [spmem:s3], $0x20, s8, s19, $0xb8;
	[tilespmem:$0x16B40] =	vst v63  }
0x69: {  	_ =	swait.ge [sflag:s31], $0x1000  }
0x6a: {  	[sflag:s31] =	ssyncset.done $0x0  }
0x6b: {  	s9 =	simm.s32 $0x2A80;
	[sflag:s31] =	ssyncadd.s32 $0xFFFFF000  }
0x6c: {  	[spmem:s2] =	stream.indirect.scatter.add.f32 [tilespmem:s0], [sflag:$0x9], $0x20, s9, s19, $0xb8;
	[tilespmem:$0x16B40] =	vst v63  }
0x6d: {  	_ =	swait.ge [sflag:s16], $0x1000  }
0x6e: {  	[sflag:s16] =	ssyncset.done $0x0  }
0x6f: {  	s8 =	simm.s32 $0x700;
	[sflag:s16] =	ssyncadd.s32 $0xFFFFF000  }
0x70: {  	[tilespmem:s0], [sflag:$0x7] =	stream.indirect.gather [spmem:s3], $0x20, s8, s19, $0xb8;
	[tilespmem:$0x16B40] =	vst v63  }
0x71: {  	_ =	swait.ge [sflag:s1], $0x1000  }
0x72: {  	[sflag:s1] =	ssyncset.done $0x0  }
0x73: {  	s9 =	simm.s32 $0x2B00;
	[sflag:s1] =	ssyncadd.s32 $0xFFFFF000  }
0x74: {  	[spmem:s2] =	stream.indirect.scatter.add.f32 [tilespmem:s18], [sflag:$0x9], $0x20, s9, s19, $0xb8;
	[tilespmem:$0x16B40] =	vst v63  }
0x75: {  	_ =	swait.ge [sflag:s16], $0x1000  }
0x76: {  	[sflag:s16] =	ssyncset.done $0x0  }
0x77: {  	s7 =	simm.s32 $0x1000;
	s8 =	simm.s32 $0x780;
	[sflag:s16] =	ssyncadd.s32 $0xFFFFF000  }
.LBB2_2:
0x78: {  	[tilespmem:s18], [sflag:$0x8] =	stream.indirect.gather [spmem:s3], $0x20, s8, s19, $0xb8;
	[tilespmem:$0x16B40] =	vst v63  }
0x79: {  	s8 =	smov.u32 s7  }
0x7a: {  	p1 =	sne.s32 s7, $0x7000;
	s7 =	sadd.s32 $0x1000, s7;
	_ =	swait.ge [sflag:s13], $0x1000  }
0x7b: {  	s8 =	sshra.s32 s8, $0x2;
	[sflag:s13] =	ssyncset.done $0x0  }
0x7c: {  	s9 =	sadd.s32 $0x2780, s8;
	[sflag:s13] =	ssyncadd.s32 $0xFFFFF000  }
0x7d: {  	[spmem:s2] =	stream.indirect.scatter.add.f32 [tilespmem:s20], [sflag:$0x9], $0x20, s9, s19, $0xb8;
	[tilespmem:$0x16B40] =	vst v63  }
0x7e: {  	_ =	swait.ge [sflag:s16], $0x1000  }
0x7f: {  	[sflag:s16] =	ssyncset.done $0x0  }
0x80: {  	s9 =	sadd.s32 $0x400, s8;
	[sflag:s16] =	ssyncadd.s32 $0xFFFFF000  }
0x81: {  	[tilespmem:s20], [sflag:$0x1] =	stream.indirect.gather [spmem:s3], $0x20, s9, s19, $0xb8;
	[tilespmem:$0x16B40] =	vst v63  }
0x82: {  	_ =	swait.ge [sflag:s22], $0x1000  }
0x83: {  	[sflag:s22] =	ssyncset.done $0x0  }
0x84: {  	s9 =	sadd.s32 $0x2800, s8;
	[sflag:s22] =	ssyncadd.s32 $0xFFFFF000  }
0x85: {  	[spmem:s2] =	stream.indirect.scatter.add.f32 [tilespmem:s21], [sflag:$0x9], $0x20, s9, s19, $0xb8;
	[tilespmem:$0x16B40] =	vst v63  }
0x86: {  	_ =	swait.ge [sflag:s16], $0x1000  }
0x87: {  	[sflag:s16] =	ssyncset.done $0x0  }
0x88: {  	s9 =	sadd.s32 $0x480, s8;
	[sflag:s16] =	ssyncadd.s32 $0xFFFFF000  }
0x89: {  	[tilespmem:s21], [sflag:$0x2] =	stream.indirect.gather [spmem:s3], $0x20, s9, s19, $0xb8;
	[tilespmem:$0x16B40] =	vst v63  }
0x8a: {  	_ =	swait.ge [sflag:s24], $0x1000  }
0x8b: {  	[sflag:s24] =	ssyncset.done $0x0  }
0x8c: {  	s9 =	sadd.s32 $0x2880, s8;
	[sflag:s24] =	ssyncadd.s32 $0xFFFFF000  }
0x8d: {  	[spmem:s2] =	stream.indirect.scatter.add.f32 [tilespmem:s23], [sflag:$0x9], $0x20, s9, s19, $0xb8;
	[tilespmem:$0x16B40] =	vst v63  }
0x8e: {  	_ =	swait.ge [sflag:s16], $0x1000  }
0x8f: {  	[sflag:s16] =	ssyncset.done $0x0  }
0x90: {  	s9 =	sadd.s32 $0x500, s8;
	[sflag:s16] =	ssyncadd.s32 $0xFFFFF000  }
0x91: {  	[tilespmem:s23], [sflag:$0x3] =	stream.indirect.gather [spmem:s3], $0x20, s9, s19, $0xb8;
	[tilespmem:$0x16B40] =	vst v63  }
0x92: {  	_ =	swait.ge [sflag:s14], $0x1000  }
0x93: {  	[sflag:s14] =	ssyncset.done $0x0  }
0x94: {  	s9 =	sadd.s32 $0x2900, s8;
	[sflag:s14] =	ssyncadd.s32 $0xFFFFF000  }
0x95: {  	[spmem:s2] =	stream.indirect.scatter.add.f32 [tilespmem:s25], [sflag:$0x9], $0x20, s9, s19, $0xb8;
	[tilespmem:$0x16B40] =	vst v63  }
0x96: {  	_ =	swait.ge [sflag:s16], $0x1000  }
0x97: {  	[sflag:s16] =	ssyncset.done $0x0  }
0x98: {  	s9 =	sadd.s32 $0x580, s8;
	[sflag:s16] =	ssyncadd.s32 $0xFFFFF000  }
0x99: {  	[tilespmem:s25], [sflag:$0x4] =	stream.indirect.gather [spmem:s3], $0x20, s9, s19, $0xb8;
	[tilespmem:$0x16B40] =	vst v63  }
0x9a: {  	_ =	swait.ge [sflag:s26], $0x1000  }
0x9b: {  	[sflag:s26] =	ssyncset.done $0x0  }
0x9c: {  	s9 =	sadd.s32 $0x2980, s8;
	[sflag:s26] =	ssyncadd.s32 $0xFFFFF000  }
0x9d: {  	[spmem:s2] =	stream.indirect.scatter.add.f32 [tilespmem:s28], [sflag:$0x9], $0x20, s9, s19, $0xb8;
	[tilespmem:$0x16B40] =	vst v63  }
0x9e: {  	_ =	swait.ge [sflag:s16], $0x1000  }
0x9f: {  	[sflag:s16] =	ssyncset.done $0x0  }
0xa0: {  	s9 =	sadd.s32 $0x600, s8;
	[sflag:s16] =	ssyncadd.s32 $0xFFFFF000  }
0xa1: {  	[tilespmem:s28], [sflag:$0x5] =	stream.indirect.gather [spmem:s3], $0x20, s9, s19, $0xb8;
	[tilespmem:$0x16B40] =	vst v63  }
0xa2: {  	_ =	swait.ge [sflag:s29], $0x1000  }
0xa3: {  	[sflag:s29] =	ssyncset.done $0x0  }
0xa4: {  	s9 =	sadd.s32 $0x2A00, s8;
	[sflag:s29] =	ssyncadd.s32 $0xFFFFF000  }
0xa5: {  	[spmem:s2] =	stream.indirect.scatter.add.f32 [tilespmem:s30], [sflag:$0x9], $0x20, s9, s19, $0xb8;
	[tilespmem:$0x16B40] =	vst v63  }
0xa6: {  	_ =	swait.ge [sflag:s16], $0x1000  }
0xa7: {  	[sflag:s16] =	ssyncset.done $0x0  }
0xa8: {  	s9 =	sadd.s32 $0x680, s8;
	[sflag:s16] =	ssyncadd.s32 $0xFFFFF000  }
0xa9: {  	[tilespmem:s30], [sflag:$0x6] =	stream.indirect.gather [spmem:s3], $0x20, s9, s19, $0xb8;
	[tilespmem:$0x16B40] =	vst v63  }
0xaa: {  	_ =	swait.ge [sflag:s31], $0x1000  }
0xab: {  	[sflag:s31] =	ssyncset.done $0x0  }
0xac: {  	s9 =	sadd.s32 $0x2A80, s8;
	[sflag:s31] =	ssyncadd.s32 $0xFFFFF000  }
0xad: {  	[spmem:s2] =	stream.indirect.scatter.add.f32 [tilespmem:s0], [sflag:$0x9], $0x20, s9, s19, $0xb8;
	[tilespmem:$0x16B40] =	vst v63  }
0xae: {  	_ =	swait.ge [sflag:s16], $0x1000  }
0xaf: {  	[sflag:s16] =	ssyncset.done $0x0  }
0xb0: {  	s9 =	sadd.s32 $0x700, s8;
	[sflag:s16] =	ssyncadd.s32 $0xFFFFF000  }
0xb1: {  	[tilespmem:s0], [sflag:$0x7] =	stream.indirect.gather [spmem:s3], $0x20, s9, s19, $0xb8;
	[tilespmem:$0x16B40] =	vst v63  }
0xb2: {  	_ =	swait.ge [sflag:s1], $0x1000  }
0xb3: {  	[sflag:s1] =	ssyncset.done $0x0  }
.Ltmp0:
0xb4: {  	s9 =	sadd.s32 $0x2B00, s8;
	[sflag:s1] =	ssyncadd.s32 $0xFFFFF000;
	(pc) =	sbr.rel @p1 .LBB2_2-.Ltmp0, $4  }
0xb5: {  	[spmem:s2] =	stream.indirect.scatter.add.f32 [tilespmem:s18], [sflag:$0x9], $0x20, s9, s19, $0xb8;
	[tilespmem:$0x16B40] =	vst v63  }
0xb6: {  	_ =	swait.ge [sflag:s16], $0x1000  }
0xb7: {  	[sflag:s16] =	ssyncset.done $0x0  }
0xb8: {  	s8 =	sadd.s32 $0x780, s8;
	[sflag:s16] =	ssyncadd.s32 $0xFFFFF000  }
0xb9: {  	[tilespmem:s18], [sflag:$0x8] =	stream.indirect.gather [spmem:s3], $0x20, s8, s19, $0xb8;
	[tilespmem:$0x16B40] =	vst v63  }
0xba: {  	_ =	swait.ge [sflag:s13], $0x1000  }
0xbb: {  	[sflag:s13] =	ssyncset.done $0x0  }
0xbc: {  	s7 =	simm.s32 $0x4780;
	[sflag:s13] =	ssyncadd.s32 $0xFFFFF000  }
0xbd: {  	[spmem:s2] =	stream.indirect.scatter.add.f32 [tilespmem:s20], [sflag:$0x9], $0x20, s7, s19, $0xb8;
	[tilespmem:$0x16B40] =	vst v63  }
0xbe: {  	_ =	swait.ge [sflag:s16], $0x1000  }
0xbf: {  	[sflag:s16] =	ssyncset.done $0x0  }
0xc0: {  	s8 =	simm.s32 $0x2400;
	[sflag:s16] =	ssyncadd.s32 $0xFFFFF000  }
0xc1: {  	[tilespmem:s20], [sflag:$0x1] =	stream.indirect.gather [spmem:s3], $0x20, s8, s19, $0xb8;
	[tilespmem:$0x16B40] =	vst v63  }
0xc2: {  	_ =	swait.ge [sflag:s22], $0x1000  }
0xc3: {  	[sflag:s22] =	ssyncset.done $0x0  }
0xc4: {  	s9 =	simm.s32 $0x4800;
	[sflag:s22] =	ssyncadd.s32 $0xFFFFF000  }
0xc5: {  	[spmem:s2] =	stream.indirect.scatter.add.f32 [tilespmem:s21], [sflag:$0x9], $0x20, s9, s19, $0xb8;
	[tilespmem:$0x16B40] =	vst v63  }
0xc6: {  	_ =	swait.ge [sflag:s16], $0x1000  }
0xc7: {  	[sflag:s16] =	ssyncset.done $0x0  }
0xc8: {  	s8 =	simm.s32 $0x2480;
	[sflag:s16] =	ssyncadd.s32 $0xFFFFF000  }
0xc9: {  	[tilespmem:s21], [sflag:$0x2] =	stream.indirect.gather [spmem:s3], $0x20, s8, s19, $0xb8;
	[tilespmem:$0x16B40] =	vst v63  }
0xca: {  	_ =	swait.ge [sflag:s24], $0x1000  }
0xcb: {  	[sflag:s24] =	ssyncset.done $0x0  }
0xcc: {  	s9 =	simm.s32 $0x4880;
	[sflag:s24] =	ssyncadd.s32 $0xFFFFF000  }
0xcd: {  	[spmem:s2] =	stream.indirect.scatter.add.f32 [tilespmem:s23], [sflag:$0x9], $0x20, s9, s19, $0xb8;
	[tilespmem:$0x16B40] =	vst v63  }
0xce: {  	_ =	swait.ge [sflag:s16], $0x1000  }
0xcf: {  	[sflag:s16] =	ssyncset.done $0x0  }
0xd0: {  	s8 =	simm.s32 $0x2500;
	[sflag:s16] =	ssyncadd.s32 $0xFFFFF000  }
0xd1: {  	[tilespmem:s23], [sflag:$0x3] =	stream.indirect.gather [spmem:s3], $0x20, s8, s19, $0xb8;
	[tilespmem:$0x16B40] =	vst v63  }
0xd2: {  	_ =	swait.ge [sflag:s14], $0x1000  }
0xd3: {  	[sflag:s14] =	ssyncset.done $0x0  }
0xd4: {  	s9 =	simm.s32 $0x4900;
	[sflag:s14] =	ssyncadd.s32 $0xFFFFF000  }
0xd5: {  	[spmem:s2] =	stream.indirect.scatter.add.f32 [tilespmem:s25], [sflag:$0x9], $0x20, s9, s19, $0xb8;
	[tilespmem:$0x16B40] =	vst v63  }
0xd6: {  	_ =	swait.ge [sflag:s16], $0x1000  }
0xd7: {  	[sflag:s16] =	ssyncset.done $0x0  }
0xd8: {  	s8 =	simm.s32 $0x2580;
	[sflag:s16] =	ssyncadd.s32 $0xFFFFF000  }
0xd9: {  	[tilespmem:s25], [sflag:$0x4] =	stream.indirect.gather [spmem:s3], $0x20, s8, s19, $0xb8;
	[tilespmem:$0x16B40] =	vst v63  }
0xda: {  	_ =	swait.ge [sflag:s26], $0x1000  }
0xdb: {  	[sflag:s26] =	ssyncset.done $0x0  }
0xdc: {  	s9 =	simm.s32 $0x4980;
	[sflag:s26] =	ssyncadd.s32 $0xFFFFF000  }
0xdd: {  	[spmem:s2] =	stream.indirect.scatter.add.f32 [tilespmem:s28], [sflag:$0x9], $0x20, s9, s19, $0xb8;
	[tilespmem:$0x16B40] =	vst v63  }
0xde: {  	_ =	swait.ge [sflag:s16], $0x1000  }
0xdf: {  	[sflag:s16] =	ssyncset.done $0x0  }
0xe0: {  	s8 =	simm.s32 $0x2600;
	[sflag:s16] =	ssyncadd.s32 $0xFFFFF000  }
0xe1: {  	[tilespmem:s28], [sflag:$0x5] =	stream.indirect.gather [spmem:s3], $0x20, s8, s19, $0xb8;
	[tilespmem:$0x16B40] =	vst v63  }
0xe2: {  	_ =	swait.ge [sflag:s29], $0x1000  }
0xe3: {  	[sflag:s29] =	ssyncset.done $0x0  }
0xe4: {  	s9 =	simm.s32 $0x4A00;
	[sflag:s29] =	ssyncadd.s32 $0xFFFFF000  }
0xe5: {  	[spmem:s2] =	stream.indirect.scatter.add.f32 [tilespmem:s30], [sflag:$0x9], $0x20, s9, s19, $0xb8;
	[tilespmem:$0x16B40] =	vst v63  }
0xe6: {  	_ =	swait.ge [sflag:s16], $0x1000  }
0xe7: {  	[sflag:s16] =	ssyncset.done $0x0  }
0xe8: {  	s8 =	simm.s32 $0x2680;
	[sflag:s16] =	ssyncadd.s32 $0xFFFFF000  }
0xe9: {  	[tilespmem:s30], [sflag:$0x6] =	stream.indirect.gather [spmem:s3], $0x20, s8, s19, $0xb8;
	[tilespmem:$0x16B40] =	vst v63  }
0xea: {  	_ =	swait.ge [sflag:s31], $0x1000  }
0xeb: {  	[sflag:s31] =	ssyncset.done $0x0  }
0xec: {  	s9 =	simm.s32 $0x4A80;
	[sflag:s31] =	ssyncadd.s32 $0xFFFFF000  }
0xed: {  	[spmem:s2] =	stream.indirect.scatter.add.f32 [tilespmem:s0], [sflag:$0x9], $0x20, s9, s19, $0xb8;
	[tilespmem:$0x16B40] =	vst v63  }
0xee: {  	_ =	swait.ge [sflag:s16], $0x1000  }
0xef: {  	s7 =	simm.s32 @!p0 $0x80;
	[sflag:s16] =	ssyncset.done $0x0  }
0xf0: {  	s8 =	simm.s32 @!p0 $0x2700;
	s9 =	simm.s32 @!p0 $0xAF00;
	[sflag:s16] =	ssyncadd.s32 $0xFFFFF000  }
0xf1: {  	[tilespmem:s9], [sflag:$0x7] =	stream.indirect.gather @!p0 [spmem:s3], $0x20, s8, s7, $0xb8;
	[tilespmem:$0x16B40] =	vst v63  }
0xf2: {  	_ =	swait.ge [sflag:s1], $0x1000  }
0xf3: {  	[sflag:s1] =	ssyncset.done $0x0  }
0xf4: {  	s8 =	simm.s32 $0x4B00;
	[sflag:s1] =	ssyncadd.s32 $0xFFFFF000  }
0xf5: {  	[spmem:s2] =	stream.indirect.scatter.add.f32 [tilespmem:s18], [sflag:$0x9], $0x20, s8, s19, $0xb8;
	[tilespmem:$0x16B40] =	vst v63  }
0xf6: {  	_ =	swait.ge [sflag:s16], $0x1000  }
0xf7: {  	[sflag:s16] =	ssyncset.done $0x0  }
0xf8: {  	[sflag:s16] =	ssyncadd.s32 $0xFFFFF000  }
0xf9: {  	_ =	swait.ge [sflag:s13], $0x1000  }
0xfa: {  	[sflag:s13] =	ssyncset.done $0x0  }
0xfb: {  	s8 =	simm.s32 $0x4B80;
	[sflag:s13] =	ssyncadd.s32 $0xFFFFF000  }
0xfc: {  	[spmem:s2] =	stream.indirect.scatter.add.f32 [tilespmem:s20], [sflag:$0x9], $0x20, s8, s19, $0xb8;
	[tilespmem:$0x16B40] =	vst v63  }
0xfd: {  	_ =	swait.ge [sflag:s16], $0x1000  }
0xfe: {  	[sflag:s16] =	ssyncset.done $0x0  }
0xff: {  	[sflag:s16] =	ssyncadd.s32 $0xFFFFF000  }
0x100: {  	_ =	swait.ge [sflag:s22], $0x1000  }
0x101: {  	[sflag:s22] =	ssyncset.done $0x0  }
0x102: {  	s8 =	simm.s32 $0x4C00;
	[sflag:s22] =	ssyncadd.s32 $0xFFFFF000  }
0x103: {  	[spmem:s2] =	stream.indirect.scatter.add.f32 [tilespmem:s21], [sflag:$0x9], $0x20, s8, s19, $0xb8;
	[tilespmem:$0x16B40] =	vst v63  }
0x104: {  	_ =	swait.ge [sflag:s16], $0x1000  }
0x105: {  	[sflag:s16] =	ssyncset.done $0x0  }
0x106: {  	[sflag:s16] =	ssyncadd.s32 $0xFFFFF000  }
0x107: {  	_ =	swait.ge [sflag:s24], $0x1000  }
0x108: {  	[sflag:s24] =	ssyncset.done $0x0  }
0x109: {  	s8 =	simm.s32 $0x4C80;
	[sflag:s24] =	ssyncadd.s32 $0xFFFFF000  }
0x10a: {  	[spmem:s2] =	stream.indirect.scatter.add.f32 [tilespmem:s23], [sflag:$0x9], $0x20, s8, s19, $0xb8;
	[tilespmem:$0x16B40] =	vst v63  }
0x10b: {  	_ =	swait.ge [sflag:s16], $0x1000  }
0x10c: {  	[sflag:s16] =	ssyncset.done $0x0  }
0x10d: {  	[sflag:s16] =	ssyncadd.s32 $0xFFFFF000  }
0x10e: {  	_ =	swait.ge [sflag:s14], $0x1000  }
0x10f: {  	[sflag:s14] =	ssyncset.done $0x0  }
0x110: {  	s8 =	simm.s32 $0x4D00;
	[sflag:s14] =	ssyncadd.s32 $0xFFFFF000  }
0x111: {  	[spmem:s2] =	stream.indirect.scatter.add.f32 [tilespmem:s25], [sflag:$0x9], $0x20, s8, s19, $0xb8;
	[tilespmem:$0x16B40] =	vst v63  }
0x112: {  	_ =	swait.ge [sflag:s16], $0x1000  }
0x113: {  	[sflag:s16] =	ssyncset.done $0x0  }
0x114: {  	[sflag:s16] =	ssyncadd.s32 $0xFFFFF000  }
0x115: {  	_ =	swait.ge [sflag:s26], $0x1000  }
0x116: {  	[sflag:s26] =	ssyncset.done $0x0  }
0x117: {  	s8 =	simm.s32 $0x4D80;
	[sflag:s26] =	ssyncadd.s32 $0xFFFFF000  }
0x118: {  	[spmem:s2] =	stream.indirect.scatter.add.f32 [tilespmem:s28], [sflag:$0x9], $0x20, s8, s19, $0xb8;
	[tilespmem:$0x16B40] =	vst v63  }
0x119: {  	_ =	swait.ge [sflag:s16], $0x1000  }
0x11a: {  	[sflag:s16] =	ssyncset.done $0x0  }
0x11b: {  	[sflag:s16] =	ssyncadd.s32 $0xFFFFF000  }
0x11c: {  	_ =	swait.ge [sflag:s29], $0x1000  }
0x11d: {  	[sflag:s29] =	ssyncset.done $0x0  }
0x11e: {  	s8 =	simm.s32 $0x4E00;
	[sflag:s29] =	ssyncadd.s32 $0xFFFFF000  }
0x11f: {  	[spmem:s2] =	stream.indirect.scatter.add.f32 [tilespmem:s30], [sflag:$0x9], $0x20, s8, s19, $0xb8;
	[tilespmem:$0x16B40] =	vst v63  }
0x120: {  	_ =	swait.ge [sflag:s16], $0x1000  }
0x121: {  	[sflag:s16] =	ssyncset.done $0x0  }
0x122: {  	s8 =	simm.s32 @!p0 $0x7;
	[sflag:s16] =	ssyncadd.s32 $0xFFFFF000  }
0x123: {  	_ =	swait.ge @!p0 [sflag:s8], $0x1000  }
0x124: {  	[sflag:s8] =	ssyncset.done @!p0 $0x0  }
0x125: {  	[sflag:s8] =	ssyncadd.s32 @!p0 $0xFFFFF000;
	s8 =	simm.s32 @!p0 $0x4E80  }
0x126: {  	[spmem:s2] =	stream.indirect.scatter.add.f32 @!p0 [tilespmem:s9], [sflag:$0x9], $0x20, s8, s7, $0xb8;
	[tilespmem:$0x16B40] =	vst v63  }
0x127: {  	s7 =	simm.s32 @!p0 $0x9  }
0x128: {  	_ =	swait.ge @!p0 [sflag:s7], $0x1000  }
0x129: {  	s5 =	sadd.s32 $0x1, s5;
	[sflag:s7] =	ssyncset.done @!p0 $0x0  }
0x12a: {  	p1 =	sne.s32 s5, s11;
	[sflag:s7] =	ssyncadd.s32 @!p0 $0xFFFFF000  }
.Ltmp1:
0x12b: {  	[bflag:$0x0] =	sbarrier.arrive $0xFFFF;
	(pc) =	sbr.rel @p1 .LBB2_1-.Ltmp1, $4  }
0x12c: {  	[hbm:s10@s15], [sflag:s6] =	dma.strided [spmem:s12@s14], $0x9C4, s13, $0x4   }
0x12d: {  	_ =	swait.ge [sflag:s16], $0x9C4  }
0x12e: {  	[sflag:s16] =	ssyncset.done $0x0  }
0x12f: {  	[sflag:s16] =	ssyncadd.s32 $0xFFFFF63C  }
0x130: {  	_ =	sfence.sel $0x180000  }
0x131: {  	[bflag:$0x0] =	sbarrier.arrive $0xFFFF  }
0x132: {  	_ =	strace $0x9000004D  }
0x133: {  	s0 =	stileid.u32;
	[bflag:$0x2] =	sbarrier.arrive $0xFFFF  }
0x134: {  	p0 =	sne.s32 s0, $0x0;
	s0 =	rddreg [dreg:$0x3]  }
0x135: {  	s0 =	sadd.s32 @!p0 $0x100000, s0  }
0x136: {  	[sflag:s0] =	ssyncadd.tile.s32 @!p0 $0x1;
	_ =	shalt  }
.Lfunc_end2:
_tile_overlayer_lowered:
.L_overlay_start_2:
0x137: {  	(tag) =	ssettag $0x2  }
0x138: {  	s0 =	rddreg [dreg:$0x0];
	s2 =	stileid.u32  }
0x139: {  	s1 =	rddreg [dreg:$0x1];
	p0 =	sne.s32 s2, $0x0  }
0x13a: {  	s3 =	rddreg [dreg:$0x2];
	[bflag:$0x3] =	sbarrier.arrive $0xFFFF;
	s2 =	simm.s32 @!p0 $0x1C09  }
0x13b: {  	[timem:s3], [sflag:s2] =	dma.local @!p0 [hbm:s0], s1  }
0x13c: {  	s0 =	simm.s32 @!p0 $0x9  }
0x13d: {  	_ =	swait.ge @!p0 [sflag:s0], s1  }
0x13e: {  	s1 =	ssub.s32 @!p0 $0x0, s1;
	[sflag:s0] =	ssyncset.done @!p0 $0x0  }
0x13f: {  	[sflag:s0] =	ssyncadd.s32 @!p0 s1  }
0x140: {  	[bflag:$0x3] =	sbarrier.arrive $0xFFFF  }
0x141: {  	_ =	shalt  }

// kernel: kernel.20.cloned.1.call-start
scs
__scs_entry_jumppad:
0x0: {  	(pc) =	sbr.rel $0x88, $3  }
0x1: {  	(tag) =	ssettag $0x0;
	lr =	simm.s32 $0x1  }
0x2: {  	[smem:$0x3F95] =	sst lr;
	_ =	strace $0xD0000000  }
0x3: {  	_ = 	snop  }
0x4: {  	_ = 	snop  }
0x5: {  	_ = 	snop  }
0x6: {  	_ = 	snop  }
0x7: {  	_ = 	snop  }
__scs_overlays_trampoline_lowered:
0x8: {  	[smem:$0x3FA4] =	sst s0  }
0x9: {  	[smem:$0x3FA5] =	sst s1  }
0xa: {  	[smem:$0x3FA6] =	sst s2  }
0xb: {  	[smem:$0x3FA7] =	sst s3  }
0xc: {  	[smem:$0x3FA8] =	sst s4  }
0xd: {  	[smem:$0x3FA9] =	sst s5  }
0xe: {  	[smem:$0x3FAA] =	sst s6  }
0xf: {  	[smem:$0x3FAB] =	sst s7  }
0x10: {  	[smem:$0x3FAC] =	sst s8  }
0x11: {  	[smem:$0x3FAD] =	sst s9;
	s0 =	simm.s32 @!p0 $0x0  }
0x12: {  	s1 =	sld [smem:$0x3F93];
	s0 =	simm.s32 @p0 $0x1  }
0x13: {  	[smem:$0x3FAE] =	sst s0;
	s0 =	simm.s32 @!p1 $0x0  }
0x14: {  	s2 =	sld [smem:$0x3F92];
	s0 =	simm.s32 @p1 $0x1  }
0x15: {  	[smem:$0x3FAF] =	sst s0;
	s0 =	simm.s32 @!p2 $0x0  }
0x16: {  	s3 =	sld [smem:$0x3FDB];
	s0 =	simm.s32 @p2 $0x1  }
0x17: {  	s4 =	simm.s32 $0x1BF5;
	[smem:$0x3FB1] =	sst s0  }
0x18: {  	s0 =	sld [smem:$0x3F94];
	_ =	swait.ge [sflag:s4], $0x0  }
0x19: {  	s7 =	sld [smem:$0x3F95]  }
0x1a: {  	s8 =	sadd.s32 $0xFFFFE003, lr  }
0x1b: {  	s9 =	sadd.s32 $0xFFFFFEF7, lr;
	s5 =	simm.s32 $0xFFFFFFFF;
	p2 =	slt.u32 s8, $0xFFFFF086  }
0x1c: {  	p1 =	slt.u32 s9, $0xF7A;
	s5 =	simm.s32 @!p2 $0x0  }
0x1d: {  	s5 =	simm.s32 @p1 $0x1;
	p0 =	seq.s32 s7, s2  }
0x1e: {  	s7 =	smul.u32 @!p0 $0xF7A, s2;
	p2 =	seq.s32 @!p0 s5, $0x0  }
0x1f: {  	s9 =	smul.u32 $0xF7A, s1;
	s8 =	simm.s32 @!p0 $0x1BF5;
	p2 =	por !p2, p0  }
0x20: {  	[sflag:s8] =	ssyncset.s32 @!p0 $0xFFFFF086;
	s6 =	sadd.s32 @!p0 s3, s7;
	s7 =	simm.s32 @!p0 $0x108  }
0x21: {  	s3 =	sadd.s32 s3, s9;
	s6 =	sadd.s32 @!p0 $0x88, s6;
	s7 =	simm.s32 @p2 $0x1082  }
0x22: {  	[simem:s7], [sflag:s8] =	dma.local @!p0 [hbm:s6], $0xF7A  }
0x23: {  	s9 =	sor.u32 $0xD0000000, s2;
	s6 =	simm.s32 $0x108;
	_ =	swait.ge @!p0 [sflag:s8], $0x0  }
0x24: {  	s3 =	sadd.s32 $0x88, s3;
	s6 =	simm.s32 @!p1 $0x1082;
	[sflag:s4] =	ssyncset.s32 $0xFFFFF086  }
0x25: {  	[simem:s6], [sflag:s4] =	dma.local [hbm:s3], $0xF7A  }
0x26: {  	[smem:$0x3F95] =	sst s1;
	(tag) =	ssettag s2;
	_ =	strace s9  }
0x27: {  	s1 =	sld [smem:$0x3FA5]  }
0x28: {  	s2 =	sld [smem:$0x3FA6]  }
0x29: {  	s4 =	sld [smem:$0x3FA8]  }
0x2a: {  	p0 =	seq.s32 s5, $0x0;
	s5 =	sld [smem:$0x3FA9]  }
0x2b: {  	s6 =	sld [smem:$0x3FAA]  }
0x2c: {  	s7 =	sld [smem:$0x3FAB]  }
0x2d: {  	s3 =	simm.s32 $0x108;
	s8 =	sld [smem:$0x3FAC]  }
0x2e: {  	s3 =	simm.s32 @!p0 $0x1082;
	s9 =	sld [smem:$0x3FAD]  }
0x2f: {  	lr =	sadd.s32 s0, s3;
	s0 =	sld [smem:$0x3FA4]  }
0x30: {  	s3 =	sld [smem:$0x3FA7]  }
0x31: {  	[smem:$0x3FB0] =	sst s10  }
0x32: {  	s10 =	sld [smem:$0x3FAE];
	_ =	sdelay $0x3  }
0x33: {  	p0 =	seq.s32 s10, $0x1;
	s10 =	sld [smem:$0x3FB0];
	_ =	sdelay $0x3  }
0x34: {  	[smem:$0x3FB0] =	sst s10  }
0x35: {  	s10 =	sld [smem:$0x3FAF];
	_ =	sdelay $0x3  }
0x36: {  	p1 =	seq.s32 s10, $0x1;
	s10 =	sld [smem:$0x3FB0];
	_ =	sdelay $0x3  }
0x37: {  	[smem:$0x3FB0] =	sst s10  }
0x38: {  	s10 =	sld [smem:$0x3FB1]  }
0x39: {  	_ = 	snop;
	(pc) =	sbr.ind lr, $3  }
0x3a: {  	_ = 	snop  }
0x3b: {  	_ = 	snop  }
0x3c: {  	p2 =	seq.s32 s10, $0x1;
	s10 =	sld [smem:$0x3FB0]  }
0x3d: {  	_ =	shalt  }
0x3e: {  	_ =	shalt  }
0x3f: {  	_ =	shalt  }
0x40: {  	_ =	shalt  }
0x41: {  	_ =	shalt  }
0x42: {  	_ =	shalt  }
0x43: {  	_ =	shalt  }
0x44: {  	_ =	shalt  }
0x45: {  	_ =	shalt  }
0x46: {  	_ =	shalt  }
0x47: {  	_ =	shalt  }
0x48: {  	_ =	shalt  }
0x49: {  	_ =	shalt  }
0x4a: {  	_ =	shalt  }
0x4b: {  	_ =	shalt  }
0x4c: {  	_ =	shalt  }
0x4d: {  	_ =	shalt  }
0x4e: {  	_ =	shalt  }
0x4f: {  	_ =	shalt  }
0x50: {  	_ =	shalt  }
0x51: {  	_ =	shalt  }
0x52: {  	_ =	shalt  }
0x53: {  	_ =	shalt  }
0x54: {  	_ =	shalt  }
0x55: {  	_ =	shalt  }
0x56: {  	_ =	shalt  }
0x57: {  	_ =	shalt  }
0x58: {  	_ =	shalt  }
0x59: {  	_ =	shalt  }
0x5a: {  	_ =	shalt  }
0x5b: {  	_ =	shalt  }
0x5c: {  	_ =	shalt  }
0x5d: {  	_ =	shalt  }
0x5e: {  	_ =	shalt  }
0x5f: {  	_ =	shalt  }
0x60: {  	_ =	shalt  }
0x61: {  	_ =	shalt  }
0x62: {  	_ =	shalt  }
0x63: {  	_ =	shalt  }
0x64: {  	_ =	shalt  }
0x65: {  	_ =	shalt  }
0x66: {  	_ =	shalt  }
0x67: {  	_ =	shalt  }
0x68: {  	_ =	shalt  }
0x69: {  	_ =	shalt  }
0x6a: {  	_ =	shalt  }
0x6b: {  	_ =	shalt  }
0x6c: {  	_ =	shalt  }
0x6d: {  	_ =	shalt  }
0x6e: {  	_ =	shalt  }
0x6f: {  	_ =	shalt  }
0x70: {  	_ =	shalt  }
0x71: {  	_ =	shalt  }
0x72: {  	_ =	shalt  }
0x73: {  	_ =	shalt  }
0x74: {  	_ =	shalt  }
0x75: {  	_ =	shalt  }
0x76: {  	_ =	shalt  }
0x77: {  	_ =	shalt  }
0x78: {  	_ =	shalt  }
0x79: {  	_ =	shalt  }
0x7a: {  	_ =	shalt  }
0x7b: {  	_ =	shalt  }
0x7c: {  	_ =	shalt  }
0x7d: {  	_ =	shalt  }
0x7e: {  	_ =	shalt  }
0x7f: {  	_ =	shalt  }
0x80: {  	_ =	shalt  }
0x81: {  	_ =	shalt  }
0x82: {  	_ =	shalt  }
0x83: {  	_ =	shalt  }
0x84: {  	_ =	shalt  }
0x85: {  	_ =	shalt  }
0x86: {  	_ =	shalt  }
0x87: {  	_ =	shalt  }
.Lfunc_end0:
.L_simem_size_0:
called_computation.3_lowered:
.L_overlay_start_0:
0x88: {  	s2 =	sld [smem:$0x3FD9]  }
0x89: {  	s3 =	sld [smem:$0x3FFE];
	_ =	sdelay $0x1  }
0x8a: {  	s1 =	srdreg.scid  }
0x8b: {  	s0 =	sand.u32 $0x1, s1  }
0x8c: {  	s16 =	sshll.u32 s0, $0xA;
	s2 =	sadd.s32 s3, s2  }
0x8d: {  	s2 =	sadd.s32 s2, s16  }
0x8e: {  	[smem:$0x3FBC] =	sst s2  }
0x8f: {  	_ = 	snop  }
0x90: {  	(tm) =	ssettm $0x1  }
0x91: {  	s17 =	sld [smem:$0x3FFB];
	_ =	sdelay $0x3  }
0x92: {  	_ =	strace s17  }
0x93: {  	s2 =	sld [smem:$0x3FFC];
	_ =	sdelay $0x3  }
0x94: {  	_ =	strace s2  }
0x95: {  	s2 =	sld [smem:$0x3FFD];
	_ =	sdelay $0x3  }
0x96: {  	_ =	strace s2  }
0x97: {  	_ =	strace $0x8FFFFFFF  }
0x98: {  	s18 =	sld [smem:$0x3FDB];
	_ =	sdelay $0x1  }
0x99: {  	s19 =	simm.s32 $_scs_section_size  }
0x9a: {  	s4 =	simm.s32 $_size__tile_overlayer_lowered;
	s5 =	simm.s32 $_tile_overlayer_lowered  }
0x9b: {  	s22 =	simm.s32 $0x1BFF;
	s21 =	sshll.u32 s5, $0x1;
	s2 =	sadd.s32 s19, s18  }
0x9c: {  	s6 =	simm.s32 $0x0;
	s20 =	sshll.u32 s4, $0x1;
	s4 =	sadd.s32 s21, s2  }
0x9d: {  	[timem:s6], [sflag:s22] =	dma.local [hbm:s4], s20  }
0x9e: {  	_ =	swait.ge [sflag:s22], s20  }
0x9f: {  	s3 =	ssub.s32 $0x0, s20;
	[sflag:s22] =	ssyncset.done $0x0  }
0xa0: {  	[sflag:s22] =	ssyncadd.s32 s3;
	_ =	sdelay $0x1  }
0xa1: {  	s23 =	simm.s32 $0x1B8B  }
0xa2: {  	_ =	swait.ge [sflag:s23], $0x1  }
0xa3: {  	[sflag:s23] =	ssyncset.done $0x0  }
0xa4: {  	s25 =	simm.s32 $0x1B8E;
	s24 =	sld [smem:$0x3FFE];
	[sflag:s23] =	ssyncadd.s32 $0xFFFFFFFF  }
0xa5: {  	s26 =	simm.s32 $execute0_lowered;
	[smem:$0x3FD2] =	sst s25  }
0xa6: {  	s4 =	sshll.u32 s26, $0x1;
	_ =	strace $0x8000004F;
	[dreg:$0x1] =	wrdreg $0xFFFFFFFF  }
0xa7: {  	s28 =	simm.s32 $_size_execute0_lowered;
	s2 =	sadd.s32 s2, s4;
	[dreg:$0x0] =	wrdreg $0x0  }
0xa8: {  	s4 =	sshll.u32 s28, $0x1;
	[dreg:$0x2] =	wrdreg s2  }
0xa9: {  	[dreg:$0x3] =	wrdreg s4  }
0xaa: {  	[dreg:$0x4] =	wrdreg $0xC0  }
0xab: {  	_ =	task [dreg:s6], $0x5FFFF  }
0xac: {  	[dreg:$0x1] =	wrdreg $0xFFFFFFFF  }
0xad: {  	[dreg:$0x0] =	wrdreg $0x60  }
0xae: {  	[dreg:$0x2] =	wrdreg s24  }
0xaf: {  	[dreg:$0x3] =	wrdreg $0x11D200  }
0xb0: {  	[dreg:$0x4] =	wrdreg $0xCF000  }
0xb1: {  	[dreg:$0x5] =	wrdreg $0x9  }
0xb2: {  	_ =	task.clear_ibuf [dreg:s6], $0x6FFFF;
	_ =	strace $0x9000004F  }
0xb3: {  	s29 =	simm.s32 $0x9;
	_ =	strace $0x80000051  }
0xb4: {  	_ =	swait.ge [sflag:s29], $0x1  }
0xb5: {  	[sflag:s29] =	ssyncadd.s32 $0xFFFFFFFF  }
0xb6: {  	_ =	strace $0x90000051  }
0xb7: {  	_ =	sfence  }
0xb8: {  	s30 =	sld [smem:$0x0];
	_ =	sdelay $0x2  }
0xb9: {  	s31 =	sshll.u32 s1, $0xD;
	s1 =	sshrl.u32 s1, $0x2  }
0xba: {  	s3 =	sand.u32 $0x4000, s31;
	s1 =	sadd.s32 s1, s30  }
0xbb: {  	s0 =	sor.u32 s3, s0;
	s1 =	sshll.u32 s1, $0x11  }
0xbc: {  	s0 =	sor.u32 s1, s0  }
0xbd: {  	s0 =	sadd.s32 $0x8F2B, s0  }
0xbe: {  	[sflag:s0] =	ssyncadd.remote.s32 $0x1  }
0xbf: {  	_ =	sfence.sel $0xFFFF  }
0xc0: {  	[dreg:$0x0] =	wrdreg $0xFFFFFFFF;
	(pc) =	sbr.abs _section_cstart, $3  }
0xc1: {  	[dreg:$0x1] =	wrdreg $0xFFFFFFFF  }
0xc2: {  	_ =	task.clear_ibuf [dreg:s6], $0x2FFFF;
	_ =	strace $0x9FFFFFFF  }
0xc3: {  	(tm) =	ssettm $0x7FFFFFFF  }
tec
execute0_lowered:
.L_overlay_start_1:
0x0: {  	(tag) =	ssettag $0x1  }
0x1: {  	s0 =	rddreg [dreg:$0x0]  }
0x2: {  	s2 =	rddreg [dreg:$0x1]  }
0x3: {  	s3 =	rddreg [dreg:$0x2];
	s4 =	simm.s32 $0x0  }
0x4: {  	s18 =	stileid.u32;
	s1 =	srdreg.scid;
	s13 =	simm.s32 $0x1  }
0x5: {  	s14 =	simm.s32 $0x4;
	s15 =	simm.s32 $0x10;
	s16 =	simm.s32 $0x9  }
0x6: {  	s19 =	simm.s32 $0x80;
	s28 =	simm.s32 $0x8F00;
	s30 =	simm.s32 $0x9F00  }
0x7: {  	s29 =	simm.s32 $0x6;
	s31 =	simm.s32 $0x7;
	[smem:$0x7FF] =	sst s4  }
0x8: {  	s5 =	smul.u32 $0x13880, s18;
	s1 =	sand.u32 $0x1, s1;
	s7 =	sshll.u32 s18, $0x1  }
0x9: {  	s23 =	smul.u32 $0x4E20, s18;
	s25 =	sshll.u32 s18, $0x6;
	p0 =	slt.u32 s18, $0xE  }
0xa: {  	s18 =	simm.s32 $0xBF00;
	_ =	strace $0x80000050;
	s6 =	sshll.u32 s1, $0x5  }
0xb: {  	s20 =	sor.u32 s1, s7;
	s1 =	ssub.s32 $0x2, s1;
	s8 =	sshrl.u32 s5, $0x3  }
0xc: {  	s5 =	sor.u32 s6, s5;
	s22 =	smul.u32 $0x4E, s20;
	s6 =	smax.u32 s20, $0x1C  }
0xd: {  	s9 =	sshrl.u32 s1, $0x1;
	s12 =	sadd.s32 s23, s2;
	s20 =	simm.s32 $0x4F00  }
0xe: {  	s21 =	sadd.s32 s8, s0;
	s5 =	sshrl.u32 s5, $0x3;
	s1 =	ssub.s32 s1, s9  }
0xf: {  	s8 =	sadd.s32 s23, s3;
	s12 =	sshrl.u32 s12, $0x3;
	s23 =	simm.s32 $0x6F00  }
0x10: {  	s5 =	sadd.s32 s5, s0;
	s6 =	sadd.s32 s22, s6;
	s10 =	sadd.s32 $0x17600, s21  }
0x11: {  	s7 =	sadd.s32 $0x3E800, s21;
	s11 =	smax.u32 s1, $0x1;
	s17 =	sshrl.u32 s8, $0x3  }
0x12: {  	s21 =	simm.s32 $0x5F00;
	s22 =	simm.s32 $0x2;
	s1 =	simm.s32 $0x8  }
0x13: {  	s24 =	sshll.u32 s6, $0x4;
	[dreg:$0x4] =	wrdreg s10;
	s6 =	sor.u32 $0x1C09, s25  }
0x14: {  	[dreg:$0x5] =	wrdreg s7;
	s10 =	sadd.s32 $0x65A00, s5;
	s0 =	sadd.s32 s0, s24  }
0x15: {  	s25 =	simm.s32 $0x7F00;
	s5 =	simm.s32 $0x0;
	s26 =	sadd.s32 $0x3840, s0  }
0x16: {  	s24 =	simm.s32 $0x3;
	s0 =	sadd.s32 $0xD640, s0;
	[dreg:$0x6] =	wrdreg s26  }
0x17: {  	[dreg:$0x7] =	wrdreg s0;
	s0 =	simm.s32 $0xAF00;
	s26 =	simm.s32 $0x5  }
.LBB2_1:
0x18: {  	s7 =	rddreg [dreg:$0x4]  }
0x19: {  	[spmem:s12@s14], [sflag:s6] =	dma.strided [hbm:s7@s15], $0x9C4, s13, $0x4   }
0x1a: {  	_ =	swait.ge [sflag:s16], $0x9C4  }
0x1b: {  	[sflag:s16] =	ssyncset.done $0x0  }
0x1c: {  	s9 =	rddreg [dreg:$0x5];
	[sflag:s16] =	ssyncadd.s32 $0xFFFFF63C  }
0x1d: {  	[spmem:s17@s14], [sflag:s6] =	dma.strided [hbm:s9@s15], $0x9C4, s13, $0x4   }
0x1e: {  	_ =	swait.ge [sflag:s16], $0x9C4  }
0x1f: {  	[sflag:s16] =	ssyncset.done $0x0  }
0x20: {  	s8 =	rddreg [dreg:$0x6];
	[sflag:s16] =	ssyncadd.s32 $0xFFFFF63C  }
0x21: {  	[tilespmem:s4], [sflag:$0x9] =	stream.linear.gather [hbm4b:s8+s4], $0x2780, $0x38;
	[tilespmem:$0x16B40] =	vst v63  }
0x22: {  	_ =	swait.ge [sflag:s16], $0x2780  }
0x23: {  	[sflag:s16] =	ssyncset.done $0x0  }
0x24: {  	s8 =	simm.s32 $0x2780;
	s9 =	rddreg [dreg:$0x7];
	[sflag:s16] =	ssyncadd.s32 $0xFFFFD880  }
0x25: {  	[tilespmem:s8], [sflag:$0x9] =	stream.linear.gather [hbm4b:s9+s4], $0x2780, $0x38;
	[tilespmem:$0x16B40] =	vst v63  }
0x26: {  	_ =	swait.ge [sflag:s16], $0x2780  }
0x27: {  	[sflag:s16] =	ssyncset.done $0x0  }
0x28: {  	[sflag:s16] =	ssyncadd.s32 $0xFFFFD880  }
0x29: {  	[bflag:$0x0] =	sbarrier.arrive $0xFFFF  }
0x2a: {  	[tilespmem:s20], [sflag:$0x1] =	stream.indirect.gather [spmem:s3], $0x20, s4, s19, $0xb8;
	[tilespmem:$0x16B40] =	vst v63  }
0x2b: {  	_ = 	snop  }
0x2c: {  	[tilespmem:s21], [sflag:$0x2] =	stream.indirect.gather [spmem:s3], $0x20, s19, s19, $0xb8;
	[tilespmem:$0x16B40] =	vst v63  }
0x2d: {  	s9 =	simm.s32 $0x100  }
0x2e: {  	[tilespmem:s23], [sflag:$0x3] =	stream.indirect.gather [spmem:s3], $0x20, s9, s19, $0xb8;
	[tilespmem:$0x16B40] =	vst v63  }
0x2f: {  	s8 =	simm.s32 $0x180  }
0x30: {  	[tilespmem:s25], [sflag:$0x4] =	stream.indirect.gather [spmem:s3], $0x20, s8, s19, $0xb8;
	[tilespmem:$0x16B40] =	vst v63  }
0x31: {  	s9 =	simm.s32 $0x200  }
0x32: {  	[tilespmem:s28], [sflag:$0x5] =	stream.indirect.gather [spmem:s3], $0x20, s9, s19, $0xb8;
	[tilespmem:$0x16B40] =	vst v63  }
0x33: {  	s8 =	simm.s32 $0x280  }
0x34: {  	[tilespmem:s30], [sflag:$0x6] =	stream.indirect.gather [spmem:s3], $0x20, s8, s19, $0xb8;
	[tilespmem:$0x16B40] =	vst v63  }
0x35: {  	s9 =	simm.s32 $0x300  }
0x36: {  	[tilespmem:s0], [sflag:$0x7] =	stream.indirect.gather [spmem:s3], $0x20, s9, s19, $0xb8;
	[tilespmem:$0x16B40] =	vst v63  }
0x37: {  	s8 =	simm.s32 $0x380  }
0x38: {  	[tilespmem:s18], [sflag:$0x8] =	stream.indirect.gather [spmem:s3], $0x20, s8, s19, $0xb8;
	[tilespmem:$0x16B40] =	vst v63  }
0x39: {  	_ =	swait.ge [sflag:s13], $0x1000  }
0x3a: {  	[sflag:s13] =	ssyncset.done $0x0  }
0x3b: {  	s9 =	simm.s32 $0x2780;
	[sflag:s13] =	ssyncadd.s32 $0xFFFFF000  }
0x3c: {  	[spmem:s2] =	stream.indirect.scatter.add.f32 [tilespmem:s20], [sflag:$0x9], $0x20, s9, s19, $0xb8;
	[tilespmem:$0x16B40] =	vst v63  }
0x3d: {  	_ =	swait.ge [sflag:s16], $0x1000  }
0x3e: {  	[sflag:s16] =	ssyncset.done $0x0  }
0x3f: {  	s8 =	simm.s32 $0x400;
	[sflag:s16] =	ssyncadd.s32 $0xFFFFF000  }
0x40: {  	[tilespmem:s20], [sflag:$0x1] =	stream.indirect.gather [spmem:s3], $0x20, s8, s19, $0xb8;
	[tilespmem:$0x16B40] =	vst v63  }
0x41: {  	_ =	swait.ge [sflag:s22], $0x1000  }
0x42: {  	[sflag:s22] =	ssyncset.done $0x0  }
0x43: {  	s9 =	simm.s32 $0x2800;
	[sflag:s22] =	ssyncadd.s32 $0xFFFFF000  }
0x44: {  	[spmem:s2] =	stream.indirect.scatter.add.f32 [tilespmem:s21], [sflag:$0x9], $0x20, s9, s19, $0xb8;
	[tilespmem:$0x16B40] =	vst v63  }
0x45: {  	_ =	swait.ge [sflag:s16], $0x1000  }
0x46: {  	[sflag:s16] =	ssyncset.done $0x0  }
0x47: {  	s8 =	simm.s32 $0x480;
	[sflag:s16] =	ssyncadd.s32 $0xFFFFF000  }
0x48: {  	[tilespmem:s21], [sflag:$0x2] =	stream.indirect.gather [spmem:s3], $0x20, s8, s19, $0xb8;
	[tilespmem:$0x16B40] =	vst v63  }
0x49: {  	_ =	swait.ge [sflag:s24], $0x1000  }
0x4a: {  	[sflag:s24] =	ssyncset.done $0x0  }
0x4b: {  	s9 =	simm.s32 $0x2880;
	[sflag:s24] =	ssyncadd.s32 $0xFFFFF000  }
0x4c: {  	[spmem:s2] =	stream.indirect.scatter.add.f32 [tilespmem:s23], [sflag:$0x9], $0x20, s9, s19, $0xb8;
	[tilespmem:$0x16B40] =	vst v63  }
0x4d: {  	_ =	swait.ge [sflag:s16], $0x1000  }
0x4e: {  	[sflag:s16] =	ssyncset.done $0x0  }
0x4f: {  	s8 =	simm.s32 $0x500;
	[sflag:s16] =	ssyncadd.s32 $0xFFFFF000  }
0x50: {  	[tilespmem:s23], [sflag:$0x3] =	stream.indirect.gather [spmem:s3], $0x20, s8, s19, $0xb8;
	[tilespmem:$0x16B40] =	vst v63  }
0x51: {  	_ =	swait.ge [sflag:s14], $0x1000  }
0x52: {  	[sflag:s14] =	ssyncset.done $0x0  }
0x53: {  	s9 =	simm.s32 $0x2900;
	[sflag:s14] =	ssyncadd.s32 $0xFFFFF000  }
0x54: {  	[spmem:s2] =	stream.indirect.scatter.add.f32 [tilespmem:s25], [sflag:$0x9], $0x20, s9, s19, $0xb8;
	[tilespmem:$0x16B40] =	vst v63  }
0x55: {  	_ =	swait.ge [sflag:s16], $0x1000  }
0x56: {  	[sflag:s16] =	ssyncset.done $0x0  }
0x57: {  	s8 =	simm.s32 $0x580;
	[sflag:s16] =	ssyncadd.s32 $0xFFFFF000  }
0x58: {  	[tilespmem:s25], [sflag:$0x4] =	stream.indirect.gather [spmem:s3], $0x20, s8, s19, $0xb8;
	[tilespmem:$0x16B40] =	vst v63  }
0x59: {  	_ =	swait.ge [sflag:s26], $0x1000  }
0x5a: {  	[sflag:s26] =	ssyncset.done $0x0  }
0x5b: {  	s9 =	simm.s32 $0x2980;
	[sflag:s26] =	ssyncadd.s32 $0xFFFFF000  }
0x5c: {  	[spmem:s2] =	stream.indirect.scatter.add.f32 [tilespmem:s28], [sflag:$0x9], $0x20, s9, s19, $0xb8;
	[tilespmem:$0x16B40] =	vst v63  }
0x5d: {  	_ =	swait.ge [sflag:s16], $0x1000  }
0x5e: {  	[sflag:s16] =	ssyncset.done $0x0  }
0x5f: {  	s8 =	simm.s32 $0x600;
	[sflag:s16] =	ssyncadd.s32 $0xFFFFF000  }
0x60: {  	[tilespmem:s28], [sflag:$0x5] =	stream.indirect.gather [spmem:s3], $0x20, s8, s19, $0xb8;
	[tilespmem:$0x16B40] =	vst v63  }
0x61: {  	_ =	swait.ge [sflag:s29], $0x1000  }
0x62: {  	[sflag:s29] =	ssyncset.done $0x0  }
0x63: {  	s9 =	simm.s32 $0x2A00;
	[sflag:s29] =	ssyncadd.s32 $0xFFFFF000  }
0x64: {  	[spmem:s2] =	stream.indirect.scatter.add.f32 [tilespmem:s30], [sflag:$0x9], $0x20, s9, s19, $0xb8;
	[tilespmem:$0x16B40] =	vst v63  }
0x65: {  	_ =	swait.ge [sflag:s16], $0x1000  }
0x66: {  	[sflag:s16] =	ssyncset.done $0x0  }
0x67: {  	s8 =	simm.s32 $0x680;
	[sflag:s16] =	ssyncadd.s32 $0xFFFFF000  }
0x68: {  	[tilespmem:s30], [sflag:$0x6] =	stream.indirect.gather [spmem:s3], $0x20, s8, s19, $0xb8;
	[tilespmem:$0x16B40] =	vst v63  }
0x69: {  	_ =	swait.ge [sflag:s31], $0x1000  }
0x6a: {  	[sflag:s31] =	ssyncset.done $0x0  }
0x6b: {  	s9 =	simm.s32 $0x2A80;
	[sflag:s31] =	ssyncadd.s32 $0xFFFFF000  }
0x6c: {  	[spmem:s2] =	stream.indirect.scatter.add.f32 [tilespmem:s0], [sflag:$0x9], $0x20, s9, s19, $0xb8;
	[tilespmem:$0x16B40] =	vst v63  }
0x6d: {  	_ =	swait.ge [sflag:s16], $0x1000  }
0x6e: {  	[sflag:s16] =	ssyncset.done $0x0  }
0x6f: {  	s8 =	simm.s32 $0x700;
	[sflag:s16] =	ssyncadd.s32 $0xFFFFF000  }
0x70: {  	[tilespmem:s0], [sflag:$0x7] =	stream.indirect.gather [spmem:s3], $0x20, s8, s19, $0xb8;
	[tilespmem:$0x16B40] =	vst v63  }
0x71: {  	_ =	swait.ge [sflag:s1], $0x1000  }
0x72: {  	[sflag:s1] =	ssyncset.done $0x0  }
0x73: {  	s9 =	simm.s32 $0x2B00;
	[sflag:s1] =	ssyncadd.s32 $0xFFFFF000  }
0x74: {  	[spmem:s2] =	stream.indirect.scatter.add.f32 [tilespmem:s18], [sflag:$0x9], $0x20, s9, s19, $0xb8;
	[tilespmem:$0x16B40] =	vst v63  }
0x75: {  	_ =	swait.ge [sflag:s16], $0x1000  }
0x76: {  	[sflag:s16] =	ssyncset.done $0x0  }
0x77: {  	s7 =	simm.s32 $0x1000;
	s8 =	simm.s32 $0x780;
	[sflag:s16] =	ssyncadd.s32 $0xFFFFF000  }
.LBB2_2:
0x78: {  	[tilespmem:s18], [sflag:$0x8] =	stream.indirect.gather [spmem:s3], $0x20, s8, s19, $0xb8;
	[tilespmem:$0x16B40] =	vst v63  }
0x79: {  	s8 =	smov.u32 s7  }
0x7a: {  	p1 =	sne.s32 s7, $0x7000;
	s7 =	sadd.s32 $0x1000, s7;
	_ =	swait.ge [sflag:s13], $0x1000  }
0x7b: {  	s8 =	sshra.s32 s8, $0x2;
	[sflag:s13] =	ssyncset.done $0x0  }
0x7c: {  	s9 =	sadd.s32 $0x2780, s8;
	[sflag:s13] =	ssyncadd.s32 $0xFFFFF000  }
0x7d: {  	[spmem:s2] =	stream.indirect.scatter.add.f32 [tilespmem:s20], [sflag:$0x9], $0x20, s9, s19, $0xb8;
	[tilespmem:$0x16B40] =	vst v63  }
0x7e: {  	_ =	swait.ge [sflag:s16], $0x1000  }
0x7f: {  	[sflag:s16] =	ssyncset.done $0x0  }
0x80: {  	s9 =	sadd.s32 $0x400, s8;
	[sflag:s16] =	ssyncadd.s32 $0xFFFFF000  }
0x81: {  	[tilespmem:s20], [sflag:$0x1] =	stream.indirect.gather [spmem:s3], $0x20, s9, s19, $0xb8;
	[tilespmem:$0x16B40] =	vst v63  }
0x82: {  	_ =	swait.ge [sflag:s22], $0x1000  }
0x83: {  	[sflag:s22] =	ssyncset.done $0x0  }
0x84: {  	s9 =	sadd.s32 $0x2800, s8;
	[sflag:s22] =	ssyncadd.s32 $0xFFFFF000  }
0x85: {  	[spmem:s2] =	stream.indirect.scatter.add.f32 [tilespmem:s21], [sflag:$0x9], $0x20, s9, s19, $0xb8;
	[tilespmem:$0x16B40] =	vst v63  }
0x86: {  	_ =	swait.ge [sflag:s16], $0x1000  }
0x87: {  	[sflag:s16] =	ssyncset.done $0x0  }
0x88: {  	s9 =	sadd.s32 $0x480, s8;
	[sflag:s16] =	ssyncadd.s32 $0xFFFFF000  }
0x89: {  	[tilespmem:s21], [sflag:$0x2] =	stream.indirect.gather [spmem:s3], $0x20, s9, s19, $0xb8;
	[tilespmem:$0x16B40] =	vst v63  }
0x8a: {  	_ =	swait.ge [sflag:s24], $0x1000  }
0x8b: {  	[sflag:s24] =	ssyncset.done $0x0  }
0x8c: {  	s9 =	sadd.s32 $0x2880, s8;
	[sflag:s24] =	ssyncadd.s32 $0xFFFFF000  }
0x8d: {  	[spmem:s2] =	stream.indirect.scatter.add.f32 [tilespmem:s23], [sflag:$0x9], $0x20, s9, s19, $0xb8;
	[tilespmem:$0x16B40] =	vst v63  }
0x8e: {  	_ =	swait.ge [sflag:s16], $0x1000  }
0x8f: {  	[sflag:s16] =	ssyncset.done $0x0  }
0x90: {  	s9 =	sadd.s32 $0x500, s8;
	[sflag:s16] =	ssyncadd.s32 $0xFFFFF000  }
0x91: {  	[tilespmem:s23], [sflag:$0x3] =	stream.indirect.gather [spmem:s3], $0x20, s9, s19, $0xb8;
	[tilespmem:$0x16B40] =	vst v63  }
0x92: {  	_ =	swait.ge [sflag:s14], $0x1000  }
0x93: {  	[sflag:s14] =	ssyncset.done $0x0  }
0x94: {  	s9 =	sadd.s32 $0x2900, s8;
	[sflag:s14] =	ssyncadd.s32 $0xFFFFF000  }
0x95: {  	[spmem:s2] =	stream.indirect.scatter.add.f32 [tilespmem:s25], [sflag:$0x9], $0x20, s9, s19, $0xb8;
	[tilespmem:$0x16B40] =	vst v63  }
0x96: {  	_ =	swait.ge [sflag:s16], $0x1000  }
0x97: {  	[sflag:s16] =	ssyncset.done $0x0  }
0x98: {  	s9 =	sadd.s32 $0x580, s8;
	[sflag:s16] =	ssyncadd.s32 $0xFFFFF000  }
0x99: {  	[tilespmem:s25], [sflag:$0x4] =	stream.indirect.gather [spmem:s3], $0x20, s9, s19, $0xb8;
	[tilespmem:$0x16B40] =	vst v63  }
0x9a: {  	_ =	swait.ge [sflag:s26], $0x1000  }
0x9b: {  	[sflag:s26] =	ssyncset.done $0x0  }
0x9c: {  	s9 =	sadd.s32 $0x2980, s8;
	[sflag:s26] =	ssyncadd.s32 $0xFFFFF000  }
0x9d: {  	[spmem:s2] =	stream.indirect.scatter.add.f32 [tilespmem:s28], [sflag:$0x9], $0x20, s9, s19, $0xb8;
	[tilespmem:$0x16B40] =	vst v63  }
0x9e: {  	_ =	swait.ge [sflag:s16], $0x1000  }
0x9f: {  	[sflag:s16] =	ssyncset.done $0x0  }
0xa0: {  	s9 =	sadd.s32 $0x600, s8;
	[sflag:s16] =	ssyncadd.s32 $0xFFFFF000  }
0xa1: {  	[tilespmem:s28], [sflag:$0x5] =	stream.indirect.gather [spmem:s3], $0x20, s9, s19, $0xb8;
	[tilespmem:$0x16B40] =	vst v63  }
0xa2: {  	_ =	swait.ge [sflag:s29], $0x1000  }
0xa3: {  	[sflag:s29] =	ssyncset.done $0x0  }
0xa4: {  	s9 =	sadd.s32 $0x2A00, s8;
	[sflag:s29] =	ssyncadd.s32 $0xFFFFF000  }
0xa5: {  	[spmem:s2] =	stream.indirect.scatter.add.f32 [tilespmem:s30], [sflag:$0x9], $0x20, s9, s19, $0xb8;
	[tilespmem:$0x16B40] =	vst v63  }
0xa6: {  	_ =	swait.ge [sflag:s16], $0x1000  }
0xa7: {  	[sflag:s16] =	ssyncset.done $0x0  }
0xa8: {  	s9 =	sadd.s32 $0x680, s8;
	[sflag:s16] =	ssyncadd.s32 $0xFFFFF000  }
0xa9: {  	[tilespmem:s30], [sflag:$0x6] =	stream.indirect.gather [spmem:s3], $0x20, s9, s19, $0xb8;
	[tilespmem:$0x16B40] =	vst v63  }
0xaa: {  	_ =	swait.ge [sflag:s31], $0x1000  }
0xab: {  	[sflag:s31] =	ssyncset.done $0x0  }
0xac: {  	s9 =	sadd.s32 $0x2A80, s8;
	[sflag:s31] =	ssyncadd.s32 $0xFFFFF000  }
0xad: {  	[spmem:s2] =	stream.indirect.scatter.add.f32 [tilespmem:s0], [sflag:$0x9], $0x20, s9, s19, $0xb8;
	[tilespmem:$0x16B40] =	vst v63  }
0xae: {  	_ =	swait.ge [sflag:s16], $0x1000  }
0xaf: {  	[sflag:s16] =	ssyncset.done $0x0  }
0xb0: {  	s9 =	sadd.s32 $0x700, s8;
	[sflag:s16] =	ssyncadd.s32 $0xFFFFF000  }
0xb1: {  	[tilespmem:s0], [sflag:$0x7] =	stream.indirect.gather [spmem:s3], $0x20, s9, s19, $0xb8;
	[tilespmem:$0x16B40] =	vst v63  }
0xb2: {  	_ =	swait.ge [sflag:s1], $0x1000  }
0xb3: {  	[sflag:s1] =	ssyncset.done $0x0  }
.Ltmp0:
0xb4: {  	s9 =	sadd.s32 $0x2B00, s8;
	[sflag:s1] =	ssyncadd.s32 $0xFFFFF000;
	(pc) =	sbr.rel @p1 .LBB2_2-.Ltmp0, $4  }
0xb5: {  	[spmem:s2] =	stream.indirect.scatter.add.f32 [tilespmem:s18], [sflag:$0x9], $0x20, s9, s19, $0xb8;
	[tilespmem:$0x16B40] =	vst v63  }
0xb6: {  	_ =	swait.ge [sflag:s16], $0x1000  }
0xb7: {  	[sflag:s16] =	ssyncset.done $0x0  }
0xb8: {  	s8 =	sadd.s32 $0x780, s8;
	[sflag:s16] =	ssyncadd.s32 $0xFFFFF000  }
0xb9: {  	[tilespmem:s18], [sflag:$0x8] =	stream.indirect.gather [spmem:s3], $0x20, s8, s19, $0xb8;
	[tilespmem:$0x16B40] =	vst v63  }
0xba: {  	_ =	swait.ge [sflag:s13], $0x1000  }
0xbb: {  	[sflag:s13] =	ssyncset.done $0x0  }
0xbc: {  	s7 =	simm.s32 $0x4780;
	[sflag:s13] =	ssyncadd.s32 $0xFFFFF000  }
0xbd: {  	[spmem:s2] =	stream.indirect.scatter.add.f32 [tilespmem:s20], [sflag:$0x9], $0x20, s7, s19, $0xb8;
	[tilespmem:$0x16B40] =	vst v63  }
0xbe: {  	_ =	swait.ge [sflag:s16], $0x1000  }
0xbf: {  	[sflag:s16] =	ssyncset.done $0x0  }
0xc0: {  	s8 =	simm.s32 $0x2400;
	[sflag:s16] =	ssyncadd.s32 $0xFFFFF000  }
0xc1: {  	[tilespmem:s20], [sflag:$0x1] =	stream.indirect.gather [spmem:s3], $0x20, s8, s19, $0xb8;
	[tilespmem:$0x16B40] =	vst v63  }
0xc2: {  	_ =	swait.ge [sflag:s22], $0x1000  }
0xc3: {  	[sflag:s22] =	ssyncset.done $0x0  }
0xc4: {  	s9 =	simm.s32 $0x4800;
	[sflag:s22] =	ssyncadd.s32 $0xFFFFF000  }
0xc5: {  	[spmem:s2] =	stream.indirect.scatter.add.f32 [tilespmem:s21], [sflag:$0x9], $0x20, s9, s19, $0xb8;
	[tilespmem:$0x16B40] =	vst v63  }
0xc6: {  	_ =	swait.ge [sflag:s16], $0x1000  }
0xc7: {  	[sflag:s16] =	ssyncset.done $0x0  }
0xc8: {  	s8 =	simm.s32 $0x2480;
	[sflag:s16] =	ssyncadd.s32 $0xFFFFF000  }
0xc9: {  	[tilespmem:s21], [sflag:$0x2] =	stream.indirect.gather [spmem:s3], $0x20, s8, s19, $0xb8;
	[tilespmem:$0x16B40] =	vst v63  }
0xca: {  	_ =	swait.ge [sflag:s24], $0x1000  }
0xcb: {  	[sflag:s24] =	ssyncset.done $0x0  }
0xcc: {  	s9 =	simm.s32 $0x4880;
	[sflag:s24] =	ssyncadd.s32 $0xFFFFF000  }
0xcd: {  	[spmem:s2] =	stream.indirect.scatter.add.f32 [tilespmem:s23], [sflag:$0x9], $0x20, s9, s19, $0xb8;
	[tilespmem:$0x16B40] =	vst v63  }
0xce: {  	_ =	swait.ge [sflag:s16], $0x1000  }
0xcf: {  	[sflag:s16] =	ssyncset.done $0x0  }
0xd0: {  	s8 =	simm.s32 $0x2500;
	[sflag:s16] =	ssyncadd.s32 $0xFFFFF000  }
0xd1: {  	[tilespmem:s23], [sflag:$0x3] =	stream.indirect.gather [spmem:s3], $0x20, s8, s19, $0xb8;
	[tilespmem:$0x16B40] =	vst v63  }
0xd2: {  	_ =	swait.ge [sflag:s14], $0x1000  }
0xd3: {  	[sflag:s14] =	ssyncset.done $0x0  }
0xd4: {  	s9 =	simm.s32 $0x4900;
	[sflag:s14] =	ssyncadd.s32 $0xFFFFF000  }
0xd5: {  	[spmem:s2] =	stream.indirect.scatter.add.f32 [tilespmem:s25], [sflag:$0x9], $0x20, s9, s19, $0xb8;
	[tilespmem:$0x16B40] =	vst v63  }
0xd6: {  	_ =	swait.ge [sflag:s16], $0x1000  }
0xd7: {  	[sflag:s16] =	ssyncset.done $0x0  }
0xd8: {  	s8 =	simm.s32 $0x2580;
	[sflag:s16] =	ssyncadd.s32 $0xFFFFF000  }
0xd9: {  	[tilespmem:s25], [sflag:$0x4] =	stream.indirect.gather [spmem:s3], $0x20, s8, s19, $0xb8;
	[tilespmem:$0x16B40] =	vst v63  }
0xda: {  	_ =	swait.ge [sflag:s26], $0x1000  }
0xdb: {  	[sflag:s26] =	ssyncset.done $0x0  }
0xdc: {  	s9 =	simm.s32 $0x4980;
	[sflag:s26] =	ssyncadd.s32 $0xFFFFF000  }
0xdd: {  	[spmem:s2] =	stream.indirect.scatter.add.f32 [tilespmem:s28], [sflag:$0x9], $0x20, s9, s19, $0xb8;
	[tilespmem:$0x16B40] =	vst v63  }
0xde: {  	_ =	swait.ge [sflag:s16], $0x1000  }
0xdf: {  	[sflag:s16] =	ssyncset.done $0x0  }
0xe0: {  	s8 =	simm.s32 $0x2600;
	[sflag:s16] =	ssyncadd.s32 $0xFFFFF000  }
0xe1: {  	[tilespmem:s28], [sflag:$0x5] =	stream.indirect.gather [spmem:s3], $0x20, s8, s19, $0xb8;
	[tilespmem:$0x16B40] =	vst v63  }
0xe2: {  	_ =	swait.ge [sflag:s29], $0x1000  }
0xe3: {  	[sflag:s29] =	ssyncset.done $0x0  }
0xe4: {  	s9 =	simm.s32 $0x4A00;
	[sflag:s29] =	ssyncadd.s32 $0xFFFFF000  }
0xe5: {  	[spmem:s2] =	stream.indirect.scatter.add.f32 [tilespmem:s30], [sflag:$0x9], $0x20, s9, s19, $0xb8;
	[tilespmem:$0x16B40] =	vst v63  }
0xe6: {  	_ =	swait.ge [sflag:s16], $0x1000  }
0xe7: {  	[sflag:s16] =	ssyncset.done $0x0  }
0xe8: {  	s8 =	simm.s32 $0x2680;
	[sflag:s16] =	ssyncadd.s32 $0xFFFFF000  }
0xe9: {  	[tilespmem:s30], [sflag:$0x6] =	stream.indirect.gather [spmem:s3], $0x20, s8, s19, $0xb8;
	[tilespmem:$0x16B40] =	vst v63  }
0xea: {  	_ =	swait.ge [sflag:s31], $0x1000  }
0xeb: {  	[sflag:s31] =	ssyncset.done $0x0  }
0xec: {  	s9 =	simm.s32 $0x4A80;
	[sflag:s31] =	ssyncadd.s32 $0xFFFFF000  }
0xed: {  	[spmem:s2] =	stream.indirect.scatter.add.f32 [tilespmem:s0], [sflag:$0x9], $0x20, s9, s19, $0xb8;
	[tilespmem:$0x16B40] =	vst v63  }
0xee: {  	_ =	swait.ge [sflag:s16], $0x1000  }
0xef: {  	s7 =	simm.s32 @!p0 $0x80;
	[sflag:s16] =	ssyncset.done $0x0  }
0xf0: {  	s8 =	simm.s32 @!p0 $0x2700;
	s9 =	simm.s32 @!p0 $0xAF00;
	[sflag:s16] =	ssyncadd.s32 $0xFFFFF000  }
0xf1: {  	[tilespmem:s9], [sflag:$0x7] =	stream.indirect.gather @!p0 [spmem:s3], $0x20, s8, s7, $0xb8;
	[tilespmem:$0x16B40] =	vst v63  }
0xf2: {  	_ =	swait.ge [sflag:s1], $0x1000  }
0xf3: {  	[sflag:s1] =	ssyncset.done $0x0  }
0xf4: {  	s8 =	simm.s32 $0x4B00;
	[sflag:s1] =	ssyncadd.s32 $0xFFFFF000  }
0xf5: {  	[spmem:s2] =	stream.indirect.scatter.add.f32 [tilespmem:s18], [sflag:$0x9], $0x20, s8, s19, $0xb8;
	[tilespmem:$0x16B40] =	vst v63  }
0xf6: {  	_ =	swait.ge [sflag:s16], $0x1000  }
0xf7: {  	[sflag:s16] =	ssyncset.done $0x0  }
0xf8: {  	[sflag:s16] =	ssyncadd.s32 $0xFFFFF000  }
0xf9: {  	_ =	swait.ge [sflag:s13], $0x1000  }
0xfa: {  	[sflag:s13] =	ssyncset.done $0x0  }
0xfb: {  	s8 =	simm.s32 $0x4B80;
	[sflag:s13] =	ssyncadd.s32 $0xFFFFF000  }
0xfc: {  	[spmem:s2] =	stream.indirect.scatter.add.f32 [tilespmem:s20], [sflag:$0x9], $0x20, s8, s19, $0xb8;
	[tilespmem:$0x16B40] =	vst v63  }
0xfd: {  	_ =	swait.ge [sflag:s16], $0x1000  }
0xfe: {  	[sflag:s16] =	ssyncset.done $0x0  }
0xff: {  	[sflag:s16] =	ssyncadd.s32 $0xFFFFF000  }
0x100: {  	_ =	swait.ge [sflag:s22], $0x1000  }
0x101: {  	[sflag:s22] =	ssyncset.done $0x0  }
0x102: {  	s8 =	simm.s32 $0x4C00;
	[sflag:s22] =	ssyncadd.s32 $0xFFFFF000  }
0x103: {  	[spmem:s2] =	stream.indirect.scatter.add.f32 [tilespmem:s21], [sflag:$0x9], $0x20, s8, s19, $0xb8;
	[tilespmem:$0x16B40] =	vst v63  }
0x104: {  	_ =	swait.ge [sflag:s16], $0x1000  }
0x105: {  	[sflag:s16] =	ssyncset.done $0x0  }
0x106: {  	[sflag:s16] =	ssyncadd.s32 $0xFFFFF000  }
0x107: {  	_ =	swait.ge [sflag:s24], $0x1000  }
0x108: {  	[sflag:s24] =	ssyncset.done $0x0  }
0x109: {  	s8 =	simm.s32 $0x4C80;
	[sflag:s24] =	ssyncadd.s32 $0xFFFFF000  }
0x10a: {  	[spmem:s2] =	stream.indirect.scatter.add.f32 [tilespmem:s23], [sflag:$0x9], $0x20, s8, s19, $0xb8;
	[tilespmem:$0x16B40] =	vst v63  }
0x10b: {  	_ =	swait.ge [sflag:s16], $0x1000  }
0x10c: {  	[sflag:s16] =	ssyncset.done $0x0  }
0x10d: {  	[sflag:s16] =	ssyncadd.s32 $0xFFFFF000  }
0x10e: {  	_ =	swait.ge [sflag:s14], $0x1000  }
0x10f: {  	[sflag:s14] =	ssyncset.done $0x0  }
0x110: {  	s8 =	simm.s32 $0x4D00;
	[sflag:s14] =	ssyncadd.s32 $0xFFFFF000  }
0x111: {  	[spmem:s2] =	stream.indirect.scatter.add.f32 [tilespmem:s25], [sflag:$0x9], $0x20, s8, s19, $0xb8;
	[tilespmem:$0x16B40] =	vst v63  }
0x112: {  	_ =	swait.ge [sflag:s16], $0x1000  }
0x113: {  	[sflag:s16] =	ssyncset.done $0x0  }
0x114: {  	[sflag:s16] =	ssyncadd.s32 $0xFFFFF000  }
0x115: {  	_ =	swait.ge [sflag:s26], $0x1000  }
0x116: {  	[sflag:s26] =	ssyncset.done $0x0  }
0x117: {  	s8 =	simm.s32 $0x4D80;
	[sflag:s26] =	ssyncadd.s32 $0xFFFFF000  }
0x118: {  	[spmem:s2] =	stream.indirect.scatter.add.f32 [tilespmem:s28], [sflag:$0x9], $0x20, s8, s19, $0xb8;
	[tilespmem:$0x16B40] =	vst v63  }
0x119: {  	_ =	swait.ge [sflag:s16], $0x1000  }
0x11a: {  	[sflag:s16] =	ssyncset.done $0x0  }
0x11b: {  	[sflag:s16] =	ssyncadd.s32 $0xFFFFF000  }
0x11c: {  	_ =	swait.ge [sflag:s29], $0x1000  }
0x11d: {  	[sflag:s29] =	ssyncset.done $0x0  }
0x11e: {  	s8 =	simm.s32 $0x4E00;
	[sflag:s29] =	ssyncadd.s32 $0xFFFFF000  }
0x11f: {  	[spmem:s2] =	stream.indirect.scatter.add.f32 [tilespmem:s30], [sflag:$0x9], $0x20, s8, s19, $0xb8;
	[tilespmem:$0x16B40] =	vst v63  }
0x120: {  	_ =	swait.ge [sflag:s16], $0x1000  }
0x121: {  	[sflag:s16] =	ssyncset.done $0x0  }
0x122: {  	s8 =	simm.s32 @!p0 $0x7;
	[sflag:s16] =	ssyncadd.s32 $0xFFFFF000  }
0x123: {  	_ =	swait.ge @!p0 [sflag:s8], $0x1000  }
0x124: {  	[sflag:s8] =	ssyncset.done @!p0 $0x0  }
0x125: {  	[sflag:s8] =	ssyncadd.s32 @!p0 $0xFFFFF000;
	s8 =	simm.s32 @!p0 $0x4E80  }
0x126: {  	[spmem:s2] =	stream.indirect.scatter.add.f32 @!p0 [tilespmem:s9], [sflag:$0x9], $0x20, s8, s7, $0xb8;
	[tilespmem:$0x16B40] =	vst v63  }
0x127: {  	s7 =	simm.s32 @!p0 $0x9  }
0x128: {  	_ =	swait.ge @!p0 [sflag:s7], $0x1000  }
0x129: {  	s5 =	sadd.s32 $0x1, s5;
	[sflag:s7] =	ssyncset.done @!p0 $0x0  }
0x12a: {  	p1 =	sne.s32 s5, s11;
	[sflag:s7] =	ssyncadd.s32 @!p0 $0xFFFFF000  }
.Ltmp1:
0x12b: {  	[bflag:$0x0] =	sbarrier.arrive $0xFFFF;
	(pc) =	sbr.rel @p1 .LBB2_1-.Ltmp1, $4  }
0x12c: {  	[hbm:s10@s15], [sflag:s6] =	dma.strided [spmem:s12@s14], $0x9C4, s13, $0x4   }
0x12d: {  	_ =	swait.ge [sflag:s16], $0x9C4  }
0x12e: {  	[sflag:s16] =	ssyncset.done $0x0  }
0x12f: {  	[sflag:s16] =	ssyncadd.s32 $0xFFFFF63C  }
0x130: {  	_ =	sfence.sel $0x180000  }
0x131: {  	[bflag:$0x0] =	sbarrier.arrive $0xFFFF  }
0x132: {  	_ =	strace $0x90000050  }
0x133: {  	s0 =	stileid.u32;
	[bflag:$0x2] =	sbarrier.arrive $0xFFFF  }
0x134: {  	p0 =	sne.s32 s0, $0x0;
	s0 =	rddreg [dreg:$0x3]  }
0x135: {  	s0 =	sadd.s32 @!p0 $0x100000, s0  }
0x136: {  	[sflag:s0] =	ssyncadd.tile.s32 @!p0 $0x1;
	_ =	shalt  }
.Lfunc_end2:
_tile_overlayer_lowered:
.L_overlay_start_2:
0x137: {  	(tag) =	ssettag $0x2  }
0x138: {  	s0 =	rddreg [dreg:$0x0];
	s2 =	stileid.u32  }
0x139: {  	s1 =	rddreg [dreg:$0x1];
	p0 =	sne.s32 s2, $0x0  }
0x13a: {  	s3 =	rddreg [dreg:$0x2];
	[bflag:$0x3] =	sbarrier.arrive $0xFFFF;
	s2 =	simm.s32 @!p0 $0x1C09  }
0x13b: {  	[timem:s3], [sflag:s2] =	dma.local @!p0 [hbm:s0], s1  }
0x13c: {  	s0 =	simm.s32 @!p0 $0x9  }
0x13d: {  	_ =	swait.ge @!p0 [sflag:s0], s1  }
0x13e: {  	s1 =	ssub.s32 @!p0 $0x0, s1;
	[sflag:s0] =	ssyncset.done @!p0 $0x0  }
0x13f: {  	[sflag:s0] =	ssyncadd.s32 @!p0 s1  }
0x140: {  	[bflag:$0x3] =	sbarrier.arrive $0xFFFF  }
0x141: {  	_ =	shalt  }

</sc_bundles>
